<compile_context>
chip_gen: v7x
topology: tpu7x:2x2x1
jax: 0.10.2.dev20260603
libtpu: 0.0.44.dev20260713+nightly
codegen_flags: <defaults>
</compile_context>

<pallas_src>
import functools

import jax
import jax.numpy as jnp
from jax import lax
from jax.experimental import pallas as pl
from jax.experimental.pallas import tpu as pltpu
from jax.experimental.pallas import tpu_sc as plsc

B = 16384
F = 26
V = 100000
D = 16
H = 200

NC = 2
NS = 16
NW = NC * NS

G = 128
NEG = B // 16
EGPW = NEG // NW
NWG = (B * 32) // G
WGPW = NWG // NW


def _sc_gather(i0, i1, i2, i3, iw, tab2d, w_flat):
    mesh = plsc.VectorSubcoreMesh(core_axis_name="c", subcore_axis_name="s")

    @functools.partial(
        pl.kernel,
        mesh=mesh,
        compiler_params=pltpu.CompilerParams(use_tc_tiling_on_sc=False),
        out_type=[
            jax.ShapeDtypeStruct((NEG, G, D), jnp.float32),
            jax.ShapeDtypeStruct((NEG, G, D), jnp.float32),
            jax.ShapeDtypeStruct((NEG, G, D), jnp.float32),
            jax.ShapeDtypeStruct((NEG, G, D), jnp.float32),
            jax.ShapeDtypeStruct((NWG, G), jnp.float32),
        ],
        scratch_types=[
            pltpu.VMEM((4 * EGPW, G), jnp.int32),
            pltpu.VMEM((WGPW, G), jnp.int32),
            pltpu.VMEM((G, D), jnp.float32),
            pltpu.VMEM((G, D), jnp.float32),
            pltpu.VMEM((G, D), jnp.float32),
            pltpu.VMEM((G, D), jnp.float32),
            pltpu.VMEM((4, G), jnp.float32),
            pltpu.VMEM((4, G), jnp.float32),
            pltpu.SemaphoreType.DMA,
            pltpu.SemaphoreType.DMA,
            pltpu.SemaphoreType.DMA,
            pltpu.SemaphoreType.DMA,
            pltpu.SemaphoreType.DMA,
            pltpu.SemaphoreType.DMA,
            pltpu.SemaphoreType.DMA,
            pltpu.SemaphoreType.DMA,
        ],
    )
    def gather_kernel(i0_h, i1_h, i2_h, i3_h, iw_h, tab_h, w_h,
                      e0_h, e1_h, e2_h, e3_h, wv_h,
                      idxe_v, idxw_v, bufa, bufb, bufc, bufd, wva, wvb,
                      sema, semb, semc, semd, soa, sob, soc, sod):
        wid = lax.axis_index("s") * NC + lax.axis_index("c")
        eb = wid * EGPW
        wb = wid * WGPW
        for q, iq_h in enumerate((i0_h, i1_h, i2_h, i3_h)):
            pltpu.sync_copy(iq_h.at[pl.ds(eb, EGPW)],
                            idxe_v.at[pl.ds(q * EGPW, EGPW)])
        pltpu.sync_copy(iw_h.at[pl.ds(wb, WGPW)], idxw_v)

        ebufs = ((bufa, sema, soa), (bufb, semb, sob),
                 (bufc, semc, soc), (bufd, semd, sod))
        for q, eq_h in enumerate((e0_h, e1_h, e2_h, e3_h)):
            def ebody(j, carry, q=q, eq_h=eq_h):
                k = 4 * j

                @pl.when(j > 0)
                def _(eq_h=eq_h):
                    for buf, _, so in ebufs:
                        pltpu.make_async_copy(buf, eq_h.at[eb], so).wait()
                cps = [pltpu.async_copy(
                    tab_h.at[idxe_v.at[q * EGPW + k + t]], buf, sem)
                    for t, (buf, sem, _) in enumerate(ebufs)]
                for t, (buf, _, so) in enumerate(ebufs):
                    cps[t].wait()
                    pltpu.async_copy(buf, eq_h.at[eb + k + t], so)
                return carry
            lax.fori_loop(0, EGPW // 4, ebody, 0)
            for buf, _, so in ebufs:
                pltpu.make_async_copy(buf, eq_h.at[eb], so).wait()

        def wbody(j, carry):
            g = 8 * j

            @pl.when(j > 0)
            def _():
                pltpu.make_async_copy(wva, wv_h.at[pl.ds(wb, 4)], soa).wait()
                pltpu.make_async_copy(wvb, wv_h.at[pl.ds(wb, 4)], sob).wait()
            cps = []
            for t in range(4):
                cps.append(pltpu.async_copy(
                    w_h.at[idxw_v.at[g + t]], wva.at[t], sema))
            for t in range(4):
                cps.append(pltpu.async_copy(
                    w_h.at[idxw_v.at[g + 4 + t]], wvb.at[t], semb))
            for cp in cps[:4]:
                cp.wait()
            pltpu.async_copy(wva, wv_h.at[pl.ds(wb + g, 4)], soa)
            for cp in cps[4:]:
                cp.wait()
            pltpu.async_copy(wvb, wv_h.at[pl.ds(wb + g + 4, 4)], sob)
            return carry
        lax.fori_loop(0, WGPW // 8, wbody, 0)
        pltpu.make_async_copy(wva, wv_h.at[pl.ds(wb, 4)], soa).wait()
        pltpu.make_async_copy(wvb, wv_h.at[pl.ds(wb, 4)], sob).wait()

    return gather_kernel(i0, i1, i2, i3, iw, tab2d, w_flat)


KV = 11
CW = KV * 128
CPF = 781 // KV
NCHK = F * CPF
CPW = 58
CROWS = CW // 8
VMAIN = 781 * 128
MROWS = F * (VMAIN // 8)
TROWS = MROWS + F * 8


def _sc_detile(tab_fd, tail):
    mesh = plsc.VectorSubcoreMesh(core_axis_name="c", subcore_axis_name="s")

    @functools.partial(
        pl.kernel,
        mesh=mesh,
        compiler_params=pltpu.CompilerParams(use_tc_tiling_on_sc=False,
                                             needs_layout_passes=False),
        out_type=[jax.ShapeDtypeStruct((TROWS, 128), jnp.float32)],
        scratch_types=[
            pltpu.VMEM((D, CW + 1), jnp.float32),
            pltpu.VMEM((D, CW + 1), jnp.float32),
            pltpu.VMEM((CROWS, 128), jnp.float32),
            pltpu.VMEM((CROWS, 128), jnp.float32),
            pltpu.SemaphoreType.DMA,
            pltpu.SemaphoreType.DMA,
            pltpu.SemaphoreType.DMA,
            pltpu.SemaphoreType.DMA,
        ],
    )
    def detile_kernel(tab_h, tail_h, out_h, bufa, bufb, ova, ovb,
                      sia, sib, soa, sob):
        wid = lax.axis_index("s") * NC + lax.axis_index("c")
        iota16 = lax.broadcasted_iota(jnp.int32, (D,), 0)

        def chunk_c(k):
            return k * NW + wid

        def fire_in(c, buf, sem):
            f = c // CPF
            vq = c - f * CPF
            pltpu.async_copy(
                tab_h.at[pl.ds(D * f, D), pl.ds(CW * vq, CW)],
                buf.at[pl.ds(0, D), pl.ds(0, CW)], sem)

        def wait_in(buf, sem):
            pltpu.make_async_copy(
                tab_h.at[pl.ds(0, D), pl.ds(0, CW)],
                buf.at[pl.ds(0, D), pl.ds(0, CW)], sem).wait()

        def shuffle(buf, ov):
            def jbody(j, carry):
                j8 = 8 * j
                for tt in range(KV):
                    vals = []
                    for m in range(8):
                        colv = jnp.full((D,), 128 * tt + m, jnp.int32) + j8
                        vals.append(plsc.load_gather(buf, [iota16, colv]))
                    for m in range(8):
                        ov[D * tt + j, pl.ds(D * m, D)] = vals[m]
                return carry
            lax.fori_loop(0, 16, jbody, 0)

        def fire_out(c, ov, sem):
            pltpu.async_copy(ov, out_h.at[pl.ds(CROWS * c, CROWS)], sem)

        def wait_out(ov, sem):
            pltpu.make_async_copy(
                out_h.at[pl.ds(0, CROWS)], ov, sem).wait()

        @pl.when(chunk_c(0) < NCHK)
        def _():
            fire_in(chunk_c(0), bufa, sia)

        @pl.when(chunk_c(1) < NCHK)
        def _():
            fire_in(chunk_c(1), bufb, sib)

        def body(i, carry):
            k0 = 2 * i
            for par, (buf, ov, si, so) in enumerate(
                    ((bufa, ova, sia, soa), (bufb, ovb, sib, sob))):
                k = k0 + par
                c = chunk_c(k)

                @pl.when(c < NCHK)
                def _(buf=buf, ov=ov, si=si, so=so, k=k, c=c):
                    wait_in(buf, si)

                    @pl.when(k >= 2)
                    def _(ov=ov, so=so):
                        wait_out(ov, so)
                    shuffle(buf, ov)

                    @pl.when(chunk_c(k + 2) < NCHK)
                    def _(buf=buf, si=si, k=k):
                        fire_in(chunk_c(k + 2), buf, si)
                    fire_out(c, ov, so)
            return carry

        lax.fori_loop(0, CPW // 2, body, 0)

        @pl.when(chunk_c(CPW - 2) < NCHK)
        def _():
            wait_out(ova, soa)

        @pl.when(chunk_c(CPW - 1) < NCHK)
        def _():
            wait_out(ovb, sob)

        @pl.when(wid < F)
        def _():
            pltpu.sync_copy(tail_h.at[wid],
                            out_h.at[pl.ds(MROWS + 8 * wid, 8)])

    return detile_kernel(tab_fd, tail)[0]


BLK = 512


def _tc_head(e0, e1, e2, e3, wv, W1x, b1, W2, b2, W3, b3, Wd, bd):

    def body(e0_ref, e1_ref, e2_ref, e3_ref, wv_ref, W1x_ref, b1_ref,
             W2_ref, b2_ref, W3_ref, b3_ref, Wd_ref, bd_ref, out_ref):
        E0, E1, E2, E3 = e0_ref[...], e1_ref[...], e2_ref[...], e3_ref[...]
        m3 = (lax.broadcasted_iota(jnp.int32, (1, G), 1) < 2 * D).astype(
            jnp.float32)
        E3m = E3 * m3
        rj = lax.broadcasted_iota(jnp.int32, (G, D), 0)
        cd = lax.broadcasted_iota(jnp.int32, (G, D), 1)
        S = jnp.where((rj % D) == cd, 1.0, 0.0).astype(jnp.float32)
        Esum = E0 + E1 + E2 + E3m
        sum_d = jnp.dot(Esum, S, preferred_element_type=jnp.float32)
        sos = jnp.sum(sum_d * sum_d, axis=1, keepdims=True)
        ssq = jnp.sum(E0 * E0 + E1 * E1 + E2 * E2 + E3m * E3m,
                      axis=1, keepdims=True)
        second = 0.5 * (sos - ssq)
        mw = (lax.broadcasted_iota(jnp.int32, (1, 32), 1) < F).astype(
            jnp.float32)
        first = jnp.sum(wv_ref[...] * mw, axis=1, keepdims=True)
        W1x = W1x_ref[...]
        h = (jnp.dot(E0, W1x[0:128], preferred_element_type=jnp.float32)
             + jnp.dot(E1, W1x[128:256], preferred_element_type=jnp.float32)
             + jnp.dot(E2, W1x[256:384], preferred_element_type=jnp.float32)
             + jnp.dot(E3, W1x[384:512], preferred_element_type=jnp.float32))
        h = jnp.maximum(h + b1_ref[...], 0.0)
        h = jnp.maximum(
            jnp.dot(h, W2_ref[...], preferred_element_type=jnp.float32)
            + b2_ref[...], 0.0)
        h = jnp.maximum(
            jnp.dot(h, W3_ref[...], preferred_element_type=jnp.float32)
            + b3_ref[...], 0.0)
        deep = jnp.dot(h, Wd_ref[...], preferred_element_type=jnp.float32) \
            + bd_ref[...]
        out_ref[...] = jax.nn.sigmoid(first + second + deep)

    return pl.pallas_call(
        body,
        grid=(B // BLK,),
        in_specs=[
            pl.BlockSpec((BLK, G), lambda i: (i, 0)),
            pl.BlockSpec((BLK, G), lambda i: (i, 0)),
            pl.BlockSpec((BLK, G), lambda i: (i, 0)),
            pl.BlockSpec((BLK, G), lambda i: (i, 0)),
            pl.BlockSpec((BLK, 32), lambda i: (i, 0)),
            pl.BlockSpec((512, H), lambda i: (0, 0)),
            pl.BlockSpec((1, H), lambda i: (0, 0)),
            pl.BlockSpec((H, H), lambda i: (0, 0)),
            pl.BlockSpec((1, H), lambda i: (0, 0)),
            pl.BlockSpec((H, H), lambda i: (0, 0)),
            pl.BlockSpec((1, H), lambda i: (0, 0)),
            pl.BlockSpec((H, 1), lambda i: (0, 0)),
            pl.BlockSpec((1, 1), lambda i: (0, 0)),
        ],
        out_specs=pl.BlockSpec((BLK, 1), lambda i: (i, 0)),
        out_shape=jax.ShapeDtypeStruct((B, 1), jnp.float32),
    )(e0, e1, e2, e3, wv, W1x, b1.reshape(1, H), W2, b2.reshape(1, H),
      W3, b3.reshape(1, H), Wd, bd.reshape(1, 1))


def kernel(indices, tables, w_fm, W1, b1, W2, b2, W3, b3, Wd, bd):
    frow = jnp.arange(F, dtype=jnp.int32)[None, :]
    flat = indices + frow * V
    w32 = jnp.concatenate([flat, flat[:, :32 - F]], axis=1)
    iw = w32.reshape(NWG, G)
    v = indices
    vq = v // CW
    vloc = v - vq * CW
    main_row = 8 * (CROWS * (frow * CPF + vq) + vloc // 8) + (v % 8)
    tail_row = 8 * (MROWS + 8 * frow + (v - (V - 64)) // 8) + (v % 8)
    srow = jnp.where(v < VMAIN, main_row, tail_row)
    s32 = jnp.concatenate([srow, srow[:, :32 - F]], axis=1)
    iqs = [s32[:, 8 * q:8 * q + 8].reshape(NEG, G) for q in range(4)]
    tab_fd = tables.transpose(0, 2, 1).reshape(F * D, V)
    tail = tables[:, V - 64:, :].reshape(F, 8, 8 * D)
    tab2d = _sc_detile(tab_fd, tail).reshape(TROWS * 8, D)
    w_flat = w_fm.reshape(F * V)
    E0, E1, E2, E3, WV = _sc_gather(iqs[0], iqs[1], iqs[2], iqs[3], iw,
                                    tab2d, w_flat)
    e0 = E0.reshape(B, G)
    e1 = E1.reshape(B, G)
    e2 = E2.reshape(B, G)
    e3 = E3.reshape(B, G)
    wv = WV.reshape(B, 32)
    W1x = jnp.pad(W1, ((0, 512 - F * D), (0, 0)))
    return _tc_head(e0, e1, e2, e3, wv, W1x, b1, W2, b2, W3, b3, Wd, bd)

# --- scband reference (transcript-rebuilt; emitter-appended) ---
"""Pipeline reference for scband-deep-fm-31207232373251 (READ-ONLY COPY).

The authoritative reference and input builder live on the scoring server;
editing this copy changes nothing except your own understanding.
"""

import jax, jax.numpy as jnp
import numpy as np

B = 16384
F = 26
V = 100000
D = 16
H = 200

def setup_inputs(seed: int = 0) -> dict:
    key = jax.random.key(seed)
    ks = jax.random.split(key, 12)
    indices = jax.random.randint(ks[0], (B, F), 0, V, dtype=jnp.int32)
    tables = jax.random.normal(ks[1], (F, V, D), dtype=jnp.float32) * 0.05
    w_fm = jax.random.normal(ks[2], (F * V, 1), dtype=jnp.float32) * 0.05
    W1 = jax.random.normal(ks[3], (F * D, H), dtype=jnp.float32) * 0.05
    b1 = jnp.zeros((H,), dtype=jnp.float32)
    W2 = jax.random.normal(ks[4], (H, H), dtype=jnp.float32) * 0.05
    b2 = jnp.zeros((H,), dtype=jnp.float32)
    W3 = jax.random.normal(ks[5], (H, H), dtype=jnp.float32) * 0.05
    b3 = jnp.zeros((H,), dtype=jnp.float32)
    Wd = jax.random.normal(ks[6], (H, 1), dtype=jnp.float32) * 0.05
    bd = jnp.zeros((1,), dtype=jnp.float32)
    return {"indices": indices, "tables": tables, "w_fm": w_fm, "W1": W1, "b1": b1,
            "W2": W2, "b2": b2, "W3": W3, "b3": b3, "Wd": Wd, "bd": bd}

def reference(indices, tables, w_fm, W1, b1, W2, b2, W3, b3, Wd, bd):
    # per-field embedding lookup: [B, F, D]
    field_ids = jnp.arange(F, dtype=indices.dtype)[None, :]
    emb = tables[field_ids, indices]  # gather -> [B, F, D]
    sparse_embed = emb.reshape(-1, F * D)
    # index mapping to global feature ids
    offsets = (jnp.arange(F, dtype=indices.dtype) * V)[None, :]
    flat_idx = indices + offsets  # [B, F]
    # FM first order: w lookup + sum over fields
    first_order = jnp.sum(jnp.take(w_fm, flat_idx, axis=0), axis=1)  # [B, 1]
    # FM second order
    square_of_sum = jnp.sum(emb, axis=1) ** 2          # [B, D]
    sum_of_square = jnp.sum(emb * emb, axis=1)         # [B, D]
    second_order = 0.5 * jnp.sum(square_of_sum - sum_of_square, axis=1, keepdims=True)  # [B, 1]
    wide_outputs = (first_order + second_order).reshape(-1, 1)
    # MLP (dropout = 0.0)
    h = jax.nn.relu(sparse_embed @ W1 + b1)
    h = jax.nn.relu(h @ W2 + b2)
    h = jax.nn.relu(h @ W3 + b3)
    deep_outputs = (h @ Wd + bd).reshape(-1, 1)
    return jax.nn.sigmoid(wide_outputs + deep_outputs)

if __name__ == "__main__":
    import jax
    _d = setup_inputs()
    print(jax.jit(kernel)(*tuple(_d.values())))

</pallas_src>

<mosaic_0001>
#map = affine_map<(d0, d1) -> (0, 0)>
#map1 = affine_map<(d0, d1) -> (0, 0, 0)>
module attributes {stable_mosaic.version = 14 : i64} {
  func.func @detile_kernel(%arg0: i32, %arg1: i32, %arg2: memref<416x100000xf32, #tpu.memory_space<hbm>>, %arg3: memref<26x8x128xf32, #tpu.memory_space<hbm>>, %arg4: memref<325104x128xf32, #tpu.memory_space<hbm>>, %arg5: memref<16x1409xf32, #tpu.memory_space<vmem>>, %arg6: memref<16x1409xf32, #tpu.memory_space<vmem>>, %arg7: memref<176x128xf32, #tpu.memory_space<vmem>>, %arg8: memref<176x128xf32, #tpu.memory_space<vmem>>, %arg9: memref<!tpu.dma_semaphore, #tpu.memory_space<semaphore_mem>>, %arg10: memref<!tpu.dma_semaphore, #tpu.memory_space<semaphore_mem>>, %arg11: memref<!tpu.dma_semaphore, #tpu.memory_space<semaphore_mem>>, %arg12: memref<!tpu.dma_semaphore, #tpu.memory_space<semaphore_mem>>) attributes {dimension_semantics = [#tpu.dimension_semantics<core_parallel>, #tpu.dimension_semantics<subcore_parallel>], iteration_bounds = array<i64: 2, 16>, scalar_prefetch = 0 : i64, scratch_operands = 8 : i64, tpu.core_type = #tpu.core_type<sc_vector_subcore>, window_params = [{transform_indices = #map}, {transform_indices = #map1}, {transform_indices = #map}]} {
    %mul3A = arith.constant 2 : i32
    %mul3A_0 = arith.muli %arg1, %mul3A : i32
    %add3A = arith.addi %mul3A_0, %arg0 : i32
    %iota3A = tpu.iota {dimensions = array<i32: 0>} : vector<16xi32>
    %add3A_1 = arith.constant 0 : i32
    %add3A_2 = arith.addi %add3A_1, %add3A : i32
    %lt3A = arith.constant 1846 : i32
    %lt3A_3 = arith.cmpi slt, %add3A_2, %lt3A : i32
    %convert_element_type3A = arith.extui %lt3A_3 : i1 to i32
    %cond3A = arith.constant 0 : i32
    %cond3A_4 = arith.cmpi ne, %convert_element_type3A, %cond3A : i32
    scf.if %cond3A_4 {
      %add3A_36 = arith.constant 0 : i32
      %add3A_37 = arith.addi %add3A_36, %add3A : i32
      %jit3A = arith.constant 71 : i32
      %div3A = arith.divsi %add3A_37, %jit3A : i32
      %sign3A = arith.constant 0 : i32
      %sign3A_38 = arith.cmpi sgt, %add3A_37, %sign3A : i32
      %sign3A_39 = arith.extui %sign3A_38 : i1 to i32
      %sign3A_40 = arith.constant 0 : i32
      %sign3A_41 = arith.cmpi slt, %add3A_37, %sign3A_40 : i32
      %sign3A_42 = arith.extui %sign3A_41 : i1 to i32
      %sign3A_43 = arith.subi %sign3A_39, %sign3A_42 : i32
      %sign3A_44 = arith.constant 0 : i32
      %sign3A_45 = arith.cmpi sgt, %jit3A, %sign3A_44 : i32
      %sign3A_46 = arith.extui %sign3A_45 : i1 to i32
      %sign3A_47 = arith.constant 0 : i32
      %sign3A_48 = arith.cmpi slt, %jit3A, %sign3A_47 : i32
      %sign3A_49 = arith.extui %sign3A_48 : i1 to i32
      %sign3A_50 = arith.subi %sign3A_46, %sign3A_49 : i32
      %ne3A = arith.cmpi ne, %sign3A_43, %sign3A_50 : i32
      %rem3A = arith.remsi %add3A_37, %jit3A : i32
      %ne3A_51 = arith.constant 0 : i32
      %ne3A_52 = arith.cmpi ne, %rem3A, %ne3A_51 : i32
      %and3A = arith.andi %ne3A, %ne3A_52 : i1
      %sub3A = arith.constant 1 : i32
      %sub3A_53 = arith.subi %div3A, %sub3A : i32
      %select_n3A = arith.select %and3A, %sub3A_53, %div3A : i32
      %mul3A_54 = arith.constant 71 : i32
      %mul3A_55 = arith.muli %select_n3A, %mul3A_54 : i32
      %sub3A_56 = arith.subi %add3A_37, %mul3A_55 : i32
      %mul3A_57 = arith.constant 16 : i32
      %mul3A_58 = arith.muli %mul3A_57, %select_n3A : i32
      %mul3A_59 = arith.constant 1408 : i32
      %mul3A_60 = arith.muli %mul3A_59, %sub3A_56 : i32
      %dma_start3A = arith.constant 0 : i32
      %dma_start3A_61 = arith.constant 0 : i32
      %dma_start3A_62 = tpu.memref_slice %arg5[%dma_start3A, %dma_start3A_61] : memref<16x1409xf32, #tpu.memory_space<vmem>> -> memref<16x1408xf32, #tpu.memory_space<vmem>>
      %dma_start3A_63 = tpu.memref_slice %arg2[%mul3A_58, %mul3A_60] : memref<416x100000xf32, #tpu.memory_space<hbm>> -> memref<16x1408xf32, #tpu.memory_space<hbm>>
      %dma_start3A_64 = arith.constant 0 : i32
      %dma_start3A_65 = arith.constant 0 : i32
      %dma_start3A_66 = tpu.memref_slice %arg5[%dma_start3A_64, %dma_start3A_65] : memref<16x1409xf32, #tpu.memory_space<vmem>> -> memref<16x1408xf32, #tpu.memory_space<vmem>>
      %dma_start3A_67 = tpu.memref_slice %arg2[%mul3A_58, %mul3A_60] : memref<416x100000xf32, #tpu.memory_space<hbm>> -> memref<16x1408xf32, #tpu.memory_space<hbm>>
      tpu.enqueue_dma source(%dma_start3A_67 : memref<16x1408xf32, #tpu.memory_space<hbm>>) target(%dma_start3A_66 : memref<16x1408xf32, #tpu.memory_space<vmem>>) target_semaphore(%arg9 : memref<!tpu.dma_semaphore, #tpu.memory_space<semaphore_mem>>)
    } else {
    }
    %add3A_5 = arith.constant 32 : i32
    %add3A_6 = arith.addi %add3A_5, %add3A : i32
    %lt3A_7 = arith.constant 1846 : i32
    %lt3A_8 = arith.cmpi slt, %add3A_6, %lt3A_7 : i32
    %convert_element_type3A_9 = arith.extui %lt3A_8 : i1 to i32
    %cond3A_10 = arith.constant 0 : i32
    %cond3A_11 = arith.cmpi ne, %convert_element_type3A_9, %cond3A_10 : i32
    scf.if %cond3A_11 {
      %add3A_36 = arith.constant 32 : i32
      %add3A_37 = arith.addi %add3A_36, %add3A : i32
      %jit3A = arith.constant 71 : i32
      %div3A = arith.divsi %add3A_37, %jit3A : i32
      %sign3A = arith.constant 0 : i32
      %sign3A_38 = arith.cmpi sgt, %add3A_37, %sign3A : i32
      %sign3A_39 = arith.extui %sign3A_38 : i1 to i32
      %sign3A_40 = arith.constant 0 : i32
      %sign3A_41 = arith.cmpi slt, %add3A_37, %sign3A_40 : i32
      %sign3A_42 = arith.extui %sign3A_41 : i1 to i32
      %sign3A_43 = arith.subi %sign3A_39, %sign3A_42 : i32
      %sign3A_44 = arith.constant 0 : i32
      %sign3A_45 = arith.cmpi sgt, %jit3A, %sign3A_44 : i32
      %sign3A_46 = arith.extui %sign3A_45 : i1 to i32
      %sign3A_47 = arith.constant 0 : i32
      %sign3A_48 = arith.cmpi slt, %jit3A, %sign3A_47 : i32
      %sign3A_49 = arith.extui %sign3A_48 : i1 to i32
      %sign3A_50 = arith.subi %sign3A_46, %sign3A_49 : i32
      %ne3A = arith.cmpi ne, %sign3A_43, %sign3A_50 : i32
      %rem3A = arith.remsi %add3A_37, %jit3A : i32
      %ne3A_51 = arith.constant 0 : i32
      %ne3A_52 = arith.cmpi ne, %rem3A, %ne3A_51 : i32
      %and3A = arith.andi %ne3A, %ne3A_52 : i1
      %sub3A = arith.constant 1 : i32
      %sub3A_53 = arith.subi %div3A, %sub3A : i32
      %select_n3A = arith.select %and3A, %sub3A_53, %div3A : i32
      %mul3A_54 = arith.constant 71 : i32
      %mul3A_55 = arith.muli %select_n3A, %mul3A_54 : i32
      %sub3A_56 = arith.subi %add3A_37, %mul3A_55 : i32
      %mul3A_57 = arith.constant 16 : i32
      %mul3A_58 = arith.muli %mul3A_57, %select_n3A : i32
      %mul3A_59 = arith.constant 1408 : i32
      %mul3A_60 = arith.muli %mul3A_59, %sub3A_56 : i32
      %dma_start3A = arith.constant 0 : i32
      %dma_start3A_61 = arith.constant 0 : i32
      %dma_start3A_62 = tpu.memref_slice %arg6[%dma_start3A, %dma_start3A_61] : memref<16x1409xf32, #tpu.memory_space<vmem>> -> memref<16x1408xf32, #tpu.memory_space<vmem>>
      %dma_start3A_63 = tpu.memref_slice %arg2[%mul3A_58, %mul3A_60] : memref<416x100000xf32, #tpu.memory_space<hbm>> -> memref<16x1408xf32, #tpu.memory_space<hbm>>
      %dma_start3A_64 = arith.constant 0 : i32
      %dma_start3A_65 = arith.constant 0 : i32
      %dma_start3A_66 = tpu.memref_slice %arg6[%dma_start3A_64, %dma_start3A_65] : memref<16x1409xf32, #tpu.memory_space<vmem>> -> memref<16x1408xf32, #tpu.memory_space<vmem>>
      %dma_start3A_67 = tpu.memref_slice %arg2[%mul3A_58, %mul3A_60] : memref<416x100000xf32, #tpu.memory_space<hbm>> -> memref<16x1408xf32, #tpu.memory_space<hbm>>
      tpu.enqueue_dma source(%dma_start3A_67 : memref<16x1408xf32, #tpu.memory_space<hbm>>) target(%dma_start3A_66 : memref<16x1408xf32, #tpu.memory_space<vmem>>) target_semaphore(%arg10 : memref<!tpu.dma_semaphore, #tpu.memory_space<semaphore_mem>>)
    } else {
    }
    %scan3A = arith.constant 0 : i32
    %scan3A_12 = arith.constant 0 : i32
    %scan3A_13 = arith.constant 29 : i32
    %scan3A_14 = arith.addi %scan3A_12, %scan3A_13 : i32
    %scan3A_15 = arith.constant 1 : i32
    scf.for %scan3A_36 = %scan3A_12 to %scan3A_14 step %scan3A_15  : i32 {
      %mul3A_37 = arith.constant 2 : i32
      %mul3A_38 = arith.muli %mul3A_37, %scan3A_36 : i32
      %add3A_39 = arith.constant 0 : i32
      %add3A_40 = arith.addi %mul3A_38, %add3A_39 : i32
      %mul3A_41 = arith.constant 32 : i32
      %mul3A_42 = arith.muli %add3A_40, %mul3A_41 : i32
      %add3A_43 = arith.addi %mul3A_42, %add3A : i32
      %lt3A_44 = arith.constant 1846 : i32
      %lt3A_45 = arith.cmpi slt, %add3A_43, %lt3A_44 : i32
      %convert_element_type3A_46 = arith.extui %lt3A_45 : i1 to i32
      %cond3A_47 = arith.constant 0 : i32
      %cond3A_48 = arith.cmpi ne, %convert_element_type3A_46, %cond3A_47 : i32
      scf.if %cond3A_48 {
        %dma_wait3A = arith.constant 0 : i32
        %dma_wait3A_59 = arith.constant 0 : i32
        %dma_wait3A_60 = tpu.memref_slice %arg5[%dma_wait3A, %dma_wait3A_59] : memref<16x1409xf32, #tpu.memory_space<vmem>> -> memref<16x1408xf32, #tpu.memory_space<vmem>>
        %dma_wait3A_61 = arith.constant 0 : i32
        %dma_wait3A_62 = arith.constant 0 : i32
        %dma_wait3A_63 = tpu.memref_slice %arg2[%dma_wait3A_61, %dma_wait3A_62] : memref<416x100000xf32, #tpu.memory_space<hbm>> -> memref<16x1408xf32, #tpu.memory_space<hbm>>
        %dma_wait3A_64 = arith.constant 0 : i32
        %dma_wait3A_65 = arith.constant 0 : i32
        %dma_wait3A_66 = tpu.memref_slice %arg5[%dma_wait3A_64, %dma_wait3A_65] : memref<16x1409xf32, #tpu.memory_space<vmem>> -> memref<16x1408xf32, #tpu.memory_space<vmem>>
        %dma_wait3A_67 = arith.constant 0 : i32
        %dma_wait3A_68 = arith.constant 0 : i32
        %dma_wait3A_69 = tpu.memref_slice %arg2[%dma_wait3A_67, %dma_wait3A_68] : memref<416x100000xf32, #tpu.memory_space<hbm>> -> memref<16x1408xf32, #tpu.memory_space<hbm>>
        tpu.wait_dma2 semaphore(%arg9 : memref<!tpu.dma_semaphore, #tpu.memory_space<semaphore_mem>>) src(%dma_wait3A_69 : memref<16x1408xf32, #tpu.memory_space<hbm>>) dst(%dma_wait3A_66 : memref<16x1408xf32, #tpu.memory_space<vmem>>)
        %ge3A = arith.constant 2 : i32
        %ge3A_70 = arith.cmpi sge, %add3A_40, %ge3A : i32
        %convert_element_type3A_71 = arith.extui %ge3A_70 : i1 to i32
        %cond3A_72 = arith.constant 0 : i32
        %cond3A_73 = arith.cmpi ne, %convert_element_type3A_71, %cond3A_72 : i32
        scf.if %cond3A_73 {
          %dma_wait3A_95 = arith.constant 0 : i32
          %dma_wait3A_96 = arith.constant 0 : i32
          %dma_wait3A_97 = tpu.memref_slice %arg4[%dma_wait3A_95, %dma_wait3A_96] : memref<325104x128xf32, #tpu.memory_space<hbm>> -> memref<176x128xf32, #tpu.memory_space<hbm>>
          %dma_wait3A_98 = arith.constant 0 : i32
          %dma_wait3A_99 = arith.constant 0 : i32
          %dma_wait3A_100 = tpu.memref_slice %arg4[%dma_wait3A_98, %dma_wait3A_99] : memref<325104x128xf32, #tpu.memory_space<hbm>> -> memref<176x128xf32, #tpu.memory_space<hbm>>
          tpu.wait_dma2 semaphore(%arg11 : memref<!tpu.dma_semaphore, #tpu.memory_space<semaphore_mem>>) src(%dma_wait3A_100 : memref<176x128xf32, #tpu.memory_space<hbm>>) dst(%arg7 : memref<176x128xf32, #tpu.memory_space<vmem>>)
        } else {
        }
        %scan3A_74 = arith.constant 0 : i32
        %scan3A_75 = arith.constant 0 : i32
        %scan3A_76 = arith.constant 16 : i32
        %scan3A_77 = arith.addi %scan3A_75, %scan3A_76 : i32
        %scan3A_78 = arith.constant 1 : i32
        scf.for %scan3A_95 = %scan3A_75 to %scan3A_77 step %scan3A_78  : i32 {
          %mul3A_96 = arith.constant 8 : i32
          %mul3A_97 = arith.muli %mul3A_96, %scan3A_95 : i32
          %broadcast_in_dim3A = arith.constant 0 : i32
          %broadcast_in_dim3A_98 = vector.broadcast %broadcast_in_dim3A : i32 to vector<16xi32>
          %add3A_99 = vector.broadcast %mul3A_97 : i32 to vector<16xi32>
          %add3A_100 = arith.addi %broadcast_in_dim3A_98, %add3A_99 : vector<16xi32>
          %gather3A = tpu.vector_load_idx %arg5[%iota3A, %add3A_100] : memref<16x1409xf32, #tpu.memory_space<vmem>>[vector<16xi32>, vector<16xi32>], vector<16xf32>,
          %broadcast_in_dim3A_101 = arith.constant 1 : i32
          %broadcast_in_dim3A_102 = vector.broadcast %broadcast_in_dim3A_101 : i32 to vector<16xi32>
          %add3A_103 = vector.broadcast %mul3A_97 : i32 to vector<16xi32>
          %add3A_104 = arith.addi %broadcast_in_dim3A_102, %add3A_103 : vector<16xi32>
          %gather3A_105 = tpu.vector_load_idx %arg5[%iota3A, %add3A_104] : memref<16x1409xf32, #tpu.memory_space<vmem>>[vector<16xi32>, vector<16xi32>], vector<16xf32>,
          %broadcast_in_dim3A_106 = arith.constant 2 : i32
          %broadcast_in_dim3A_107 = vector.broadcast %broadcast_in_dim3A_106 : i32 to vector<16xi32>
          %add3A_108 = vector.broadcast %mul3A_97 : i32 to vector<16xi32>
          %add3A_109 = arith.addi %broadcast_in_dim3A_107, %add3A_108 : vector<16xi32>
          %gather3A_110 = tpu.vector_load_idx %arg5[%iota3A, %add3A_109] : memref<16x1409xf32, #tpu.memory_space<vmem>>[vector<16xi32>, vector<16xi32>], vector<16xf32>,
          %broadcast_in_dim3A_111 = arith.constant 3 : i32
          %broadcast_in_dim3A_112 = vector.broadcast %broadcast_in_dim3A_111 : i32 to vector<16xi32>
          %add3A_113 = vector.broadcast %mul3A_97 : i32 to vector<16xi32>
          %add3A_114 = arith.addi %broadcast_in_dim3A_112, %add3A_113 : vector<16xi32>
          %gather3A_115 = tpu.vector_load_idx %arg5[%iota3A, %add3A_114] : memref<16x1409xf32, #tpu.memory_space<vmem>>[vector<16xi32>, vector<16xi32>], vector<16xf32>,
          %broadcast_in_dim3A_116 = arith.constant 4 : i32
          %broadcast_in_dim3A_117 = vector.broadcast %broadcast_in_dim3A_116 : i32 to vector<16xi32>
          %add3A_118 = vector.broadcast %mul3A_97 : i32 to vector<16xi32>
          %add3A_119 = arith.addi %broadcast_in_dim3A_117, %add3A_118 : vector<16xi32>
          %gather3A_120 = tpu.vector_load_idx %arg5[%iota3A, %add3A_119] : memref<16x1409xf32, #tpu.memory_space<vmem>>[vector<16xi32>, vector<16xi32>], vector<16xf32>,
          %broadcast_in_dim3A_121 = arith.constant 5 : i32
          %broadcast_in_dim3A_122 = vector.broadcast %broadcast_in_dim3A_121 : i32 to vector<16xi32>
          %add3A_123 = vector.broadcast %mul3A_97 : i32 to vector<16xi32>
          %add3A_124 = arith.addi %broadcast_in_dim3A_122, %add3A_123 : vector<16xi32>
          %gather3A_125 = tpu.vector_load_idx %arg5[%iota3A, %add3A_124] : memref<16x1409xf32, #tpu.memory_space<vmem>>[vector<16xi32>, vector<16xi32>], vector<16xf32>,
          %broadcast_in_dim3A_126 = arith.constant 6 : i32
          %broadcast_in_dim3A_127 = vector.broadcast %broadcast_in_dim3A_126 : i32 to vector<16xi32>
          %add3A_128 = vector.broadcast %mul3A_97 : i32 to vector<16xi32>
          %add3A_129 = arith.addi %broadcast_in_dim3A_127, %add3A_128 : vector<16xi32>
          %gather3A_130 = tpu.vector_load_idx %arg5[%iota3A, %add3A_129] : memref<16x1409xf32, #tpu.memory_space<vmem>>[vector<16xi32>, vector<16xi32>], vector<16xf32>,
          %broadcast_in_dim3A_131 = arith.constant 7 : i32
          %broadcast_in_dim3A_132 = vector.broadcast %broadcast_in_dim3A_131 : i32 to vector<16xi32>
          %add3A_133 = vector.broadcast %mul3A_97 : i32 to vector<16xi32>
          %add3A_134 = arith.addi %broadcast_in_dim3A_132, %add3A_133 : vector<16xi32>
          %gather3A_135 = tpu.vector_load_idx %arg5[%iota3A, %add3A_134] : memref<16x1409xf32, #tpu.memory_space<vmem>>[vector<16xi32>, vector<16xi32>], vector<16xf32>,
          %add3A_136 = arith.constant 0 : i32
          %add3A_137 = arith.addi %add3A_136, %scan3A_95 : i32
          %swap3A = arith.index_cast %add3A_137 : i32 to index
          %swap3A_138 = arith.constant 0 : index
          %swap3A_139 = tpu.vector_load %arg7[%swap3A, %swap3A_138] {strides = array<i32>} : memref<176x128xf32, #tpu.memory_space<vmem>>, vector<16xf32>,
          tpu.vector_store %arg7[%swap3A, %swap3A_138], %gather3A {strides = array<i32>} : memref<176x128xf32, #tpu.memory_space<vmem>>, vector<16xf32>,
          %add3A_140 = arith.constant 0 : i32
          %add3A_141 = arith.addi %add3A_140, %scan3A_95 : i32
          %swap3A_142 = arith.index_cast %add3A_141 : i32 to index
          %swap3A_143 = arith.constant 16 : index
          %swap3A_144 = tpu.vector_load %arg7[%swap3A_142, %swap3A_143] {strides = array<i32>} : memref<176x128xf32, #tpu.memory_space<vmem>>, vector<16xf32>,
          tpu.vector_store %arg7[%swap3A_142, %swap3A_143], %gather3A_105 {strides = array<i32>} : memref<176x128xf32, #tpu.memory_space<vmem>>, vector<16xf32>,
          %add3A_145 = arith.constant 0 : i32
          %add3A_146 = arith.addi %add3A_145, %scan3A_95 : i32
          %swap3A_147 = arith.index_cast %add3A_146 : i32 to index
          %swap3A_148 = arith.constant 32 : index
          %swap3A_149 = tpu.vector_load %arg7[%swap3A_147, %swap3A_148] {strides = array<i32>} : memref<176x128xf32, #tpu.memory_space<vmem>>, vector<16xf32>,
          tpu.vector_store %arg7[%swap3A_147, %swap3A_148], %gather3A_110 {strides = array<i32>} : memref<176x128xf32, #tpu.memory_space<vmem>>, vector<16xf32>,
          %add3A_150 = arith.constant 0 : i32
          %add3A_151 = arith.addi %add3A_150, %scan3A_95 : i32
          %swap3A_152 = arith.index_cast %add3A_151 : i32 to index
          %swap3A_153 = arith.constant 48 : index
          %swap3A_154 = tpu.vector_load %arg7[%swap3A_152, %swap3A_153] {strides = array<i32>} : memref<176x128xf32, #tpu.memory_space<vmem>>, vector<16xf32>,
          tpu.vector_store %arg7[%swap3A_152, %swap3A_153], %gather3A_115 {strides = array<i32>} : memref<176x128xf32, #tpu.memory_space<vmem>>, vector<16xf32>,
          %add3A_155 = arith.constant 0 : i32
          %add3A_156 = arith.addi %add3A_155, %scan3A_95 : i32
          %swap3A_157 = arith.index_cast %add3A_156 : i32 to index
          %swap3A_158 = arith.constant 64 : index
          %swap3A_159 = tpu.vector_load %arg7[%swap3A_157, %swap3A_158] {strides = array<i32>} : memref<176x128xf32, #tpu.memory_space<vmem>>, vector<16xf32>,
          tpu.vector_store %arg7[%swap3A_157, %swap3A_158], %gather3A_120 {strides = array<i32>} : memref<176x128xf32, #tpu.memory_space<vmem>>, vector<16xf32>,
          %add3A_160 = arith.constant 0 : i32
          %add3A_161 = arith.addi %add3A_160, %scan3A_95 : i32
          %swap3A_162 = arith.index_cast %add3A_161 : i32 to index
          %swap3A_163 = arith.constant 80 : index
          %swap3A_164 = tpu.vector_load %arg7[%swap3A_162, %swap3A_163] {strides = array<i32>} : memref<176x128xf32, #tpu.memory_space<vmem>>, vector<16xf32>,
          tpu.vector_store %arg7[%swap3A_162, %swap3A_163], %gather3A_125 {strides = array<i32>} : memref<176x128xf32, #tpu.memory_space<vmem>>, vector<16xf32>,
          %add3A_165 = arith.constant 0 : i32
          %add3A_166 = arith.addi %add3A_165, %scan3A_95 : i32
          %swap3A_167 = arith.index_cast %add3A_166 : i32 to index
          %swap3A_168 = arith.constant 96 : index
          %swap3A_169 = tpu.vector_load %arg7[%swap3A_167, %swap3A_168] {strides = array<i32>} : memref<176x128xf32, #tpu.memory_space<vmem>>, vector<16xf32>,
          tpu.vector_store %arg7[%swap3A_167, %swap3A_168], %gather3A_130 {strides = array<i32>} : memref<176x128xf32, #tpu.memory_space<vmem>>, vector<16xf32>,
          %add3A_170 = arith.constant 0 : i32
          %add3A_171 = arith.addi %add3A_170, %scan3A_95 : i32
          %swap3A_172 = arith.index_cast %add3A_171 : i32 to index
          %swap3A_173 = arith.constant 112 : index
          %swap3A_174 = tpu.vector_load %arg7[%swap3A_172, %swap3A_173] {strides = array<i32>} : memref<176x128xf32, #tpu.memory_space<vmem>>, vector<16xf32>,
          tpu.vector_store %arg7[%swap3A_172, %swap3A_173], %gather3A_135 {strides = array<i32>} : memref<176x128xf32, #tpu.memory_space<vmem>>, vector<16xf32>,
          %broadcast_in_dim3A_175 = arith.constant 128 : i32
          %broadcast_in_dim3A_176 = vector.broadcast %broadcast_in_dim3A_175 : i32 to vector<16xi32>
          %add3A_177 = vector.broadcast %mul3A_97 : i32 to vector<16xi32>
          %add3A_178 = arith.addi %broadcast_in_dim3A_176, %add3A_177 : vector<16xi32>
          %gather3A_179 = tpu.vector_load_idx %arg5[%iota3A, %add3A_178] : memref<16x1409xf32, #tpu.memory_space<vmem>>[vector<16xi32>, vector<16xi32>], vector<16xf32>,
          %broadcast_in_dim3A_180 = arith.constant 129 : i32
          %broadcast_in_dim3A_181 = vector.broadcast %broadcast_in_dim3A_180 : i32 to vector<16xi32>
          %add3A_182 = vector.broadcast %mul3A_97 : i32 to vector<16xi32>
          %add3A_183 = arith.addi %broadcast_in_dim3A_181, %add3A_182 : vector<16xi32>
          %gather3A_184 = tpu.vector_load_idx %arg5[%iota3A, %add3A_183] : memref<16x1409xf32, #tpu.memory_space<vmem>>[vector<16xi32>, vector<16xi32>], vector<16xf32>,
          %broadcast_in_dim3A_185 = arith.constant 130 : i32
          %broadcast_in_dim3A_186 = vector.broadcast %broadcast_in_dim3A_185 : i32 to vector<16xi32>
          %add3A_187 = vector.broadcast %mul3A_97 : i32 to vector<16xi32>
          %add3A_188 = arith.addi %broadcast_in_dim3A_186, %add3A_187 : vector<16xi32>
          %gather3A_189 = tpu.vector_load_idx %arg5[%iota3A, %add3A_188] : memref<16x1409xf32, #tpu.memory_space<vmem>>[vector<16xi32>, vector<16xi32>], vector<16xf32>,
          %broadcast_in_dim3A_190 = arith.constant 131 : i32
          %broadcast_in_dim3A_191 = vector.broadcast %broadcast_in_dim3A_190 : i32 to vector<16xi32>
          %add3A_192 = vector.broadcast %mul3A_97 : i32 to vector<16xi32>
          %add3A_193 = arith.addi %broadcast_in_dim3A_191, %add3A_192 : vector<16xi32>
          %gather3A_194 = tpu.vector_load_idx %arg5[%iota3A, %add3A_193] : memref<16x1409xf32, #tpu.memory_space<vmem>>[vector<16xi32>, vector<16xi32>], vector<16xf32>,
          %broadcast_in_dim3A_195 = arith.constant 132 : i32
          %broadcast_in_dim3A_196 = vector.broadcast %broadcast_in_dim3A_195 : i32 to vector<16xi32>
          %add3A_197 = vector.broadcast %mul3A_97 : i32 to vector<16xi32>
          %add3A_198 = arith.addi %broadcast_in_dim3A_196, %add3A_197 : vector<16xi32>
          %gather3A_199 = tpu.vector_load_idx %arg5[%iota3A, %add3A_198] : memref<16x1409xf32, #tpu.memory_space<vmem>>[vector<16xi32>, vector<16xi32>], vector<16xf32>,
          %broadcast_in_dim3A_200 = arith.constant 133 : i32
          %broadcast_in_dim3A_201 = vector.broadcast %broadcast_in_dim3A_200 : i32 to vector<16xi32>
          %add3A_202 = vector.broadcast %mul3A_97 : i32 to vector<16xi32>
          %add3A_203 = arith.addi %broadcast_in_dim3A_201, %add3A_202 : vector<16xi32>
          %gather3A_204 = tpu.vector_load_idx %arg5[%iota3A, %add3A_203] : memref<16x1409xf32, #tpu.memory_space<vmem>>[vector<16xi32>, vector<16xi32>], vector<16xf32>,
          %broadcast_in_dim3A_205 = arith.constant 134 : i32
          %broadcast_in_dim3A_206 = vector.broadcast %broadcast_in_dim3A_205 : i32 to vector<16xi32>
          %add3A_207 = vector.broadcast %mul3A_97 : i32 to vector<16xi32>
          %add3A_208 = arith.addi %broadcast_in_dim3A_206, %add3A_207 : vector<16xi32>
          %gather3A_209 = tpu.vector_load_idx %arg5[%iota3A, %add3A_208] : memref<16x1409xf32, #tpu.memory_space<vmem>>[vector<16xi32>, vector<16xi32>], vector<16xf32>,
          %broadcast_in_dim3A_210 = arith.constant 135 : i32
          %broadcast_in_dim3A_211 = vector.broadcast %broadcast_in_dim3A_210 : i32 to vector<16xi32>
          %add3A_212 = vector.broadcast %mul3A_97 : i32 to vector<16xi32>
          %add3A_213 = arith.addi %broadcast_in_dim3A_211, %add3A_212 : vector<16xi32>
          %gather3A_214 = tpu.vector_load_idx %arg5[%iota3A, %add3A_213] : memref<16x1409xf32, #tpu.memory_space<vmem>>[vector<16xi32>, vector<16xi32>], vector<16xf32>,
          %add3A_215 = arith.constant 16 : i32
          %add3A_216 = arith.addi %add3A_215, %scan3A_95 : i32
          %swap3A_217 = arith.index_cast %add3A_216 : i32 to index
          %swap3A_218 = arith.constant 0 : index
          %swap3A_219 = tpu.vector_load %arg7[%swap3A_217, %swap3A_218] {strides = array<i32>} : memref<176x128xf32, #tpu.memory_space<vmem>>, vector<16xf32>,
          tpu.vector_store %arg7[%swap3A_217, %swap3A_218], %gather3A_179 {strides = array<i32>} : memref<176x128xf32, #tpu.memory_space<vmem>>, vector<16xf32>,
          %add3A_220 = arith.constant 16 : i32
          %add3A_221 = arith.addi %add3A_220, %scan3A_95 : i32
          %swap3A_222 = arith.index_cast %add3A_221 : i32 to index
          %swap3A_223 = arith.constant 16 : index
          %swap3A_224 = tpu.vector_load %arg7[%swap3A_222, %swap3A_223] {strides = array<i32>} : memref<176x128xf32, #tpu.memory_space<vmem>>, vector<16xf32>,
          tpu.vector_store %arg7[%swap3A_222, %swap3A_223], %gather3A_184 {strides = array<i32>} : memref<176x128xf32, #tpu.memory_space<vmem>>, vector<16xf32>,
          %add3A_225 = arith.constant 16 : i32
          %add3A_226 = arith.addi %add3A_225, %scan3A_95 : i32
          %swap3A_227 = arith.index_cast %add3A_226 : i32 to index
          %swap3A_228 = arith.constant 32 : index
          %swap3A_229 = tpu.vector_load %arg7[%swap3A_227, %swap3A_228] {strides = array<i32>} : memref<176x128xf32, #tpu.memory_space<vmem>>, vector<16xf32>,
          tpu.vector_store %arg7[%swap3A_227, %swap3A_228], %gather3A_189 {strides = array<i32>} : memref<176x128xf32, #tpu.memory_space<vmem>>, vector<16xf32>,
          %add3A_230 = arith.constant 16 : i32
          %add3A_231 = arith.addi %add3A_230, %scan3A_95 : i32
          %swap3A_232 = arith.index_cast %add3A_231 : i32 to index
          %swap3A_233 = arith.constant 48 : index
          %swap3A_234 = tpu.vector_load %arg7[%swap3A_232, %swap3A_233] {strides = array<i32>} : memref<176x128xf32, #tpu.memory_space<vmem>>, vector<16xf32>,
          tpu.vector_store %arg7[%swap3A_232, %swap3A_233], %gather3A_194 {strides = array<i32>} : memref<176x128xf32, #tpu.memory_space<vmem>>, vector<16xf32>,
          %add3A_235 = arith.constant 16 : i32
          %add3A_236 = arith.addi %add3A_235, %scan3A_95 : i32
          %swap3A_237 = arith.index_cast %add3A_236 : i32 to index
          %swap3A_238 = arith.constant 64 : index
          %swap3A_239 = tpu.vector_load %arg7[%swap3A_237, %swap3A_238] {strides = array<i32>} : memref<176x128xf32, #tpu.memory_space<vmem>>, vector<16xf32>,
          tpu.vector_store %arg7[%swap3A_237, %swap3A_238], %gather3A_199 {strides = array<i32>} : memref<176x128xf32, #tpu.memory_space<vmem>>, vector<16xf32>,
          %add3A_240 = arith.constant 16 : i32
          %add3A_241 = arith.addi %add3A_240, %scan3A_95 : i32
          %swap3A_242 = arith.index_cast %add3A_241 : i32 to index
          %swap3A_243 = arith.constant 80 : index
          %swap3A_244 = tpu.vector_load %arg7[%swap3A_242, %swap3A_243] {strides = array<i32>} : memref<176x128xf32, #tpu.memory_space<vmem>>, vector<16xf32>,
          tpu.vector_store %arg7[%swap3A_242, %swap3A_243], %gather3A_204 {strides = array<i32>} : memref<176x128xf32, #tpu.memory_space<vmem>>, vector<16xf32>,
          %add3A_245 = arith.constant 16 : i32
          %add3A_246 = arith.addi %add3A_245, %scan3A_95 : i32
          %swap3A_247 = arith.index_cast %add3A_246 : i32 to index
          %swap3A_248 = arith.constant 96 : index
          %swap3A_249 = tpu.vector_load %arg7[%swap3A_247, %swap3A_248] {strides = array<i32>} : memref<176x128xf32, #tpu.memory_space<vmem>>, vector<16xf32>,
          tpu.vector_store %arg7[%swap3A_247, %swap3A_248], %gather3A_209 {strides = array<i32>} : memref<176x128xf32, #tpu.memory_space<vmem>>, vector<16xf32>,
          %add3A_250 = arith.constant 16 : i32
          %add3A_251 = arith.addi %add3A_250, %scan3A_95 : i32
          %swap3A_252 = arith.index_cast %add3A_251 : i32 to index
          %swap3A_253 = arith.constant 112 : index
          %swap3A_254 = tpu.vector_load %arg7[%swap3A_252, %swap3A_253] {strides = array<i32>} : memref<176x128xf32, #tpu.memory_space<vmem>>, vector<16xf32>,
          tpu.vector_store %arg7[%swap3A_252, %swap3A_253], %gather3A_214 {strides = array<i32>} : memref<176x128xf32, #tpu.memory_space<vmem>>, vector<16xf32>,
          %broadcast_in_dim3A_255 = arith.constant 256 : i32
          %broadcast_in_dim3A_256 = vector.broadcast %broadcast_in_dim3A_255 : i32 to vector<16xi32>
          %add3A_257 = vector.broadcast %mul3A_97 : i32 to vector<16xi32>
          %add3A_258 = arith.addi %broadcast_in_dim3A_256, %add3A_257 : vector<16xi32>
          %gather3A_259 = tpu.vector_load_idx %arg5[%iota3A, %add3A_258] : memref<16x1409xf32, #tpu.memory_space<vmem>>[vector<16xi32>, vector<16xi32>], vector<16xf32>,
          %broadcast_in_dim3A_260 = arith.constant 257 : i32
          %broadcast_in_dim3A_261 = vector.broadcast %broadcast_in_dim3A_260 : i32 to vector<16xi32>
          %add3A_262 = vector.broadcast %mul3A_97 : i32 to vector<16xi32>
          %add3A_263 = arith.addi %broadcast_in_dim3A_261, %add3A_262 : vector<16xi32>
          %gather3A_264 = tpu.vector_load_idx %arg5[%iota3A, %add3A_263] : memref<16x1409xf32, #tpu.memory_space<vmem>>[vector<16xi32>, vector<16xi32>], vector<16xf32>,
          %broadcast_in_dim3A_265 = arith.constant 258 : i32
          %broadcast_in_dim3A_266 = vector.broadcast %broadcast_in_dim3A_265 : i32 to vector<16xi32>
          %add3A_267 = vector.broadcast %mul3A_97 : i32 to vector<16xi32>
          %add3A_268 = arith.addi %broadcast_in_dim3A_266, %add3A_267 : vector<16xi32>
          %gather3A_269 = tpu.vector_load_idx %arg5[%iota3A, %add3A_268] : memref<16x1409xf32, #tpu.memory_space<vmem>>[vector<16xi32>, vector<16xi32>], vector<16xf32>,
          %broadcast_in_dim3A_270 = arith.constant 259 : i32
          %broadcast_in_dim3A_271 = vector.broadcast %broadcast_in_dim3A_270 : i32 to vector<16xi32>
          %add3A_272 = vector.broadcast %mul3A_97 : i32 to vector<16xi32>
          %add3A_273 = arith.addi %broadcast_in_dim3A_271, %add3A_272 : vector<16xi32>
          %gather3A_274 = tpu.vector_load_idx %arg5[%iota3A, %add3A_273] : memref<16x1409xf32, #tpu.memory_space<vmem>>[vector<16xi32>, vector<16xi32>], vector<16xf32>,
          %broadcast_in_dim3A_275 = arith.constant 260 : i32
          %broadcast_in_dim3A_276 = vector.broadcast %broadcast_in_dim3A_275 : i32 to vector<16xi32>
          %add3A_277 = vector.broadcast %mul3A_97 : i32 to vector<16xi32>
          %add3A_278 = arith.addi %broadcast_in_dim3A_276, %add3A_277 : vector<16xi32>
          %gather3A_279 = tpu.vector_load_idx %arg5[%iota3A, %add3A_278] : memref<16x1409xf32, #tpu.memory_space<vmem>>[vector<16xi32>, vector<16xi32>], vector<16xf32>,
          %broadcast_in_dim3A_280 = arith.constant 261 : i32
          %broadcast_in_dim3A_281 = vector.broadcast %broadcast_in_dim3A_280 : i32 to vector<16xi32>
          %add3A_282 = vector.broadcast %mul3A_97 : i32 to vector<16xi32>
          %add3A_283 = arith.addi %broadcast_in_dim3A_281, %add3A_282 : vector<16xi32>
          %gather3A_284 = tpu.vector_load_idx %arg5[%iota3A, %add3A_283] : memref<16x1409xf32, #tpu.memory_space<vmem>>[vector<16xi32>, vector<16xi32>], vector<16xf32>,
          %broadcast_in_dim3A_285 = arith.constant 262 : i32
          %broadcast_in_dim3A_286 = vector.broadcast %broadcast_in_dim3A_285 : i32 to vector<16xi32>
          %add3A_287 = vector.broadcast %mul3A_97 : i32 to vector<16xi32>
          %add3A_288 = arith.addi %broadcast_in_dim3A_286, %add3A_287 : vector<16xi32>
          %gather3A_289 = tpu.vector_load_idx %arg5[%iota3A, %add3A_288] : memref<16x1409xf32, #tpu.memory_space<vmem>>[vector<16xi32>, vector<16xi32>], vector<16xf32>,
          %broadcast_in_dim3A_290 = arith.constant 263 : i32
          %broadcast_in_dim3A_291 = vector.broadcast %broadcast_in_dim3A_290 : i32 to vector<16xi32>
          %add3A_292 = vector.broadcast %mul3A_97 : i32 to vector<16xi32>
          %add3A_293 = arith.addi %broadcast_in_dim3A_291, %add3A_292 : vector<16xi32>
          %gather3A_294 = tpu.vector_load_idx %arg5[%iota3A, %add3A_293] : memref<16x1409xf32, #tpu.memory_space<vmem>>[vector<16xi32>, vector<16xi32>], vector<16xf32>,
          %add3A_295 = arith.constant 32 : i32
          %add3A_296 = arith.addi %add3A_295, %scan3A_95 : i32
          %swap3A_297 = arith.index_cast %add3A_296 : i32 to index
          %swap3A_298 = arith.constant 0 : index
          %swap3A_299 = tpu.vector_load %arg7[%swap3A_297, %swap3A_298] {strides = array<i32>} : memref<176x128xf32, #tpu.memory_space<vmem>>, vector<16xf32>,
          tpu.vector_store %arg7[%swap3A_297, %swap3A_298], %gather3A_259 {strides = array<i32>} : memref<176x128xf32, #tpu.memory_space<vmem>>, vector<16xf32>,
          %add3A_300 = arith.constant 32 : i32
          %add3A_301 = arith.addi %add3A_300, %scan3A_95 : i32
          %swap3A_302 = arith.index_cast %add3A_301 : i32 to index
          %swap3A_303 = arith.constant 16 : index
          %swap3A_304 = tpu.vector_load %arg7[%swap3A_302, %swap3A_303] {strides = array<i32>} : memref<176x128xf32, #tpu.memory_space<vmem>>, vector<16xf32>,
          tpu.vector_store %arg7[%swap3A_302, %swap3A_303], %gather3A_264 {strides = array<i32>} : memref<176x128xf32, #tpu.memory_space<vmem>>, vector<16xf32>,
          %add3A_305 = arith.constant 32 : i32
          %add3A_306 = arith.addi %add3A_305, %scan3A_95 : i32
          %swap3A_307 = arith.index_cast %add3A_306 : i32 to index
          %swap3A_308 = arith.constant 32 : index
          %swap3A_309 = tpu.vector_load %arg7[%swap3A_307, %swap3A_308] {strides = array<i32>} : memref<176x128xf32, #tpu.memory_space<vmem>>, vector<16xf32>,
          tpu.vector_store %arg7[%swap3A_307, %swap3A_308], %gather3A_269 {strides = array<i32>} : memref<176x128xf32, #tpu.memory_space<vmem>>, vector<16xf32>,
          %add3A_310 = arith.constant 32 : i32
          %add3A_311 = arith.addi %add3A_310, %scan3A_95 : i32
          %swap3A_312 = arith.index_cast %add3A_311 : i32 to index
          %swap3A_313 = arith.constant 48 : index
          %swap3A_314 = tpu.vector_load %arg7[%swap3A_312, %swap3A_313] {strides = array<i32>} : memref<176x128xf32, #tpu.memory_space<vmem>>, vector<16xf32>,
          tpu.vector_store %arg7[%swap3A_312, %swap3A_313], %gather3A_274 {strides = array<i32>} : memref<176x128xf32, #tpu.memory_space<vmem>>, vector<16xf32>,
          %add3A_315 = arith.constant 32 : i32
          %add3A_316 = arith.addi %add3A_315, %scan3A_95 : i32
          %swap3A_317 = arith.index_cast %add3A_316 : i32 to index
          %swap3A_318 = arith.constant 64 : index
          %swap3A_319 = tpu.vector_load %arg7[%swap3A_317, %swap3A_318] {strides = array<i32>} : memref<176x128xf32, #tpu.memory_space<vmem>>, vector<16xf32>,
          tpu.vector_store %arg7[%swap3A_317, %swap3A_318], %gather3A_279 {strides = array<i32>} : memref<176x128xf32, #tpu.memory_space<vmem>>, vector<16xf32>,
          %add3A_320 = arith.constant 32 : i32
          %add3A_321 = arith.addi %add3A_320, %scan3A_95 : i32
          %swap3A_322 = arith.index_cast %add3A_321 : i32 to index
          %swap3A_323 = arith.constant 80 : index
          %swap3A_324 = tpu.vector_load %arg7[%swap3A_322, %swap3A_323] {strides = array<i32>} : memref<176x128xf32, #tpu.memory_space<vmem>>, vector<16xf32>,
          tpu.vector_store %arg7[%swap3A_322, %swap3A_323], %gather3A_284 {strides = array<i32>} : memref<176x128xf32, #tpu.memory_space<vmem>>, vector<16xf32>,
          %add3A_325 = arith.constant 32 : i32
          %add3A_326 = arith.addi %add3A_325, %scan3A_95 : i32
          %swap3A_327 = arith.index_cast %add3A_326 : i32 to index
          %swap3A_328 = arith.constant 96 : index
          %swap3A_329 = tpu.vector_load %arg7[%swap3A_327, %swap3A_328] {strides = array<i32>} : memref<176x128xf32, #tpu.memory_space<vmem>>, vector<16xf32>,
          tpu.vector_store %arg7[%swap3A_327, %swap3A_328], %gather3A_289 {strides = array<i32>} : memref<176x128xf32, #tpu.memory_space<vmem>>, vector<16xf32>,
          %add3A_330 = arith.constant 32 : i32
          %add3A_331 = arith.addi %add3A_330, %scan3A_95 : i32
          %swap3A_332 = arith.index_cast %add3A_331 : i32 to index
          %swap3A_333 = arith.constant 112 : index
          %swap3A_334 = tpu.vector_load %arg7[%swap3A_332, %swap3A_333] {strides = array<i32>} : memref<176x128xf32, #tpu.memory_space<vmem>>, vector<16xf32>,
          tpu.vector_store %arg7[%swap3A_332, %swap3A_333], %gather3A_294 {strides = array<i32>} : memref<176x128xf32, #tpu.memory_space<vmem>>, vector<16xf32>,
          %broadcast_in_dim3A_335 = arith.constant 384 : i32
          %broadcast_in_dim3A_336 = vector.broadcast %broadcast_in_dim3A_335 : i32 to vector<16xi32>
          %add3A_337 = vector.broadcast %mul3A_97 : i32 to vector<16xi32>
          %add3A_338 = arith.addi %broadcast_in_dim3A_336, %add3A_337 : vector<16xi32>
          %gather3A_339 = tpu.vector_load_idx %arg5[%iota3A, %add3A_338] : memref<16x1409xf32, #tpu.memory_space<vmem>>[vector<16xi32>, vector<16xi32>], vector<16xf32>,
          %broadcast_in_dim3A_340 = arith.constant 385 : i32
          %broadcast_in_dim3A_341 = vector.broadcast %broadcast_in_dim3A_340 : i32 to vector<16xi32>
          %add3A_342 = vector.broadcast %mul3A_97 : i32 to vector<16xi32>
          %add3A_343 = arith.addi %broadcast_in_dim3A_341, %add3A_342 : vector<16xi32>
          %gather3A_344 = tpu.vector_load_idx %arg5[%iota3A, %add3A_343] : memref<16x1409xf32, #tpu.memory_space<vmem>>[vector<16xi32>, vector<16xi32>], vector<16xf32>,
          %broadcast_in_dim3A_345 = arith.constant 386 : i32
          %broadcast_in_dim3A_346 = vector.broadcast %broadcast_in_dim3A_345 : i32 to vector<16xi32>
          %add3A_347 = vector.broadcast %mul3A_97 : i32 to vector<16xi32>
          %add3A_348 = arith.addi %broadcast_in_dim3A_346, %add3A_347 : vector<16xi32>
          %gather3A_349 = tpu.vector_load_idx %arg5[%iota3A, %add3A_348] : memref<16x1409xf32, #tpu.memory_space<vmem>>[vector<16xi32>, vector<16xi32>], vector<16xf32>,
          %broadcast_in_dim3A_350 = arith.constant 387 : i32
          %broadcast_in_dim3A_351 = vector.broadcast %broadcast_in_dim3A_350 : i32 to vector<16xi32>
          %add3A_352 = vector.broadcast %mul3A_97 : i32 to vector<16xi32>
          %add3A_353 = arith.addi %broadcast_in_dim3A_351, %add3A_352 : vector<16xi32>
          %gather3A_354 = tpu.vector_load_idx %arg5[%iota3A, %add3A_353] : memref<16x1409xf32, #tpu.memory_space<vmem>>[vector<16xi32>, vector<16xi32>], vector<16xf32>,
          %broadcast_in_dim3A_355 = arith.constant 388 : i32
          %broadcast_in_dim3A_356 = vector.broadcast %broadcast_in_dim3A_355 : i32 to vector<16xi32>
          %add3A_357 = vector.broadcast %mul3A_97 : i32 to vector<16xi32>
          %add3A_358 = arith.addi %broadcast_in_dim3A_356, %add3A_357 : vector<16xi32>
          %gather3A_359 = tpu.vector_load_idx %arg5[%iota3A, %add3A_358] : memref<16x1409xf32, #tpu.memory_space<vmem>>[vector<16xi32>, vector<16xi32>], vector<16xf32>,
          %broadcast_in_dim3A_360 = arith.constant 389 : i32
          %broadcast_in_dim3A_361 = vector.broadcast %broadcast_in_dim3A_360 : i32 to vector<16xi32>
          %add3A_362 = vector.broadcast %mul3A_97 : i32 to vector<16xi32>
          %add3A_363 = arith.addi %broadcast_in_dim3A_361, %add3A_362 : vector<16xi32>
          %gather3A_364 = tpu.vector_load_idx %arg5[%iota3A, %add3A_363] : memref<16x1409xf32, #tpu.memory_space<vmem>>[vector<16xi32>, vector<16xi32>], vector<16xf32>,
          %broadcast_in_dim3A_365 = arith.constant 390 : i32
          %broadcast_in_dim3A_366 = vector.broadcast %broadcast_in_dim3A_365 : i32 to vector<16xi32>
          %add3A_367 = vector.broadcast %mul3A_97 : i32 to vector<16xi32>
          %add3A_368 = arith.addi %broadcast_in_dim3A_366, %add3A_367 : vector<16xi32>
          %gather3A_369 = tpu.vector_load_idx %arg5[%iota3A, %add3A_368] : memref<16x1409xf32, #tpu.memory_space<vmem>>[vector<16xi32>, vector<16xi32>], vector<16xf32>,
          %broadcast_in_dim3A_370 = arith.constant 391 : i32
          %broadcast_in_dim3A_371 = vector.broadcast %broadcast_in_dim3A_370 : i32 to vector<16xi32>
          %add3A_372 = vector.broadcast %mul3A_97 : i32 to vector<16xi32>
          %add3A_373 = arith.addi %broadcast_in_dim3A_371, %add3A_372 : vector<16xi32>
          %gather3A_374 = tpu.vector_load_idx %arg5[%iota3A, %add3A_373] : memref<16x1409xf32, #tpu.memory_space<vmem>>[vector<16xi32>, vector<16xi32>], vector<16xf32>,
          %add3A_375 = arith.constant 48 : i32
          %add3A_376 = arith.addi %add3A_375, %scan3A_95 : i32
          %swap3A_377 = arith.index_cast %add3A_376 : i32 to index
          %swap3A_378 = arith.constant 0 : index
          %swap3A_379 = tpu.vector_load %arg7[%swap3A_377, %swap3A_378] {strides = array<i32>} : memref<176x128xf32, #tpu.memory_space<vmem>>, vector<16xf32>,
          tpu.vector_store %arg7[%swap3A_377, %swap3A_378], %gather3A_339 {strides = array<i32>} : memref<176x128xf32, #tpu.memory_space<vmem>>, vector<16xf32>,
          %add3A_380 = arith.constant 48 : i32
          %add3A_381 = arith.addi %add3A_380, %scan3A_95 : i32
          %swap3A_382 = arith.index_cast %add3A_381 : i32 to index
          %swap3A_383 = arith.constant 16 : index
          %swap3A_384 = tpu.vector_load %arg7[%swap3A_382, %swap3A_383] {strides = array<i32>} : memref<176x128xf32, #tpu.memory_space<vmem>>, vector<16xf32>,
          tpu.vector_store %arg7[%swap3A_382, %swap3A_383], %gather3A_344 {strides = array<i32>} : memref<176x128xf32, #tpu.memory_space<vmem>>, vector<16xf32>,
          %add3A_385 = arith.constant 48 : i32
          %add3A_386 = arith.addi %add3A_385, %scan3A_95 : i32
          %swap3A_387 = arith.index_cast %add3A_386 : i32 to index
          %swap3A_388 = arith.constant 32 : index
          %swap3A_389 = tpu.vector_load %arg7[%swap3A_387, %swap3A_388] {strides = array<i32>} : memref<176x128xf32, #tpu.memory_space<vmem>>, vector<16xf32>,
          tpu.vector_store %arg7[%swap3A_387, %swap3A_388], %gather3A_349 {strides = array<i32>} : memref<176x128xf32, #tpu.memory_space<vmem>>, vector<16xf32>,
          %add3A_390 = arith.constant 48 : i32
          %add3A_391 = arith.addi %add3A_390, %scan3A_95 : i32
          %swap3A_392 = arith.index_cast %add3A_391 : i32 to index
          %swap3A_393 = arith.constant 48 : index
          %swap3A_394 = tpu.vector_load %arg7[%swap3A_392, %swap3A_393] {strides = array<i32>} : memref<176x128xf32, #tpu.memory_space<vmem>>, vector<16xf32>,
          tpu.vector_store %arg7[%swap3A_392, %swap3A_393], %gather3A_354 {strides = array<i32>} : memref<176x128xf32, #tpu.memory_space<vmem>>, vector<16xf32>,
          %add3A_395 = arith.constant 48 : i32
          %add3A_396 = arith.addi %add3A_395, %scan3A_95 : i32
          %swap3A_397 = arith.index_cast %add3A_396 : i32 to index
          %swap3A_398 = arith.constant 64 : index
          %swap3A_399 = tpu.vector_load %arg7[%swap3A_397, %swap3A_398] {strides = array<i32>} : memref<176x128xf32, #tpu.memory_space<vmem>>, vector<16xf32>,
          tpu.vector_store %arg7[%swap3A_397, %swap3A_398], %gather3A_359 {strides = array<i32>} : memref<176x128xf32, #tpu.memory_space<vmem>>, vector<16xf32>,
          %add3A_400 = arith.constant 48 : i32
          %add3A_401 = arith.addi %add3A_400, %scan3A_95 : i32
          %swap3A_402 = arith.index_cast %add3A_401 : i32 to index
          %swap3A_403 = arith.constant 80 : index
          %swap3A_404 = tpu.vector_load %arg7[%swap3A_402, %swap3A_403] {strides = array<i32>} : memref<176x128xf32, #tpu.memory_space<vmem>>, vector<16xf32>,
          tpu.vector_store %arg7[%swap3A_402, %swap3A_403], %gather3A_364 {strides = array<i32>} : memref<176x128xf32, #tpu.memory_space<vmem>>, vector<16xf32>,
          %add3A_405 = arith.constant 48 : i32
          %add3A_406 = arith.addi %add3A_405, %scan3A_95 : i32
          %swap3A_407 = arith.index_cast %add3A_406 : i32 to index
          %swap3A_408 = arith.constant 96 : index
          %swap3A_409 = tpu.vector_load %arg7[%swap3A_407, %swap3A_408] {strides = array<i32>} : memref<176x128xf32, #tpu.memory_space<vmem>>, vector<16xf32>,
          tpu.vector_store %arg7[%swap3A_407, %swap3A_408], %gather3A_369 {strides = array<i32>} : memref<176x128xf32, #tpu.memory_space<vmem>>, vector<16xf32>,
          %add3A_410 = arith.constant 48 : i32
          %add3A_411 = arith.addi %add3A_410, %scan3A_95 : i32
          %swap3A_412 = arith.index_cast %add3A_411 : i32 to index
          %swap3A_413 = arith.constant 112 : index
          %swap3A_414 = tpu.vector_load %arg7[%swap3A_412, %swap3A_413] {strides = array<i32>} : memref<176x128xf32, #tpu.memory_space<vmem>>, vector<16xf32>,
          tpu.vector_store %arg7[%swap3A_412, %swap3A_413], %gather3A_374 {strides = array<i32>} : memref<176x128xf32, #tpu.memory_space<vmem>>, vector<16xf32>,
          %broadcast_in_dim3A_415 = arith.constant 512 : i32
          %broadcast_in_dim3A_416 = vector.broadcast %broadcast_in_dim3A_415 : i32 to vector<16xi32>
          %add3A_417 = vector.broadcast %mul3A_97 : i32 to vector<16xi32>
          %add3A_418 = arith.addi %broadcast_in_dim3A_416, %add3A_417 : vector<16xi32>
          %gather3A_419 = tpu.vector_load_idx %arg5[%iota3A, %add3A_418] : memref<16x1409xf32, #tpu.memory_space<vmem>>[vector<16xi32>, vector<16xi32>], vector<16xf32>,
          %broadcast_in_dim3A_420 = arith.constant 513 : i32
          %broadcast_in_dim3A_421 = vector.broadcast %broadcast_in_dim3A_420 : i32 to vector<16xi32>
          %add3A_422 = vector.broadcast %mul3A_97 : i32 to vector<16xi32>
          %add3A_423 = arith.addi %broadcast_in_dim3A_421, %add3A_422 : vector<16xi32>
          %gather3A_424 = tpu.vector_load_idx %arg5[%iota3A, %add3A_423] : memref<16x1409xf32, #tpu.memory_space<vmem>>[vector<16xi32>, vector<16xi32>], vector<16xf32>,
          %broadcast_in_dim3A_425 = arith.constant 514 : i32
          %broadcast_in_dim3A_426 = vector.broadcast %broadcast_in_dim3A_425 : i32 to vector<16xi32>
          %add3A_427 = vector.broadcast %mul3A_97 : i32 to vector<16xi32>
          %add3A_428 = arith.addi %broadcast_in_dim3A_426, %add3A_427 : vector<16xi32>
          %gather3A_429 = tpu.vector_load_idx %arg5[%iota3A, %add3A_428] : memref<16x1409xf32, #tpu.memory_space<vmem>>[vector<16xi32>, vector<16xi32>], vector<16xf32>,
          %broadcast_in_dim3A_430 = arith.constant 515 : i32
          %broadcast_in_dim3A_431 = vector.broadcast %broadcast_in_dim3A_430 : i32 to vector<16xi32>
          %add3A_432 = vector.broadcast %mul3A_97 : i32 to vector<16xi32>
          %add3A_433 = arith.addi %broadcast_in_dim3A_431, %add3A_432 : vector<16xi32>
          %gather3A_434 = tpu.vector_load_idx %arg5[%iota3A, %add3A_433] : memref<16x1409xf32, #tpu.memory_space<vmem>>[vector<16xi32>, vector<16xi32>], vector<16xf32>,
          %broadcast_in_dim3A_435 = arith.constant 516 : i32
          %broadcast_in_dim3A_436 = vector.broadcast %broadcast_in_dim3A_435 : i32 to vector<16xi32>
          %add3A_437 = vector.broadcast %mul3A_97 : i32 to vector<16xi32>
          %add3A_438 = arith.addi %broadcast_in_dim3A_436, %add3A_437 : vector<16xi32>
          %gather3A_439 = tpu.vector_load_idx %arg5[%iota3A, %add3A_438] : memref<16x1409xf32, #tpu.memory_space<vmem>>[vector<16xi32>, vector<16xi32>], vector<16xf32>,
          %broadcast_in_dim3A_440 = arith.constant 517 : i32
          %broadcast_in_dim3A_441 = vector.broadcast %broadcast_in_dim3A_440 : i32 to vector<16xi32>
          %add3A_442 = vector.broadcast %mul3A_97 : i32 to vector<16xi32>
          %add3A_443 = arith.addi %broadcast_in_dim3A_441, %add3A_442 : vector<16xi32>
          %gather3A_444 = tpu.vector_load_idx %arg5[%iota3A, %add3A_443] : memref<16x1409xf32, #tpu.memory_space<vmem>>[vector<16xi32>, vector<16xi32>], vector<16xf32>,
          %broadcast_in_dim3A_445 = arith.constant 518 : i32
          %broadcast_in_dim3A_446 = vector.broadcast %broadcast_in_dim3A_445 : i32 to vector<16xi32>
          %add3A_447 = vector.broadcast %mul3A_97 : i32 to vector<16xi32>
          %add3A_448 = arith.addi %broadcast_in_dim3A_446, %add3A_447 : vector<16xi32>
          %gather3A_449 = tpu.vector_load_idx %arg5[%iota3A, %add3A_448] : memref<16x1409xf32, #tpu.memory_space<vmem>>[vector<16xi32>, vector<16xi32>], vector<16xf32>,
          %broadcast_in_dim3A_450 = arith.constant 519 : i32
          %broadcast_in_dim3A_451 = vector.broadcast %broadcast_in_dim3A_450 : i32 to vector<16xi32>
          %add3A_452 = vector.broadcast %mul3A_97 : i32 to vector<16xi32>
          %add3A_453 = arith.addi %broadcast_in_dim3A_451, %add3A_452 : vector<16xi32>
          %gather3A_454 = tpu.vector_load_idx %arg5[%iota3A, %add3A_453] : memref<16x1409xf32, #tpu.memory_space<vmem>>[vector<16xi32>, vector<16xi32>], vector<16xf32>,
          %add3A_455 = arith.constant 64 : i32
          %add3A_456 = arith.addi %add3A_455, %scan3A_95 : i32
          %swap3A_457 = arith.index_cast %add3A_456 : i32 to index
          %swap3A_458 = arith.constant 0 : index
          %swap3A_459 = tpu.vector_load %arg7[%swap3A_457, %swap3A_458] {strides = array<i32>} : memref<176x128xf32, #tpu.memory_space<vmem>>, vector<16xf32>,
          tpu.vector_store %arg7[%swap3A_457, %swap3A_458], %gather3A_419 {strides = array<i32>} : memref<176x128xf32, #tpu.memory_space<vmem>>, vector<16xf32>,
          %add3A_460 = arith.constant 64 : i32
          %add3A_461 = arith.addi %add3A_460, %scan3A_95 : i32
          %swap3A_462 = arith.index_cast %add3A_461 : i32 to index
          %swap3A_463 = arith.constant 16 : index
          %swap3A_464 = tpu.vector_load %arg7[%swap3A_462, %swap3A_463] {strides = array<i32>} : memref<176x128xf32, #tpu.memory_space<vmem>>, vector<16xf32>,
          tpu.vector_store %arg7[%swap3A_462, %swap3A_463], %gather3A_424 {strides = array<i32>} : memref<176x128xf32, #tpu.memory_space<vmem>>, vector<16xf32>,
          %add3A_465 = arith.constant 64 : i32
          %add3A_466 = arith.addi %add3A_465, %scan3A_95 : i32
          %swap3A_467 = arith.index_cast %add3A_466 : i32 to index
          %swap3A_468 = arith.constant 32 : index
          %swap3A_469 = tpu.vector_load %arg7[%swap3A_467, %swap3A_468] {strides = array<i32>} : memref<176x128xf32, #tpu.memory_space<vmem>>, vector<16xf32>,
          tpu.vector_store %arg7[%swap3A_467, %swap3A_468], %gather3A_429 {strides = array<i32>} : memref<176x128xf32, #tpu.memory_space<vmem>>, vector<16xf32>,
          %add3A_470 = arith.constant 64 : i32
          %add3A_471 = arith.addi %add3A_470, %scan3A_95 : i32
          %swap3A_472 = arith.index_cast %add3A_471 : i32 to index
          %swap3A_473 = arith.constant 48 : index
          %swap3A_474 = tpu.vector_load %arg7[%swap3A_472, %swap3A_473] {strides = array<i32>} : memref<176x128xf32, #tpu.memory_space<vmem>>, vector<16xf32>,
          tpu.vector_store %arg7[%swap3A_472, %swap3A_473], %gather3A_434 {strides = array<i32>} : memref<176x128xf32, #tpu.memory_space<vmem>>, vector<16xf32>,
          %add3A_475 = arith.constant 64 : i32
          %add3A_476 = arith.addi %add3A_475, %scan3A_95 : i32
          %swap3A_477 = arith.index_cast %add3A_476 : i32 to index
          %swap3A_478 = arith.constant 64 : index
          %swap3A_479 = tpu.vector_load %arg7[%swap3A_477, %swap3A_478] {strides = array<i32>} : memref<176x128xf32, #tpu.memory_space<vmem>>, vector<16xf32>,
          tpu.vector_store %arg7[%swap3A_477, %swap3A_478], %gather3A_439 {strides = array<i32>} : memref<176x128xf32, #tpu.memory_space<vmem>>, vector<16xf32>,
          %add3A_480 = arith.constant 64 : i32
          %add3A_481 = arith.addi %add3A_480, %scan3A_95 : i32
          %swap3A_482 = arith.index_cast %add3A_481 : i32 to index
          %swap3A_483 = arith.constant 80 : index
          %swap3A_484 = tpu.vector_load %arg7[%swap3A_482, %swap3A_483] {strides = array<i32>} : memref<176x128xf32, #tpu.memory_space<vmem>>, vector<16xf32>,
          tpu.vector_store %arg7[%swap3A_482, %swap3A_483], %gather3A_444 {strides = array<i32>} : memref<176x128xf32, #tpu.memory_space<vmem>>, vector<16xf32>,
          %add3A_485 = arith.constant 64 : i32
          %add3A_486 = arith.addi %add3A_485, %scan3A_95 : i32
          %swap3A_487 = arith.index_cast %add3A_486 : i32 to index
          %swap3A_488 = arith.constant 96 : index
          %swap3A_489 = tpu.vector_load %arg7[%swap3A_487, %swap3A_488] {strides = array<i32>} : memref<176x128xf32, #tpu.memory_space<vmem>>, vector<16xf32>,
          tpu.vector_store %arg7[%swap3A_487, %swap3A_488], %gather3A_449 {strides = array<i32>} : memref<176x128xf32, #tpu.memory_space<vmem>>, vector<16xf32>,
          %add3A_490 = arith.constant 64 : i32
          %add3A_491 = arith.addi %add3A_490, %scan3A_95 : i32
          %swap3A_492 = arith.index_cast %add3A_491 : i32 to index
          %swap3A_493 = arith.constant 112 : index
          %swap3A_494 = tpu.vector_load %arg7[%swap3A_492, %swap3A_493] {strides = array<i32>} : memref<176x128xf32, #tpu.memory_space<vmem>>, vector<16xf32>,
          tpu.vector_store %arg7[%swap3A_492, %swap3A_493], %gather3A_454 {strides = array<i32>} : memref<176x128xf32, #tpu.memory_space<vmem>>, vector<16xf32>,
          %broadcast_in_dim3A_495 = arith.constant 640 : i32
          %broadcast_in_dim3A_496 = vector.broadcast %broadcast_in_dim3A_495 : i32 to vector<16xi32>
          %add3A_497 = vector.broadcast %mul3A_97 : i32 to vector<16xi32>
          %add3A_498 = arith.addi %broadcast_in_dim3A_496, %add3A_497 : vector<16xi32>
          %gather3A_499 = tpu.vector_load_idx %arg5[%iota3A, %add3A_498] : memref<16x1409xf32, #tpu.memory_space<vmem>>[vector<16xi32>, vector<16xi32>], vector<16xf32>,
          %broadcast_in_dim3A_500 = arith.constant 641 : i32
          %broadcast_in_dim3A_501 = vector.broadcast %broadcast_in_dim3A_500 : i32 to vector<16xi32>
          %add3A_502 = vector.broadcast %mul3A_97 : i32 to vector<16xi32>
          %add3A_503 = arith.addi %broadcast_in_dim3A_501, %add3A_502 : vector<16xi32>
          %gather3A_504 = tpu.vector_load_idx %arg5[%iota3A, %add3A_503] : memref<16x1409xf32, #tpu.memory_space<vmem>>[vector<16xi32>, vector<16xi32>], vector<16xf32>,
          %broadcast_in_dim3A_505 = arith.constant 642 : i32
          %broadcast_in_dim3A_506 = vector.broadcast %broadcast_in_dim3A_505 : i32 to vector<16xi32>
          %add3A_507 = vector.broadcast %mul3A_97 : i32 to vector<16xi32>
          %add3A_508 = arith.addi %broadcast_in_dim3A_506, %add3A_507 : vector<16xi32>
          %gather3A_509 = tpu.vector_load_idx %arg5[%iota3A, %add3A_508] : memref<16x1409xf32, #tpu.memory_space<vmem>>[vector<16xi32>, vector<16xi32>], vector<16xf32>,
          %broadcast_in_dim3A_510 = arith.constant 643 : i32
          %broadcast_in_dim3A_511 = vector.broadcast %broadcast_in_dim3A_510 : i32 to vector<16xi32>
          %add3A_512 = vector.broadcast %mul3A_97 : i32 to vector<16xi32>
          %add3A_513 = arith.addi %broadcast_in_dim3A_511, %add3A_512 : vector<16xi32>
          %gather3A_514 = tpu.vector_load_idx %arg5[%iota3A, %add3A_513] : memref<16x1409xf32, #tpu.memory_space<vmem>>[vector<16xi32>, vector<16xi32>], vector<16xf32>,
          %broadcast_in_dim3A_515 = arith.constant 644 : i32
          %broadcast_in_dim3A_516 = vector.broadcast %broadcast_in_dim3A_515 : i32 to vector<16xi32>
          %add3A_517 = vector.broadcast %mul3A_97 : i32 to vector<16xi32>
          %add3A_518 = arith.addi %broadcast_in_dim3A_516, %add3A_517 : vector<16xi32>
          %gather3A_519 = tpu.vector_load_idx %arg5[%iota3A, %add3A_518] : memref<16x1409xf32, #tpu.memory_space<vmem>>[vector<16xi32>, vector<16xi32>], vector<16xf32>,
          %broadcast_in_dim3A_520 = arith.constant 645 : i32
          %broadcast_in_dim3A_521 = vector.broadcast %broadcast_in_dim3A_520 : i32 to vector<16xi32>
          %add3A_522 = vector.broadcast %mul3A_97 : i32 to vector<16xi32>
          %add3A_523 = arith.addi %broadcast_in_dim3A_521, %add3A_522 : vector<16xi32>
          %gather3A_524 = tpu.vector_load_idx %arg5[%iota3A, %add3A_523] : memref<16x1409xf32, #tpu.memory_space<vmem>>[vector<16xi32>, vector<16xi32>], vector<16xf32>,
          %broadcast_in_dim3A_525 = arith.constant 646 : i32
          %broadcast_in_dim3A_526 = vector.broadcast %broadcast_in_dim3A_525 : i32 to vector<16xi32>
          %add3A_527 = vector.broadcast %mul3A_97 : i32 to vector<16xi32>
          %add3A_528 = arith.addi %broadcast_in_dim3A_526, %add3A_527 : vector<16xi32>
          %gather3A_529 = tpu.vector_load_idx %arg5[%iota3A, %add3A_528] : memref<16x1409xf32, #tpu.memory_space<vmem>>[vector<16xi32>, vector<16xi32>], vector<16xf32>,
          %broadcast_in_dim3A_530 = arith.constant 647 : i32
          %broadcast_in_dim3A_531 = vector.broadcast %broadcast_in_dim3A_530 : i32 to vector<16xi32>
          %add3A_532 = vector.broadcast %mul3A_97 : i32 to vector<16xi32>
          %add3A_533 = arith.addi %broadcast_in_dim3A_531, %add3A_532 : vector<16xi32>
          %gather3A_534 = tpu.vector_load_idx %arg5[%iota3A, %add3A_533] : memref<16x1409xf32, #tpu.memory_space<vmem>>[vector<16xi32>, vector<16xi32>], vector<16xf32>,
          %add3A_535 = arith.constant 80 : i32
          %add3A_536 = arith.addi %add3A_535, %scan3A_95 : i32
          %swap3A_537 = arith.index_cast %add3A_536 : i32 to index
          %swap3A_538 = arith.constant 0 : index
          %swap3A_539 = tpu.vector_load %arg7[%swap3A_537, %swap3A_538] {strides = array<i32>} : memref<176x128xf32, #tpu.memory_space<vmem>>, vector<16xf32>,
          tpu.vector_store %arg7[%swap3A_537, %swap3A_538], %gather3A_499 {strides = array<i32>} : memref<176x128xf32, #tpu.memory_space<vmem>>, vector<16xf32>,
          %add3A_540 = arith.constant 80 : i32
          %add3A_541 = arith.addi %add3A_540, %scan3A_95 : i32
          %swap3A_542 = arith.index_cast %add3A_541 : i32 to index
          %swap3A_543 = arith.constant 16 : index
          %swap3A_544 = tpu.vector_load %arg7[%swap3A_542, %swap3A_543] {strides = array<i32>} : memref<176x128xf32, #tpu.memory_space<vmem>>, vector<16xf32>,
          tpu.vector_store %arg7[%swap3A_542, %swap3A_543], %gather3A_504 {strides = array<i32>} : memref<176x128xf32, #tpu.memory_space<vmem>>, vector<16xf32>,
          %add3A_545 = arith.constant 80 : i32
          %add3A_546 = arith.addi %add3A_545, %scan3A_95 : i32
          %swap3A_547 = arith.index_cast %add3A_546 : i32 to index
          %swap3A_548 = arith.constant 32 : index
          %swap3A_549 = tpu.vector_load %arg7[%swap3A_547, %swap3A_548] {strides = array<i32>} : memref<176x128xf32, #tpu.memory_space<vmem>>, vector<16xf32>,
          tpu.vector_store %arg7[%swap3A_547, %swap3A_548], %gather3A_509 {strides = array<i32>} : memref<176x128xf32, #tpu.memory_space<vmem>>, vector<16xf32>,
          %add3A_550 = arith.constant 80 : i32
          %add3A_551 = arith.addi %add3A_550, %scan3A_95 : i32
          %swap3A_552 = arith.index_cast %add3A_551 : i32 to index
          %swap3A_553 = arith.constant 48 : index
          %swap3A_554 = tpu.vector_load %arg7[%swap3A_552, %swap3A_553] {strides = array<i32>} : memref<176x128xf32, #tpu.memory_space<vmem>>, vector<16xf32>,
          tpu.vector_store %arg7[%swap3A_552, %swap3A_553], %gather3A_514 {strides = array<i32>} : memref<176x128xf32, #tpu.memory_space<vmem>>, vector<16xf32>,
          %add3A_555 = arith.constant 80 : i32
          %add3A_556 = arith.addi %add3A_555, %scan3A_95 : i32
          %swap3A_557 = arith.index_cast %add3A_556 : i32 to index
          %swap3A_558 = arith.constant 64 : index
          %swap3A_559 = tpu.vector_load %arg7[%swap3A_557, %swap3A_558] {strides = array<i32>} : memref<176x128xf32, #tpu.memory_space<vmem>>, vector<16xf32>,
          tpu.vector_store %arg7[%swap3A_557, %swap3A_558], %gather3A_519 {strides = array<i32>} : memref<176x128xf32, #tpu.memory_space<vmem>>, vector<16xf32>,
          %add3A_560 = arith.constant 80 : i32
          %add3A_561 = arith.addi %add3A_560, %scan3A_95 : i32
          %swap3A_562 = arith.index_cast %add3A_561 : i32 to index
          %swap3A_563 = arith.constant 80 : index
          %swap3A_564 = tpu.vector_load %arg7[%swap3A_562, %swap3A_563] {strides = array<i32>} : memref<176x128xf32, #tpu.memory_space<vmem>>, vector<16xf32>,
          tpu.vector_store %arg7[%swap3A_562, %swap3A_563], %gather3A_524 {strides = array<i32>} : memref<176x128xf32, #tpu.memory_space<vmem>>, vector<16xf32>,
          %add3A_565 = arith.constant 80 : i32
          %add3A_566 = arith.addi %add3A_565, %scan3A_95 : i32
          %swap3A_567 = arith.index_cast %add3A_566 : i32 to index
          %swap3A_568 = arith.constant 96 : index
          %swap3A_569 = tpu.vector_load %arg7[%swap3A_567, %swap3A_568] {strides = array<i32>} : memref<176x128xf32, #tpu.memory_space<vmem>>, vector<16xf32>,
          tpu.vector_store %arg7[%swap3A_567, %swap3A_568], %gather3A_529 {strides = array<i32>} : memref<176x128xf32, #tpu.memory_space<vmem>>, vector<16xf32>,
          %add3A_570 = arith.constant 80 : i32
          %add3A_571 = arith.addi %add3A_570, %scan3A_95 : i32
          %swap3A_572 = arith.index_cast %add3A_571 : i32 to index
          %swap3A_573 = arith.constant 112 : index
          %swap3A_574 = tpu.vector_load %arg7[%swap3A_572, %swap3A_573] {strides = array<i32>} : memref<176x128xf32, #tpu.memory_space<vmem>>, vector<16xf32>,
          tpu.vector_store %arg7[%swap3A_572, %swap3A_573], %gather3A_534 {strides = array<i32>} : memref<176x128xf32, #tpu.memory_space<vmem>>, vector<16xf32>,
          %broadcast_in_dim3A_575 = arith.constant 768 : i32
          %broadcast_in_dim3A_576 = vector.broadcast %broadcast_in_dim3A_575 : i32 to vector<16xi32>
          %add3A_577 = vector.broadcast %mul3A_97 : i32 to vector<16xi32>
          %add3A_578 = arith.addi %broadcast_in_dim3A_576, %add3A_577 : vector<16xi32>
          %gather3A_579 = tpu.vector_load_idx %arg5[%iota3A, %add3A_578] : memref<16x1409xf32, #tpu.memory_space<vmem>>[vector<16xi32>, vector<16xi32>], vector<16xf32>,
          %broadcast_in_dim3A_580 = arith.constant 769 : i32
          %broadcast_in_dim3A_581 = vector.broadcast %broadcast_in_dim3A_580 : i32 to vector<16xi32>
          %add3A_582 = vector.broadcast %mul3A_97 : i32 to vector<16xi32>
          %add3A_583 = arith.addi %broadcast_in_dim3A_581, %add3A_582 : vector<16xi32>
          %gather3A_584 = tpu.vector_load_idx %arg5[%iota3A, %add3A_583] : memref<16x1409xf32, #tpu.memory_space<vmem>>[vector<16xi32>, vector<16xi32>], vector<16xf32>,
          %broadcast_in_dim3A_585 = arith.constant 770 : i32
          %broadcast_in_dim3A_586 = vector.broadcast %broadcast_in_dim3A_585 : i32 to vector<16xi32>
          %add3A_587 = vector.broadcast %mul3A_97 : i32 to vector<16xi32>
          %add3A_588 = arith.addi %broadcast_in_dim3A_586, %add3A_587 : vector<16xi32>
          %gather3A_589 = tpu.vector_load_idx %arg5[%iota3A, %add3A_588] : memref<16x1409xf32, #tpu.memory_space<vmem>>[vector<16xi32>, vector<16xi32>], vector<16xf32>,
          %broadcast_in_dim3A_590 = arith.constant 771 : i32
          %broadcast_in_dim3A_591 = vector.broadcast %broadcast_in_dim3A_590 : i32 to vector<16xi32>
          %add3A_592 = vector.broadcast %mul3A_97 : i32 to vector<16xi32>
          %add3A_593 = arith.addi %broadcast_in_dim3A_591, %add3A_592 : vector<16xi32>
          %gather3A_594 = tpu.vector_load_idx %arg5[%iota3A, %add3A_593] : memref<16x1409xf32, #tpu.memory_space<vmem>>[vector<16xi32>, vector<16xi32>], vector<16xf32>,
          %broadcast_in_dim3A_595 = arith.constant 772 : i32
          %broadcast_in_dim3A_596 = vector.broadcast %broadcast_in_dim3A_595 : i32 to vector<16xi32>
          %add3A_597 = vector.broadcast %mul3A_97 : i32 to vector<16xi32>
          %add3A_598 = arith.addi %broadcast_in_dim3A_596, %add3A_597 : vector<16xi32>
          %gather3A_599 = tpu.vector_load_idx %arg5[%iota3A, %add3A_598] : memref<16x1409xf32, #tpu.memory_space<vmem>>[vector<16xi32>, vector<16xi32>], vector<16xf32>,
          %broadcast_in_dim3A_600 = arith.constant 773 : i32
          %broadcast_in_dim3A_601 = vector.broadcast %broadcast_in_dim3A_600 : i32 to vector<16xi32>
          %add3A_602 = vector.broadcast %mul3A_97 : i32 to vector<16xi32>
          %add3A_603 = arith.addi %broadcast_in_dim3A_601, %add3A_602 : vector<16xi32>
          %gather3A_604 = tpu.vector_load_idx %arg5[%iota3A, %add3A_603] : memref<16x1409xf32, #tpu.memory_space<vmem>>[vector<16xi32>, vector<16xi32>], vector<16xf32>,
          %broadcast_in_dim3A_605 = arith.constant 774 : i32
          %broadcast_in_dim3A_606 = vector.broadcast %broadcast_in_dim3A_605 : i32 to vector<16xi32>
          %add3A_607 = vector.broadcast %mul3A_97 : i32 to vector<16xi32>
          %add3A_608 = arith.addi %broadcast_in_dim3A_606, %add3A_607 : vector<16xi32>
          %gather3A_609 = tpu.vector_load_idx %arg5[%iota3A, %add3A_608] : memref<16x1409xf32, #tpu.memory_space<vmem>>[vector<16xi32>, vector<16xi32>], vector<16xf32>,
          %broadcast_in_dim3A_610 = arith.constant 775 : i32
          %broadcast_in_dim3A_611 = vector.broadcast %broadcast_in_dim3A_610 : i32 to vector<16xi32>
          %add3A_612 = vector.broadcast %mul3A_97 : i32 to vector<16xi32>
          %add3A_613 = arith.addi %broadcast_in_dim3A_611, %add3A_612 : vector<16xi32>
          %gather3A_614 = tpu.vector_load_idx %arg5[%iota3A, %add3A_613] : memref<16x1409xf32, #tpu.memory_space<vmem>>[vector<16xi32>, vector<16xi32>], vector<16xf32>,
          %add3A_615 = arith.constant 96 : i32
          %add3A_616 = arith.addi %add3A_615, %scan3A_95 : i32
          %swap3A_617 = arith.index_cast %add3A_616 : i32 to index
          %swap3A_618 = arith.constant 0 : index
          %swap3A_619 = tpu.vector_load %arg7[%swap3A_617, %swap3A_618] {strides = array<i32>} : memref<176x128xf32, #tpu.memory_space<vmem>>, vector<16xf32>,
          tpu.vector_store %arg7[%swap3A_617, %swap3A_618], %gather3A_579 {strides = array<i32>} : memref<176x128xf32, #tpu.memory_space<vmem>>, vector<16xf32>,
          %add3A_620 = arith.constant 96 : i32
          %add3A_621 = arith.addi %add3A_620, %scan3A_95 : i32
          %swap3A_622 = arith.index_cast %add3A_621 : i32 to index
          %swap3A_623 = arith.constant 16 : index
          %swap3A_624 = tpu.vector_load %arg7[%swap3A_622, %swap3A_623] {strides = array<i32>} : memref<176x128xf32, #tpu.memory_space<vmem>>, vector<16xf32>,
          tpu.vector_store %arg7[%swap3A_622, %swap3A_623], %gather3A_584 {strides = array<i32>} : memref<176x128xf32, #tpu.memory_space<vmem>>, vector<16xf32>,
          %add3A_625 = arith.constant 96 : i32
          %add3A_626 = arith.addi %add3A_625, %scan3A_95 : i32
          %swap3A_627 = arith.index_cast %add3A_626 : i32 to index
          %swap3A_628 = arith.constant 32 : index
          %swap3A_629 = tpu.vector_load %arg7[%swap3A_627, %swap3A_628] {strides = array<i32>} : memref<176x128xf32, #tpu.memory_space<vmem>>, vector<16xf32>,
          tpu.vector_store %arg7[%swap3A_627, %swap3A_628], %gather3A_589 {strides = array<i32>} : memref<176x128xf32, #tpu.memory_space<vmem>>, vector<16xf32>,
          %add3A_630 = arith.constant 96 : i32
          %add3A_631 = arith.addi %add3A_630, %scan3A_95 : i32
          %swap3A_632 = arith.index_cast %add3A_631 : i32 to index
          %swap3A_633 = arith.constant 48 : index
          %swap3A_634 = tpu.vector_load %arg7[%swap3A_632, %swap3A_633] {strides = array<i32>} : memref<176x128xf32, #tpu.memory_space<vmem>>, vector<16xf32>,
          tpu.vector_store %arg7[%swap3A_632, %swap3A_633], %gather3A_594 {strides = array<i32>} : memref<176x128xf32, #tpu.memory_space<vmem>>, vector<16xf32>,
          %add3A_635 = arith.constant 96 : i32
          %add3A_636 = arith.addi %add3A_635, %scan3A_95 : i32
          %swap3A_637 = arith.index_cast %add3A_636 : i32 to index
          %swap3A_638 = arith.constant 64 : index
          %swap3A_639 = tpu.vector_load %arg7[%swap3A_637, %swap3A_638] {strides = array<i32>} : memref<176x128xf32, #tpu.memory_space<vmem>>, vector<16xf32>,
          tpu.vector_store %arg7[%swap3A_637, %swap3A_638], %gather3A_599 {strides = array<i32>} : memref<176x128xf32, #tpu.memory_space<vmem>>, vector<16xf32>,
          %add3A_640 = arith.constant 96 : i32
          %add3A_641 = arith.addi %add3A_640, %scan3A_95 : i32
          %swap3A_642 = arith.index_cast %add3A_641 : i32 to index
          %swap3A_643 = arith.constant 80 : index
          %swap3A_644 = tpu.vector_load %arg7[%swap3A_642, %swap3A_643] {strides = array<i32>} : memref<176x128xf32, #tpu.memory_space<vmem>>, vector<16xf32>,
          tpu.vector_store %arg7[%swap3A_642, %swap3A_643], %gather3A_604 {strides = array<i32>} : memref<176x128xf32, #tpu.memory_space<vmem>>, vector<16xf32>,
          %add3A_645 = arith.constant 96 : i32
          %add3A_646 = arith.addi %add3A_645, %scan3A_95 : i32
          %swap3A_647 = arith.index_cast %add3A_646 : i32 to index
          %swap3A_648 = arith.constant 96 : index
          %swap3A_649 = tpu.vector_load %arg7[%swap3A_647, %swap3A_648] {strides = array<i32>} : memref<176x128xf32, #tpu.memory_space<vmem>>, vector<16xf32>,
          tpu.vector_store %arg7[%swap3A_647, %swap3A_648], %gather3A_609 {strides = array<i32>} : memref<176x128xf32, #tpu.memory_space<vmem>>, vector<16xf32>,
          %add3A_650 = arith.constant 96 : i32
          %add3A_651 = arith.addi %add3A_650, %scan3A_95 : i32
          %swap3A_652 = arith.index_cast %add3A_651 : i32 to index
          %swap3A_653 = arith.constant 112 : index
          %swap3A_654 = tpu.vector_load %arg7[%swap3A_652, %swap3A_653] {strides = array<i32>} : memref<176x128xf32, #tpu.memory_space<vmem>>, vector<16xf32>,
          tpu.vector_store %arg7[%swap3A_652, %swap3A_653], %gather3A_614 {strides = array<i32>} : memref<176x128xf32, #tpu.memory_space<vmem>>, vector<16xf32>,
          %broadcast_in_dim3A_655 = arith.constant 896 : i32
          %broadcast_in_dim3A_656 = vector.broadcast %broadcast_in_dim3A_655 : i32 to vector<16xi32>
          %add3A_657 = vector.broadcast %mul3A_97 : i32 to vector<16xi32>
          %add3A_658 = arith.addi %broadcast_in_dim3A_656, %add3A_657 : vector<16xi32>
          %gather3A_659 = tpu.vector_load_idx %arg5[%iota3A, %add3A_658] : memref<16x1409xf32, #tpu.memory_space<vmem>>[vector<16xi32>, vector<16xi32>], vector<16xf32>,
          %broadcast_in_dim3A_660 = arith.constant 897 : i32
          %broadcast_in_dim3A_661 = vector.broadcast %broadcast_in_dim3A_660 : i32 to vector<16xi32>
          %add3A_662 = vector.broadcast %mul3A_97 : i32 to vector<16xi32>
          %add3A_663 = arith.addi %broadcast_in_dim3A_661, %add3A_662 : vector<16xi32>
          %gather3A_664 = tpu.vector_load_idx %arg5[%iota3A, %add3A_663] : memref<16x1409xf32, #tpu.memory_space<vmem>>[vector<16xi32>, vector<16xi32>], vector<16xf32>,
          %broadcast_in_dim3A_665 = arith.constant 898 : i32
          %broadcast_in_dim3A_666 = vector.broadcast %broadcast_in_dim3A_665 : i32 to vector<16xi32>
          %add3A_667 = vector.broadcast %mul3A_97 : i32 to vector<16xi32>
          %add3A_668 = arith.addi %broadcast_in_dim3A_666, %add3A_667 : vector<16xi32>
          %gather3A_669 = tpu.vector_load_idx %arg5[%iota3A, %add3A_668] : memref<16x1409xf32, #tpu.memory_space<vmem>>[vector<16xi32>, vector<16xi32>], vector<16xf32>,
          %broadcast_in_dim3A_670 = arith.constant 899 : i32
          %broadcast_in_dim3A_671 = vector.broadcast %broadcast_in_dim3A_670 : i32 to vector<16xi32>
          %add3A_672 = vector.broadcast %mul3A_97 : i32 to vector<16xi32>
          %add3A_673 = arith.addi %broadcast_in_dim3A_671, %add3A_672 : vector<16xi32>
          %gather3A_674 = tpu.vector_load_idx %arg5[%iota3A, %add3A_673] : memref<16x1409xf32, #tpu.memory_space<vmem>>[vector<16xi32>, vector<16xi32>], vector<16xf32>,
          %broadcast_in_dim3A_675 = arith.constant 900 : i32
          %broadcast_in_dim3A_676 = vector.broadcast %broadcast_in_dim3A_675 : i32 to vector<16xi32>
          %add3A_677 = vector.broadcast %mul3A_97 : i32 to vector<16xi32>
          %add3A_678 = arith.addi %broadcast_in_dim3A_676, %add3A_677 : vector<16xi32>
          %gather3A_679 = tpu.vector_load_idx %arg5[%iota3A, %add3A_678] : memref<16x1409xf32, #tpu.memory_space<vmem>>[vector<16xi32>, vector<16xi32>], vector<16xf32>,
          %broadcast_in_dim3A_680 = arith.constant 901 : i32
          %broadcast_in_dim3A_681 = vector.broadcast %broadcast_in_dim3A_680 : i32 to vector<16xi32>
          %add3A_682 = vector.broadcast %mul3A_97 : i32 to vector<16xi32>
          %add3A_683 = arith.addi %broadcast_in_dim3A_681, %add3A_682 : vector<16xi32>
          %gather3A_684 = tpu.vector_load_idx %arg5[%iota3A, %add3A_683] : memref<16x1409xf32, #tpu.memory_space<vmem>>[vector<16xi32>, vector<16xi32>], vector<16xf32>,
          %broadcast_in_dim3A_685 = arith.constant 902 : i32
          %broadcast_in_dim3A_686 = vector.broadcast %broadcast_in_dim3A_685 : i32 to vector<16xi32>
          %add3A_687 = vector.broadcast %mul3A_97 : i32 to vector<16xi32>
          %add3A_688 = arith.addi %broadcast_in_dim3A_686, %add3A_687 : vector<16xi32>
          %gather3A_689 = tpu.vector_load_idx %arg5[%iota3A, %add3A_688] : memref<16x1409xf32, #tpu.memory_space<vmem>>[vector<16xi32>, vector<16xi32>], vector<16xf32>,
          %broadcast_in_dim3A_690 = arith.constant 903 : i32
          %broadcast_in_dim3A_691 = vector.broadcast %broadcast_in_dim3A_690 : i32 to vector<16xi32>
          %add3A_692 = vector.broadcast %mul3A_97 : i32 to vector<16xi32>
          %add3A_693 = arith.addi %broadcast_in_dim3A_691, %add3A_692 : vector<16xi32>
          %gather3A_694 = tpu.vector_load_idx %arg5[%iota3A, %add3A_693] : memref<16x1409xf32, #tpu.memory_space<vmem>>[vector<16xi32>, vector<16xi32>], vector<16xf32>,
          %add3A_695 = arith.constant 112 : i32
          %add3A_696 = arith.addi %add3A_695, %scan3A_95 : i32
          %swap3A_697 = arith.index_cast %add3A_696 : i32 to index
          %swap3A_698 = arith.constant 0 : index
          %swap3A_699 = tpu.vector_load %arg7[%swap3A_697, %swap3A_698] {strides = array<i32>} : memref<176x128xf32, #tpu.memory_space<vmem>>, vector<16xf32>,
          tpu.vector_store %arg7[%swap3A_697, %swap3A_698], %gather3A_659 {strides = array<i32>} : memref<176x128xf32, #tpu.memory_space<vmem>>, vector<16xf32>,
          %add3A_700 = arith.constant 112 : i32
          %add3A_701 = arith.addi %add3A_700, %scan3A_95 : i32
          %swap3A_702 = arith.index_cast %add3A_701 : i32 to index
          %swap3A_703 = arith.constant 16 : index
          %swap3A_704 = tpu.vector_load %arg7[%swap3A_702, %swap3A_703] {strides = array<i32>} : memref<176x128xf32, #tpu.memory_space<vmem>>, vector<16xf32>,
          tpu.vector_store %arg7[%swap3A_702, %swap3A_703], %gather3A_664 {strides = array<i32>} : memref<176x128xf32, #tpu.memory_space<vmem>>, vector<16xf32>,
          %add3A_705 = arith.constant 112 : i32
          %add3A_706 = arith.addi %add3A_705, %scan3A_95 : i32
          %swap3A_707 = arith.index_cast %add3A_706 : i32 to index
          %swap3A_708 = arith.constant 32 : index
          %swap3A_709 = tpu.vector_load %arg7[%swap3A_707, %swap3A_708] {strides = array<i32>} : memref<176x128xf32, #tpu.memory_space<vmem>>, vector<16xf32>,
          tpu.vector_store %arg7[%swap3A_707, %swap3A_708], %gather3A_669 {strides = array<i32>} : memref<176x128xf32, #tpu.memory_space<vmem>>, vector<16xf32>,
          %add3A_710 = arith.constant 112 : i32
          %add3A_711 = arith.addi %add3A_710, %scan3A_95 : i32
          %swap3A_712 = arith.index_cast %add3A_711 : i32 to index
          %swap3A_713 = arith.constant 48 : index
          %swap3A_714 = tpu.vector_load %arg7[%swap3A_712, %swap3A_713] {strides = array<i32>} : memref<176x128xf32, #tpu.memory_space<vmem>>, vector<16xf32>,
          tpu.vector_store %arg7[%swap3A_712, %swap3A_713], %gather3A_674 {strides = array<i32>} : memref<176x128xf32, #tpu.memory_space<vmem>>, vector<16xf32>,
          %add3A_715 = arith.constant 112 : i32
          %add3A_716 = arith.addi %add3A_715, %scan3A_95 : i32
          %swap3A_717 = arith.index_cast %add3A_716 : i32 to index
          %swap3A_718 = arith.constant 64 : index
          %swap3A_719 = tpu.vector_load %arg7[%swap3A_717, %swap3A_718] {strides = array<i32>} : memref<176x128xf32, #tpu.memory_space<vmem>>, vector<16xf32>,
          tpu.vector_store %arg7[%swap3A_717, %swap3A_718], %gather3A_679 {strides = array<i32>} : memref<176x128xf32, #tpu.memory_space<vmem>>, vector<16xf32>,
          %add3A_720 = arith.constant 112 : i32
          %add3A_721 = arith.addi %add3A_720, %scan3A_95 : i32
          %swap3A_722 = arith.index_cast %add3A_721 : i32 to index
          %swap3A_723 = arith.constant 80 : index
          %swap3A_724 = tpu.vector_load %arg7[%swap3A_722, %swap3A_723] {strides = array<i32>} : memref<176x128xf32, #tpu.memory_space<vmem>>, vector<16xf32>,
          tpu.vector_store %arg7[%swap3A_722, %swap3A_723], %gather3A_684 {strides = array<i32>} : memref<176x128xf32, #tpu.memory_space<vmem>>, vector<16xf32>,
          %add3A_725 = arith.constant 112 : i32
          %add3A_726 = arith.addi %add3A_725, %scan3A_95 : i32
          %swap3A_727 = arith.index_cast %add3A_726 : i32 to index
          %swap3A_728 = arith.constant 96 : index
          %swap3A_729 = tpu.vector_load %arg7[%swap3A_727, %swap3A_728] {strides = array<i32>} : memref<176x128xf32, #tpu.memory_space<vmem>>, vector<16xf32>,
          tpu.vector_store %arg7[%swap3A_727, %swap3A_728], %gather3A_689 {strides = array<i32>} : memref<176x128xf32, #tpu.memory_space<vmem>>, vector<16xf32>,
          %add3A_730 = arith.constant 112 : i32
          %add3A_731 = arith.addi %add3A_730, %scan3A_95 : i32
          %swap3A_732 = arith.index_cast %add3A_731 : i32 to index
          %swap3A_733 = arith.constant 112 : index
          %swap3A_734 = tpu.vector_load %arg7[%swap3A_732, %swap3A_733] {strides = array<i32>} : memref<176x128xf32, #tpu.memory_space<vmem>>, vector<16xf32>,
          tpu.vector_store %arg7[%swap3A_732, %swap3A_733], %gather3A_694 {strides = array<i32>} : memref<176x128xf32, #tpu.memory_space<vmem>>, vector<16xf32>,
          %broadcast_in_dim3A_735 = arith.constant 1024 : i32
          %broadcast_in_dim3A_736 = vector.broadcast %broadcast_in_dim3A_735 : i32 to vector<16xi32>
          %add3A_737 = vector.broadcast %mul3A_97 : i32 to vector<16xi32>
          %add3A_738 = arith.addi %broadcast_in_dim3A_736, %add3A_737 : vector<16xi32>
          %gather3A_739 = tpu.vector_load_idx %arg5[%iota3A, %add3A_738] : memref<16x1409xf32, #tpu.memory_space<vmem>>[vector<16xi32>, vector<16xi32>], vector<16xf32>,
          %broadcast_in_dim3A_740 = arith.constant 1025 : i32
          %broadcast_in_dim3A_741 = vector.broadcast %broadcast_in_dim3A_740 : i32 to vector<16xi32>
          %add3A_742 = vector.broadcast %mul3A_97 : i32 to vector<16xi32>
          %add3A_743 = arith.addi %broadcast_in_dim3A_741, %add3A_742 : vector<16xi32>
          %gather3A_744 = tpu.vector_load_idx %arg5[%iota3A, %add3A_743] : memref<16x1409xf32, #tpu.memory_space<vmem>>[vector<16xi32>, vector<16xi32>], vector<16xf32>,
          %broadcast_in_dim3A_745 = arith.constant 1026 : i32
          %broadcast_in_dim3A_746 = vector.broadcast %broadcast_in_dim3A_745 : i32 to vector<16xi32>
          %add3A_747 = vector.broadcast %mul3A_97 : i32 to vector<16xi32>
          %add3A_748 = arith.addi %broadcast_in_dim3A_746, %add3A_747 : vector<16xi32>
          %gather3A_749 = tpu.vector_load_idx %arg5[%iota3A, %add3A_748] : memref<16x1409xf32, #tpu.memory_space<vmem>>[vector<16xi32>, vector<16xi32>], vector<16xf32>,
          %broadcast_in_dim3A_750 = arith.constant 1027 : i32
          %broadcast_in_dim3A_751 = vector.broadcast %broadcast_in_dim3A_750 : i32 to vector<16xi32>
          %add3A_752 = vector.broadcast %mul3A_97 : i32 to vector<16xi32>
          %add3A_753 = arith.addi %broadcast_in_dim3A_751, %add3A_752 : vector<16xi32>
          %gather3A_754 = tpu.vector_load_idx %arg5[%iota3A, %add3A_753] : memref<16x1409xf32, #tpu.memory_space<vmem>>[vector<16xi32>, vector<16xi32>], vector<16xf32>,
          %broadcast_in_dim3A_755 = arith.constant 1028 : i32
          %broadcast_in_dim3A_756 = vector.broadcast %broadcast_in_dim3A_755 : i32 to vector<16xi32>
          %add3A_757 = vector.broadcast %mul3A_97 : i32 to vector<16xi32>
          %add3A_758 = arith.addi %broadcast_in_dim3A_756, %add3A_757 : vector<16xi32>
          %gather3A_759 = tpu.vector_load_idx %arg5[%iota3A, %add3A_758] : memref<16x1409xf32, #tpu.memory_space<vmem>>[vector<16xi32>, vector<16xi32>], vector<16xf32>,
          %broadcast_in_dim3A_760 = arith.constant 1029 : i32
          %broadcast_in_dim3A_761 = vector.broadcast %broadcast_in_dim3A_760 : i32 to vector<16xi32>
          %add3A_762 = vector.broadcast %mul3A_97 : i32 to vector<16xi32>
          %add3A_763 = arith.addi %broadcast_in_dim3A_761, %add3A_762 : vector<16xi32>
          %gather3A_764 = tpu.vector_load_idx %arg5[%iota3A, %add3A_763] : memref<16x1409xf32, #tpu.memory_space<vmem>>[vector<16xi32>, vector<16xi32>], vector<16xf32>,
          %broadcast_in_dim3A_765 = arith.constant 1030 : i32
          %broadcast_in_dim3A_766 = vector.broadcast %broadcast_in_dim3A_765 : i32 to vector<16xi32>
          %add3A_767 = vector.broadcast %mul3A_97 : i32 to vector<16xi32>
          %add3A_768 = arith.addi %broadcast_in_dim3A_766, %add3A_767 : vector<16xi32>
          %gather3A_769 = tpu.vector_load_idx %arg5[%iota3A, %add3A_768] : memref<16x1409xf32, #tpu.memory_space<vmem>>[vector<16xi32>, vector<16xi32>], vector<16xf32>,
          %broadcast_in_dim3A_770 = arith.constant 1031 : i32
          %broadcast_in_dim3A_771 = vector.broadcast %broadcast_in_dim3A_770 : i32 to vector<16xi32>
          %add3A_772 = vector.broadcast %mul3A_97 : i32 to vector<16xi32>
          %add3A_773 = arith.addi %broadcast_in_dim3A_771, %add3A_772 : vector<16xi32>
          %gather3A_774 = tpu.vector_load_idx %arg5[%iota3A, %add3A_773] : memref<16x1409xf32, #tpu.memory_space<vmem>>[vector<16xi32>, vector<16xi32>], vector<16xf32>,
          %add3A_775 = arith.constant 128 : i32
          %add3A_776 = arith.addi %add3A_775, %scan3A_95 : i32
          %swap3A_777 = arith.index_cast %add3A_776 : i32 to index
          %swap3A_778 = arith.constant 0 : index
          %swap3A_779 = tpu.vector_load %arg7[%swap3A_777, %swap3A_778] {strides = array<i32>} : memref<176x128xf32, #tpu.memory_space<vmem>>, vector<16xf32>,
          tpu.vector_store %arg7[%swap3A_777, %swap3A_778], %gather3A_739 {strides = array<i32>} : memref<176x128xf32, #tpu.memory_space<vmem>>, vector<16xf32>,
          %add3A_780 = arith.constant 128 : i32
          %add3A_781 = arith.addi %add3A_780, %scan3A_95 : i32
          %swap3A_782 = arith.index_cast %add3A_781 : i32 to index
          %swap3A_783 = arith.constant 16 : index
          %swap3A_784 = tpu.vector_load %arg7[%swap3A_782, %swap3A_783] {strides = array<i32>} : memref<176x128xf32, #tpu.memory_space<vmem>>, vector<16xf32>,
          tpu.vector_store %arg7[%swap3A_782, %swap3A_783], %gather3A_744 {strides = array<i32>} : memref<176x128xf32, #tpu.memory_space<vmem>>, vector<16xf32>,
          %add3A_785 = arith.constant 128 : i32
          %add3A_786 = arith.addi %add3A_785, %scan3A_95 : i32
          %swap3A_787 = arith.index_cast %add3A_786 : i32 to index
          %swap3A_788 = arith.constant 32 : index
          %swap3A_789 = tpu.vector_load %arg7[%swap3A_787, %swap3A_788] {strides = array<i32>} : memref<176x128xf32, #tpu.memory_space<vmem>>, vector<16xf32>,
          tpu.vector_store %arg7[%swap3A_787, %swap3A_788], %gather3A_749 {strides = array<i32>} : memref<176x128xf32, #tpu.memory_space<vmem>>, vector<16xf32>,
          %add3A_790 = arith.constant 128 : i32
          %add3A_791 = arith.addi %add3A_790, %scan3A_95 : i32
          %swap3A_792 = arith.index_cast %add3A_791 : i32 to index
          %swap3A_793 = arith.constant 48 : index
          %swap3A_794 = tpu.vector_load %arg7[%swap3A_792, %swap3A_793] {strides = array<i32>} : memref<176x128xf32, #tpu.memory_space<vmem>>, vector<16xf32>,
          tpu.vector_store %arg7[%swap3A_792, %swap3A_793], %gather3A_754 {strides = array<i32>} : memref<176x128xf32, #tpu.memory_space<vmem>>, vector<16xf32>,
          %add3A_795 = arith.constant 128 : i32
          %add3A_796 = arith.addi %add3A_795, %scan3A_95 : i32
          %swap3A_797 = arith.index_cast %add3A_796 : i32 to index
          %swap3A_798 = arith.constant 64 : index
          %swap3A_799 = tpu.vector_load %arg7[%swap3A_797, %swap3A_798] {strides = array<i32>} : memref<176x128xf32, #tpu.memory_space<vmem>>, vector<16xf32>,
          tpu.vector_store %arg7[%swap3A_797, %swap3A_798], %gather3A_759 {strides = array<i32>} : memref<176x128xf32, #tpu.memory_space<vmem>>, vector<16xf32>,
          %add3A_800 = arith.constant 128 : i32
          %add3A_801 = arith.addi %add3A_800, %scan3A_95 : i32
          %swap3A_802 = arith.index_cast %add3A_801 : i32 to index
          %swap3A_803 = arith.constant 80 : index
          %swap3A_804 = tpu.vector_load %arg7[%swap3A_802, %swap3A_803] {strides = array<i32>} : memref<176x128xf32, #tpu.memory_space<vmem>>, vector<16xf32>,
          tpu.vector_store %arg7[%swap3A_802, %swap3A_803], %gather3A_764 {strides = array<i32>} : memref<176x128xf32, #tpu.memory_space<vmem>>, vector<16xf32>,
          %add3A_805 = arith.constant 128 : i32
          %add3A_806 = arith.addi %add3A_805, %scan3A_95 : i32
          %swap3A_807 = arith.index_cast %add3A_806 : i32 to index
          %swap3A_808 = arith.constant 96 : index
          %swap3A_809 = tpu.vector_load %arg7[%swap3A_807, %swap3A_808] {strides = array<i32>} : memref<176x128xf32, #tpu.memory_space<vmem>>, vector<16xf32>,
          tpu.vector_store %arg7[%swap3A_807, %swap3A_808], %gather3A_769 {strides = array<i32>} : memref<176x128xf32, #tpu.memory_space<vmem>>, vector<16xf32>,
          %add3A_810 = arith.constant 128 : i32
          %add3A_811 = arith.addi %add3A_810, %scan3A_95 : i32
          %swap3A_812 = arith.index_cast %add3A_811 : i32 to index
          %swap3A_813 = arith.constant 112 : index
          %swap3A_814 = tpu.vector_load %arg7[%swap3A_812, %swap3A_813] {strides = array<i32>} : memref<176x128xf32, #tpu.memory_space<vmem>>, vector<16xf32>,
          tpu.vector_store %arg7[%swap3A_812, %swap3A_813], %gather3A_774 {strides = array<i32>} : memref<176x128xf32, #tpu.memory_space<vmem>>, vector<16xf32>,
          %broadcast_in_dim3A_815 = arith.constant 1152 : i32
          %broadcast_in_dim3A_816 = vector.broadcast %broadcast_in_dim3A_815 : i32 to vector<16xi32>
          %add3A_817 = vector.broadcast %mul3A_97 : i32 to vector<16xi32>
          %add3A_818 = arith.addi %broadcast_in_dim3A_816, %add3A_817 : vector<16xi32>
          %gather3A_819 = tpu.vector_load_idx %arg5[%iota3A, %add3A_818] : memref<16x1409xf32, #tpu.memory_space<vmem>>[vector<16xi32>, vector<16xi32>], vector<16xf32>,
          %broadcast_in_dim3A_820 = arith.constant 1153 : i32
          %broadcast_in_dim3A_821 = vector.broadcast %broadcast_in_dim3A_820 : i32 to vector<16xi32>
          %add3A_822 = vector.broadcast %mul3A_97 : i32 to vector<16xi32>
          %add3A_823 = arith.addi %broadcast_in_dim3A_821, %add3A_822 : vector<16xi32>
          %gather3A_824 = tpu.vector_load_idx %arg5[%iota3A, %add3A_823] : memref<16x1409xf32, #tpu.memory_space<vmem>>[vector<16xi32>, vector<16xi32>], vector<16xf32>,
          %broadcast_in_dim3A_825 = arith.constant 1154 : i32
          %broadcast_in_dim3A_826 = vector.broadcast %broadcast_in_dim3A_825 : i32 to vector<16xi32>
          %add3A_827 = vector.broadcast %mul3A_97 : i32 to vector<16xi32>
          %add3A_828 = arith.addi %broadcast_in_dim3A_826, %add3A_827 : vector<16xi32>
          %gather3A_829 = tpu.vector_load_idx %arg5[%iota3A, %add3A_828] : memref<16x1409xf32, #tpu.memory_space<vmem>>[vector<16xi32>, vector<16xi32>], vector<16xf32>,
          %broadcast_in_dim3A_830 = arith.constant 1155 : i32
          %broadcast_in_dim3A_831 = vector.broadcast %broadcast_in_dim3A_830 : i32 to vector<16xi32>
          %add3A_832 = vector.broadcast %mul3A_97 : i32 to vector<16xi32>
          %add3A_833 = arith.addi %broadcast_in_dim3A_831, %add3A_832 : vector<16xi32>
          %gather3A_834 = tpu.vector_load_idx %arg5[%iota3A, %add3A_833] : memref<16x1409xf32, #tpu.memory_space<vmem>>[vector<16xi32>, vector<16xi32>], vector<16xf32>,
          %broadcast_in_dim3A_835 = arith.constant 1156 : i32
          %broadcast_in_dim3A_836 = vector.broadcast %broadcast_in_dim3A_835 : i32 to vector<16xi32>
          %add3A_837 = vector.broadcast %mul3A_97 : i32 to vector<16xi32>
          %add3A_838 = arith.addi %broadcast_in_dim3A_836, %add3A_837 : vector<16xi32>
          %gather3A_839 = tpu.vector_load_idx %arg5[%iota3A, %add3A_838] : memref<16x1409xf32, #tpu.memory_space<vmem>>[vector<16xi32>, vector<16xi32>], vector<16xf32>,
          %broadcast_in_dim3A_840 = arith.constant 1157 : i32
          %broadcast_in_dim3A_841 = vector.broadcast %broadcast_in_dim3A_840 : i32 to vector<16xi32>
          %add3A_842 = vector.broadcast %mul3A_97 : i32 to vector<16xi32>
          %add3A_843 = arith.addi %broadcast_in_dim3A_841, %add3A_842 : vector<16xi32>
          %gather3A_844 = tpu.vector_load_idx %arg5[%iota3A, %add3A_843] : memref<16x1409xf32, #tpu.memory_space<vmem>>[vector<16xi32>, vector<16xi32>], vector<16xf32>,
          %broadcast_in_dim3A_845 = arith.constant 1158 : i32
          %broadcast_in_dim3A_846 = vector.broadcast %broadcast_in_dim3A_845 : i32 to vector<16xi32>
          %add3A_847 = vector.broadcast %mul3A_97 : i32 to vector<16xi32>
          %add3A_848 = arith.addi %broadcast_in_dim3A_846, %add3A_847 : vector<16xi32>
          %gather3A_849 = tpu.vector_load_idx %arg5[%iota3A, %add3A_848] : memref<16x1409xf32, #tpu.memory_space<vmem>>[vector<16xi32>, vector<16xi32>], vector<16xf32>,
          %broadcast_in_dim3A_850 = arith.constant 1159 : i32
          %broadcast_in_dim3A_851 = vector.broadcast %broadcast_in_dim3A_850 : i32 to vector<16xi32>
          %add3A_852 = vector.broadcast %mul3A_97 : i32 to vector<16xi32>
          %add3A_853 = arith.addi %broadcast_in_dim3A_851, %add3A_852 : vector<16xi32>
          %gather3A_854 = tpu.vector_load_idx %arg5[%iota3A, %add3A_853] : memref<16x1409xf32, #tpu.memory_space<vmem>>[vector<16xi32>, vector<16xi32>], vector<16xf32>,
          %add3A_855 = arith.constant 144 : i32
          %add3A_856 = arith.addi %add3A_855, %scan3A_95 : i32
          %swap3A_857 = arith.index_cast %add3A_856 : i32 to index
          %swap3A_858 = arith.constant 0 : index
          %swap3A_859 = tpu.vector_load %arg7[%swap3A_857, %swap3A_858] {strides = array<i32>} : memref<176x128xf32, #tpu.memory_space<vmem>>, vector<16xf32>,
          tpu.vector_store %arg7[%swap3A_857, %swap3A_858], %gather3A_819 {strides = array<i32>} : memref<176x128xf32, #tpu.memory_space<vmem>>, vector<16xf32>,
          %add3A_860 = arith.constant 144 : i32
          %add3A_861 = arith.addi %add3A_860, %scan3A_95 : i32
          %swap3A_862 = arith.index_cast %add3A_861 : i32 to index
          %swap3A_863 = arith.constant 16 : index
          %swap3A_864 = tpu.vector_load %arg7[%swap3A_862, %swap3A_863] {strides = array<i32>} : memref<176x128xf32, #tpu.memory_space<vmem>>, vector<16xf32>,
          tpu.vector_store %arg7[%swap3A_862, %swap3A_863], %gather3A_824 {strides = array<i32>} : memref<176x128xf32, #tpu.memory_space<vmem>>, vector<16xf32>,
          %add3A_865 = arith.constant 144 : i32
          %add3A_866 = arith.addi %add3A_865, %scan3A_95 : i32
          %swap3A_867 = arith.index_cast %add3A_866 : i32 to index
          %swap3A_868 = arith.constant 32 : index
          %swap3A_869 = tpu.vector_load %arg7[%swap3A_867, %swap3A_868] {strides = array<i32>} : memref<176x128xf32, #tpu.memory_space<vmem>>, vector<16xf32>,
          tpu.vector_store %arg7[%swap3A_867, %swap3A_868], %gather3A_829 {strides = array<i32>} : memref<176x128xf32, #tpu.memory_space<vmem>>, vector<16xf32>,
          %add3A_870 = arith.constant 144 : i32
          %add3A_871 = arith.addi %add3A_870, %scan3A_95 : i32
          %swap3A_872 = arith.index_cast %add3A_871 : i32 to index
          %swap3A_873 = arith.constant 48 : index
          %swap3A_874 = tpu.vector_load %arg7[%swap3A_872, %swap3A_873] {strides = array<i32>} : memref<176x128xf32, #tpu.memory_space<vmem>>, vector<16xf32>,
          tpu.vector_store %arg7[%swap3A_872, %swap3A_873], %gather3A_834 {strides = array<i32>} : memref<176x128xf32, #tpu.memory_space<vmem>>, vector<16xf32>,
          %add3A_875 = arith.constant 144 : i32
          %add3A_876 = arith.addi %add3A_875, %scan3A_95 : i32
          %swap3A_877 = arith.index_cast %add3A_876 : i32 to index
          %swap3A_878 = arith.constant 64 : index
          %swap3A_879 = tpu.vector_load %arg7[%swap3A_877, %swap3A_878] {strides = array<i32>} : memref<176x128xf32, #tpu.memory_space<vmem>>, vector<16xf32>,
          tpu.vector_store %arg7[%swap3A_877, %swap3A_878], %gather3A_839 {strides = array<i32>} : memref<176x128xf32, #tpu.memory_space<vmem>>, vector<16xf32>,
          %add3A_880 = arith.constant 144 : i32
          %add3A_881 = arith.addi %add3A_880, %scan3A_95 : i32
          %swap3A_882 = arith.index_cast %add3A_881 : i32 to index
          %swap3A_883 = arith.constant 80 : index
          %swap3A_884 = tpu.vector_load %arg7[%swap3A_882, %swap3A_883] {strides = array<i32>} : memref<176x128xf32, #tpu.memory_space<vmem>>, vector<16xf32>,
          tpu.vector_store %arg7[%swap3A_882, %swap3A_883], %gather3A_844 {strides = array<i32>} : memref<176x128xf32, #tpu.memory_space<vmem>>, vector<16xf32>,
          %add3A_885 = arith.constant 144 : i32
          %add3A_886 = arith.addi %add3A_885, %scan3A_95 : i32
          %swap3A_887 = arith.index_cast %add3A_886 : i32 to index
          %swap3A_888 = arith.constant 96 : index
          %swap3A_889 = tpu.vector_load %arg7[%swap3A_887, %swap3A_888] {strides = array<i32>} : memref<176x128xf32, #tpu.memory_space<vmem>>, vector<16xf32>,
          tpu.vector_store %arg7[%swap3A_887, %swap3A_888], %gather3A_849 {strides = array<i32>} : memref<176x128xf32, #tpu.memory_space<vmem>>, vector<16xf32>,
          %add3A_890 = arith.constant 144 : i32
          %add3A_891 = arith.addi %add3A_890, %scan3A_95 : i32
          %swap3A_892 = arith.index_cast %add3A_891 : i32 to index
          %swap3A_893 = arith.constant 112 : index
          %swap3A_894 = tpu.vector_load %arg7[%swap3A_892, %swap3A_893] {strides = array<i32>} : memref<176x128xf32, #tpu.memory_space<vmem>>, vector<16xf32>,
          tpu.vector_store %arg7[%swap3A_892, %swap3A_893], %gather3A_854 {strides = array<i32>} : memref<176x128xf32, #tpu.memory_space<vmem>>, vector<16xf32>,
          %broadcast_in_dim3A_895 = arith.constant 1280 : i32
          %broadcast_in_dim3A_896 = vector.broadcast %broadcast_in_dim3A_895 : i32 to vector<16xi32>
          %add3A_897 = vector.broadcast %mul3A_97 : i32 to vector<16xi32>
          %add3A_898 = arith.addi %broadcast_in_dim3A_896, %add3A_897 : vector<16xi32>
          %gather3A_899 = tpu.vector_load_idx %arg5[%iota3A, %add3A_898] : memref<16x1409xf32, #tpu.memory_space<vmem>>[vector<16xi32>, vector<16xi32>], vector<16xf32>,
          %broadcast_in_dim3A_900 = arith.constant 1281 : i32
          %broadcast_in_dim3A_901 = vector.broadcast %broadcast_in_dim3A_900 : i32 to vector<16xi32>
          %add3A_902 = vector.broadcast %mul3A_97 : i32 to vector<16xi32>
          %add3A_903 = arith.addi %broadcast_in_dim3A_901, %add3A_902 : vector<16xi32>
          %gather3A_904 = tpu.vector_load_idx %arg5[%iota3A, %add3A_903] : memref<16x1409xf32, #tpu.memory_space<vmem>>[vector<16xi32>, vector<16xi32>], vector<16xf32>,
          %broadcast_in_dim3A_905 = arith.constant 1282 : i32
          %broadcast_in_dim3A_906 = vector.broadcast %broadcast_in_dim3A_905 : i32 to vector<16xi32>
          %add3A_907 = vector.broadcast %mul3A_97 : i32 to vector<16xi32>
          %add3A_908 = arith.addi %broadcast_in_dim3A_906, %add3A_907 : vector<16xi32>
          %gather3A_909 = tpu.vector_load_idx %arg5[%iota3A, %add3A_908] : memref<16x1409xf32, #tpu.memory_space<vmem>>[vector<16xi32>, vector<16xi32>], vector<16xf32>,
          %broadcast_in_dim3A_910 = arith.constant 1283 : i32
          %broadcast_in_dim3A_911 = vector.broadcast %broadcast_in_dim3A_910 : i32 to vector<16xi32>
          %add3A_912 = vector.broadcast %mul3A_97 : i32 to vector<16xi32>
          %add3A_913 = arith.addi %broadcast_in_dim3A_911, %add3A_912 : vector<16xi32>
          %gather3A_914 = tpu.vector_load_idx %arg5[%iota3A, %add3A_913] : memref<16x1409xf32, #tpu.memory_space<vmem>>[vector<16xi32>, vector<16xi32>], vector<16xf32>,
          %broadcast_in_dim3A_915 = arith.constant 1284 : i32
          %broadcast_in_dim3A_916 = vector.broadcast %broadcast_in_dim3A_915 : i32 to vector<16xi32>
          %add3A_917 = vector.broadcast %mul3A_97 : i32 to vector<16xi32>
          %add3A_918 = arith.addi %broadcast_in_dim3A_916, %add3A_917 : vector<16xi32>
          %gather3A_919 = tpu.vector_load_idx %arg5[%iota3A, %add3A_918] : memref<16x1409xf32, #tpu.memory_space<vmem>>[vector<16xi32>, vector<16xi32>], vector<16xf32>,
          %broadcast_in_dim3A_920 = arith.constant 1285 : i32
          %broadcast_in_dim3A_921 = vector.broadcast %broadcast_in_dim3A_920 : i32 to vector<16xi32>
          %add3A_922 = vector.broadcast %mul3A_97 : i32 to vector<16xi32>
          %add3A_923 = arith.addi %broadcast_in_dim3A_921, %add3A_922 : vector<16xi32>
          %gather3A_924 = tpu.vector_load_idx %arg5[%iota3A, %add3A_923] : memref<16x1409xf32, #tpu.memory_space<vmem>>[vector<16xi32>, vector<16xi32>], vector<16xf32>,
          %broadcast_in_dim3A_925 = arith.constant 1286 : i32
          %broadcast_in_dim3A_926 = vector.broadcast %broadcast_in_dim3A_925 : i32 to vector<16xi32>
          %add3A_927 = vector.broadcast %mul3A_97 : i32 to vector<16xi32>
          %add3A_928 = arith.addi %broadcast_in_dim3A_926, %add3A_927 : vector<16xi32>
          %gather3A_929 = tpu.vector_load_idx %arg5[%iota3A, %add3A_928] : memref<16x1409xf32, #tpu.memory_space<vmem>>[vector<16xi32>, vector<16xi32>], vector<16xf32>,
          %broadcast_in_dim3A_930 = arith.constant 1287 : i32
          %broadcast_in_dim3A_931 = vector.broadcast %broadcast_in_dim3A_930 : i32 to vector<16xi32>
          %add3A_932 = vector.broadcast %mul3A_97 : i32 to vector<16xi32>
          %add3A_933 = arith.addi %broadcast_in_dim3A_931, %add3A_932 : vector<16xi32>
          %gather3A_934 = tpu.vector_load_idx %arg5[%iota3A, %add3A_933] : memref<16x1409xf32, #tpu.memory_space<vmem>>[vector<16xi32>, vector<16xi32>], vector<16xf32>,
          %add3A_935 = arith.constant 160 : i32
          %add3A_936 = arith.addi %add3A_935, %scan3A_95 : i32
          %swap3A_937 = arith.index_cast %add3A_936 : i32 to index
          %swap3A_938 = arith.constant 0 : index
          %swap3A_939 = tpu.vector_load %arg7[%swap3A_937, %swap3A_938] {strides = array<i32>} : memref<176x128xf32, #tpu.memory_space<vmem>>, vector<16xf32>,
          tpu.vector_store %arg7[%swap3A_937, %swap3A_938], %gather3A_899 {strides = array<i32>} : memref<176x128xf32, #tpu.memory_space<vmem>>, vector<16xf32>,
          %add3A_940 = arith.constant 160 : i32
          %add3A_941 = arith.addi %add3A_940, %scan3A_95 : i32
          %swap3A_942 = arith.index_cast %add3A_941 : i32 to index
          %swap3A_943 = arith.constant 16 : index
          %swap3A_944 = tpu.vector_load %arg7[%swap3A_942, %swap3A_943] {strides = array<i32>} : memref<176x128xf32, #tpu.memory_space<vmem>>, vector<16xf32>,
          tpu.vector_store %arg7[%swap3A_942, %swap3A_943], %gather3A_904 {strides = array<i32>} : memref<176x128xf32, #tpu.memory_space<vmem>>, vector<16xf32>,
          %add3A_945 = arith.constant 160 : i32
          %add3A_946 = arith.addi %add3A_945, %scan3A_95 : i32
          %swap3A_947 = arith.index_cast %add3A_946 : i32 to index
          %swap3A_948 = arith.constant 32 : index
          %swap3A_949 = tpu.vector_load %arg7[%swap3A_947, %swap3A_948] {strides = array<i32>} : memref<176x128xf32, #tpu.memory_space<vmem>>, vector<16xf32>,
          tpu.vector_store %arg7[%swap3A_947, %swap3A_948], %gather3A_909 {strides = array<i32>} : memref<176x128xf32, #tpu.memory_space<vmem>>, vector<16xf32>,
          %add3A_950 = arith.constant 160 : i32
          %add3A_951 = arith.addi %add3A_950, %scan3A_95 : i32
          %swap3A_952 = arith.index_cast %add3A_951 : i32 to index
          %swap3A_953 = arith.constant 48 : index
          %swap3A_954 = tpu.vector_load %arg7[%swap3A_952, %swap3A_953] {strides = array<i32>} : memref<176x128xf32, #tpu.memory_space<vmem>>, vector<16xf32>,
          tpu.vector_store %arg7[%swap3A_952, %swap3A_953], %gather3A_914 {strides = array<i32>} : memref<176x128xf32, #tpu.memory_space<vmem>>, vector<16xf32>,
          %add3A_955 = arith.constant 160 : i32
          %add3A_956 = arith.addi %add3A_955, %scan3A_95 : i32
          %swap3A_957 = arith.index_cast %add3A_956 : i32 to index
          %swap3A_958 = arith.constant 64 : index
          %swap3A_959 = tpu.vector_load %arg7[%swap3A_957, %swap3A_958] {strides = array<i32>} : memref<176x128xf32, #tpu.memory_space<vmem>>, vector<16xf32>,
          tpu.vector_store %arg7[%swap3A_957, %swap3A_958], %gather3A_919 {strides = array<i32>} : memref<176x128xf32, #tpu.memory_space<vmem>>, vector<16xf32>,
          %add3A_960 = arith.constant 160 : i32
          %add3A_961 = arith.addi %add3A_960, %scan3A_95 : i32
          %swap3A_962 = arith.index_cast %add3A_961 : i32 to index
          %swap3A_963 = arith.constant 80 : index
          %swap3A_964 = tpu.vector_load %arg7[%swap3A_962, %swap3A_963] {strides = array<i32>} : memref<176x128xf32, #tpu.memory_space<vmem>>, vector<16xf32>,
          tpu.vector_store %arg7[%swap3A_962, %swap3A_963], %gather3A_924 {strides = array<i32>} : memref<176x128xf32, #tpu.memory_space<vmem>>, vector<16xf32>,
          %add3A_965 = arith.constant 160 : i32
          %add3A_966 = arith.addi %add3A_965, %scan3A_95 : i32
          %swap3A_967 = arith.index_cast %add3A_966 : i32 to index
          %swap3A_968 = arith.constant 96 : index
          %swap3A_969 = tpu.vector_load %arg7[%swap3A_967, %swap3A_968] {strides = array<i32>} : memref<176x128xf32, #tpu.memory_space<vmem>>, vector<16xf32>,
          tpu.vector_store %arg7[%swap3A_967, %swap3A_968], %gather3A_929 {strides = array<i32>} : memref<176x128xf32, #tpu.memory_space<vmem>>, vector<16xf32>,
          %add3A_970 = arith.constant 160 : i32
          %add3A_971 = arith.addi %add3A_970, %scan3A_95 : i32
          %swap3A_972 = arith.index_cast %add3A_971 : i32 to index
          %swap3A_973 = arith.constant 112 : index
          %swap3A_974 = tpu.vector_load %arg7[%swap3A_972, %swap3A_973] {strides = array<i32>} : memref<176x128xf32, #tpu.memory_space<vmem>>, vector<16xf32>,
          tpu.vector_store %arg7[%swap3A_972, %swap3A_973], %gather3A_934 {strides = array<i32>} : memref<176x128xf32, #tpu.memory_space<vmem>>, vector<16xf32>,
        }
        %scan3A_79 = arith.constant 16 : i32
        %add3A_80 = arith.constant 2 : i32
        %add3A_81 = arith.addi %add3A_40, %add3A_80 : i32
        %mul3A_82 = arith.constant 32 : i32
        %mul3A_83 = arith.muli %add3A_81, %mul3A_82 : i32
        %add3A_84 = arith.addi %mul3A_83, %add3A : i32
        %lt3A_85 = arith.constant 1846 : i32
        %lt3A_86 = arith.cmpi slt, %add3A_84, %lt3A_85 : i32
        %convert_element_type3A_87 = arith.extui %lt3A_86 : i1 to i32
        %cond3A_88 = arith.constant 0 : i32
        %cond3A_89 = arith.cmpi ne, %convert_element_type3A_87, %cond3A_88 : i32
        scf.if %cond3A_89 {
          %add3A_95 = arith.constant 2 : i32
          %add3A_96 = arith.addi %add3A_40, %add3A_95 : i32
          %mul3A_97 = arith.constant 32 : i32
          %mul3A_98 = arith.muli %add3A_96, %mul3A_97 : i32
          %add3A_99 = arith.addi %mul3A_98, %add3A : i32
          %jit3A = arith.constant 71 : i32
          %div3A = arith.divsi %add3A_99, %jit3A : i32
          %sign3A = arith.constant 0 : i32
          %sign3A_100 = arith.cmpi sgt, %add3A_99, %sign3A : i32
          %sign3A_101 = arith.extui %sign3A_100 : i1 to i32
          %sign3A_102 = arith.constant 0 : i32
          %sign3A_103 = arith.cmpi slt, %add3A_99, %sign3A_102 : i32
          %sign3A_104 = arith.extui %sign3A_103 : i1 to i32
          %sign3A_105 = arith.subi %sign3A_101, %sign3A_104 : i32
          %sign3A_106 = arith.constant 0 : i32
          %sign3A_107 = arith.cmpi sgt, %jit3A, %sign3A_106 : i32
          %sign3A_108 = arith.extui %sign3A_107 : i1 to i32
          %sign3A_109 = arith.constant 0 : i32
          %sign3A_110 = arith.cmpi slt, %jit3A, %sign3A_109 : i32
          %sign3A_111 = arith.extui %sign3A_110 : i1 to i32
          %sign3A_112 = arith.subi %sign3A_108, %sign3A_111 : i32
          %ne3A = arith.cmpi ne, %sign3A_105, %sign3A_112 : i32
          %rem3A = arith.remsi %add3A_99, %jit3A : i32
          %ne3A_113 = arith.constant 0 : i32
          %ne3A_114 = arith.cmpi ne, %rem3A, %ne3A_113 : i32
          %and3A = arith.andi %ne3A, %ne3A_114 : i1
          %sub3A = arith.constant 1 : i32
          %sub3A_115 = arith.subi %div3A, %sub3A : i32
          %select_n3A = arith.select %and3A, %sub3A_115, %div3A : i32
          %mul3A_116 = arith.constant 71 : i32
          %mul3A_117 = arith.muli %select_n3A, %mul3A_116 : i32
          %sub3A_118 = arith.subi %add3A_99, %mul3A_117 : i32
          %mul3A_119 = arith.constant 16 : i32
          %mul3A_120 = arith.muli %mul3A_119, %select_n3A : i32
          %mul3A_121 = arith.constant 1408 : i32
          %mul3A_122 = arith.muli %mul3A_121, %sub3A_118 : i32
          %dma_start3A_123 = arith.constant 0 : i32
          %dma_start3A_124 = arith.constant 0 : i32
          %dma_start3A_125 = tpu.memref_slice %arg5[%dma_start3A_123, %dma_start3A_124] : memref<16x1409xf32, #tpu.memory_space<vmem>> -> memref<16x1408xf32, #tpu.memory_space<vmem>>
          %dma_start3A_126 = tpu.memref_slice %arg2[%mul3A_120, %mul3A_122] : memref<416x100000xf32, #tpu.memory_space<hbm>> -> memref<16x1408xf32, #tpu.memory_space<hbm>>
          %dma_start3A_127 = arith.constant 0 : i32
          %dma_start3A_128 = arith.constant 0 : i32
          %dma_start3A_129 = tpu.memref_slice %arg5[%dma_start3A_127, %dma_start3A_128] : memref<16x1409xf32, #tpu.memory_space<vmem>> -> memref<16x1408xf32, #tpu.memory_space<vmem>>
          %dma_start3A_130 = tpu.memref_slice %arg2[%mul3A_120, %mul3A_122] : memref<416x100000xf32, #tpu.memory_space<hbm>> -> memref<16x1408xf32, #tpu.memory_space<hbm>>
          tpu.enqueue_dma source(%dma_start3A_130 : memref<16x1408xf32, #tpu.memory_space<hbm>>) target(%dma_start3A_129 : memref<16x1408xf32, #tpu.memory_space<vmem>>) target_semaphore(%arg9 : memref<!tpu.dma_semaphore, #tpu.memory_space<semaphore_mem>>)
        } else {
        }
        %mul3A_90 = arith.constant 176 : i32
        %mul3A_91 = arith.muli %mul3A_90, %add3A_43 : i32
        %dma_start3A = arith.constant 0 : i32
        %dma_start3A_92 = tpu.memref_slice %arg4[%mul3A_91, %dma_start3A] : memref<325104x128xf32, #tpu.memory_space<hbm>> -> memref<176x128xf32, #tpu.memory_space<hbm>>
        %dma_start3A_93 = arith.constant 0 : i32
        %dma_start3A_94 = tpu.memref_slice %arg4[%mul3A_91, %dma_start3A_93] : memref<325104x128xf32, #tpu.memory_space<hbm>> -> memref<176x128xf32, #tpu.memory_space<hbm>>
        tpu.enqueue_dma source(%arg7 : memref<176x128xf32, #tpu.memory_space<vmem>>) target(%dma_start3A_94 : memref<176x128xf32, #tpu.memory_space<hbm>>) target_semaphore(%arg11 : memref<!tpu.dma_semaphore, #tpu.memory_space<semaphore_mem>>)
      } else {
      }
      %add3A_49 = arith.constant 1 : i32
      %add3A_50 = arith.addi %mul3A_38, %add3A_49 : i32
      %mul3A_51 = arith.constant 32 : i32
      %mul3A_52 = arith.muli %add3A_50, %mul3A_51 : i32
      %add3A_53 = arith.addi %mul3A_52, %add3A : i32
      %lt3A_54 = arith.constant 1846 : i32
      %lt3A_55 = arith.cmpi slt, %add3A_53, %lt3A_54 : i32
      %convert_element_type3A_56 = arith.extui %lt3A_55 : i1 to i32
      %cond3A_57 = arith.constant 0 : i32
      %cond3A_58 = arith.cmpi ne, %convert_element_type3A_56, %cond3A_57 : i32
      scf.if %cond3A_58 {
        %dma_wait3A = arith.constant 0 : i32
        %dma_wait3A_59 = arith.constant 0 : i32
        %dma_wait3A_60 = tpu.memref_slice %arg6[%dma_wait3A, %dma_wait3A_59] : memref<16x1409xf32, #tpu.memory_space<vmem>> -> memref<16x1408xf32, #tpu.memory_space<vmem>>
        %dma_wait3A_61 = arith.constant 0 : i32
        %dma_wait3A_62 = arith.constant 0 : i32
        %dma_wait3A_63 = tpu.memref_slice %arg2[%dma_wait3A_61, %dma_wait3A_62] : memref<416x100000xf32, #tpu.memory_space<hbm>> -> memref<16x1408xf32, #tpu.memory_space<hbm>>
        %dma_wait3A_64 = arith.constant 0 : i32
        %dma_wait3A_65 = arith.constant 0 : i32
        %dma_wait3A_66 = tpu.memref_slice %arg6[%dma_wait3A_64, %dma_wait3A_65] : memref<16x1409xf32, #tpu.memory_space<vmem>> -> memref<16x1408xf32, #tpu.memory_space<vmem>>
        %dma_wait3A_67 = arith.constant 0 : i32
        %dma_wait3A_68 = arith.constant 0 : i32
        %dma_wait3A_69 = tpu.memref_slice %arg2[%dma_wait3A_67, %dma_wait3A_68] : memref<416x100000xf32, #tpu.memory_space<hbm>> -> memref<16x1408xf32, #tpu.memory_space<hbm>>
        tpu.wait_dma2 semaphore(%arg10 : memref<!tpu.dma_semaphore, #tpu.memory_space<semaphore_mem>>) src(%dma_wait3A_69 : memref<16x1408xf32, #tpu.memory_space<hbm>>) dst(%dma_wait3A_66 : memref<16x1408xf32, #tpu.memory_space<vmem>>)
        %ge3A = arith.constant 2 : i32
        %ge3A_70 = arith.cmpi sge, %add3A_50, %ge3A : i32
        %convert_element_type3A_71 = arith.extui %ge3A_70 : i1 to i32
        %cond3A_72 = arith.constant 0 : i32
        %cond3A_73 = arith.cmpi ne, %convert_element_type3A_71, %cond3A_72 : i32
        scf.if %cond3A_73 {
          %dma_wait3A_95 = arith.constant 0 : i32
          %dma_wait3A_96 = arith.constant 0 : i32
          %dma_wait3A_97 = tpu.memref_slice %arg4[%dma_wait3A_95, %dma_wait3A_96] : memref<325104x128xf32, #tpu.memory_space<hbm>> -> memref<176x128xf32, #tpu.memory_space<hbm>>
          %dma_wait3A_98 = arith.constant 0 : i32
          %dma_wait3A_99 = arith.constant 0 : i32
          %dma_wait3A_100 = tpu.memref_slice %arg4[%dma_wait3A_98, %dma_wait3A_99] : memref<325104x128xf32, #tpu.memory_space<hbm>> -> memref<176x128xf32, #tpu.memory_space<hbm>>
          tpu.wait_dma2 semaphore(%arg12 : memref<!tpu.dma_semaphore, #tpu.memory_space<semaphore_mem>>) src(%dma_wait3A_100 : memref<176x128xf32, #tpu.memory_space<hbm>>) dst(%arg8 : memref<176x128xf32, #tpu.memory_space<vmem>>)
        } else {
        }
        %scan3A_74 = arith.constant 0 : i32
        %scan3A_75 = arith.constant 0 : i32
        %scan3A_76 = arith.constant 16 : i32
        %scan3A_77 = arith.addi %scan3A_75, %scan3A_76 : i32
        %scan3A_78 = arith.constant 1 : i32
        scf.for %scan3A_95 = %scan3A_75 to %scan3A_77 step %scan3A_78  : i32 {
          %mul3A_96 = arith.constant 8 : i32
          %mul3A_97 = arith.muli %mul3A_96, %scan3A_95 : i32
          %broadcast_in_dim3A = arith.constant 0 : i32
          %broadcast_in_dim3A_98 = vector.broadcast %broadcast_in_dim3A : i32 to vector<16xi32>
          %add3A_99 = vector.broadcast %mul3A_97 : i32 to vector<16xi32>
          %add3A_100 = arith.addi %broadcast_in_dim3A_98, %add3A_99 : vector<16xi32>
          %gather3A = tpu.vector_load_idx %arg6[%iota3A, %add3A_100] : memref<16x1409xf32, #tpu.memory_space<vmem>>[vector<16xi32>, vector<16xi32>], vector<16xf32>,
          %broadcast_in_dim3A_101 = arith.constant 1 : i32
          %broadcast_in_dim3A_102 = vector.broadcast %broadcast_in_dim3A_101 : i32 to vector<16xi32>
          %add3A_103 = vector.broadcast %mul3A_97 : i32 to vector<16xi32>
          %add3A_104 = arith.addi %broadcast_in_dim3A_102, %add3A_103 : vector<16xi32>
          %gather3A_105 = tpu.vector_load_idx %arg6[%iota3A, %add3A_104] : memref<16x1409xf32, #tpu.memory_space<vmem>>[vector<16xi32>, vector<16xi32>], vector<16xf32>,
          %broadcast_in_dim3A_106 = arith.constant 2 : i32
          %broadcast_in_dim3A_107 = vector.broadcast %broadcast_in_dim3A_106 : i32 to vector<16xi32>
          %add3A_108 = vector.broadcast %mul3A_97 : i32 to vector<16xi32>
          %add3A_109 = arith.addi %broadcast_in_dim3A_107, %add3A_108 : vector<16xi32>
          %gather3A_110 = tpu.vector_load_idx %arg6[%iota3A, %add3A_109] : memref<16x1409xf32, #tpu.memory_space<vmem>>[vector<16xi32>, vector<16xi32>], vector<16xf32>,
          %broadcast_in_dim3A_111 = arith.constant 3 : i32
          %broadcast_in_dim3A_112 = vector.broadcast %broadcast_in_dim3A_111 : i32 to vector<16xi32>
          %add3A_113 = vector.broadcast %mul3A_97 : i32 to vector<16xi32>
          %add3A_114 = arith.addi %broadcast_in_dim3A_112, %add3A_113 : vector<16xi32>
          %gather3A_115 = tpu.vector_load_idx %arg6[%iota3A, %add3A_114] : memref<16x1409xf32, #tpu.memory_space<vmem>>[vector<16xi32>, vector<16xi32>], vector<16xf32>,
          %broadcast_in_dim3A_116 = arith.constant 4 : i32
          %broadcast_in_dim3A_117 = vector.broadcast %broadcast_in_dim3A_116 : i32 to vector<16xi32>
          %add3A_118 = vector.broadcast %mul3A_97 : i32 to vector<16xi32>
          %add3A_119 = arith.addi %broadcast_in_dim3A_117, %add3A_118 : vector<16xi32>
          %gather3A_120 = tpu.vector_load_idx %arg6[%iota3A, %add3A_119] : memref<16x1409xf32, #tpu.memory_space<vmem>>[vector<16xi32>, vector<16xi32>], vector<16xf32>,
          %broadcast_in_dim3A_121 = arith.constant 5 : i32
          %broadcast_in_dim3A_122 = vector.broadcast %broadcast_in_dim3A_121 : i32 to vector<16xi32>
          %add3A_123 = vector.broadcast %mul3A_97 : i32 to vector<16xi32>
          %add3A_124 = arith.addi %broadcast_in_dim3A_122, %add3A_123 : vector<16xi32>
          %gather3A_125 = tpu.vector_load_idx %arg6[%iota3A, %add3A_124] : memref<16x1409xf32, #tpu.memory_space<vmem>>[vector<16xi32>, vector<16xi32>], vector<16xf32>,
          %broadcast_in_dim3A_126 = arith.constant 6 : i32
          %broadcast_in_dim3A_127 = vector.broadcast %broadcast_in_dim3A_126 : i32 to vector<16xi32>
          %add3A_128 = vector.broadcast %mul3A_97 : i32 to vector<16xi32>
          %add3A_129 = arith.addi %broadcast_in_dim3A_127, %add3A_128 : vector<16xi32>
          %gather3A_130 = tpu.vector_load_idx %arg6[%iota3A, %add3A_129] : memref<16x1409xf32, #tpu.memory_space<vmem>>[vector<16xi32>, vector<16xi32>], vector<16xf32>,
          %broadcast_in_dim3A_131 = arith.constant 7 : i32
          %broadcast_in_dim3A_132 = vector.broadcast %broadcast_in_dim3A_131 : i32 to vector<16xi32>
          %add3A_133 = vector.broadcast %mul3A_97 : i32 to vector<16xi32>
          %add3A_134 = arith.addi %broadcast_in_dim3A_132, %add3A_133 : vector<16xi32>
          %gather3A_135 = tpu.vector_load_idx %arg6[%iota3A, %add3A_134] : memref<16x1409xf32, #tpu.memory_space<vmem>>[vector<16xi32>, vector<16xi32>], vector<16xf32>,
          %add3A_136 = arith.constant 0 : i32
          %add3A_137 = arith.addi %add3A_136, %scan3A_95 : i32
          %swap3A = arith.index_cast %add3A_137 : i32 to index
          %swap3A_138 = arith.constant 0 : index
          %swap3A_139 = tpu.vector_load %arg8[%swap3A, %swap3A_138] {strides = array<i32>} : memref<176x128xf32, #tpu.memory_space<vmem>>, vector<16xf32>,
          tpu.vector_store %arg8[%swap3A, %swap3A_138], %gather3A {strides = array<i32>} : memref<176x128xf32, #tpu.memory_space<vmem>>, vector<16xf32>,
          %add3A_140 = arith.constant 0 : i32
          %add3A_141 = arith.addi %add3A_140, %scan3A_95 : i32
          %swap3A_142 = arith.index_cast %add3A_141 : i32 to index
          %swap3A_143 = arith.constant 16 : index
          %swap3A_144 = tpu.vector_load %arg8[%swap3A_142, %swap3A_143] {strides = array<i32>} : memref<176x128xf32, #tpu.memory_space<vmem>>, vector<16xf32>,
          tpu.vector_store %arg8[%swap3A_142, %swap3A_143], %gather3A_105 {strides = array<i32>} : memref<176x128xf32, #tpu.memory_space<vmem>>, vector<16xf32>,
          %add3A_145 = arith.constant 0 : i32
          %add3A_146 = arith.addi %add3A_145, %scan3A_95 : i32
          %swap3A_147 = arith.index_cast %add3A_146 : i32 to index
          %swap3A_148 = arith.constant 32 : index
          %swap3A_149 = tpu.vector_load %arg8[%swap3A_147, %swap3A_148] {strides = array<i32>} : memref<176x128xf32, #tpu.memory_space<vmem>>, vector<16xf32>,
          tpu.vector_store %arg8[%swap3A_147, %swap3A_148], %gather3A_110 {strides = array<i32>} : memref<176x128xf32, #tpu.memory_space<vmem>>, vector<16xf32>,
          %add3A_150 = arith.constant 0 : i32
          %add3A_151 = arith.addi %add3A_150, %scan3A_95 : i32
          %swap3A_152 = arith.index_cast %add3A_151 : i32 to index
          %swap3A_153 = arith.constant 48 : index
          %swap3A_154 = tpu.vector_load %arg8[%swap3A_152, %swap3A_153] {strides = array<i32>} : memref<176x128xf32, #tpu.memory_space<vmem>>, vector<16xf32>,
          tpu.vector_store %arg8[%swap3A_152, %swap3A_153], %gather3A_115 {strides = array<i32>} : memref<176x128xf32, #tpu.memory_space<vmem>>, vector<16xf32>,
          %add3A_155 = arith.constant 0 : i32
          %add3A_156 = arith.addi %add3A_155, %scan3A_95 : i32
          %swap3A_157 = arith.index_cast %add3A_156 : i32 to index
          %swap3A_158 = arith.constant 64 : index
          %swap3A_159 = tpu.vector_load %arg8[%swap3A_157, %swap3A_158] {strides = array<i32>} : memref<176x128xf32, #tpu.memory_space<vmem>>, vector<16xf32>,
          tpu.vector_store %arg8[%swap3A_157, %swap3A_158], %gather3A_120 {strides = array<i32>} : memref<176x128xf32, #tpu.memory_space<vmem>>, vector<16xf32>,
          %add3A_160 = arith.constant 0 : i32
          %add3A_161 = arith.addi %add3A_160, %scan3A_95 : i32
          %swap3A_162 = arith.index_cast %add3A_161 : i32 to index
          %swap3A_163 = arith.constant 80 : index
          %swap3A_164 = tpu.vector_load %arg8[%swap3A_162, %swap3A_163] {strides = array<i32>} : memref<176x128xf32, #tpu.memory_space<vmem>>, vector<16xf32>,
          tpu.vector_store %arg8[%swap3A_162, %swap3A_163], %gather3A_125 {strides = array<i32>} : memref<176x128xf32, #tpu.memory_space<vmem>>, vector<16xf32>,
          %add3A_165 = arith.constant 0 : i32
          %add3A_166 = arith.addi %add3A_165, %scan3A_95 : i32
          %swap3A_167 = arith.index_cast %add3A_166 : i32 to index
          %swap3A_168 = arith.constant 96 : index
          %swap3A_169 = tpu.vector_load %arg8[%swap3A_167, %swap3A_168] {strides = array<i32>} : memref<176x128xf32, #tpu.memory_space<vmem>>, vector<16xf32>,
          tpu.vector_store %arg8[%swap3A_167, %swap3A_168], %gather3A_130 {strides = array<i32>} : memref<176x128xf32, #tpu.memory_space<vmem>>, vector<16xf32>,
          %add3A_170 = arith.constant 0 : i32
          %add3A_171 = arith.addi %add3A_170, %scan3A_95 : i32
          %swap3A_172 = arith.index_cast %add3A_171 : i32 to index
          %swap3A_173 = arith.constant 112 : index
          %swap3A_174 = tpu.vector_load %arg8[%swap3A_172, %swap3A_173] {strides = array<i32>} : memref<176x128xf32, #tpu.memory_space<vmem>>, vector<16xf32>,
          tpu.vector_store %arg8[%swap3A_172, %swap3A_173], %gather3A_135 {strides = array<i32>} : memref<176x128xf32, #tpu.memory_space<vmem>>, vector<16xf32>,
          %broadcast_in_dim3A_175 = arith.constant 128 : i32
          %broadcast_in_dim3A_176 = vector.broadcast %broadcast_in_dim3A_175 : i32 to vector<16xi32>
          %add3A_177 = vector.broadcast %mul3A_97 : i32 to vector<16xi32>
          %add3A_178 = arith.addi %broadcast_in_dim3A_176, %add3A_177 : vector<16xi32>
          %gather3A_179 = tpu.vector_load_idx %arg6[%iota3A, %add3A_178] : memref<16x1409xf32, #tpu.memory_space<vmem>>[vector<16xi32>, vector<16xi32>], vector<16xf32>,
          %broadcast_in_dim3A_180 = arith.constant 129 : i32
          %broadcast_in_dim3A_181 = vector.broadcast %broadcast_in_dim3A_180 : i32 to vector<16xi32>
          %add3A_182 = vector.broadcast %mul3A_97 : i32 to vector<16xi32>
          %add3A_183 = arith.addi %broadcast_in_dim3A_181, %add3A_182 : vector<16xi32>
          %gather3A_184 = tpu.vector_load_idx %arg6[%iota3A, %add3A_183] : memref<16x1409xf32, #tpu.memory_space<vmem>>[vector<16xi32>, vector<16xi32>], vector<16xf32>,
          %broadcast_in_dim3A_185 = arith.constant 130 : i32
          %broadcast_in_dim3A_186 = vector.broadcast %broadcast_in_dim3A_185 : i32 to vector<16xi32>
          %add3A_187 = vector.broadcast %mul3A_97 : i32 to vector<16xi32>
          %add3A_188 = arith.addi %broadcast_in_dim3A_186, %add3A_187 : vector<16xi32>
          %gather3A_189 = tpu.vector_load_idx %arg6[%iota3A, %add3A_188] : memref<16x1409xf32, #tpu.memory_space<vmem>>[vector<16xi32>, vector<16xi32>], vector<16xf32>,
          %broadcast_in_dim3A_190 = arith.constant 131 : i32
          %broadcast_in_dim3A_191 = vector.broadcast %broadcast_in_dim3A_190 : i32 to vector<16xi32>
          %add3A_192 = vector.broadcast %mul3A_97 : i32 to vector<16xi32>
          %add3A_193 = arith.addi %broadcast_in_dim3A_191, %add3A_192 : vector<16xi32>
          %gather3A_194 = tpu.vector_load_idx %arg6[%iota3A, %add3A_193] : memref<16x1409xf32, #tpu.memory_space<vmem>>[vector<16xi32>, vector<16xi32>], vector<16xf32>,
          %broadcast_in_dim3A_195 = arith.constant 132 : i32
          %broadcast_in_dim3A_196 = vector.broadcast %broadcast_in_dim3A_195 : i32 to vector<16xi32>
          %add3A_197 = vector.broadcast %mul3A_97 : i32 to vector<16xi32>
          %add3A_198 = arith.addi %broadcast_in_dim3A_196, %add3A_197 : vector<16xi32>
          %gather3A_199 = tpu.vector_load_idx %arg6[%iota3A, %add3A_198] : memref<16x1409xf32, #tpu.memory_space<vmem>>[vector<16xi32>, vector<16xi32>], vector<16xf32>,
          %broadcast_in_dim3A_200 = arith.constant 133 : i32
          %broadcast_in_dim3A_201 = vector.broadcast %broadcast_in_dim3A_200 : i32 to vector<16xi32>
          %add3A_202 = vector.broadcast %mul3A_97 : i32 to vector<16xi32>
          %add3A_203 = arith.addi %broadcast_in_dim3A_201, %add3A_202 : vector<16xi32>
          %gather3A_204 = tpu.vector_load_idx %arg6[%iota3A, %add3A_203] : memref<16x1409xf32, #tpu.memory_space<vmem>>[vector<16xi32>, vector<16xi32>], vector<16xf32>,
          %broadcast_in_dim3A_205 = arith.constant 134 : i32
          %broadcast_in_dim3A_206 = vector.broadcast %broadcast_in_dim3A_205 : i32 to vector<16xi32>
          %add3A_207 = vector.broadcast %mul3A_97 : i32 to vector<16xi32>
          %add3A_208 = arith.addi %broadcast_in_dim3A_206, %add3A_207 : vector<16xi32>
          %gather3A_209 = tpu.vector_load_idx %arg6[%iota3A, %add3A_208] : memref<16x1409xf32, #tpu.memory_space<vmem>>[vector<16xi32>, vector<16xi32>], vector<16xf32>,
          %broadcast_in_dim3A_210 = arith.constant 135 : i32
          %broadcast_in_dim3A_211 = vector.broadcast %broadcast_in_dim3A_210 : i32 to vector<16xi32>
          %add3A_212 = vector.broadcast %mul3A_97 : i32 to vector<16xi32>
          %add3A_213 = arith.addi %broadcast_in_dim3A_211, %add3A_212 : vector<16xi32>
          %gather3A_214 = tpu.vector_load_idx %arg6[%iota3A, %add3A_213] : memref<16x1409xf32, #tpu.memory_space<vmem>>[vector<16xi32>, vector<16xi32>], vector<16xf32>,
          %add3A_215 = arith.constant 16 : i32
          %add3A_216 = arith.addi %add3A_215, %scan3A_95 : i32
          %swap3A_217 = arith.index_cast %add3A_216 : i32 to index
          %swap3A_218 = arith.constant 0 : index
          %swap3A_219 = tpu.vector_load %arg8[%swap3A_217, %swap3A_218] {strides = array<i32>} : memref<176x128xf32, #tpu.memory_space<vmem>>, vector<16xf32>,
          tpu.vector_store %arg8[%swap3A_217, %swap3A_218], %gather3A_179 {strides = array<i32>} : memref<176x128xf32, #tpu.memory_space<vmem>>, vector<16xf32>,
          %add3A_220 = arith.constant 16 : i32
          %add3A_221 = arith.addi %add3A_220, %scan3A_95 : i32
          %swap3A_222 = arith.index_cast %add3A_221 : i32 to index
          %swap3A_223 = arith.constant 16 : index
          %swap3A_224 = tpu.vector_load %arg8[%swap3A_222, %swap3A_223] {strides = array<i32>} : memref<176x128xf32, #tpu.memory_space<vmem>>, vector<16xf32>,
          tpu.vector_store %arg8[%swap3A_222, %swap3A_223], %gather3A_184 {strides = array<i32>} : memref<176x128xf32, #tpu.memory_space<vmem>>, vector<16xf32>,
          %add3A_225 = arith.constant 16 : i32
          %add3A_226 = arith.addi %add3A_225, %scan3A_95 : i32
          %swap3A_227 = arith.index_cast %add3A_226 : i32 to index
          %swap3A_228 = arith.constant 32 : index
          %swap3A_229 = tpu.vector_load %arg8[%swap3A_227, %swap3A_228] {strides = array<i32>} : memref<176x128xf32, #tpu.memory_space<vmem>>, vector<16xf32>,
          tpu.vector_store %arg8[%swap3A_227, %swap3A_228], %gather3A_189 {strides = array<i32>} : memref<176x128xf32, #tpu.memory_space<vmem>>, vector<16xf32>,
          %add3A_230 = arith.constant 16 : i32
          %add3A_231 = arith.addi %add3A_230, %scan3A_95 : i32
          %swap3A_232 = arith.index_cast %add3A_231 : i32 to index
          %swap3A_233 = arith.constant 48 : index
          %swap3A_234 = tpu.vector_load %arg8[%swap3A_232, %swap3A_233] {strides = array<i32>} : memref<176x128xf32, #tpu.memory_space<vmem>>, vector<16xf32>,
          tpu.vector_store %arg8[%swap3A_232, %swap3A_233], %gather3A_194 {strides = array<i32>} : memref<176x128xf32, #tpu.memory_space<vmem>>, vector<16xf32>,
          %add3A_235 = arith.constant 16 : i32
          %add3A_236 = arith.addi %add3A_235, %scan3A_95 : i32
          %swap3A_237 = arith.index_cast %add3A_236 : i32 to index
          %swap3A_238 = arith.constant 64 : index
          %swap3A_239 = tpu.vector_load %arg8[%swap3A_237, %swap3A_238] {strides = array<i32>} : memref<176x128xf32, #tpu.memory_space<vmem>>, vector<16xf32>,
          tpu.vector_store %arg8[%swap3A_237, %swap3A_238], %gather3A_199 {strides = array<i32>} : memref<176x128xf32, #tpu.memory_space<vmem>>, vector<16xf32>,
          %add3A_240 = arith.constant 16 : i32
          %add3A_241 = arith.addi %add3A_240, %scan3A_95 : i32
          %swap3A_242 = arith.index_cast %add3A_241 : i32 to index
          %swap3A_243 = arith.constant 80 : index
          %swap3A_244 = tpu.vector_load %arg8[%swap3A_242, %swap3A_243] {strides = array<i32>} : memref<176x128xf32, #tpu.memory_space<vmem>>, vector<16xf32>,
          tpu.vector_store %arg8[%swap3A_242, %swap3A_243], %gather3A_204 {strides = array<i32>} : memref<176x128xf32, #tpu.memory_space<vmem>>, vector<16xf32>,
          %add3A_245 = arith.constant 16 : i32
          %add3A_246 = arith.addi %add3A_245, %scan3A_95 : i32
          %swap3A_247 = arith.index_cast %add3A_246 : i32 to index
          %swap3A_248 = arith.constant 96 : index
          %swap3A_249 = tpu.vector_load %arg8[%swap3A_247, %swap3A_248] {strides = array<i32>} : memref<176x128xf32, #tpu.memory_space<vmem>>, vector<16xf32>,
          tpu.vector_store %arg8[%swap3A_247, %swap3A_248], %gather3A_209 {strides = array<i32>} : memref<176x128xf32, #tpu.memory_space<vmem>>, vector<16xf32>,
          %add3A_250 = arith.constant 16 : i32
          %add3A_251 = arith.addi %add3A_250, %scan3A_95 : i32
          %swap3A_252 = arith.index_cast %add3A_251 : i32 to index
          %swap3A_253 = arith.constant 112 : index
          %swap3A_254 = tpu.vector_load %arg8[%swap3A_252, %swap3A_253] {strides = array<i32>} : memref<176x128xf32, #tpu.memory_space<vmem>>, vector<16xf32>,
          tpu.vector_store %arg8[%swap3A_252, %swap3A_253], %gather3A_214 {strides = array<i32>} : memref<176x128xf32, #tpu.memory_space<vmem>>, vector<16xf32>,
          %broadcast_in_dim3A_255 = arith.constant 256 : i32
          %broadcast_in_dim3A_256 = vector.broadcast %broadcast_in_dim3A_255 : i32 to vector<16xi32>
          %add3A_257 = vector.broadcast %mul3A_97 : i32 to vector<16xi32>
          %add3A_258 = arith.addi %broadcast_in_dim3A_256, %add3A_257 : vector<16xi32>
          %gather3A_259 = tpu.vector_load_idx %arg6[%iota3A, %add3A_258] : memref<16x1409xf32, #tpu.memory_space<vmem>>[vector<16xi32>, vector<16xi32>], vector<16xf32>,
          %broadcast_in_dim3A_260 = arith.constant 257 : i32
          %broadcast_in_dim3A_261 = vector.broadcast %broadcast_in_dim3A_260 : i32 to vector<16xi32>
          %add3A_262 = vector.broadcast %mul3A_97 : i32 to vector<16xi32>
          %add3A_263 = arith.addi %broadcast_in_dim3A_261, %add3A_262 : vector<16xi32>
          %gather3A_264 = tpu.vector_load_idx %arg6[%iota3A, %add3A_263] : memref<16x1409xf32, #tpu.memory_space<vmem>>[vector<16xi32>, vector<16xi32>], vector<16xf32>,
          %broadcast_in_dim3A_265 = arith.constant 258 : i32
          %broadcast_in_dim3A_266 = vector.broadcast %broadcast_in_dim3A_265 : i32 to vector<16xi32>
          %add3A_267 = vector.broadcast %mul3A_97 : i32 to vector<16xi32>
          %add3A_268 = arith.addi %broadcast_in_dim3A_266, %add3A_267 : vector<16xi32>
          %gather3A_269 = tpu.vector_load_idx %arg6[%iota3A, %add3A_268] : memref<16x1409xf32, #tpu.memory_space<vmem>>[vector<16xi32>, vector<16xi32>], vector<16xf32>,
          %broadcast_in_dim3A_270 = arith.constant 259 : i32
          %broadcast_in_dim3A_271 = vector.broadcast %broadcast_in_dim3A_270 : i32 to vector<16xi32>
          %add3A_272 = vector.broadcast %mul3A_97 : i32 to vector<16xi32>
          %add3A_273 = arith.addi %broadcast_in_dim3A_271, %add3A_272 : vector<16xi32>
          %gather3A_274 = tpu.vector_load_idx %arg6[%iota3A, %add3A_273] : memref<16x1409xf32, #tpu.memory_space<vmem>>[vector<16xi32>, vector<16xi32>], vector<16xf32>,
          %broadcast_in_dim3A_275 = arith.constant 260 : i32
          %broadcast_in_dim3A_276 = vector.broadcast %broadcast_in_dim3A_275 : i32 to vector<16xi32>
          %add3A_277 = vector.broadcast %mul3A_97 : i32 to vector<16xi32>
          %add3A_278 = arith.addi %broadcast_in_dim3A_276, %add3A_277 : vector<16xi32>
          %gather3A_279 = tpu.vector_load_idx %arg6[%iota3A, %add3A_278] : memref<16x1409xf32, #tpu.memory_space<vmem>>[vector<16xi32>, vector<16xi32>], vector<16xf32>,
          %broadcast_in_dim3A_280 = arith.constant 261 : i32
          %broadcast_in_dim3A_281 = vector.broadcast %broadcast_in_dim3A_280 : i32 to vector<16xi32>
          %add3A_282 = vector.broadcast %mul3A_97 : i32 to vector<16xi32>
          %add3A_283 = arith.addi %broadcast_in_dim3A_281, %add3A_282 : vector<16xi32>
          %gather3A_284 = tpu.vector_load_idx %arg6[%iota3A, %add3A_283] : memref<16x1409xf32, #tpu.memory_space<vmem>>[vector<16xi32>, vector<16xi32>], vector<16xf32>,
          %broadcast_in_dim3A_285 = arith.constant 262 : i32
          %broadcast_in_dim3A_286 = vector.broadcast %broadcast_in_dim3A_285 : i32 to vector<16xi32>
          %add3A_287 = vector.broadcast %mul3A_97 : i32 to vector<16xi32>
          %add3A_288 = arith.addi %broadcast_in_dim3A_286, %add3A_287 : vector<16xi32>
          %gather3A_289 = tpu.vector_load_idx %arg6[%iota3A, %add3A_288] : memref<16x1409xf32, #tpu.memory_space<vmem>>[vector<16xi32>, vector<16xi32>], vector<16xf32>,
          %broadcast_in_dim3A_290 = arith.constant 263 : i32
          %broadcast_in_dim3A_291 = vector.broadcast %broadcast_in_dim3A_290 : i32 to vector<16xi32>
          %add3A_292 = vector.broadcast %mul3A_97 : i32 to vector<16xi32>
          %add3A_293 = arith.addi %broadcast_in_dim3A_291, %add3A_292 : vector<16xi32>
          %gather3A_294 = tpu.vector_load_idx %arg6[%iota3A, %add3A_293] : memref<16x1409xf32, #tpu.memory_space<vmem>>[vector<16xi32>, vector<16xi32>], vector<16xf32>,
          %add3A_295 = arith.constant 32 : i32
          %add3A_296 = arith.addi %add3A_295, %scan3A_95 : i32
          %swap3A_297 = arith.index_cast %add3A_296 : i32 to index
          %swap3A_298 = arith.constant 0 : index
          %swap3A_299 = tpu.vector_load %arg8[%swap3A_297, %swap3A_298] {strides = array<i32>} : memref<176x128xf32, #tpu.memory_space<vmem>>, vector<16xf32>,
          tpu.vector_store %arg8[%swap3A_297, %swap3A_298], %gather3A_259 {strides = array<i32>} : memref<176x128xf32, #tpu.memory_space<vmem>>, vector<16xf32>,
          %add3A_300 = arith.constant 32 : i32
          %add3A_301 = arith.addi %add3A_300, %scan3A_95 : i32
          %swap3A_302 = arith.index_cast %add3A_301 : i32 to index
          %swap3A_303 = arith.constant 16 : index
          %swap3A_304 = tpu.vector_load %arg8[%swap3A_302, %swap3A_303] {strides = array<i32>} : memref<176x128xf32, #tpu.memory_space<vmem>>, vector<16xf32>,
          tpu.vector_store %arg8[%swap3A_302, %swap3A_303], %gather3A_264 {strides = array<i32>} : memref<176x128xf32, #tpu.memory_space<vmem>>, vector<16xf32>,
          %add3A_305 = arith.constant 32 : i32
          %add3A_306 = arith.addi %add3A_305, %scan3A_95 : i32
          %swap3A_307 = arith.index_cast %add3A_306 : i32 to index
          %swap3A_308 = arith.constant 32 : index
          %swap3A_309 = tpu.vector_load %arg8[%swap3A_307, %swap3A_308] {strides = array<i32>} : memref<176x128xf32, #tpu.memory_space<vmem>>, vector<16xf32>,
          tpu.vector_store %arg8[%swap3A_307, %swap3A_308], %gather3A_269 {strides = array<i32>} : memref<176x128xf32, #tpu.memory_space<vmem>>, vector<16xf32>,
          %add3A_310 = arith.constant 32 : i32
          %add3A_311 = arith.addi %add3A_310, %scan3A_95 : i32
          %swap3A_312 = arith.index_cast %add3A_311 : i32 to index
          %swap3A_313 = arith.constant 48 : index
          %swap3A_314 = tpu.vector_load %arg8[%swap3A_312, %swap3A_313] {strides = array<i32>} : memref<176x128xf32, #tpu.memory_space<vmem>>, vector<16xf32>,
          tpu.vector_store %arg8[%swap3A_312, %swap3A_313], %gather3A_274 {strides = array<i32>} : memref<176x128xf32, #tpu.memory_space<vmem>>, vector<16xf32>,
          %add3A_315 = arith.constant 32 : i32
          %add3A_316 = arith.addi %add3A_315, %scan3A_95 : i32
          %swap3A_317 = arith.index_cast %add3A_316 : i32 to index
          %swap3A_318 = arith.constant 64 : index
          %swap3A_319 = tpu.vector_load %arg8[%swap3A_317, %swap3A_318] {strides = array<i32>} : memref<176x128xf32, #tpu.memory_space<vmem>>, vector<16xf32>,
          tpu.vector_store %arg8[%swap3A_317, %swap3A_318], %gather3A_279 {strides = array<i32>} : memref<176x128xf32, #tpu.memory_space<vmem>>, vector<16xf32>,
          %add3A_320 = arith.constant 32 : i32
          %add3A_321 = arith.addi %add3A_320, %scan3A_95 : i32
          %swap3A_322 = arith.index_cast %add3A_321 : i32 to index
          %swap3A_323 = arith.constant 80 : index
          %swap3A_324 = tpu.vector_load %arg8[%swap3A_322, %swap3A_323] {strides = array<i32>} : memref<176x128xf32, #tpu.memory_space<vmem>>, vector<16xf32>,
          tpu.vector_store %arg8[%swap3A_322, %swap3A_323], %gather3A_284 {strides = array<i32>} : memref<176x128xf32, #tpu.memory_space<vmem>>, vector<16xf32>,
          %add3A_325 = arith.constant 32 : i32
          %add3A_326 = arith.addi %add3A_325, %scan3A_95 : i32
          %swap3A_327 = arith.index_cast %add3A_326 : i32 to index
          %swap3A_328 = arith.constant 96 : index
          %swap3A_329 = tpu.vector_load %arg8[%swap3A_327, %swap3A_328] {strides = array<i32>} : memref<176x128xf32, #tpu.memory_space<vmem>>, vector<16xf32>,
          tpu.vector_store %arg8[%swap3A_327, %swap3A_328], %gather3A_289 {strides = array<i32>} : memref<176x128xf32, #tpu.memory_space<vmem>>, vector<16xf32>,
          %add3A_330 = arith.constant 32 : i32
          %add3A_331 = arith.addi %add3A_330, %scan3A_95 : i32
          %swap3A_332 = arith.index_cast %add3A_331 : i32 to index
          %swap3A_333 = arith.constant 112 : index
          %swap3A_334 = tpu.vector_load %arg8[%swap3A_332, %swap3A_333] {strides = array<i32>} : memref<176x128xf32, #tpu.memory_space<vmem>>, vector<16xf32>,
          tpu.vector_store %arg8[%swap3A_332, %swap3A_333], %gather3A_294 {strides = array<i32>} : memref<176x128xf32, #tpu.memory_space<vmem>>, vector<16xf32>,
          %broadcast_in_dim3A_335 = arith.constant 384 : i32
          %broadcast_in_dim3A_336 = vector.broadcast %broadcast_in_dim3A_335 : i32 to vector<16xi32>
          %add3A_337 = vector.broadcast %mul3A_97 : i32 to vector<16xi32>
          %add3A_338 = arith.addi %broadcast_in_dim3A_336, %add3A_337 : vector<16xi32>
          %gather3A_339 = tpu.vector_load_idx %arg6[%iota3A, %add3A_338] : memref<16x1409xf32, #tpu.memory_space<vmem>>[vector<16xi32>, vector<16xi32>], vector<16xf32>,
          %broadcast_in_dim3A_340 = arith.constant 385 : i32
          %broadcast_in_dim3A_341 = vector.broadcast %broadcast_in_dim3A_340 : i32 to vector<16xi32>
          %add3A_342 = vector.broadcast %mul3A_97 : i32 to vector<16xi32>
          %add3A_343 = arith.addi %broadcast_in_dim3A_341, %add3A_342 : vector<16xi32>
          %gather3A_344 = tpu.vector_load_idx %arg6[%iota3A, %add3A_343] : memref<16x1409xf32, #tpu.memory_space<vmem>>[vector<16xi32>, vector<16xi32>], vector<16xf32>,
          %broadcast_in_dim3A_345 = arith.constant 386 : i32
          %broadcast_in_dim3A_346 = vector.broadcast %broadcast_in_dim3A_345 : i32 to vector<16xi32>
          %add3A_347 = vector.broadcast %mul3A_97 : i32 to vector<16xi32>
          %add3A_348 = arith.addi %broadcast_in_dim3A_346, %add3A_347 : vector<16xi32>
          %gather3A_349 = tpu.vector_load_idx %arg6[%iota3A, %add3A_348] : memref<16x1409xf32, #tpu.memory_space<vmem>>[vector<16xi32>, vector<16xi32>], vector<16xf32>,
          %broadcast_in_dim3A_350 = arith.constant 387 : i32
          %broadcast_in_dim3A_351 = vector.broadcast %broadcast_in_dim3A_350 : i32 to vector<16xi32>
          %add3A_352 = vector.broadcast %mul3A_97 : i32 to vector<16xi32>
          %add3A_353 = arith.addi %broadcast_in_dim3A_351, %add3A_352 : vector<16xi32>
          %gather3A_354 = tpu.vector_load_idx %arg6[%iota3A, %add3A_353] : memref<16x1409xf32, #tpu.memory_space<vmem>>[vector<16xi32>, vector<16xi32>], vector<16xf32>,
          %broadcast_in_dim3A_355 = arith.constant 388 : i32
          %broadcast_in_dim3A_356 = vector.broadcast %broadcast_in_dim3A_355 : i32 to vector<16xi32>
          %add3A_357 = vector.broadcast %mul3A_97 : i32 to vector<16xi32>
          %add3A_358 = arith.addi %broadcast_in_dim3A_356, %add3A_357 : vector<16xi32>
          %gather3A_359 = tpu.vector_load_idx %arg6[%iota3A, %add3A_358] : memref<16x1409xf32, #tpu.memory_space<vmem>>[vector<16xi32>, vector<16xi32>], vector<16xf32>,
          %broadcast_in_dim3A_360 = arith.constant 389 : i32
          %broadcast_in_dim3A_361 = vector.broadcast %broadcast_in_dim3A_360 : i32 to vector<16xi32>
          %add3A_362 = vector.broadcast %mul3A_97 : i32 to vector<16xi32>
          %add3A_363 = arith.addi %broadcast_in_dim3A_361, %add3A_362 : vector<16xi32>
          %gather3A_364 = tpu.vector_load_idx %arg6[%iota3A, %add3A_363] : memref<16x1409xf32, #tpu.memory_space<vmem>>[vector<16xi32>, vector<16xi32>], vector<16xf32>,
          %broadcast_in_dim3A_365 = arith.constant 390 : i32
          %broadcast_in_dim3A_366 = vector.broadcast %broadcast_in_dim3A_365 : i32 to vector<16xi32>
          %add3A_367 = vector.broadcast %mul3A_97 : i32 to vector<16xi32>
          %add3A_368 = arith.addi %broadcast_in_dim3A_366, %add3A_367 : vector<16xi32>
          %gather3A_369 = tpu.vector_load_idx %arg6[%iota3A, %add3A_368] : memref<16x1409xf32, #tpu.memory_space<vmem>>[vector<16xi32>, vector<16xi32>], vector<16xf32>,
          %broadcast_in_dim3A_370 = arith.constant 391 : i32
          %broadcast_in_dim3A_371 = vector.broadcast %broadcast_in_dim3A_370 : i32 to vector<16xi32>
          %add3A_372 = vector.broadcast %mul3A_97 : i32 to vector<16xi32>
          %add3A_373 = arith.addi %broadcast_in_dim3A_371, %add3A_372 : vector<16xi32>
          %gather3A_374 = tpu.vector_load_idx %arg6[%iota3A, %add3A_373] : memref<16x1409xf32, #tpu.memory_space<vmem>>[vector<16xi32>, vector<16xi32>], vector<16xf32>,
          %add3A_375 = arith.constant 48 : i32
          %add3A_376 = arith.addi %add3A_375, %scan3A_95 : i32
          %swap3A_377 = arith.index_cast %add3A_376 : i32 to index
          %swap3A_378 = arith.constant 0 : index
          %swap3A_379 = tpu.vector_load %arg8[%swap3A_377, %swap3A_378] {strides = array<i32>} : memref<176x128xf32, #tpu.memory_space<vmem>>, vector<16xf32>,
          tpu.vector_store %arg8[%swap3A_377, %swap3A_378], %gather3A_339 {strides = array<i32>} : memref<176x128xf32, #tpu.memory_space<vmem>>, vector<16xf32>,
          %add3A_380 = arith.constant 48 : i32
          %add3A_381 = arith.addi %add3A_380, %scan3A_95 : i32
          %swap3A_382 = arith.index_cast %add3A_381 : i32 to index
          %swap3A_383 = arith.constant 16 : index
          %swap3A_384 = tpu.vector_load %arg8[%swap3A_382, %swap3A_383] {strides = array<i32>} : memref<176x128xf32, #tpu.memory_space<vmem>>, vector<16xf32>,
          tpu.vector_store %arg8[%swap3A_382, %swap3A_383], %gather3A_344 {strides = array<i32>} : memref<176x128xf32, #tpu.memory_space<vmem>>, vector<16xf32>,
          %add3A_385 = arith.constant 48 : i32
          %add3A_386 = arith.addi %add3A_385, %scan3A_95 : i32
          %swap3A_387 = arith.index_cast %add3A_386 : i32 to index
          %swap3A_388 = arith.constant 32 : index
          %swap3A_389 = tpu.vector_load %arg8[%swap3A_387, %swap3A_388] {strides = array<i32>} : memref<176x128xf32, #tpu.memory_space<vmem>>, vector<16xf32>,
          tpu.vector_store %arg8[%swap3A_387, %swap3A_388], %gather3A_349 {strides = array<i32>} : memref<176x128xf32, #tpu.memory_space<vmem>>, vector<16xf32>,
          %add3A_390 = arith.constant 48 : i32
          %add3A_391 = arith.addi %add3A_390, %scan3A_95 : i32
          %swap3A_392 = arith.index_cast %add3A_391 : i32 to index
          %swap3A_393 = arith.constant 48 : index
          %swap3A_394 = tpu.vector_load %arg8[%swap3A_392, %swap3A_393] {strides = array<i32>} : memref<176x128xf32, #tpu.memory_space<vmem>>, vector<16xf32>,
          tpu.vector_store %arg8[%swap3A_392, %swap3A_393], %gather3A_354 {strides = array<i32>} : memref<176x128xf32, #tpu.memory_space<vmem>>, vector<16xf32>,
          %add3A_395 = arith.constant 48 : i32
          %add3A_396 = arith.addi %add3A_395, %scan3A_95 : i32
          %swap3A_397 = arith.index_cast %add3A_396 : i32 to index
          %swap3A_398 = arith.constant 64 : index
          %swap3A_399 = tpu.vector_load %arg8[%swap3A_397, %swap3A_398] {strides = array<i32>} : memref<176x128xf32, #tpu.memory_space<vmem>>, vector<16xf32>,
          tpu.vector_store %arg8[%swap3A_397, %swap3A_398], %gather3A_359 {strides = array<i32>} : memref<176x128xf32, #tpu.memory_space<vmem>>, vector<16xf32>,
          %add3A_400 = arith.constant 48 : i32
          %add3A_401 = arith.addi %add3A_400, %scan3A_95 : i32
          %swap3A_402 = arith.index_cast %add3A_401 : i32 to index
          %swap3A_403 = arith.constant 80 : index
          %swap3A_404 = tpu.vector_load %arg8[%swap3A_402, %swap3A_403] {strides = array<i32>} : memref<176x128xf32, #tpu.memory_space<vmem>>, vector<16xf32>,
          tpu.vector_store %arg8[%swap3A_402, %swap3A_403], %gather3A_364 {strides = array<i32>} : memref<176x128xf32, #tpu.memory_space<vmem>>, vector<16xf32>,
          %add3A_405 = arith.constant 48 : i32
          %add3A_406 = arith.addi %add3A_405, %scan3A_95 : i32
          %swap3A_407 = arith.index_cast %add3A_406 : i32 to index
          %swap3A_408 = arith.constant 96 : index
          %swap3A_409 = tpu.vector_load %arg8[%swap3A_407, %swap3A_408] {strides = array<i32>} : memref<176x128xf32, #tpu.memory_space<vmem>>, vector<16xf32>,
          tpu.vector_store %arg8[%swap3A_407, %swap3A_408], %gather3A_369 {strides = array<i32>} : memref<176x128xf32, #tpu.memory_space<vmem>>, vector<16xf32>,
          %add3A_410 = arith.constant 48 : i32
          %add3A_411 = arith.addi %add3A_410, %scan3A_95 : i32
          %swap3A_412 = arith.index_cast %add3A_411 : i32 to index
          %swap3A_413 = arith.constant 112 : index
          %swap3A_414 = tpu.vector_load %arg8[%swap3A_412, %swap3A_413] {strides = array<i32>} : memref<176x128xf32, #tpu.memory_space<vmem>>, vector<16xf32>,
          tpu.vector_store %arg8[%swap3A_412, %swap3A_413], %gather3A_374 {strides = array<i32>} : memref<176x128xf32, #tpu.memory_space<vmem>>, vector<16xf32>,
          %broadcast_in_dim3A_415 = arith.constant 512 : i32
          %broadcast_in_dim3A_416 = vector.broadcast %broadcast_in_dim3A_415 : i32 to vector<16xi32>
          %add3A_417 = vector.broadcast %mul3A_97 : i32 to vector<16xi32>
          %add3A_418 = arith.addi %broadcast_in_dim3A_416, %add3A_417 : vector<16xi32>
          %gather3A_419 = tpu.vector_load_idx %arg6[%iota3A, %add3A_418] : memref<16x1409xf32, #tpu.memory_space<vmem>>[vector<16xi32>, vector<16xi32>], vector<16xf32>,
          %broadcast_in_dim3A_420 = arith.constant 513 : i32
          %broadcast_in_dim3A_421 = vector.broadcast %broadcast_in_dim3A_420 : i32 to vector<16xi32>
          %add3A_422 = vector.broadcast %mul3A_97 : i32 to vector<16xi32>
          %add3A_423 = arith.addi %broadcast_in_dim3A_421, %add3A_422 : vector<16xi32>
          %gather3A_424 = tpu.vector_load_idx %arg6[%iota3A, %add3A_423] : memref<16x1409xf32, #tpu.memory_space<vmem>>[vector<16xi32>, vector<16xi32>], vector<16xf32>,
          %broadcast_in_dim3A_425 = arith.constant 514 : i32
          %broadcast_in_dim3A_426 = vector.broadcast %broadcast_in_dim3A_425 : i32 to vector<16xi32>
          %add3A_427 = vector.broadcast %mul3A_97 : i32 to vector<16xi32>
          %add3A_428 = arith.addi %broadcast_in_dim3A_426, %add3A_427 : vector<16xi32>
          %gather3A_429 = tpu.vector_load_idx %arg6[%iota3A, %add3A_428] : memref<16x1409xf32, #tpu.memory_space<vmem>>[vector<16xi32>, vector<16xi32>], vector<16xf32>,
          %broadcast_in_dim3A_430 = arith.constant 515 : i32
          %broadcast_in_dim3A_431 = vector.broadcast %broadcast_in_dim3A_430 : i32 to vector<16xi32>
          %add3A_432 = vector.broadcast %mul3A_97 : i32 to vector<16xi32>
          %add3A_433 = arith.addi %broadcast_in_dim3A_431, %add3A_432 : vector<16xi32>
          %gather3A_434 = tpu.vector_load_idx %arg6[%iota3A, %add3A_433] : memref<16x1409xf32, #tpu.memory_space<vmem>>[vector<16xi32>, vector<16xi32>], vector<16xf32>,
          %broadcast_in_dim3A_435 = arith.constant 516 : i32
          %broadcast_in_dim3A_436 = vector.broadcast %broadcast_in_dim3A_435 : i32 to vector<16xi32>
          %add3A_437 = vector.broadcast %mul3A_97 : i32 to vector<16xi32>
          %add3A_438 = arith.addi %broadcast_in_dim3A_436, %add3A_437 : vector<16xi32>
          %gather3A_439 = tpu.vector_load_idx %arg6[%iota3A, %add3A_438] : memref<16x1409xf32, #tpu.memory_space<vmem>>[vector<16xi32>, vector<16xi32>], vector<16xf32>,
          %broadcast_in_dim3A_440 = arith.constant 517 : i32
          %broadcast_in_dim3A_441 = vector.broadcast %broadcast_in_dim3A_440 : i32 to vector<16xi32>
          %add3A_442 = vector.broadcast %mul3A_97 : i32 to vector<16xi32>
          %add3A_443 = arith.addi %broadcast_in_dim3A_441, %add3A_442 : vector<16xi32>
          %gather3A_444 = tpu.vector_load_idx %arg6[%iota3A, %add3A_443] : memref<16x1409xf32, #tpu.memory_space<vmem>>[vector<16xi32>, vector<16xi32>], vector<16xf32>,
          %broadcast_in_dim3A_445 = arith.constant 518 : i32
          %broadcast_in_dim3A_446 = vector.broadcast %broadcast_in_dim3A_445 : i32 to vector<16xi32>
          %add3A_447 = vector.broadcast %mul3A_97 : i32 to vector<16xi32>
          %add3A_448 = arith.addi %broadcast_in_dim3A_446, %add3A_447 : vector<16xi32>
          %gather3A_449 = tpu.vector_load_idx %arg6[%iota3A, %add3A_448] : memref<16x1409xf32, #tpu.memory_space<vmem>>[vector<16xi32>, vector<16xi32>], vector<16xf32>,
          %broadcast_in_dim3A_450 = arith.constant 519 : i32
          %broadcast_in_dim3A_451 = vector.broadcast %broadcast_in_dim3A_450 : i32 to vector<16xi32>
          %add3A_452 = vector.broadcast %mul3A_97 : i32 to vector<16xi32>
          %add3A_453 = arith.addi %broadcast_in_dim3A_451, %add3A_452 : vector<16xi32>
          %gather3A_454 = tpu.vector_load_idx %arg6[%iota3A, %add3A_453] : memref<16x1409xf32, #tpu.memory_space<vmem>>[vector<16xi32>, vector<16xi32>], vector<16xf32>,
          %add3A_455 = arith.constant 64 : i32
          %add3A_456 = arith.addi %add3A_455, %scan3A_95 : i32
          %swap3A_457 = arith.index_cast %add3A_456 : i32 to index
          %swap3A_458 = arith.constant 0 : index
          %swap3A_459 = tpu.vector_load %arg8[%swap3A_457, %swap3A_458] {strides = array<i32>} : memref<176x128xf32, #tpu.memory_space<vmem>>, vector<16xf32>,
          tpu.vector_store %arg8[%swap3A_457, %swap3A_458], %gather3A_419 {strides = array<i32>} : memref<176x128xf32, #tpu.memory_space<vmem>>, vector<16xf32>,
          %add3A_460 = arith.constant 64 : i32
          %add3A_461 = arith.addi %add3A_460, %scan3A_95 : i32
          %swap3A_462 = arith.index_cast %add3A_461 : i32 to index
          %swap3A_463 = arith.constant 16 : index
          %swap3A_464 = tpu.vector_load %arg8[%swap3A_462, %swap3A_463] {strides = array<i32>} : memref<176x128xf32, #tpu.memory_space<vmem>>, vector<16xf32>,
          tpu.vector_store %arg8[%swap3A_462, %swap3A_463], %gather3A_424 {strides = array<i32>} : memref<176x128xf32, #tpu.memory_space<vmem>>, vector<16xf32>,
          %add3A_465 = arith.constant 64 : i32
          %add3A_466 = arith.addi %add3A_465, %scan3A_95 : i32
          %swap3A_467 = arith.index_cast %add3A_466 : i32 to index
          %swap3A_468 = arith.constant 32 : index
          %swap3A_469 = tpu.vector_load %arg8[%swap3A_467, %swap3A_468] {strides = array<i32>} : memref<176x128xf32, #tpu.memory_space<vmem>>, vector<16xf32>,
          tpu.vector_store %arg8[%swap3A_467, %swap3A_468], %gather3A_429 {strides = array<i32>} : memref<176x128xf32, #tpu.memory_space<vmem>>, vector<16xf32>,
          %add3A_470 = arith.constant 64 : i32
          %add3A_471 = arith.addi %add3A_470, %scan3A_95 : i32
          %swap3A_472 = arith.index_cast %add3A_471 : i32 to index
          %swap3A_473 = arith.constant 48 : index
          %swap3A_474 = tpu.vector_load %arg8[%swap3A_472, %swap3A_473] {strides = array<i32>} : memref<176x128xf32, #tpu.memory_space<vmem>>, vector<16xf32>,
          tpu.vector_store %arg8[%swap3A_472, %swap3A_473], %gather3A_434 {strides = array<i32>} : memref<176x128xf32, #tpu.memory_space<vmem>>, vector<16xf32>,
          %add3A_475 = arith.constant 64 : i32
          %add3A_476 = arith.addi %add3A_475, %scan3A_95 : i32
          %swap3A_477 = arith.index_cast %add3A_476 : i32 to index
          %swap3A_478 = arith.constant 64 : index
          %swap3A_479 = tpu.vector_load %arg8[%swap3A_477, %swap3A_478] {strides = array<i32>} : memref<176x128xf32, #tpu.memory_space<vmem>>, vector<16xf32>,
          tpu.vector_store %arg8[%swap3A_477, %swap3A_478], %gather3A_439 {strides = array<i32>} : memref<176x128xf32, #tpu.memory_space<vmem>>, vector<16xf32>,
          %add3A_480 = arith.constant 64 : i32
          %add3A_481 = arith.addi %add3A_480, %scan3A_95 : i32
          %swap3A_482 = arith.index_cast %add3A_481 : i32 to index
          %swap3A_483 = arith.constant 80 : index
          %swap3A_484 = tpu.vector_load %arg8[%swap3A_482, %swap3A_483] {strides = array<i32>} : memref<176x128xf32, #tpu.memory_space<vmem>>, vector<16xf32>,
          tpu.vector_store %arg8[%swap3A_482, %swap3A_483], %gather3A_444 {strides = array<i32>} : memref<176x128xf32, #tpu.memory_space<vmem>>, vector<16xf32>,
          %add3A_485 = arith.constant 64 : i32
          %add3A_486 = arith.addi %add3A_485, %scan3A_95 : i32
          %swap3A_487 = arith.index_cast %add3A_486 : i32 to index
          %swap3A_488 = arith.constant 96 : index
          %swap3A_489 = tpu.vector_load %arg8[%swap3A_487, %swap3A_488] {strides = array<i32>} : memref<176x128xf32, #tpu.memory_space<vmem>>, vector<16xf32>,
          tpu.vector_store %arg8[%swap3A_487, %swap3A_488], %gather3A_449 {strides = array<i32>} : memref<176x128xf32, #tpu.memory_space<vmem>>, vector<16xf32>,
          %add3A_490 = arith.constant 64 : i32
          %add3A_491 = arith.addi %add3A_490, %scan3A_95 : i32
          %swap3A_492 = arith.index_cast %add3A_491 : i32 to index
          %swap3A_493 = arith.constant 112 : index
          %swap3A_494 = tpu.vector_load %arg8[%swap3A_492, %swap3A_493] {strides = array<i32>} : memref<176x128xf32, #tpu.memory_space<vmem>>, vector<16xf32>,
          tpu.vector_store %arg8[%swap3A_492, %swap3A_493], %gather3A_454 {strides = array<i32>} : memref<176x128xf32, #tpu.memory_space<vmem>>, vector<16xf32>,
          %broadcast_in_dim3A_495 = arith.constant 640 : i32
          %broadcast_in_dim3A_496 = vector.broadcast %broadcast_in_dim3A_495 : i32 to vector<16xi32>
          %add3A_497 = vector.broadcast %mul3A_97 : i32 to vector<16xi32>
          %add3A_498 = arith.addi %broadcast_in_dim3A_496, %add3A_497 : vector<16xi32>
          %gather3A_499 = tpu.vector_load_idx %arg6[%iota3A, %add3A_498] : memref<16x1409xf32, #tpu.memory_space<vmem>>[vector<16xi32>, vector<16xi32>], vector<16xf32>,
          %broadcast_in_dim3A_500 = arith.constant 641 : i32
          %broadcast_in_dim3A_501 = vector.broadcast %broadcast_in_dim3A_500 : i32 to vector<16xi32>
          %add3A_502 = vector.broadcast %mul3A_97 : i32 to vector<16xi32>
          %add3A_503 = arith.addi %broadcast_in_dim3A_501, %add3A_502 : vector<16xi32>
          %gather3A_504 = tpu.vector_load_idx %arg6[%iota3A, %add3A_503] : memref<16x1409xf32, #tpu.memory_space<vmem>>[vector<16xi32>, vector<16xi32>], vector<16xf32>,
          %broadcast_in_dim3A_505 = arith.constant 642 : i32
          %broadcast_in_dim3A_506 = vector.broadcast %broadcast_in_dim3A_505 : i32 to vector<16xi32>
          %add3A_507 = vector.broadcast %mul3A_97 : i32 to vector<16xi32>
          %add3A_508 = arith.addi %broadcast_in_dim3A_506, %add3A_507 : vector<16xi32>
          %gather3A_509 = tpu.vector_load_idx %arg6[%iota3A, %add3A_508] : memref<16x1409xf32, #tpu.memory_space<vmem>>[vector<16xi32>, vector<16xi32>], vector<16xf32>,
          %broadcast_in_dim3A_510 = arith.constant 643 : i32
          %broadcast_in_dim3A_511 = vector.broadcast %broadcast_in_dim3A_510 : i32 to vector<16xi32>
          %add3A_512 = vector.broadcast %mul3A_97 : i32 to vector<16xi32>
          %add3A_513 = arith.addi %broadcast_in_dim3A_511, %add3A_512 : vector<16xi32>
          %gather3A_514 = tpu.vector_load_idx %arg6[%iota3A, %add3A_513] : memref<16x1409xf32, #tpu.memory_space<vmem>>[vector<16xi32>, vector<16xi32>], vector<16xf32>,
          %broadcast_in_dim3A_515 = arith.constant 644 : i32
          %broadcast_in_dim3A_516 = vector.broadcast %broadcast_in_dim3A_515 : i32 to vector<16xi32>
          %add3A_517 = vector.broadcast %mul3A_97 : i32 to vector<16xi32>
          %add3A_518 = arith.addi %broadcast_in_dim3A_516, %add3A_517 : vector<16xi32>
          %gather3A_519 = tpu.vector_load_idx %arg6[%iota3A, %add3A_518] : memref<16x1409xf32, #tpu.memory_space<vmem>>[vector<16xi32>, vector<16xi32>], vector<16xf32>,
          %broadcast_in_dim3A_520 = arith.constant 645 : i32
          %broadcast_in_dim3A_521 = vector.broadcast %broadcast_in_dim3A_520 : i32 to vector<16xi32>
          %add3A_522 = vector.broadcast %mul3A_97 : i32 to vector<16xi32>
          %add3A_523 = arith.addi %broadcast_in_dim3A_521, %add3A_522 : vector<16xi32>
          %gather3A_524 = tpu.vector_load_idx %arg6[%iota3A, %add3A_523] : memref<16x1409xf32, #tpu.memory_space<vmem>>[vector<16xi32>, vector<16xi32>], vector<16xf32>,
          %broadcast_in_dim3A_525 = arith.constant 646 : i32
          %broadcast_in_dim3A_526 = vector.broadcast %broadcast_in_dim3A_525 : i32 to vector<16xi32>
          %add3A_527 = vector.broadcast %mul3A_97 : i32 to vector<16xi32>
          %add3A_528 = arith.addi %broadcast_in_dim3A_526, %add3A_527 : vector<16xi32>
          %gather3A_529 = tpu.vector_load_idx %arg6[%iota3A, %add3A_528] : memref<16x1409xf32, #tpu.memory_space<vmem>>[vector<16xi32>, vector<16xi32>], vector<16xf32>,
          %broadcast_in_dim3A_530 = arith.constant 647 : i32
          %broadcast_in_dim3A_531 = vector.broadcast %broadcast_in_dim3A_530 : i32 to vector<16xi32>
          %add3A_532 = vector.broadcast %mul3A_97 : i32 to vector<16xi32>
          %add3A_533 = arith.addi %broadcast_in_dim3A_531, %add3A_532 : vector<16xi32>
          %gather3A_534 = tpu.vector_load_idx %arg6[%iota3A, %add3A_533] : memref<16x1409xf32, #tpu.memory_space<vmem>>[vector<16xi32>, vector<16xi32>], vector<16xf32>,
          %add3A_535 = arith.constant 80 : i32
          %add3A_536 = arith.addi %add3A_535, %scan3A_95 : i32
          %swap3A_537 = arith.index_cast %add3A_536 : i32 to index
          %swap3A_538 = arith.constant 0 : index
          %swap3A_539 = tpu.vector_load %arg8[%swap3A_537, %swap3A_538] {strides = array<i32>} : memref<176x128xf32, #tpu.memory_space<vmem>>, vector<16xf32>,
          tpu.vector_store %arg8[%swap3A_537, %swap3A_538], %gather3A_499 {strides = array<i32>} : memref<176x128xf32, #tpu.memory_space<vmem>>, vector<16xf32>,
          %add3A_540 = arith.constant 80 : i32
          %add3A_541 = arith.addi %add3A_540, %scan3A_95 : i32
          %swap3A_542 = arith.index_cast %add3A_541 : i32 to index
          %swap3A_543 = arith.constant 16 : index
          %swap3A_544 = tpu.vector_load %arg8[%swap3A_542, %swap3A_543] {strides = array<i32>} : memref<176x128xf32, #tpu.memory_space<vmem>>, vector<16xf32>,
          tpu.vector_store %arg8[%swap3A_542, %swap3A_543], %gather3A_504 {strides = array<i32>} : memref<176x128xf32, #tpu.memory_space<vmem>>, vector<16xf32>,
          %add3A_545 = arith.constant 80 : i32
          %add3A_546 = arith.addi %add3A_545, %scan3A_95 : i32
          %swap3A_547 = arith.index_cast %add3A_546 : i32 to index
          %swap3A_548 = arith.constant 32 : index
          %swap3A_549 = tpu.vector_load %arg8[%swap3A_547, %swap3A_548] {strides = array<i32>} : memref<176x128xf32, #tpu.memory_space<vmem>>, vector<16xf32>,
          tpu.vector_store %arg8[%swap3A_547, %swap3A_548], %gather3A_509 {strides = array<i32>} : memref<176x128xf32, #tpu.memory_space<vmem>>, vector<16xf32>,
          %add3A_550 = arith.constant 80 : i32
          %add3A_551 = arith.addi %add3A_550, %scan3A_95 : i32
          %swap3A_552 = arith.index_cast %add3A_551 : i32 to index
          %swap3A_553 = arith.constant 48 : index
          %swap3A_554 = tpu.vector_load %arg8[%swap3A_552, %swap3A_553] {strides = array<i32>} : memref<176x128xf32, #tpu.memory_space<vmem>>, vector<16xf32>,
          tpu.vector_store %arg8[%swap3A_552, %swap3A_553], %gather3A_514 {strides = array<i32>} : memref<176x128xf32, #tpu.memory_space<vmem>>, vector<16xf32>,
          %add3A_555 = arith.constant 80 : i32
          %add3A_556 = arith.addi %add3A_555, %scan3A_95 : i32
          %swap3A_557 = arith.index_cast %add3A_556 : i32 to index
          %swap3A_558 = arith.constant 64 : index
          %swap3A_559 = tpu.vector_load %arg8[%swap3A_557, %swap3A_558] {strides = array<i32>} : memref<176x128xf32, #tpu.memory_space<vmem>>, vector<16xf32>,
          tpu.vector_store %arg8[%swap3A_557, %swap3A_558], %gather3A_519 {strides = array<i32>} : memref<176x128xf32, #tpu.memory_space<vmem>>, vector<16xf32>,
          %add3A_560 = arith.constant 80 : i32
          %add3A_561 = arith.addi %add3A_560, %scan3A_95 : i32
          %swap3A_562 = arith.index_cast %add3A_561 : i32 to index
          %swap3A_563 = arith.constant 80 : index
          %swap3A_564 = tpu.vector_load %arg8[%swap3A_562, %swap3A_563] {strides = array<i32>} : memref<176x128xf32, #tpu.memory_space<vmem>>, vector<16xf32>,
          tpu.vector_store %arg8[%swap3A_562, %swap3A_563], %gather3A_524 {strides = array<i32>} : memref<176x128xf32, #tpu.memory_space<vmem>>, vector<16xf32>,
          %add3A_565 = arith.constant 80 : i32
          %add3A_566 = arith.addi %add3A_565, %scan3A_95 : i32
          %swap3A_567 = arith.index_cast %add3A_566 : i32 to index
          %swap3A_568 = arith.constant 96 : index
          %swap3A_569 = tpu.vector_load %arg8[%swap3A_567, %swap3A_568] {strides = array<i32>} : memref<176x128xf32, #tpu.memory_space<vmem>>, vector<16xf32>,
          tpu.vector_store %arg8[%swap3A_567, %swap3A_568], %gather3A_529 {strides = array<i32>} : memref<176x128xf32, #tpu.memory_space<vmem>>, vector<16xf32>,
          %add3A_570 = arith.constant 80 : i32
          %add3A_571 = arith.addi %add3A_570, %scan3A_95 : i32
          %swap3A_572 = arith.index_cast %add3A_571 : i32 to index
          %swap3A_573 = arith.constant 112 : index
          %swap3A_574 = tpu.vector_load %arg8[%swap3A_572, %swap3A_573] {strides = array<i32>} : memref<176x128xf32, #tpu.memory_space<vmem>>, vector<16xf32>,
          tpu.vector_store %arg8[%swap3A_572, %swap3A_573], %gather3A_534 {strides = array<i32>} : memref<176x128xf32, #tpu.memory_space<vmem>>, vector<16xf32>,
          %broadcast_in_dim3A_575 = arith.constant 768 : i32
          %broadcast_in_dim3A_576 = vector.broadcast %broadcast_in_dim3A_575 : i32 to vector<16xi32>
          %add3A_577 = vector.broadcast %mul3A_97 : i32 to vector<16xi32>
          %add3A_578 = arith.addi %broadcast_in_dim3A_576, %add3A_577 : vector<16xi32>
          %gather3A_579 = tpu.vector_load_idx %arg6[%iota3A, %add3A_578] : memref<16x1409xf32, #tpu.memory_space<vmem>>[vector<16xi32>, vector<16xi32>], vector<16xf32>,
          %broadcast_in_dim3A_580 = arith.constant 769 : i32
          %broadcast_in_dim3A_581 = vector.broadcast %broadcast_in_dim3A_580 : i32 to vector<16xi32>
          %add3A_582 = vector.broadcast %mul3A_97 : i32 to vector<16xi32>
          %add3A_583 = arith.addi %broadcast_in_dim3A_581, %add3A_582 : vector<16xi32>
          %gather3A_584 = tpu.vector_load_idx %arg6[%iota3A, %add3A_583] : memref<16x1409xf32, #tpu.memory_space<vmem>>[vector<16xi32>, vector<16xi32>], vector<16xf32>,
          %broadcast_in_dim3A_585 = arith.constant 770 : i32
          %broadcast_in_dim3A_586 = vector.broadcast %broadcast_in_dim3A_585 : i32 to vector<16xi32>
          %add3A_587 = vector.broadcast %mul3A_97 : i32 to vector<16xi32>
          %add3A_588 = arith.addi %broadcast_in_dim3A_586, %add3A_587 : vector<16xi32>
          %gather3A_589 = tpu.vector_load_idx %arg6[%iota3A, %add3A_588] : memref<16x1409xf32, #tpu.memory_space<vmem>>[vector<16xi32>, vector<16xi32>], vector<16xf32>,
          %broadcast_in_dim3A_590 = arith.constant 771 : i32
          %broadcast_in_dim3A_591 = vector.broadcast %broadcast_in_dim3A_590 : i32 to vector<16xi32>
          %add3A_592 = vector.broadcast %mul3A_97 : i32 to vector<16xi32>
          %add3A_593 = arith.addi %broadcast_in_dim3A_591, %add3A_592 : vector<16xi32>
          %gather3A_594 = tpu.vector_load_idx %arg6[%iota3A, %add3A_593] : memref<16x1409xf32, #tpu.memory_space<vmem>>[vector<16xi32>, vector<16xi32>], vector<16xf32>,
          %broadcast_in_dim3A_595 = arith.constant 772 : i32
          %broadcast_in_dim3A_596 = vector.broadcast %broadcast_in_dim3A_595 : i32 to vector<16xi32>
          %add3A_597 = vector.broadcast %mul3A_97 : i32 to vector<16xi32>
          %add3A_598 = arith.addi %broadcast_in_dim3A_596, %add3A_597 : vector<16xi32>
          %gather3A_599 = tpu.vector_load_idx %arg6[%iota3A, %add3A_598] : memref<16x1409xf32, #tpu.memory_space<vmem>>[vector<16xi32>, vector<16xi32>], vector<16xf32>,
          %broadcast_in_dim3A_600 = arith.constant 773 : i32
          %broadcast_in_dim3A_601 = vector.broadcast %broadcast_in_dim3A_600 : i32 to vector<16xi32>
          %add3A_602 = vector.broadcast %mul3A_97 : i32 to vector<16xi32>
          %add3A_603 = arith.addi %broadcast_in_dim3A_601, %add3A_602 : vector<16xi32>
          %gather3A_604 = tpu.vector_load_idx %arg6[%iota3A, %add3A_603] : memref<16x1409xf32, #tpu.memory_space<vmem>>[vector<16xi32>, vector<16xi32>], vector<16xf32>,
          %broadcast_in_dim3A_605 = arith.constant 774 : i32
          %broadcast_in_dim3A_606 = vector.broadcast %broadcast_in_dim3A_605 : i32 to vector<16xi32>
          %add3A_607 = vector.broadcast %mul3A_97 : i32 to vector<16xi32>
          %add3A_608 = arith.addi %broadcast_in_dim3A_606, %add3A_607 : vector<16xi32>
          %gather3A_609 = tpu.vector_load_idx %arg6[%iota3A, %add3A_608] : memref<16x1409xf32, #tpu.memory_space<vmem>>[vector<16xi32>, vector<16xi32>], vector<16xf32>,
          %broadcast_in_dim3A_610 = arith.constant 775 : i32
          %broadcast_in_dim3A_611 = vector.broadcast %broadcast_in_dim3A_610 : i32 to vector<16xi32>
          %add3A_612 = vector.broadcast %mul3A_97 : i32 to vector<16xi32>
          %add3A_613 = arith.addi %broadcast_in_dim3A_611, %add3A_612 : vector<16xi32>
          %gather3A_614 = tpu.vector_load_idx %arg6[%iota3A, %add3A_613] : memref<16x1409xf32, #tpu.memory_space<vmem>>[vector<16xi32>, vector<16xi32>], vector<16xf32>,
          %add3A_615 = arith.constant 96 : i32
          %add3A_616 = arith.addi %add3A_615, %scan3A_95 : i32
          %swap3A_617 = arith.index_cast %add3A_616 : i32 to index
          %swap3A_618 = arith.constant 0 : index
          %swap3A_619 = tpu.vector_load %arg8[%swap3A_617, %swap3A_618] {strides = array<i32>} : memref<176x128xf32, #tpu.memory_space<vmem>>, vector<16xf32>,
          tpu.vector_store %arg8[%swap3A_617, %swap3A_618], %gather3A_579 {strides = array<i32>} : memref<176x128xf32, #tpu.memory_space<vmem>>, vector<16xf32>,
          %add3A_620 = arith.constant 96 : i32
          %add3A_621 = arith.addi %add3A_620, %scan3A_95 : i32
          %swap3A_622 = arith.index_cast %add3A_621 : i32 to index
          %swap3A_623 = arith.constant 16 : index
          %swap3A_624 = tpu.vector_load %arg8[%swap3A_622, %swap3A_623] {strides = array<i32>} : memref<176x128xf32, #tpu.memory_space<vmem>>, vector<16xf32>,
          tpu.vector_store %arg8[%swap3A_622, %swap3A_623], %gather3A_584 {strides = array<i32>} : memref<176x128xf32, #tpu.memory_space<vmem>>, vector<16xf32>,
          %add3A_625 = arith.constant 96 : i32
          %add3A_626 = arith.addi %add3A_625, %scan3A_95 : i32
          %swap3A_627 = arith.index_cast %add3A_626 : i32 to index
          %swap3A_628 = arith.constant 32 : index
          %swap3A_629 = tpu.vector_load %arg8[%swap3A_627, %swap3A_628] {strides = array<i32>} : memref<176x128xf32, #tpu.memory_space<vmem>>, vector<16xf32>,
          tpu.vector_store %arg8[%swap3A_627, %swap3A_628], %gather3A_589 {strides = array<i32>} : memref<176x128xf32, #tpu.memory_space<vmem>>, vector<16xf32>,
          %add3A_630 = arith.constant 96 : i32
          %add3A_631 = arith.addi %add3A_630, %scan3A_95 : i32
          %swap3A_632 = arith.index_cast %add3A_631 : i32 to index
          %swap3A_633 = arith.constant 48 : index
          %swap3A_634 = tpu.vector_load %arg8[%swap3A_632, %swap3A_633] {strides = array<i32>} : memref<176x128xf32, #tpu.memory_space<vmem>>, vector<16xf32>,
          tpu.vector_store %arg8[%swap3A_632, %swap3A_633], %gather3A_594 {strides = array<i32>} : memref<176x128xf32, #tpu.memory_space<vmem>>, vector<16xf32>,
          %add3A_635 = arith.constant 96 : i32
          %add3A_636 = arith.addi %add3A_635, %scan3A_95 : i32
          %swap3A_637 = arith.index_cast %add3A_636 : i32 to index
          %swap3A_638 = arith.constant 64 : index
          %swap3A_639 = tpu.vector_load %arg8[%swap3A_637, %swap3A_638] {strides = array<i32>} : memref<176x128xf32, #tpu.memory_space<vmem>>, vector<16xf32>,
          tpu.vector_store %arg8[%swap3A_637, %swap3A_638], %gather3A_599 {strides = array<i32>} : memref<176x128xf32, #tpu.memory_space<vmem>>, vector<16xf32>,
          %add3A_640 = arith.constant 96 : i32
          %add3A_641 = arith.addi %add3A_640, %scan3A_95 : i32
          %swap3A_642 = arith.index_cast %add3A_641 : i32 to index
          %swap3A_643 = arith.constant 80 : index
          %swap3A_644 = tpu.vector_load %arg8[%swap3A_642, %swap3A_643] {strides = array<i32>} : memref<176x128xf32, #tpu.memory_space<vmem>>, vector<16xf32>,
          tpu.vector_store %arg8[%swap3A_642, %swap3A_643], %gather3A_604 {strides = array<i32>} : memref<176x128xf32, #tpu.memory_space<vmem>>, vector<16xf32>,
          %add3A_645 = arith.constant 96 : i32
          %add3A_646 = arith.addi %add3A_645, %scan3A_95 : i32
          %swap3A_647 = arith.index_cast %add3A_646 : i32 to index
          %swap3A_648 = arith.constant 96 : index
          %swap3A_649 = tpu.vector_load %arg8[%swap3A_647, %swap3A_648] {strides = array<i32>} : memref<176x128xf32, #tpu.memory_space<vmem>>, vector<16xf32>,
          tpu.vector_store %arg8[%swap3A_647, %swap3A_648], %gather3A_609 {strides = array<i32>} : memref<176x128xf32, #tpu.memory_space<vmem>>, vector<16xf32>,
          %add3A_650 = arith.constant 96 : i32
          %add3A_651 = arith.addi %add3A_650, %scan3A_95 : i32
          %swap3A_652 = arith.index_cast %add3A_651 : i32 to index
          %swap3A_653 = arith.constant 112 : index
          %swap3A_654 = tpu.vector_load %arg8[%swap3A_652, %swap3A_653] {strides = array<i32>} : memref<176x128xf32, #tpu.memory_space<vmem>>, vector<16xf32>,
          tpu.vector_store %arg8[%swap3A_652, %swap3A_653], %gather3A_614 {strides = array<i32>} : memref<176x128xf32, #tpu.memory_space<vmem>>, vector<16xf32>,
          %broadcast_in_dim3A_655 = arith.constant 896 : i32
          %broadcast_in_dim3A_656 = vector.broadcast %broadcast_in_dim3A_655 : i32 to vector<16xi32>
          %add3A_657 = vector.broadcast %mul3A_97 : i32 to vector<16xi32>
          %add3A_658 = arith.addi %broadcast_in_dim3A_656, %add3A_657 : vector<16xi32>
          %gather3A_659 = tpu.vector_load_idx %arg6[%iota3A, %add3A_658] : memref<16x1409xf32, #tpu.memory_space<vmem>>[vector<16xi32>, vector<16xi32>], vector<16xf32>,
          %broadcast_in_dim3A_660 = arith.constant 897 : i32
          %broadcast_in_dim3A_661 = vector.broadcast %broadcast_in_dim3A_660 : i32 to vector<16xi32>
          %add3A_662 = vector.broadcast %mul3A_97 : i32 to vector<16xi32>
          %add3A_663 = arith.addi %broadcast_in_dim3A_661, %add3A_662 : vector<16xi32>
          %gather3A_664 = tpu.vector_load_idx %arg6[%iota3A, %add3A_663] : memref<16x1409xf32, #tpu.memory_space<vmem>>[vector<16xi32>, vector<16xi32>], vector<16xf32>,
          %broadcast_in_dim3A_665 = arith.constant 898 : i32
          %broadcast_in_dim3A_666 = vector.broadcast %broadcast_in_dim3A_665 : i32 to vector<16xi32>
          %add3A_667 = vector.broadcast %mul3A_97 : i32 to vector<16xi32>
          %add3A_668 = arith.addi %broadcast_in_dim3A_666, %add3A_667 : vector<16xi32>
          %gather3A_669 = tpu.vector_load_idx %arg6[%iota3A, %add3A_668] : memref<16x1409xf32, #tpu.memory_space<vmem>>[vector<16xi32>, vector<16xi32>], vector<16xf32>,
          %broadcast_in_dim3A_670 = arith.constant 899 : i32
          %broadcast_in_dim3A_671 = vector.broadcast %broadcast_in_dim3A_670 : i32 to vector<16xi32>
          %add3A_672 = vector.broadcast %mul3A_97 : i32 to vector<16xi32>
          %add3A_673 = arith.addi %broadcast_in_dim3A_671, %add3A_672 : vector<16xi32>
          %gather3A_674 = tpu.vector_load_idx %arg6[%iota3A, %add3A_673] : memref<16x1409xf32, #tpu.memory_space<vmem>>[vector<16xi32>, vector<16xi32>], vector<16xf32>,
          %broadcast_in_dim3A_675 = arith.constant 900 : i32
          %broadcast_in_dim3A_676 = vector.broadcast %broadcast_in_dim3A_675 : i32 to vector<16xi32>
          %add3A_677 = vector.broadcast %mul3A_97 : i32 to vector<16xi32>
          %add3A_678 = arith.addi %broadcast_in_dim3A_676, %add3A_677 : vector<16xi32>
          %gather3A_679 = tpu.vector_load_idx %arg6[%iota3A, %add3A_678] : memref<16x1409xf32, #tpu.memory_space<vmem>>[vector<16xi32>, vector<16xi32>], vector<16xf32>,
          %broadcast_in_dim3A_680 = arith.constant 901 : i32
          %broadcast_in_dim3A_681 = vector.broadcast %broadcast_in_dim3A_680 : i32 to vector<16xi32>
          %add3A_682 = vector.broadcast %mul3A_97 : i32 to vector<16xi32>
          %add3A_683 = arith.addi %broadcast_in_dim3A_681, %add3A_682 : vector<16xi32>
          %gather3A_684 = tpu.vector_load_idx %arg6[%iota3A, %add3A_683] : memref<16x1409xf32, #tpu.memory_space<vmem>>[vector<16xi32>, vector<16xi32>], vector<16xf32>,
          %broadcast_in_dim3A_685 = arith.constant 902 : i32
          %broadcast_in_dim3A_686 = vector.broadcast %broadcast_in_dim3A_685 : i32 to vector<16xi32>
          %add3A_687 = vector.broadcast %mul3A_97 : i32 to vector<16xi32>
          %add3A_688 = arith.addi %broadcast_in_dim3A_686, %add3A_687 : vector<16xi32>
          %gather3A_689 = tpu.vector_load_idx %arg6[%iota3A, %add3A_688] : memref<16x1409xf32, #tpu.memory_space<vmem>>[vector<16xi32>, vector<16xi32>], vector<16xf32>,
          %broadcast_in_dim3A_690 = arith.constant 903 : i32
          %broadcast_in_dim3A_691 = vector.broadcast %broadcast_in_dim3A_690 : i32 to vector<16xi32>
          %add3A_692 = vector.broadcast %mul3A_97 : i32 to vector<16xi32>
          %add3A_693 = arith.addi %broadcast_in_dim3A_691, %add3A_692 : vector<16xi32>
          %gather3A_694 = tpu.vector_load_idx %arg6[%iota3A, %add3A_693] : memref<16x1409xf32, #tpu.memory_space<vmem>>[vector<16xi32>, vector<16xi32>], vector<16xf32>,
          %add3A_695 = arith.constant 112 : i32
          %add3A_696 = arith.addi %add3A_695, %scan3A_95 : i32
          %swap3A_697 = arith.index_cast %add3A_696 : i32 to index
          %swap3A_698 = arith.constant 0 : index
          %swap3A_699 = tpu.vector_load %arg8[%swap3A_697, %swap3A_698] {strides = array<i32>} : memref<176x128xf32, #tpu.memory_space<vmem>>, vector<16xf32>,
          tpu.vector_store %arg8[%swap3A_697, %swap3A_698], %gather3A_659 {strides = array<i32>} : memref<176x128xf32, #tpu.memory_space<vmem>>, vector<16xf32>,
          %add3A_700 = arith.constant 112 : i32
          %add3A_701 = arith.addi %add3A_700, %scan3A_95 : i32
          %swap3A_702 = arith.index_cast %add3A_701 : i32 to index
          %swap3A_703 = arith.constant 16 : index
          %swap3A_704 = tpu.vector_load %arg8[%swap3A_702, %swap3A_703] {strides = array<i32>} : memref<176x128xf32, #tpu.memory_space<vmem>>, vector<16xf32>,
          tpu.vector_store %arg8[%swap3A_702, %swap3A_703], %gather3A_664 {strides = array<i32>} : memref<176x128xf32, #tpu.memory_space<vmem>>, vector<16xf32>,
          %add3A_705 = arith.constant 112 : i32
          %add3A_706 = arith.addi %add3A_705, %scan3A_95 : i32
          %swap3A_707 = arith.index_cast %add3A_706 : i32 to index
          %swap3A_708 = arith.constant 32 : index
          %swap3A_709 = tpu.vector_load %arg8[%swap3A_707, %swap3A_708] {strides = array<i32>} : memref<176x128xf32, #tpu.memory_space<vmem>>, vector<16xf32>,
          tpu.vector_store %arg8[%swap3A_707, %swap3A_708], %gather3A_669 {strides = array<i32>} : memref<176x128xf32, #tpu.memory_space<vmem>>, vector<16xf32>,
          %add3A_710 = arith.constant 112 : i32
          %add3A_711 = arith.addi %add3A_710, %scan3A_95 : i32
          %swap3A_712 = arith.index_cast %add3A_711 : i32 to index
          %swap3A_713 = arith.constant 48 : index
          %swap3A_714 = tpu.vector_load %arg8[%swap3A_712, %swap3A_713] {strides = array<i32>} : memref<176x128xf32, #tpu.memory_space<vmem>>, vector<16xf32>,
          tpu.vector_store %arg8[%swap3A_712, %swap3A_713], %gather3A_674 {strides = array<i32>} : memref<176x128xf32, #tpu.memory_space<vmem>>, vector<16xf32>,
          %add3A_715 = arith.constant 112 : i32
          %add3A_716 = arith.addi %add3A_715, %scan3A_95 : i32
          %swap3A_717 = arith.index_cast %add3A_716 : i32 to index
          %swap3A_718 = arith.constant 64 : index
          %swap3A_719 = tpu.vector_load %arg8[%swap3A_717, %swap3A_718] {strides = array<i32>} : memref<176x128xf32, #tpu.memory_space<vmem>>, vector<16xf32>,
          tpu.vector_store %arg8[%swap3A_717, %swap3A_718], %gather3A_679 {strides = array<i32>} : memref<176x128xf32, #tpu.memory_space<vmem>>, vector<16xf32>,
          %add3A_720 = arith.constant 112 : i32
          %add3A_721 = arith.addi %add3A_720, %scan3A_95 : i32
          %swap3A_722 = arith.index_cast %add3A_721 : i32 to index
          %swap3A_723 = arith.constant 80 : index
          %swap3A_724 = tpu.vector_load %arg8[%swap3A_722, %swap3A_723] {strides = array<i32>} : memref<176x128xf32, #tpu.memory_space<vmem>>, vector<16xf32>,
          tpu.vector_store %arg8[%swap3A_722, %swap3A_723], %gather3A_684 {strides = array<i32>} : memref<176x128xf32, #tpu.memory_space<vmem>>, vector<16xf32>,
          %add3A_725 = arith.constant 112 : i32
          %add3A_726 = arith.addi %add3A_725, %scan3A_95 : i32
          %swap3A_727 = arith.index_cast %add3A_726 : i32 to index
          %swap3A_728 = arith.constant 96 : index
          %swap3A_729 = tpu.vector_load %arg8[%swap3A_727, %swap3A_728] {strides = array<i32>} : memref<176x128xf32, #tpu.memory_space<vmem>>, vector<16xf32>,
          tpu.vector_store %arg8[%swap3A_727, %swap3A_728], %gather3A_689 {strides = array<i32>} : memref<176x128xf32, #tpu.memory_space<vmem>>, vector<16xf32>,
          %add3A_730 = arith.constant 112 : i32
          %add3A_731 = arith.addi %add3A_730, %scan3A_95 : i32
          %swap3A_732 = arith.index_cast %add3A_731 : i32 to index
          %swap3A_733 = arith.constant 112 : index
          %swap3A_734 = tpu.vector_load %arg8[%swap3A_732, %swap3A_733] {strides = array<i32>} : memref<176x128xf32, #tpu.memory_space<vmem>>, vector<16xf32>,
          tpu.vector_store %arg8[%swap3A_732, %swap3A_733], %gather3A_694 {strides = array<i32>} : memref<176x128xf32, #tpu.memory_space<vmem>>, vector<16xf32>,
          %broadcast_in_dim3A_735 = arith.constant 1024 : i32
          %broadcast_in_dim3A_736 = vector.broadcast %broadcast_in_dim3A_735 : i32 to vector<16xi32>
          %add3A_737 = vector.broadcast %mul3A_97 : i32 to vector<16xi32>
          %add3A_738 = arith.addi %broadcast_in_dim3A_736, %add3A_737 : vector<16xi32>
          %gather3A_739 = tpu.vector_load_idx %arg6[%iota3A, %add3A_738] : memref<16x1409xf32, #tpu.memory_space<vmem>>[vector<16xi32>, vector<16xi32>], vector<16xf32>,
          %broadcast_in_dim3A_740 = arith.constant 1025 : i32
          %broadcast_in_dim3A_741 = vector.broadcast %broadcast_in_dim3A_740 : i32 to vector<16xi32>
          %add3A_742 = vector.broadcast %mul3A_97 : i32 to vector<16xi32>
          %add3A_743 = arith.addi %broadcast_in_dim3A_741, %add3A_742 : vector<16xi32>
          %gather3A_744 = tpu.vector_load_idx %arg6[%iota3A, %add3A_743] : memref<16x1409xf32, #tpu.memory_space<vmem>>[vector<16xi32>, vector<16xi32>], vector<16xf32>,
          %broadcast_in_dim3A_745 = arith.constant 1026 : i32
          %broadcast_in_dim3A_746 = vector.broadcast %broadcast_in_dim3A_745 : i32 to vector<16xi32>
          %add3A_747 = vector.broadcast %mul3A_97 : i32 to vector<16xi32>
          %add3A_748 = arith.addi %broadcast_in_dim3A_746, %add3A_747 : vector<16xi32>
          %gather3A_749 = tpu.vector_load_idx %arg6[%iota3A, %add3A_748] : memref<16x1409xf32, #tpu.memory_space<vmem>>[vector<16xi32>, vector<16xi32>], vector<16xf32>,
          %broadcast_in_dim3A_750 = arith.constant 1027 : i32
          %broadcast_in_dim3A_751 = vector.broadcast %broadcast_in_dim3A_750 : i32 to vector<16xi32>
          %add3A_752 = vector.broadcast %mul3A_97 : i32 to vector<16xi32>
          %add3A_753 = arith.addi %broadcast_in_dim3A_751, %add3A_752 : vector<16xi32>
          %gather3A_754 = tpu.vector_load_idx %arg6[%iota3A, %add3A_753] : memref<16x1409xf32, #tpu.memory_space<vmem>>[vector<16xi32>, vector<16xi32>], vector<16xf32>,
          %broadcast_in_dim3A_755 = arith.constant 1028 : i32
          %broadcast_in_dim3A_756 = vector.broadcast %broadcast_in_dim3A_755 : i32 to vector<16xi32>
          %add3A_757 = vector.broadcast %mul3A_97 : i32 to vector<16xi32>
          %add3A_758 = arith.addi %broadcast_in_dim3A_756, %add3A_757 : vector<16xi32>
          %gather3A_759 = tpu.vector_load_idx %arg6[%iota3A, %add3A_758] : memref<16x1409xf32, #tpu.memory_space<vmem>>[vector<16xi32>, vector<16xi32>], vector<16xf32>,
          %broadcast_in_dim3A_760 = arith.constant 1029 : i32
          %broadcast_in_dim3A_761 = vector.broadcast %broadcast_in_dim3A_760 : i32 to vector<16xi32>
          %add3A_762 = vector.broadcast %mul3A_97 : i32 to vector<16xi32>
          %add3A_763 = arith.addi %broadcast_in_dim3A_761, %add3A_762 : vector<16xi32>
          %gather3A_764 = tpu.vector_load_idx %arg6[%iota3A, %add3A_763] : memref<16x1409xf32, #tpu.memory_space<vmem>>[vector<16xi32>, vector<16xi32>], vector<16xf32>,
          %broadcast_in_dim3A_765 = arith.constant 1030 : i32
          %broadcast_in_dim3A_766 = vector.broadcast %broadcast_in_dim3A_765 : i32 to vector<16xi32>
          %add3A_767 = vector.broadcast %mul3A_97 : i32 to vector<16xi32>
          %add3A_768 = arith.addi %broadcast_in_dim3A_766, %add3A_767 : vector<16xi32>
          %gather3A_769 = tpu.vector_load_idx %arg6[%iota3A, %add3A_768] : memref<16x1409xf32, #tpu.memory_space<vmem>>[vector<16xi32>, vector<16xi32>], vector<16xf32>,
          %broadcast_in_dim3A_770 = arith.constant 1031 : i32
          %broadcast_in_dim3A_771 = vector.broadcast %broadcast_in_dim3A_770 : i32 to vector<16xi32>
          %add3A_772 = vector.broadcast %mul3A_97 : i32 to vector<16xi32>
          %add3A_773 = arith.addi %broadcast_in_dim3A_771, %add3A_772 : vector<16xi32>
          %gather3A_774 = tpu.vector_load_idx %arg6[%iota3A, %add3A_773] : memref<16x1409xf32, #tpu.memory_space<vmem>>[vector<16xi32>, vector<16xi32>], vector<16xf32>,
          %add3A_775 = arith.constant 128 : i32
          %add3A_776 = arith.addi %add3A_775, %scan3A_95 : i32
          %swap3A_777 = arith.index_cast %add3A_776 : i32 to index
          %swap3A_778 = arith.constant 0 : index
          %swap3A_779 = tpu.vector_load %arg8[%swap3A_777, %swap3A_778] {strides = array<i32>} : memref<176x128xf32, #tpu.memory_space<vmem>>, vector<16xf32>,
          tpu.vector_store %arg8[%swap3A_777, %swap3A_778], %gather3A_739 {strides = array<i32>} : memref<176x128xf32, #tpu.memory_space<vmem>>, vector<16xf32>,
          %add3A_780 = arith.constant 128 : i32
          %add3A_781 = arith.addi %add3A_780, %scan3A_95 : i32
          %swap3A_782 = arith.index_cast %add3A_781 : i32 to index
          %swap3A_783 = arith.constant 16 : index
          %swap3A_784 = tpu.vector_load %arg8[%swap3A_782, %swap3A_783] {strides = array<i32>} : memref<176x128xf32, #tpu.memory_space<vmem>>, vector<16xf32>,
          tpu.vector_store %arg8[%swap3A_782, %swap3A_783], %gather3A_744 {strides = array<i32>} : memref<176x128xf32, #tpu.memory_space<vmem>>, vector<16xf32>,
          %add3A_785 = arith.constant 128 : i32
          %add3A_786 = arith.addi %add3A_785, %scan3A_95 : i32
          %swap3A_787 = arith.index_cast %add3A_786 : i32 to index
          %swap3A_788 = arith.constant 32 : index
          %swap3A_789 = tpu.vector_load %arg8[%swap3A_787, %swap3A_788] {strides = array<i32>} : memref<176x128xf32, #tpu.memory_space<vmem>>, vector<16xf32>,
          tpu.vector_store %arg8[%swap3A_787, %swap3A_788], %gather3A_749 {strides = array<i32>} : memref<176x128xf32, #tpu.memory_space<vmem>>, vector<16xf32>,
          %add3A_790 = arith.constant 128 : i32
          %add3A_791 = arith.addi %add3A_790, %scan3A_95 : i32
          %swap3A_792 = arith.index_cast %add3A_791 : i32 to index
          %swap3A_793 = arith.constant 48 : index
          %swap3A_794 = tpu.vector_load %arg8[%swap3A_792, %swap3A_793] {strides = array<i32>} : memref<176x128xf32, #tpu.memory_space<vmem>>, vector<16xf32>,
          tpu.vector_store %arg8[%swap3A_792, %swap3A_793], %gather3A_754 {strides = array<i32>} : memref<176x128xf32, #tpu.memory_space<vmem>>, vector<16xf32>,
          %add3A_795 = arith.constant 128 : i32
          %add3A_796 = arith.addi %add3A_795, %scan3A_95 : i32
          %swap3A_797 = arith.index_cast %add3A_796 : i32 to index
          %swap3A_798 = arith.constant 64 : index
          %swap3A_799 = tpu.vector_load %arg8[%swap3A_797, %swap3A_798] {strides = array<i32>} : memref<176x128xf32, #tpu.memory_space<vmem>>, vector<16xf32>,
          tpu.vector_store %arg8[%swap3A_797, %swap3A_798], %gather3A_759 {strides = array<i32>} : memref<176x128xf32, #tpu.memory_space<vmem>>, vector<16xf32>,
          %add3A_800 = arith.constant 128 : i32
          %add3A_801 = arith.addi %add3A_800, %scan3A_95 : i32
          %swap3A_802 = arith.index_cast %add3A_801 : i32 to index
          %swap3A_803 = arith.constant 80 : index
          %swap3A_804 = tpu.vector_load %arg8[%swap3A_802, %swap3A_803] {strides = array<i32>} : memref<176x128xf32, #tpu.memory_space<vmem>>, vector<16xf32>,
          tpu.vector_store %arg8[%swap3A_802, %swap3A_803], %gather3A_764 {strides = array<i32>} : memref<176x128xf32, #tpu.memory_space<vmem>>, vector<16xf32>,
          %add3A_805 = arith.constant 128 : i32
          %add3A_806 = arith.addi %add3A_805, %scan3A_95 : i32
          %swap3A_807 = arith.index_cast %add3A_806 : i32 to index
          %swap3A_808 = arith.constant 96 : index
          %swap3A_809 = tpu.vector_load %arg8[%swap3A_807, %swap3A_808] {strides = array<i32>} : memref<176x128xf32, #tpu.memory_space<vmem>>, vector<16xf32>,
          tpu.vector_store %arg8[%swap3A_807, %swap3A_808], %gather3A_769 {strides = array<i32>} : memref<176x128xf32, #tpu.memory_space<vmem>>, vector<16xf32>,
          %add3A_810 = arith.constant 128 : i32
          %add3A_811 = arith.addi %add3A_810, %scan3A_95 : i32
          %swap3A_812 = arith.index_cast %add3A_811 : i32 to index
          %swap3A_813 = arith.constant 112 : index
          %swap3A_814 = tpu.vector_load %arg8[%swap3A_812, %swap3A_813] {strides = array<i32>} : memref<176x128xf32, #tpu.memory_space<vmem>>, vector<16xf32>,
          tpu.vector_store %arg8[%swap3A_812, %swap3A_813], %gather3A_774 {strides = array<i32>} : memref<176x128xf32, #tpu.memory_space<vmem>>, vector<16xf32>,
          %broadcast_in_dim3A_815 = arith.constant 1152 : i32
          %broadcast_in_dim3A_816 = vector.broadcast %broadcast_in_dim3A_815 : i32 to vector<16xi32>
          %add3A_817 = vector.broadcast %mul3A_97 : i32 to vector<16xi32>
          %add3A_818 = arith.addi %broadcast_in_dim3A_816, %add3A_817 : vector<16xi32>
          %gather3A_819 = tpu.vector_load_idx %arg6[%iota3A, %add3A_818] : memref<16x1409xf32, #tpu.memory_space<vmem>>[vector<16xi32>, vector<16xi32>], vector<16xf32>,
          %broadcast_in_dim3A_820 = arith.constant 1153 : i32
          %broadcast_in_dim3A_821 = vector.broadcast %broadcast_in_dim3A_820 : i32 to vector<16xi32>
          %add3A_822 = vector.broadcast %mul3A_97 : i32 to vector<16xi32>
          %add3A_823 = arith.addi %broadcast_in_dim3A_821, %add3A_822 : vector<16xi32>
          %gather3A_824 = tpu.vector_load_idx %arg6[%iota3A, %add3A_823] : memref<16x1409xf32, #tpu.memory_space<vmem>>[vector<16xi32>, vector<16xi32>], vector<16xf32>,
          %broadcast_in_dim3A_825 = arith.constant 1154 : i32
          %broadcast_in_dim3A_826 = vector.broadcast %broadcast_in_dim3A_825 : i32 to vector<16xi32>
          %add3A_827 = vector.broadcast %mul3A_97 : i32 to vector<16xi32>
          %add3A_828 = arith.addi %broadcast_in_dim3A_826, %add3A_827 : vector<16xi32>
          %gather3A_829 = tpu.vector_load_idx %arg6[%iota3A, %add3A_828] : memref<16x1409xf32, #tpu.memory_space<vmem>>[vector<16xi32>, vector<16xi32>], vector<16xf32>,
          %broadcast_in_dim3A_830 = arith.constant 1155 : i32
          %broadcast_in_dim3A_831 = vector.broadcast %broadcast_in_dim3A_830 : i32 to vector<16xi32>
          %add3A_832 = vector.broadcast %mul3A_97 : i32 to vector<16xi32>
          %add3A_833 = arith.addi %broadcast_in_dim3A_831, %add3A_832 : vector<16xi32>
          %gather3A_834 = tpu.vector_load_idx %arg6[%iota3A, %add3A_833] : memref<16x1409xf32, #tpu.memory_space<vmem>>[vector<16xi32>, vector<16xi32>], vector<16xf32>,
          %broadcast_in_dim3A_835 = arith.constant 1156 : i32
          %broadcast_in_dim3A_836 = vector.broadcast %broadcast_in_dim3A_835 : i32 to vector<16xi32>
          %add3A_837 = vector.broadcast %mul3A_97 : i32 to vector<16xi32>
          %add3A_838 = arith.addi %broadcast_in_dim3A_836, %add3A_837 : vector<16xi32>
          %gather3A_839 = tpu.vector_load_idx %arg6[%iota3A, %add3A_838] : memref<16x1409xf32, #tpu.memory_space<vmem>>[vector<16xi32>, vector<16xi32>], vector<16xf32>,
          %broadcast_in_dim3A_840 = arith.constant 1157 : i32
          %broadcast_in_dim3A_841 = vector.broadcast %broadcast_in_dim3A_840 : i32 to vector<16xi32>
          %add3A_842 = vector.broadcast %mul3A_97 : i32 to vector<16xi32>
          %add3A_843 = arith.addi %broadcast_in_dim3A_841, %add3A_842 : vector<16xi32>
          %gather3A_844 = tpu.vector_load_idx %arg6[%iota3A, %add3A_843] : memref<16x1409xf32, #tpu.memory_space<vmem>>[vector<16xi32>, vector<16xi32>], vector<16xf32>,
          %broadcast_in_dim3A_845 = arith.constant 1158 : i32
          %broadcast_in_dim3A_846 = vector.broadcast %broadcast_in_dim3A_845 : i32 to vector<16xi32>
          %add3A_847 = vector.broadcast %mul3A_97 : i32 to vector<16xi32>
          %add3A_848 = arith.addi %broadcast_in_dim3A_846, %add3A_847 : vector<16xi32>
          %gather3A_849 = tpu.vector_load_idx %arg6[%iota3A, %add3A_848] : memref<16x1409xf32, #tpu.memory_space<vmem>>[vector<16xi32>, vector<16xi32>], vector<16xf32>,
          %broadcast_in_dim3A_850 = arith.constant 1159 : i32
          %broadcast_in_dim3A_851 = vector.broadcast %broadcast_in_dim3A_850 : i32 to vector<16xi32>
          %add3A_852 = vector.broadcast %mul3A_97 : i32 to vector<16xi32>
          %add3A_853 = arith.addi %broadcast_in_dim3A_851, %add3A_852 : vector<16xi32>
          %gather3A_854 = tpu.vector_load_idx %arg6[%iota3A, %add3A_853] : memref<16x1409xf32, #tpu.memory_space<vmem>>[vector<16xi32>, vector<16xi32>], vector<16xf32>,
          %add3A_855 = arith.constant 144 : i32
          %add3A_856 = arith.addi %add3A_855, %scan3A_95 : i32
          %swap3A_857 = arith.index_cast %add3A_856 : i32 to index
          %swap3A_858 = arith.constant 0 : index
          %swap3A_859 = tpu.vector_load %arg8[%swap3A_857, %swap3A_858] {strides = array<i32>} : memref<176x128xf32, #tpu.memory_space<vmem>>, vector<16xf32>,
          tpu.vector_store %arg8[%swap3A_857, %swap3A_858], %gather3A_819 {strides = array<i32>} : memref<176x128xf32, #tpu.memory_space<vmem>>, vector<16xf32>,
          %add3A_860 = arith.constant 144 : i32
          %add3A_861 = arith.addi %add3A_860, %scan3A_95 : i32
          %swap3A_862 = arith.index_cast %add3A_861 : i32 to index
          %swap3A_863 = arith.constant 16 : index
          %swap3A_864 = tpu.vector_load %arg8[%swap3A_862, %swap3A_863] {strides = array<i32>} : memref<176x128xf32, #tpu.memory_space<vmem>>, vector<16xf32>,
          tpu.vector_store %arg8[%swap3A_862, %swap3A_863], %gather3A_824 {strides = array<i32>} : memref<176x128xf32, #tpu.memory_space<vmem>>, vector<16xf32>,
          %add3A_865 = arith.constant 144 : i32
          %add3A_866 = arith.addi %add3A_865, %scan3A_95 : i32
          %swap3A_867 = arith.index_cast %add3A_866 : i32 to index
          %swap3A_868 = arith.constant 32 : index
          %swap3A_869 = tpu.vector_load %arg8[%swap3A_867, %swap3A_868] {strides = array<i32>} : memref<176x128xf32, #tpu.memory_space<vmem>>, vector<16xf32>,
          tpu.vector_store %arg8[%swap3A_867, %swap3A_868], %gather3A_829 {strides = array<i32>} : memref<176x128xf32, #tpu.memory_space<vmem>>, vector<16xf32>,
          %add3A_870 = arith.constant 144 : i32
          %add3A_871 = arith.addi %add3A_870, %scan3A_95 : i32
          %swap3A_872 = arith.index_cast %add3A_871 : i32 to index
          %swap3A_873 = arith.constant 48 : index
          %swap3A_874 = tpu.vector_load %arg8[%swap3A_872, %swap3A_873] {strides = array<i32>} : memref<176x128xf32, #tpu.memory_space<vmem>>, vector<16xf32>,
          tpu.vector_store %arg8[%swap3A_872, %swap3A_873], %gather3A_834 {strides = array<i32>} : memref<176x128xf32, #tpu.memory_space<vmem>>, vector<16xf32>,
          %add3A_875 = arith.constant 144 : i32
          %add3A_876 = arith.addi %add3A_875, %scan3A_95 : i32
          %swap3A_877 = arith.index_cast %add3A_876 : i32 to index
          %swap3A_878 = arith.constant 64 : index
          %swap3A_879 = tpu.vector_load %arg8[%swap3A_877, %swap3A_878] {strides = array<i32>} : memref<176x128xf32, #tpu.memory_space<vmem>>, vector<16xf32>,
          tpu.vector_store %arg8[%swap3A_877, %swap3A_878], %gather3A_839 {strides = array<i32>} : memref<176x128xf32, #tpu.memory_space<vmem>>, vector<16xf32>,
          %add3A_880 = arith.constant 144 : i32
          %add3A_881 = arith.addi %add3A_880, %scan3A_95 : i32
          %swap3A_882 = arith.index_cast %add3A_881 : i32 to index
          %swap3A_883 = arith.constant 80 : index
          %swap3A_884 = tpu.vector_load %arg8[%swap3A_882, %swap3A_883] {strides = array<i32>} : memref<176x128xf32, #tpu.memory_space<vmem>>, vector<16xf32>,
          tpu.vector_store %arg8[%swap3A_882, %swap3A_883], %gather3A_844 {strides = array<i32>} : memref<176x128xf32, #tpu.memory_space<vmem>>, vector<16xf32>,
          %add3A_885 = arith.constant 144 : i32
          %add3A_886 = arith.addi %add3A_885, %scan3A_95 : i32
          %swap3A_887 = arith.index_cast %add3A_886 : i32 to index
          %swap3A_888 = arith.constant 96 : index
          %swap3A_889 = tpu.vector_load %arg8[%swap3A_887, %swap3A_888] {strides = array<i32>} : memref<176x128xf32, #tpu.memory_space<vmem>>, vector<16xf32>,
          tpu.vector_store %arg8[%swap3A_887, %swap3A_888], %gather3A_849 {strides = array<i32>} : memref<176x128xf32, #tpu.memory_space<vmem>>, vector<16xf32>,
          %add3A_890 = arith.constant 144 : i32
          %add3A_891 = arith.addi %add3A_890, %scan3A_95 : i32
          %swap3A_892 = arith.index_cast %add3A_891 : i32 to index
          %swap3A_893 = arith.constant 112 : index
          %swap3A_894 = tpu.vector_load %arg8[%swap3A_892, %swap3A_893] {strides = array<i32>} : memref<176x128xf32, #tpu.memory_space<vmem>>, vector<16xf32>,
          tpu.vector_store %arg8[%swap3A_892, %swap3A_893], %gather3A_854 {strides = array<i32>} : memref<176x128xf32, #tpu.memory_space<vmem>>, vector<16xf32>,
          %broadcast_in_dim3A_895 = arith.constant 1280 : i32
          %broadcast_in_dim3A_896 = vector.broadcast %broadcast_in_dim3A_895 : i32 to vector<16xi32>
          %add3A_897 = vector.broadcast %mul3A_97 : i32 to vector<16xi32>
          %add3A_898 = arith.addi %broadcast_in_dim3A_896, %add3A_897 : vector<16xi32>
          %gather3A_899 = tpu.vector_load_idx %arg6[%iota3A, %add3A_898] : memref<16x1409xf32, #tpu.memory_space<vmem>>[vector<16xi32>, vector<16xi32>], vector<16xf32>,
          %broadcast_in_dim3A_900 = arith.constant 1281 : i32
          %broadcast_in_dim3A_901 = vector.broadcast %broadcast_in_dim3A_900 : i32 to vector<16xi32>
          %add3A_902 = vector.broadcast %mul3A_97 : i32 to vector<16xi32>
          %add3A_903 = arith.addi %broadcast_in_dim3A_901, %add3A_902 : vector<16xi32>
          %gather3A_904 = tpu.vector_load_idx %arg6[%iota3A, %add3A_903] : memref<16x1409xf32, #tpu.memory_space<vmem>>[vector<16xi32>, vector<16xi32>], vector<16xf32>,
          %broadcast_in_dim3A_905 = arith.constant 1282 : i32
          %broadcast_in_dim3A_906 = vector.broadcast %broadcast_in_dim3A_905 : i32 to vector<16xi32>
          %add3A_907 = vector.broadcast %mul3A_97 : i32 to vector<16xi32>
          %add3A_908 = arith.addi %broadcast_in_dim3A_906, %add3A_907 : vector<16xi32>
          %gather3A_909 = tpu.vector_load_idx %arg6[%iota3A, %add3A_908] : memref<16x1409xf32, #tpu.memory_space<vmem>>[vector<16xi32>, vector<16xi32>], vector<16xf32>,
          %broadcast_in_dim3A_910 = arith.constant 1283 : i32
          %broadcast_in_dim3A_911 = vector.broadcast %broadcast_in_dim3A_910 : i32 to vector<16xi32>
          %add3A_912 = vector.broadcast %mul3A_97 : i32 to vector<16xi32>
          %add3A_913 = arith.addi %broadcast_in_dim3A_911, %add3A_912 : vector<16xi32>
          %gather3A_914 = tpu.vector_load_idx %arg6[%iota3A, %add3A_913] : memref<16x1409xf32, #tpu.memory_space<vmem>>[vector<16xi32>, vector<16xi32>], vector<16xf32>,
          %broadcast_in_dim3A_915 = arith.constant 1284 : i32
          %broadcast_in_dim3A_916 = vector.broadcast %broadcast_in_dim3A_915 : i32 to vector<16xi32>
          %add3A_917 = vector.broadcast %mul3A_97 : i32 to vector<16xi32>
          %add3A_918 = arith.addi %broadcast_in_dim3A_916, %add3A_917 : vector<16xi32>
          %gather3A_919 = tpu.vector_load_idx %arg6[%iota3A, %add3A_918] : memref<16x1409xf32, #tpu.memory_space<vmem>>[vector<16xi32>, vector<16xi32>], vector<16xf32>,
          %broadcast_in_dim3A_920 = arith.constant 1285 : i32
          %broadcast_in_dim3A_921 = vector.broadcast %broadcast_in_dim3A_920 : i32 to vector<16xi32>
          %add3A_922 = vector.broadcast %mul3A_97 : i32 to vector<16xi32>
          %add3A_923 = arith.addi %broadcast_in_dim3A_921, %add3A_922 : vector<16xi32>
          %gather3A_924 = tpu.vector_load_idx %arg6[%iota3A, %add3A_923] : memref<16x1409xf32, #tpu.memory_space<vmem>>[vector<16xi32>, vector<16xi32>], vector<16xf32>,
          %broadcast_in_dim3A_925 = arith.constant 1286 : i32
          %broadcast_in_dim3A_926 = vector.broadcast %broadcast_in_dim3A_925 : i32 to vector<16xi32>
          %add3A_927 = vector.broadcast %mul3A_97 : i32 to vector<16xi32>
          %add3A_928 = arith.addi %broadcast_in_dim3A_926, %add3A_927 : vector<16xi32>
          %gather3A_929 = tpu.vector_load_idx %arg6[%iota3A, %add3A_928] : memref<16x1409xf32, #tpu.memory_space<vmem>>[vector<16xi32>, vector<16xi32>], vector<16xf32>,
          %broadcast_in_dim3A_930 = arith.constant 1287 : i32
          %broadcast_in_dim3A_931 = vector.broadcast %broadcast_in_dim3A_930 : i32 to vector<16xi32>
          %add3A_932 = vector.broadcast %mul3A_97 : i32 to vector<16xi32>
          %add3A_933 = arith.addi %broadcast_in_dim3A_931, %add3A_932 : vector<16xi32>
          %gather3A_934 = tpu.vector_load_idx %arg6[%iota3A, %add3A_933] : memref<16x1409xf32, #tpu.memory_space<vmem>>[vector<16xi32>, vector<16xi32>], vector<16xf32>,
          %add3A_935 = arith.constant 160 : i32
          %add3A_936 = arith.addi %add3A_935, %scan3A_95 : i32
          %swap3A_937 = arith.index_cast %add3A_936 : i32 to index
          %swap3A_938 = arith.constant 0 : index
          %swap3A_939 = tpu.vector_load %arg8[%swap3A_937, %swap3A_938] {strides = array<i32>} : memref<176x128xf32, #tpu.memory_space<vmem>>, vector<16xf32>,
          tpu.vector_store %arg8[%swap3A_937, %swap3A_938], %gather3A_899 {strides = array<i32>} : memref<176x128xf32, #tpu.memory_space<vmem>>, vector<16xf32>,
          %add3A_940 = arith.constant 160 : i32
          %add3A_941 = arith.addi %add3A_940, %scan3A_95 : i32
          %swap3A_942 = arith.index_cast %add3A_941 : i32 to index
          %swap3A_943 = arith.constant 16 : index
          %swap3A_944 = tpu.vector_load %arg8[%swap3A_942, %swap3A_943] {strides = array<i32>} : memref<176x128xf32, #tpu.memory_space<vmem>>, vector<16xf32>,
          tpu.vector_store %arg8[%swap3A_942, %swap3A_943], %gather3A_904 {strides = array<i32>} : memref<176x128xf32, #tpu.memory_space<vmem>>, vector<16xf32>,
          %add3A_945 = arith.constant 160 : i32
          %add3A_946 = arith.addi %add3A_945, %scan3A_95 : i32
          %swap3A_947 = arith.index_cast %add3A_946 : i32 to index
          %swap3A_948 = arith.constant 32 : index
          %swap3A_949 = tpu.vector_load %arg8[%swap3A_947, %swap3A_948] {strides = array<i32>} : memref<176x128xf32, #tpu.memory_space<vmem>>, vector<16xf32>,
          tpu.vector_store %arg8[%swap3A_947, %swap3A_948], %gather3A_909 {strides = array<i32>} : memref<176x128xf32, #tpu.memory_space<vmem>>, vector<16xf32>,
          %add3A_950 = arith.constant 160 : i32
          %add3A_951 = arith.addi %add3A_950, %scan3A_95 : i32
          %swap3A_952 = arith.index_cast %add3A_951 : i32 to index
          %swap3A_953 = arith.constant 48 : index
          %swap3A_954 = tpu.vector_load %arg8[%swap3A_952, %swap3A_953] {strides = array<i32>} : memref<176x128xf32, #tpu.memory_space<vmem>>, vector<16xf32>,
          tpu.vector_store %arg8[%swap3A_952, %swap3A_953], %gather3A_914 {strides = array<i32>} : memref<176x128xf32, #tpu.memory_space<vmem>>, vector<16xf32>,
          %add3A_955 = arith.constant 160 : i32
          %add3A_956 = arith.addi %add3A_955, %scan3A_95 : i32
          %swap3A_957 = arith.index_cast %add3A_956 : i32 to index
          %swap3A_958 = arith.constant 64 : index
          %swap3A_959 = tpu.vector_load %arg8[%swap3A_957, %swap3A_958] {strides = array<i32>} : memref<176x128xf32, #tpu.memory_space<vmem>>, vector<16xf32>,
          tpu.vector_store %arg8[%swap3A_957, %swap3A_958], %gather3A_919 {strides = array<i32>} : memref<176x128xf32, #tpu.memory_space<vmem>>, vector<16xf32>,
          %add3A_960 = arith.constant 160 : i32
          %add3A_961 = arith.addi %add3A_960, %scan3A_95 : i32
          %swap3A_962 = arith.index_cast %add3A_961 : i32 to index
          %swap3A_963 = arith.constant 80 : index
          %swap3A_964 = tpu.vector_load %arg8[%swap3A_962, %swap3A_963] {strides = array<i32>} : memref<176x128xf32, #tpu.memory_space<vmem>>, vector<16xf32>,
          tpu.vector_store %arg8[%swap3A_962, %swap3A_963], %gather3A_924 {strides = array<i32>} : memref<176x128xf32, #tpu.memory_space<vmem>>, vector<16xf32>,
          %add3A_965 = arith.constant 160 : i32
          %add3A_966 = arith.addi %add3A_965, %scan3A_95 : i32
          %swap3A_967 = arith.index_cast %add3A_966 : i32 to index
          %swap3A_968 = arith.constant 96 : index
          %swap3A_969 = tpu.vector_load %arg8[%swap3A_967, %swap3A_968] {strides = array<i32>} : memref<176x128xf32, #tpu.memory_space<vmem>>, vector<16xf32>,
          tpu.vector_store %arg8[%swap3A_967, %swap3A_968], %gather3A_929 {strides = array<i32>} : memref<176x128xf32, #tpu.memory_space<vmem>>, vector<16xf32>,
          %add3A_970 = arith.constant 160 : i32
          %add3A_971 = arith.addi %add3A_970, %scan3A_95 : i32
          %swap3A_972 = arith.index_cast %add3A_971 : i32 to index
          %swap3A_973 = arith.constant 112 : index
          %swap3A_974 = tpu.vector_load %arg8[%swap3A_972, %swap3A_973] {strides = array<i32>} : memref<176x128xf32, #tpu.memory_space<vmem>>, vector<16xf32>,
          tpu.vector_store %arg8[%swap3A_972, %swap3A_973], %gather3A_934 {strides = array<i32>} : memref<176x128xf32, #tpu.memory_space<vmem>>, vector<16xf32>,
        }
        %scan3A_79 = arith.constant 16 : i32
        %add3A_80 = arith.constant 2 : i32
        %add3A_81 = arith.addi %add3A_50, %add3A_80 : i32
        %mul3A_82 = arith.constant 32 : i32
        %mul3A_83 = arith.muli %add3A_81, %mul3A_82 : i32
        %add3A_84 = arith.addi %mul3A_83, %add3A : i32
        %lt3A_85 = arith.constant 1846 : i32
        %lt3A_86 = arith.cmpi slt, %add3A_84, %lt3A_85 : i32
        %convert_element_type3A_87 = arith.extui %lt3A_86 : i1 to i32
        %cond3A_88 = arith.constant 0 : i32
        %cond3A_89 = arith.cmpi ne, %convert_element_type3A_87, %cond3A_88 : i32
        scf.if %cond3A_89 {
          %add3A_95 = arith.constant 2 : i32
          %add3A_96 = arith.addi %add3A_50, %add3A_95 : i32
          %mul3A_97 = arith.constant 32 : i32
          %mul3A_98 = arith.muli %add3A_96, %mul3A_97 : i32
          %add3A_99 = arith.addi %mul3A_98, %add3A : i32
          %jit3A = arith.constant 71 : i32
          %div3A = arith.divsi %add3A_99, %jit3A : i32
          %sign3A = arith.constant 0 : i32
          %sign3A_100 = arith.cmpi sgt, %add3A_99, %sign3A : i32
          %sign3A_101 = arith.extui %sign3A_100 : i1 to i32
          %sign3A_102 = arith.constant 0 : i32
          %sign3A_103 = arith.cmpi slt, %add3A_99, %sign3A_102 : i32
          %sign3A_104 = arith.extui %sign3A_103 : i1 to i32
          %sign3A_105 = arith.subi %sign3A_101, %sign3A_104 : i32
          %sign3A_106 = arith.constant 0 : i32
          %sign3A_107 = arith.cmpi sgt, %jit3A, %sign3A_106 : i32
          %sign3A_108 = arith.extui %sign3A_107 : i1 to i32
          %sign3A_109 = arith.constant 0 : i32
          %sign3A_110 = arith.cmpi slt, %jit3A, %sign3A_109 : i32
          %sign3A_111 = arith.extui %sign3A_110 : i1 to i32
          %sign3A_112 = arith.subi %sign3A_108, %sign3A_111 : i32
          %ne3A = arith.cmpi ne, %sign3A_105, %sign3A_112 : i32
          %rem3A = arith.remsi %add3A_99, %jit3A : i32
          %ne3A_113 = arith.constant 0 : i32
          %ne3A_114 = arith.cmpi ne, %rem3A, %ne3A_113 : i32
          %and3A = arith.andi %ne3A, %ne3A_114 : i1
          %sub3A = arith.constant 1 : i32
          %sub3A_115 = arith.subi %div3A, %sub3A : i32
          %select_n3A = arith.select %and3A, %sub3A_115, %div3A : i32
          %mul3A_116 = arith.constant 71 : i32
          %mul3A_117 = arith.muli %select_n3A, %mul3A_116 : i32
          %sub3A_118 = arith.subi %add3A_99, %mul3A_117 : i32
          %mul3A_119 = arith.constant 16 : i32
          %mul3A_120 = arith.muli %mul3A_119, %select_n3A : i32
          %mul3A_121 = arith.constant 1408 : i32
          %mul3A_122 = arith.muli %mul3A_121, %sub3A_118 : i32
          %dma_start3A_123 = arith.constant 0 : i32
          %dma_start3A_124 = arith.constant 0 : i32
          %dma_start3A_125 = tpu.memref_slice %arg6[%dma_start3A_123, %dma_start3A_124] : memref<16x1409xf32, #tpu.memory_space<vmem>> -> memref<16x1408xf32, #tpu.memory_space<vmem>>
          %dma_start3A_126 = tpu.memref_slice %arg2[%mul3A_120, %mul3A_122] : memref<416x100000xf32, #tpu.memory_space<hbm>> -> memref<16x1408xf32, #tpu.memory_space<hbm>>
          %dma_start3A_127 = arith.constant 0 : i32
          %dma_start3A_128 = arith.constant 0 : i32
          %dma_start3A_129 = tpu.memref_slice %arg6[%dma_start3A_127, %dma_start3A_128] : memref<16x1409xf32, #tpu.memory_space<vmem>> -> memref<16x1408xf32, #tpu.memory_space<vmem>>
          %dma_start3A_130 = tpu.memref_slice %arg2[%mul3A_120, %mul3A_122] : memref<416x100000xf32, #tpu.memory_space<hbm>> -> memref<16x1408xf32, #tpu.memory_space<hbm>>
          tpu.enqueue_dma source(%dma_start3A_130 : memref<16x1408xf32, #tpu.memory_space<hbm>>) target(%dma_start3A_129 : memref<16x1408xf32, #tpu.memory_space<vmem>>) target_semaphore(%arg10 : memref<!tpu.dma_semaphore, #tpu.memory_space<semaphore_mem>>)
        } else {
        }
        %mul3A_90 = arith.constant 176 : i32
        %mul3A_91 = arith.muli %mul3A_90, %add3A_53 : i32
        %dma_start3A = arith.constant 0 : i32
        %dma_start3A_92 = tpu.memref_slice %arg4[%mul3A_91, %dma_start3A] : memref<325104x128xf32, #tpu.memory_space<hbm>> -> memref<176x128xf32, #tpu.memory_space<hbm>>
        %dma_start3A_93 = arith.constant 0 : i32
        %dma_start3A_94 = tpu.memref_slice %arg4[%mul3A_91, %dma_start3A_93] : memref<325104x128xf32, #tpu.memory_space<hbm>> -> memref<176x128xf32, #tpu.memory_space<hbm>>
        tpu.enqueue_dma source(%arg8 : memref<176x128xf32, #tpu.memory_space<vmem>>) target(%dma_start3A_94 : memref<176x128xf32, #tpu.memory_space<hbm>>) target_semaphore(%arg12 : memref<!tpu.dma_semaphore, #tpu.memory_space<semaphore_mem>>)
      } else {
      }
    }
    %scan3A_16 = arith.constant 29 : i32
    %add3A_17 = arith.constant 1792 : i32
    %add3A_18 = arith.addi %add3A_17, %add3A : i32
    %lt3A_19 = arith.constant 1846 : i32
    %lt3A_20 = arith.cmpi slt, %add3A_18, %lt3A_19 : i32
    %convert_element_type3A_21 = arith.extui %lt3A_20 : i1 to i32
    %cond3A_22 = arith.constant 0 : i32
    %cond3A_23 = arith.cmpi ne, %convert_element_type3A_21, %cond3A_22 : i32
    scf.if %cond3A_23 {
      %dma_wait3A = arith.constant 0 : i32
      %dma_wait3A_36 = arith.constant 0 : i32
      %dma_wait3A_37 = tpu.memref_slice %arg4[%dma_wait3A, %dma_wait3A_36] : memref<325104x128xf32, #tpu.memory_space<hbm>> -> memref<176x128xf32, #tpu.memory_space<hbm>>
      %dma_wait3A_38 = arith.constant 0 : i32
      %dma_wait3A_39 = arith.constant 0 : i32
      %dma_wait3A_40 = tpu.memref_slice %arg4[%dma_wait3A_38, %dma_wait3A_39] : memref<325104x128xf32, #tpu.memory_space<hbm>> -> memref<176x128xf32, #tpu.memory_space<hbm>>
      tpu.wait_dma2 semaphore(%arg11 : memref<!tpu.dma_semaphore, #tpu.memory_space<semaphore_mem>>) src(%dma_wait3A_40 : memref<176x128xf32, #tpu.memory_space<hbm>>) dst(%arg7 : memref<176x128xf32, #tpu.memory_space<vmem>>)
    } else {
    }
    %add3A_24 = arith.constant 1824 : i32
    %add3A_25 = arith.addi %add3A_24, %add3A : i32
    %lt3A_26 = arith.constant 1846 : i32
    %lt3A_27 = arith.cmpi slt, %add3A_25, %lt3A_26 : i32
    %convert_element_type3A_28 = arith.extui %lt3A_27 : i1 to i32
    %cond3A_29 = arith.constant 0 : i32
    %cond3A_30 = arith.cmpi ne, %convert_element_type3A_28, %cond3A_29 : i32
    scf.if %cond3A_30 {
      %dma_wait3A = arith.constant 0 : i32
      %dma_wait3A_36 = arith.constant 0 : i32
      %dma_wait3A_37 = tpu.memref_slice %arg4[%dma_wait3A, %dma_wait3A_36] : memref<325104x128xf32, #tpu.memory_space<hbm>> -> memref<176x128xf32, #tpu.memory_space<hbm>>
      %dma_wait3A_38 = arith.constant 0 : i32
      %dma_wait3A_39 = arith.constant 0 : i32
      %dma_wait3A_40 = tpu.memref_slice %arg4[%dma_wait3A_38, %dma_wait3A_39] : memref<325104x128xf32, #tpu.memory_space<hbm>> -> memref<176x128xf32, #tpu.memory_space<hbm>>
      tpu.wait_dma2 semaphore(%arg12 : memref<!tpu.dma_semaphore, #tpu.memory_space<semaphore_mem>>) src(%dma_wait3A_40 : memref<176x128xf32, #tpu.memory_space<hbm>>) dst(%arg8 : memref<176x128xf32, #tpu.memory_space<vmem>>)
    } else {
    }
    %lt3A_31 = arith.constant 26 : i32
    %lt3A_32 = arith.cmpi slt, %add3A, %lt3A_31 : i32
    %convert_element_type3A_33 = arith.extui %lt3A_32 : i1 to i32
    %cond3A_34 = arith.constant 0 : i32
    %cond3A_35 = arith.cmpi ne, %convert_element_type3A_33, %cond3A_34 : i32
    scf.if %cond3A_35 {
      %mul3A_36 = arith.constant 8 : i32
      %mul3A_37 = arith.muli %mul3A_36, %add3A : i32
      %add3A_38 = arith.constant 324896 : i32
      %add3A_39 = arith.addi %add3A_38, %mul3A_37 : i32
      "tpu.region"() ({
        %run_scoped3A = tpu.sem_alloc : memref<!tpu.dma_semaphore, #tpu.memory_space<semaphore_mem>>
        %dma_start3A = arith.constant 0 : i32
        %dma_start3A_40 = tpu.memref_slice %arg4[%add3A_39, %dma_start3A] : memref<325104x128xf32, #tpu.memory_space<hbm>> -> memref<8x128xf32, #tpu.memory_space<hbm>>
        %dma_start3A_41 = arith.constant 0 : i32
        %dma_start3A_42 = arith.constant 0 : i32
        %dma_start3A_43 = tpu.memref_slice %arg3[%add3A, %dma_start3A_41, %dma_start3A_42] : memref<26x8x128xf32, #tpu.memory_space<hbm>> -> memref<1x8x128xf32, #tpu.memory_space<hbm>>
        %dma_start3A_44 = tpu.memref_squeeze %dma_start3A_43 : memref<1x8x128xf32, #tpu.memory_space<hbm>> -> memref<8x128xf32, #tpu.memory_space<hbm>>
        tpu.enqueue_dma source(%dma_start3A_44 : memref<8x128xf32, #tpu.memory_space<hbm>>) target(%dma_start3A_40 : memref<8x128xf32, #tpu.memory_space<hbm>>) target_semaphore(%run_scoped3A : memref<!tpu.dma_semaphore, #tpu.memory_space<semaphore_mem>>)
        %dma_wait3A = arith.constant 0 : i32
        %dma_wait3A_45 = tpu.memref_slice %arg4[%add3A_39, %dma_wait3A] : memref<325104x128xf32, #tpu.memory_space<hbm>> -> memref<8x128xf32, #tpu.memory_space<hbm>>
        %dma_wait3A_46 = arith.constant 0 : i32
        %dma_wait3A_47 = arith.constant 0 : i32
        %dma_wait3A_48 = tpu.memref_slice %arg3[%add3A, %dma_wait3A_46, %dma_wait3A_47] : memref<26x8x128xf32, #tpu.memory_space<hbm>> -> memref<1x8x128xf32, #tpu.memory_space<hbm>>
        %dma_wait3A_49 = tpu.memref_squeeze %dma_wait3A_48 : memref<1x8x128xf32, #tpu.memory_space<hbm>> -> memref<8x128xf32, #tpu.memory_space<hbm>>
        tpu.wait_dma2 semaphore(%run_scoped3A : memref<!tpu.dma_semaphore, #tpu.memory_space<semaphore_mem>>) src(%dma_wait3A_49 : memref<8x128xf32, #tpu.memory_space<hbm>>) dst(%dma_wait3A_45 : memref<8x128xf32, #tpu.memory_space<hbm>>)
        tpu.yield
      }) : () -> ()
    } else {
    }
    return
  }
}

#map = affine_map<(d0, d1) -> (0, 0)>
#map1 = affine_map<(d0, d1) -> (0)>
#map2 = affine_map<(d0, d1) -> (0, 0, 0)>
module attributes {stable_mosaic.version = 14 : i64} {
  func.func @gather_kernel(%arg0: i32, %arg1: i32, %arg2: memref<1024x128xi32, #tpu.memory_space<hbm>>, %arg3: memref<1024x128xi32, #tpu.memory_space<hbm>>, %arg4: memref<1024x128xi32, #tpu.memory_space<hbm>>, %arg5: memref<1024x128xi32, #tpu.memory_space<hbm>>, %arg6: memref<4096x128xi32, #tpu.memory_space<hbm>>, %arg7: memref<2600832x16xf32, #tpu.memory_space<hbm>>, %arg8: memref<2600000xf32, #tpu.memory_space<hbm>>, %arg9: memref<1024x128x16xf32, #tpu.memory_space<hbm>>, %arg10: memref<1024x128x16xf32, #tpu.memory_space<hbm>>, %arg11: memref<1024x128x16xf32, #tpu.memory_space<hbm>>, %arg12: memref<1024x128x16xf32, #tpu.memory_space<hbm>>, %arg13: memref<4096x128xf32, #tpu.memory_space<hbm>>, %arg14: memref<128x128xi32, #tpu.memory_space<vmem>>, %arg15: memref<128x128xi32, #tpu.memory_space<vmem>>, %arg16: memref<128x16xf32, #tpu.memory_space<vmem>>, %arg17: memref<128x16xf32, #tpu.memory_space<vmem>>, %arg18: memref<128x16xf32, #tpu.memory_space<vmem>>, %arg19: memref<128x16xf32, #tpu.memory_space<vmem>>, %arg20: memref<4x128xf32, #tpu.memory_space<vmem>>, %arg21: memref<4x128xf32, #tpu.memory_space<vmem>>, %arg22: memref<!tpu.dma_semaphore, #tpu.memory_space<semaphore_mem>>, %arg23: memref<!tpu.dma_semaphore, #tpu.memory_space<semaphore_mem>>, %arg24: memref<!tpu.dma_semaphore, #tpu.memory_space<semaphore_mem>>, %arg25: memref<!tpu.dma_semaphore, #tpu.memory_space<semaphore_mem>>, %arg26: memref<!tpu.dma_semaphore, #tpu.memory_space<semaphore_mem>>, %arg27: memref<!tpu.dma_semaphore, #tpu.memory_space<semaphore_mem>>, %arg28: memref<!tpu.dma_semaphore, #tpu.memory_space<semaphore_mem>>, %arg29: memref<!tpu.dma_semaphore, #tpu.memory_space<semaphore_mem>>) attributes {dimension_semantics = [#tpu.dimension_semantics<core_parallel>, #tpu.dimension_semantics<subcore_parallel>], iteration_bounds = array<i64: 2, 16>, scalar_prefetch = 0 : i64, scratch_operands = 16 : i64, tpu.core_type = #tpu.core_type<sc_vector_subcore>, window_params = [{transform_indices = #map}, {transform_indices = #map}, {transform_indices = #map}, {transform_indices = #map}, {transform_indices = #map}, {transform_indices = #map}, {transform_indices = #map1}, {transform_indices = #map2}, {transform_indices = #map2}, {transform_indices = #map2}, {transform_indices = #map2}, {transform_indices = #map}]} {
    %mul3A = arith.constant 2 : i32
    %mul3A_0 = arith.muli %arg1, %mul3A : i32
    %add3A = arith.addi %mul3A_0, %arg0 : i32
    %mul3A_1 = arith.constant 32 : i32
    %mul3A_2 = arith.muli %add3A, %mul3A_1 : i32
    %mul3A_3 = arith.constant 128 : i32
    %mul3A_4 = arith.muli %add3A, %mul3A_3 : i32
    "tpu.region"() ({
      %run_scoped3A = tpu.sem_alloc : memref<!tpu.dma_semaphore, #tpu.memory_space<semaphore_mem>>
      %dma_start3A = arith.constant 0 : i32
      %dma_start3A_169 = arith.constant 0 : i32
      %dma_start3A_170 = tpu.memref_slice %arg14[%dma_start3A, %dma_start3A_169] : memref<128x128xi32, #tpu.memory_space<vmem>> -> memref<32x128xi32, #tpu.memory_space<vmem>>
      %dma_start3A_171 = arith.constant 0 : i32
      %dma_start3A_172 = tpu.memref_slice %arg2[%mul3A_2, %dma_start3A_171] : memref<1024x128xi32, #tpu.memory_space<hbm>> -> memref<32x128xi32, #tpu.memory_space<hbm>>
      %dma_start3A_173 = arith.constant 0 : i32
      %dma_start3A_174 = arith.constant 0 : i32
      %dma_start3A_175 = tpu.memref_slice %arg14[%dma_start3A_173, %dma_start3A_174] : memref<128x128xi32, #tpu.memory_space<vmem>> -> memref<32x128xi32, #tpu.memory_space<vmem>>
      %dma_start3A_176 = arith.constant 0 : i32
      %dma_start3A_177 = tpu.memref_slice %arg2[%mul3A_2, %dma_start3A_176] : memref<1024x128xi32, #tpu.memory_space<hbm>> -> memref<32x128xi32, #tpu.memory_space<hbm>>
      tpu.enqueue_dma source(%dma_start3A_177 : memref<32x128xi32, #tpu.memory_space<hbm>>) target(%dma_start3A_175 : memref<32x128xi32, #tpu.memory_space<vmem>>) target_semaphore(%run_scoped3A : memref<!tpu.dma_semaphore, #tpu.memory_space<semaphore_mem>>)
      %dma_wait3A_178 = arith.constant 0 : i32
      %dma_wait3A_179 = arith.constant 0 : i32
      %dma_wait3A_180 = tpu.memref_slice %arg14[%dma_wait3A_178, %dma_wait3A_179] : memref<128x128xi32, #tpu.memory_space<vmem>> -> memref<32x128xi32, #tpu.memory_space<vmem>>
      %dma_wait3A_181 = arith.constant 0 : i32
      %dma_wait3A_182 = tpu.memref_slice %arg2[%mul3A_2, %dma_wait3A_181] : memref<1024x128xi32, #tpu.memory_space<hbm>> -> memref<32x128xi32, #tpu.memory_space<hbm>>
      %dma_wait3A_183 = arith.constant 0 : i32
      %dma_wait3A_184 = arith.constant 0 : i32
      %dma_wait3A_185 = tpu.memref_slice %arg14[%dma_wait3A_183, %dma_wait3A_184] : memref<128x128xi32, #tpu.memory_space<vmem>> -> memref<32x128xi32, #tpu.memory_space<vmem>>
      %dma_wait3A_186 = arith.constant 0 : i32
      %dma_wait3A_187 = tpu.memref_slice %arg2[%mul3A_2, %dma_wait3A_186] : memref<1024x128xi32, #tpu.memory_space<hbm>> -> memref<32x128xi32, #tpu.memory_space<hbm>>
      tpu.wait_dma2 semaphore(%run_scoped3A : memref<!tpu.dma_semaphore, #tpu.memory_space<semaphore_mem>>) src(%dma_wait3A_187 : memref<32x128xi32, #tpu.memory_space<hbm>>) dst(%dma_wait3A_185 : memref<32x128xi32, #tpu.memory_space<vmem>>)
      tpu.yield
    }) : () -> ()
    "tpu.region"() ({
      %run_scoped3A = tpu.sem_alloc : memref<!tpu.dma_semaphore, #tpu.memory_space<semaphore_mem>>
      %dma_start3A = arith.constant 32 : i32
      %dma_start3A_169 = arith.constant 0 : i32
      %dma_start3A_170 = tpu.memref_slice %arg14[%dma_start3A, %dma_start3A_169] : memref<128x128xi32, #tpu.memory_space<vmem>> -> memref<32x128xi32, #tpu.memory_space<vmem>>
      %dma_start3A_171 = arith.constant 0 : i32
      %dma_start3A_172 = tpu.memref_slice %arg3[%mul3A_2, %dma_start3A_171] : memref<1024x128xi32, #tpu.memory_space<hbm>> -> memref<32x128xi32, #tpu.memory_space<hbm>>
      %dma_start3A_173 = arith.constant 32 : i32
      %dma_start3A_174 = arith.constant 0 : i32
      %dma_start3A_175 = tpu.memref_slice %arg14[%dma_start3A_173, %dma_start3A_174] : memref<128x128xi32, #tpu.memory_space<vmem>> -> memref<32x128xi32, #tpu.memory_space<vmem>>
      %dma_start3A_176 = arith.constant 0 : i32
      %dma_start3A_177 = tpu.memref_slice %arg3[%mul3A_2, %dma_start3A_176] : memref<1024x128xi32, #tpu.memory_space<hbm>> -> memref<32x128xi32, #tpu.memory_space<hbm>>
      tpu.enqueue_dma source(%dma_start3A_177 : memref<32x128xi32, #tpu.memory_space<hbm>>) target(%dma_start3A_175 : memref<32x128xi32, #tpu.memory_space<vmem>>) target_semaphore(%run_scoped3A : memref<!tpu.dma_semaphore, #tpu.memory_space<semaphore_mem>>)
      %dma_wait3A_178 = arith.constant 32 : i32
      %dma_wait3A_179 = arith.constant 0 : i32
      %dma_wait3A_180 = tpu.memref_slice %arg14[%dma_wait3A_178, %dma_wait3A_179] : memref<128x128xi32, #tpu.memory_space<vmem>> -> memref<32x128xi32, #tpu.memory_space<vmem>>
      %dma_wait3A_181 = arith.constant 0 : i32
      %dma_wait3A_182 = tpu.memref_slice %arg3[%mul3A_2, %dma_wait3A_181] : memref<1024x128xi32, #tpu.memory_space<hbm>> -> memref<32x128xi32, #tpu.memory_space<hbm>>
      %dma_wait3A_183 = arith.constant 32 : i32
      %dma_wait3A_184 = arith.constant 0 : i32
      %dma_wait3A_185 = tpu.memref_slice %arg14[%dma_wait3A_183, %dma_wait3A_184] : memref<128x128xi32, #tpu.memory_space<vmem>> -> memref<32x128xi32, #tpu.memory_space<vmem>>
      %dma_wait3A_186 = arith.constant 0 : i32
      %dma_wait3A_187 = tpu.memref_slice %arg3[%mul3A_2, %dma_wait3A_186] : memref<1024x128xi32, #tpu.memory_space<hbm>> -> memref<32x128xi32, #tpu.memory_space<hbm>>
      tpu.wait_dma2 semaphore(%run_scoped3A : memref<!tpu.dma_semaphore, #tpu.memory_space<semaphore_mem>>) src(%dma_wait3A_187 : memref<32x128xi32, #tpu.memory_space<hbm>>) dst(%dma_wait3A_185 : memref<32x128xi32, #tpu.memory_space<vmem>>)
      tpu.yield
    }) : () -> ()
    "tpu.region"() ({
      %run_scoped3A = tpu.sem_alloc : memref<!tpu.dma_semaphore, #tpu.memory_space<semaphore_mem>>
      %dma_start3A = arith.constant 64 : i32
      %dma_start3A_169 = arith.constant 0 : i32
      %dma_start3A_170 = tpu.memref_slice %arg14[%dma_start3A, %dma_start3A_169] : memref<128x128xi32, #tpu.memory_space<vmem>> -> memref<32x128xi32, #tpu.memory_space<vmem>>
      %dma_start3A_171 = arith.constant 0 : i32
      %dma_start3A_172 = tpu.memref_slice %arg4[%mul3A_2, %dma_start3A_171] : memref<1024x128xi32, #tpu.memory_space<hbm>> -> memref<32x128xi32, #tpu.memory_space<hbm>>
      %dma_start3A_173 = arith.constant 64 : i32
      %dma_start3A_174 = arith.constant 0 : i32
      %dma_start3A_175 = tpu.memref_slice %arg14[%dma_start3A_173, %dma_start3A_174] : memref<128x128xi32, #tpu.memory_space<vmem>> -> memref<32x128xi32, #tpu.memory_space<vmem>>
      %dma_start3A_176 = arith.constant 0 : i32
      %dma_start3A_177 = tpu.memref_slice %arg4[%mul3A_2, %dma_start3A_176] : memref<1024x128xi32, #tpu.memory_space<hbm>> -> memref<32x128xi32, #tpu.memory_space<hbm>>
      tpu.enqueue_dma source(%dma_start3A_177 : memref<32x128xi32, #tpu.memory_space<hbm>>) target(%dma_start3A_175 : memref<32x128xi32, #tpu.memory_space<vmem>>) target_semaphore(%run_scoped3A : memref<!tpu.dma_semaphore, #tpu.memory_space<semaphore_mem>>)
      %dma_wait3A_178 = arith.constant 64 : i32
      %dma_wait3A_179 = arith.constant 0 : i32
      %dma_wait3A_180 = tpu.memref_slice %arg14[%dma_wait3A_178, %dma_wait3A_179] : memref<128x128xi32, #tpu.memory_space<vmem>> -> memref<32x128xi32, #tpu.memory_space<vmem>>
      %dma_wait3A_181 = arith.constant 0 : i32
      %dma_wait3A_182 = tpu.memref_slice %arg4[%mul3A_2, %dma_wait3A_181] : memref<1024x128xi32, #tpu.memory_space<hbm>> -> memref<32x128xi32, #tpu.memory_space<hbm>>
      %dma_wait3A_183 = arith.constant 64 : i32
      %dma_wait3A_184 = arith.constant 0 : i32
      %dma_wait3A_185 = tpu.memref_slice %arg14[%dma_wait3A_183, %dma_wait3A_184] : memref<128x128xi32, #tpu.memory_space<vmem>> -> memref<32x128xi32, #tpu.memory_space<vmem>>
      %dma_wait3A_186 = arith.constant 0 : i32
      %dma_wait3A_187 = tpu.memref_slice %arg4[%mul3A_2, %dma_wait3A_186] : memref<1024x128xi32, #tpu.memory_space<hbm>> -> memref<32x128xi32, #tpu.memory_space<hbm>>
      tpu.wait_dma2 semaphore(%run_scoped3A : memref<!tpu.dma_semaphore, #tpu.memory_space<semaphore_mem>>) src(%dma_wait3A_187 : memref<32x128xi32, #tpu.memory_space<hbm>>) dst(%dma_wait3A_185 : memref<32x128xi32, #tpu.memory_space<vmem>>)
      tpu.yield
    }) : () -> ()
    "tpu.region"() ({
      %run_scoped3A = tpu.sem_alloc : memref<!tpu.dma_semaphore, #tpu.memory_space<semaphore_mem>>
      %dma_start3A = arith.constant 96 : i32
      %dma_start3A_169 = arith.constant 0 : i32
      %dma_start3A_170 = tpu.memref_slice %arg14[%dma_start3A, %dma_start3A_169] : memref<128x128xi32, #tpu.memory_space<vmem>> -> memref<32x128xi32, #tpu.memory_space<vmem>>
      %dma_start3A_171 = arith.constant 0 : i32
      %dma_start3A_172 = tpu.memref_slice %arg5[%mul3A_2, %dma_start3A_171] : memref<1024x128xi32, #tpu.memory_space<hbm>> -> memref<32x128xi32, #tpu.memory_space<hbm>>
      %dma_start3A_173 = arith.constant 96 : i32
      %dma_start3A_174 = arith.constant 0 : i32
      %dma_start3A_175 = tpu.memref_slice %arg14[%dma_start3A_173, %dma_start3A_174] : memref<128x128xi32, #tpu.memory_space<vmem>> -> memref<32x128xi32, #tpu.memory_space<vmem>>
      %dma_start3A_176 = arith.constant 0 : i32
      %dma_start3A_177 = tpu.memref_slice %arg5[%mul3A_2, %dma_start3A_176] : memref<1024x128xi32, #tpu.memory_space<hbm>> -> memref<32x128xi32, #tpu.memory_space<hbm>>
      tpu.enqueue_dma source(%dma_start3A_177 : memref<32x128xi32, #tpu.memory_space<hbm>>) target(%dma_start3A_175 : memref<32x128xi32, #tpu.memory_space<vmem>>) target_semaphore(%run_scoped3A : memref<!tpu.dma_semaphore, #tpu.memory_space<semaphore_mem>>)
      %dma_wait3A_178 = arith.constant 96 : i32
      %dma_wait3A_179 = arith.constant 0 : i32
      %dma_wait3A_180 = tpu.memref_slice %arg14[%dma_wait3A_178, %dma_wait3A_179] : memref<128x128xi32, #tpu.memory_space<vmem>> -> memref<32x128xi32, #tpu.memory_space<vmem>>
      %dma_wait3A_181 = arith.constant 0 : i32
      %dma_wait3A_182 = tpu.memref_slice %arg5[%mul3A_2, %dma_wait3A_181] : memref<1024x128xi32, #tpu.memory_space<hbm>> -> memref<32x128xi32, #tpu.memory_space<hbm>>
      %dma_wait3A_183 = arith.constant 96 : i32
      %dma_wait3A_184 = arith.constant 0 : i32
      %dma_wait3A_185 = tpu.memref_slice %arg14[%dma_wait3A_183, %dma_wait3A_184] : memref<128x128xi32, #tpu.memory_space<vmem>> -> memref<32x128xi32, #tpu.memory_space<vmem>>
      %dma_wait3A_186 = arith.constant 0 : i32
      %dma_wait3A_187 = tpu.memref_slice %arg5[%mul3A_2, %dma_wait3A_186] : memref<1024x128xi32, #tpu.memory_space<hbm>> -> memref<32x128xi32, #tpu.memory_space<hbm>>
      tpu.wait_dma2 semaphore(%run_scoped3A : memref<!tpu.dma_semaphore, #tpu.memory_space<semaphore_mem>>) src(%dma_wait3A_187 : memref<32x128xi32, #tpu.memory_space<hbm>>) dst(%dma_wait3A_185 : memref<32x128xi32, #tpu.memory_space<vmem>>)
      tpu.yield
    }) : () -> ()
    "tpu.region"() ({
      %run_scoped3A = tpu.sem_alloc : memref<!tpu.dma_semaphore, #tpu.memory_space<semaphore_mem>>
      %dma_start3A = arith.constant 0 : i32
      %dma_start3A_169 = tpu.memref_slice %arg6[%mul3A_4, %dma_start3A] : memref<4096x128xi32, #tpu.memory_space<hbm>> -> memref<128x128xi32, #tpu.memory_space<hbm>>
      %dma_start3A_170 = arith.constant 0 : i32
      %dma_start3A_171 = tpu.memref_slice %arg6[%mul3A_4, %dma_start3A_170] : memref<4096x128xi32, #tpu.memory_space<hbm>> -> memref<128x128xi32, #tpu.memory_space<hbm>>
      tpu.enqueue_dma source(%dma_start3A_171 : memref<128x128xi32, #tpu.memory_space<hbm>>) target(%arg15 : memref<128x128xi32, #tpu.memory_space<vmem>>) target_semaphore(%run_scoped3A : memref<!tpu.dma_semaphore, #tpu.memory_space<semaphore_mem>>)
      %dma_wait3A_172 = arith.constant 0 : i32
      %dma_wait3A_173 = tpu.memref_slice %arg6[%mul3A_4, %dma_wait3A_172] : memref<4096x128xi32, #tpu.memory_space<hbm>> -> memref<128x128xi32, #tpu.memory_space<hbm>>
      %dma_wait3A_174 = arith.constant 0 : i32
      %dma_wait3A_175 = tpu.memref_slice %arg6[%mul3A_4, %dma_wait3A_174] : memref<4096x128xi32, #tpu.memory_space<hbm>> -> memref<128x128xi32, #tpu.memory_space<hbm>>
      tpu.wait_dma2 semaphore(%run_scoped3A : memref<!tpu.dma_semaphore, #tpu.memory_space<semaphore_mem>>) src(%dma_wait3A_175 : memref<128x128xi32, #tpu.memory_space<hbm>>) dst(%arg15 : memref<128x128xi32, #tpu.memory_space<vmem>>)
      tpu.yield
    }) : () -> ()
    %scan3A = arith.constant 0 : i32
    %scan3A_5 = arith.constant 0 : i32
    %scan3A_6 = arith.constant 8 : i32
    %scan3A_7 = arith.addi %scan3A_5, %scan3A_6 : i32
    %scan3A_8 = arith.constant 1 : i32
    scf.for %scan3A_169 = %scan3A_5 to %scan3A_7 step %scan3A_8  : i32 {
      %mul3A_170 = arith.constant 4 : i32
      %mul3A_171 = arith.muli %mul3A_170, %scan3A_169 : i32
      %gt3A = arith.constant 0 : i32
      %gt3A_172 = arith.cmpi sgt, %scan3A_169, %gt3A : i32
      %convert_element_type3A = arith.extui %gt3A_172 : i1 to i32
      %cond3A = arith.constant 0 : i32
      %cond3A_173 = arith.cmpi ne, %convert_element_type3A, %cond3A : i32
      scf.if %cond3A_173 {
        %dma_wait3A_281 = arith.constant 0 : i32
        %dma_wait3A_282 = arith.constant 0 : i32
        %dma_wait3A_283 = tpu.memref_slice %arg9[%mul3A_2, %dma_wait3A_281, %dma_wait3A_282] : memref<1024x128x16xf32, #tpu.memory_space<hbm>> -> memref<1x128x16xf32, #tpu.memory_space<hbm>>
        %dma_wait3A_284 = tpu.memref_squeeze %dma_wait3A_283 : memref<1x128x16xf32, #tpu.memory_space<hbm>> -> memref<128x16xf32, #tpu.memory_space<hbm>>
        %dma_wait3A_285 = arith.constant 0 : i32
        %dma_wait3A_286 = arith.constant 0 : i32
        %dma_wait3A_287 = tpu.memref_slice %arg9[%mul3A_2, %dma_wait3A_285, %dma_wait3A_286] : memref<1024x128x16xf32, #tpu.memory_space<hbm>> -> memref<1x128x16xf32, #tpu.memory_space<hbm>>
        %dma_wait3A_288 = tpu.memref_squeeze %dma_wait3A_287 : memref<1x128x16xf32, #tpu.memory_space<hbm>> -> memref<128x16xf32, #tpu.memory_space<hbm>>
        tpu.wait_dma2 semaphore(%arg26 : memref<!tpu.dma_semaphore, #tpu.memory_space<semaphore_mem>>) src(%arg16 : memref<128x16xf32, #tpu.memory_space<vmem>>) dst(%dma_wait3A_288 : memref<128x16xf32, #tpu.memory_space<hbm>>)
        %dma_wait3A_289 = arith.constant 0 : i32
        %dma_wait3A_290 = arith.constant 0 : i32
        %dma_wait3A_291 = tpu.memref_slice %arg9[%mul3A_2, %dma_wait3A_289, %dma_wait3A_290] : memref<1024x128x16xf32, #tpu.memory_space<hbm>> -> memref<1x128x16xf32, #tpu.memory_space<hbm>>
        %dma_wait3A_292 = tpu.memref_squeeze %dma_wait3A_291 : memref<1x128x16xf32, #tpu.memory_space<hbm>> -> memref<128x16xf32, #tpu.memory_space<hbm>>
        %dma_wait3A_293 = arith.constant 0 : i32
        %dma_wait3A_294 = arith.constant 0 : i32
        %dma_wait3A_295 = tpu.memref_slice %arg9[%mul3A_2, %dma_wait3A_293, %dma_wait3A_294] : memref<1024x128x16xf32, #tpu.memory_space<hbm>> -> memref<1x128x16xf32, #tpu.memory_space<hbm>>
        %dma_wait3A_296 = tpu.memref_squeeze %dma_wait3A_295 : memref<1x128x16xf32, #tpu.memory_space<hbm>> -> memref<128x16xf32, #tpu.memory_space<hbm>>
        tpu.wait_dma2 semaphore(%arg27 : memref<!tpu.dma_semaphore, #tpu.memory_space<semaphore_mem>>) src(%arg17 : memref<128x16xf32, #tpu.memory_space<vmem>>) dst(%dma_wait3A_296 : memref<128x16xf32, #tpu.memory_space<hbm>>)
        %dma_wait3A_297 = arith.constant 0 : i32
        %dma_wait3A_298 = arith.constant 0 : i32
        %dma_wait3A_299 = tpu.memref_slice %arg9[%mul3A_2, %dma_wait3A_297, %dma_wait3A_298] : memref<1024x128x16xf32, #tpu.memory_space<hbm>> -> memref<1x128x16xf32, #tpu.memory_space<hbm>>
        %dma_wait3A_300 = tpu.memref_squeeze %dma_wait3A_299 : memref<1x128x16xf32, #tpu.memory_space<hbm>> -> memref<128x16xf32, #tpu.memory_space<hbm>>
        %dma_wait3A_301 = arith.constant 0 : i32
        %dma_wait3A_302 = arith.constant 0 : i32
        %dma_wait3A_303 = tpu.memref_slice %arg9[%mul3A_2, %dma_wait3A_301, %dma_wait3A_302] : memref<1024x128x16xf32, #tpu.memory_space<hbm>> -> memref<1x128x16xf32, #tpu.memory_space<hbm>>
        %dma_wait3A_304 = tpu.memref_squeeze %dma_wait3A_303 : memref<1x128x16xf32, #tpu.memory_space<hbm>> -> memref<128x16xf32, #tpu.memory_space<hbm>>
        tpu.wait_dma2 semaphore(%arg28 : memref<!tpu.dma_semaphore, #tpu.memory_space<semaphore_mem>>) src(%arg18 : memref<128x16xf32, #tpu.memory_space<vmem>>) dst(%dma_wait3A_304 : memref<128x16xf32, #tpu.memory_space<hbm>>)
        %dma_wait3A_305 = arith.constant 0 : i32
        %dma_wait3A_306 = arith.constant 0 : i32
        %dma_wait3A_307 = tpu.memref_slice %arg9[%mul3A_2, %dma_wait3A_305, %dma_wait3A_306] : memref<1024x128x16xf32, #tpu.memory_space<hbm>> -> memref<1x128x16xf32, #tpu.memory_space<hbm>>
        %dma_wait3A_308 = tpu.memref_squeeze %dma_wait3A_307 : memref<1x128x16xf32, #tpu.memory_space<hbm>> -> memref<128x16xf32, #tpu.memory_space<hbm>>
        %dma_wait3A_309 = arith.constant 0 : i32
        %dma_wait3A_310 = arith.constant 0 : i32
        %dma_wait3A_311 = tpu.memref_slice %arg9[%mul3A_2, %dma_wait3A_309, %dma_wait3A_310] : memref<1024x128x16xf32, #tpu.memory_space<hbm>> -> memref<1x128x16xf32, #tpu.memory_space<hbm>>
        %dma_wait3A_312 = tpu.memref_squeeze %dma_wait3A_311 : memref<1x128x16xf32, #tpu.memory_space<hbm>> -> memref<128x16xf32, #tpu.memory_space<hbm>>
        tpu.wait_dma2 semaphore(%arg29 : memref<!tpu.dma_semaphore, #tpu.memory_space<semaphore_mem>>) src(%arg19 : memref<128x16xf32, #tpu.memory_space<vmem>>) dst(%dma_wait3A_312 : memref<128x16xf32, #tpu.memory_space<hbm>>)
      } else {
      }
      %add3A_174 = arith.constant 0 : i32
      %add3A_175 = arith.addi %add3A_174, %mul3A_171 : i32
      %add3A_176 = arith.constant 0 : i32
      %add3A_177 = arith.addi %add3A_175, %add3A_176 : i32
      %dma_start3A = arith.constant 0 : i32
      %dma_start3A_178 = tpu.memref_slice %arg14[%add3A_177, %dma_start3A] : memref<128x128xi32, #tpu.memory_space<vmem>> -> memref<1x128xi32, #tpu.memory_space<vmem>>
      %dma_start3A_179 = tpu.memref_squeeze %dma_start3A_178 : memref<1x128xi32, #tpu.memory_space<vmem>> -> memref<128xi32, #tpu.memory_space<vmem>>
      %dma_start3A_180 = arith.constant 0 : i32
      %dma_start3A_181 = arith.constant 0 : i32
      %dma_start3A_182 = tpu.memref_slice %arg7[%dma_start3A_180, %dma_start3A_181] : memref<2600832x16xf32, #tpu.memory_space<hbm>> -> memref<2600832x16xf32, #tpu.memory_space<hbm>>
      tpu.enqueue_indirect_dma source(%dma_start3A_182 : memref<2600832x16xf32, #tpu.memory_space<hbm>>) target(%arg16 : memref<128x16xf32, #tpu.memory_space<vmem>>) offsets(%dma_start3A_179 : memref<128xi32, #tpu.memory_space<vmem>>) semaphore(%arg22 : memref<!tpu.dma_semaphore, #tpu.memory_space<semaphore_mem>>)
      %add3A_183 = arith.constant 0 : i32
      %add3A_184 = arith.addi %add3A_183, %mul3A_171 : i32
      %add3A_185 = arith.constant 1 : i32
      %add3A_186 = arith.addi %add3A_184, %add3A_185 : i32
      %dma_start3A_187 = arith.constant 0 : i32
      %dma_start3A_188 = tpu.memref_slice %arg14[%add3A_186, %dma_start3A_187] : memref<128x128xi32, #tpu.memory_space<vmem>> -> memref<1x128xi32, #tpu.memory_space<vmem>>
      %dma_start3A_189 = tpu.memref_squeeze %dma_start3A_188 : memref<1x128xi32, #tpu.memory_space<vmem>> -> memref<128xi32, #tpu.memory_space<vmem>>
      %dma_start3A_190 = arith.constant 0 : i32
      %dma_start3A_191 = arith.constant 0 : i32
      %dma_start3A_192 = tpu.memref_slice %arg7[%dma_start3A_190, %dma_start3A_191] : memref<2600832x16xf32, #tpu.memory_space<hbm>> -> memref<2600832x16xf32, #tpu.memory_space<hbm>>
      tpu.enqueue_indirect_dma source(%dma_start3A_192 : memref<2600832x16xf32, #tpu.memory_space<hbm>>) target(%arg17 : memref<128x16xf32, #tpu.memory_space<vmem>>) offsets(%dma_start3A_189 : memref<128xi32, #tpu.memory_space<vmem>>) semaphore(%arg23 : memref<!tpu.dma_semaphore, #tpu.memory_space<semaphore_mem>>)
      %add3A_193 = arith.constant 0 : i32
      %add3A_194 = arith.addi %add3A_193, %mul3A_171 : i32
      %add3A_195 = arith.constant 2 : i32
      %add3A_196 = arith.addi %add3A_194, %add3A_195 : i32
      %dma_start3A_197 = arith.constant 0 : i32
      %dma_start3A_198 = tpu.memref_slice %arg14[%add3A_196, %dma_start3A_197] : memref<128x128xi32, #tpu.memory_space<vmem>> -> memref<1x128xi32, #tpu.memory_space<vmem>>
      %dma_start3A_199 = tpu.memref_squeeze %dma_start3A_198 : memref<1x128xi32, #tpu.memory_space<vmem>> -> memref<128xi32, #tpu.memory_space<vmem>>
      %dma_start3A_200 = arith.constant 0 : i32
      %dma_start3A_201 = arith.constant 0 : i32
      %dma_start3A_202 = tpu.memref_slice %arg7[%dma_start3A_200, %dma_start3A_201] : memref<2600832x16xf32, #tpu.memory_space<hbm>> -> memref<2600832x16xf32, #tpu.memory_space<hbm>>
      tpu.enqueue_indirect_dma source(%dma_start3A_202 : memref<2600832x16xf32, #tpu.memory_space<hbm>>) target(%arg18 : memref<128x16xf32, #tpu.memory_space<vmem>>) offsets(%dma_start3A_199 : memref<128xi32, #tpu.memory_space<vmem>>) semaphore(%arg24 : memref<!tpu.dma_semaphore, #tpu.memory_space<semaphore_mem>>)
      %add3A_203 = arith.constant 0 : i32
      %add3A_204 = arith.addi %add3A_203, %mul3A_171 : i32
      %add3A_205 = arith.constant 3 : i32
      %add3A_206 = arith.addi %add3A_204, %add3A_205 : i32
      %dma_start3A_207 = arith.constant 0 : i32
      %dma_start3A_208 = tpu.memref_slice %arg14[%add3A_206, %dma_start3A_207] : memref<128x128xi32, #tpu.memory_space<vmem>> -> memref<1x128xi32, #tpu.memory_space<vmem>>
      %dma_start3A_209 = tpu.memref_squeeze %dma_start3A_208 : memref<1x128xi32, #tpu.memory_space<vmem>> -> memref<128xi32, #tpu.memory_space<vmem>>
      %dma_start3A_210 = arith.constant 0 : i32
      %dma_start3A_211 = arith.constant 0 : i32
      %dma_start3A_212 = tpu.memref_slice %arg7[%dma_start3A_210, %dma_start3A_211] : memref<2600832x16xf32, #tpu.memory_space<hbm>> -> memref<2600832x16xf32, #tpu.memory_space<hbm>>
      tpu.enqueue_indirect_dma source(%dma_start3A_212 : memref<2600832x16xf32, #tpu.memory_space<hbm>>) target(%arg19 : memref<128x16xf32, #tpu.memory_space<vmem>>) offsets(%dma_start3A_209 : memref<128xi32, #tpu.memory_space<vmem>>) semaphore(%arg25 : memref<!tpu.dma_semaphore, #tpu.memory_space<semaphore_mem>>)
      %dma_wait3A_213 = arith.constant 0 : i32
      %dma_wait3A_214 = tpu.memref_slice %arg14[%add3A_177, %dma_wait3A_213] : memref<128x128xi32, #tpu.memory_space<vmem>> -> memref<1x128xi32, #tpu.memory_space<vmem>>
      %dma_wait3A_215 = tpu.memref_squeeze %dma_wait3A_214 : memref<1x128xi32, #tpu.memory_space<vmem>> -> memref<128xi32, #tpu.memory_space<vmem>>
      %dma_wait3A_216 = arith.constant 0 : i32
      %dma_wait3A_217 = arith.constant 0 : i32
      %dma_wait3A_218 = tpu.memref_slice %arg7[%dma_wait3A_216, %dma_wait3A_217] : memref<2600832x16xf32, #tpu.memory_space<hbm>> -> memref<2600832x16xf32, #tpu.memory_space<hbm>>
      tpu.wait_indirect_dma semaphore(%arg22 : memref<!tpu.dma_semaphore, #tpu.memory_space<semaphore_mem>>) src(%dma_wait3A_218 : memref<2600832x16xf32, #tpu.memory_space<hbm>>) dst(%arg16 : memref<128x16xf32, #tpu.memory_space<vmem>>)
      %add3A_219 = arith.addi %mul3A_2, %mul3A_171 : i32
      %add3A_220 = arith.constant 0 : i32
      %add3A_221 = arith.addi %add3A_219, %add3A_220 : i32
      %dma_start3A_222 = arith.constant 0 : i32
      %dma_start3A_223 = arith.constant 0 : i32
      %dma_start3A_224 = tpu.memref_slice %arg9[%add3A_221, %dma_start3A_222, %dma_start3A_223] : memref<1024x128x16xf32, #tpu.memory_space<hbm>> -> memref<1x128x16xf32, #tpu.memory_space<hbm>>
      %dma_start3A_225 = tpu.memref_squeeze %dma_start3A_224 : memref<1x128x16xf32, #tpu.memory_space<hbm>> -> memref<128x16xf32, #tpu.memory_space<hbm>>
      %dma_start3A_226 = arith.constant 0 : i32
      %dma_start3A_227 = arith.constant 0 : i32
      %dma_start3A_228 = tpu.memref_slice %arg9[%add3A_221, %dma_start3A_226, %dma_start3A_227] : memref<1024x128x16xf32, #tpu.memory_space<hbm>> -> memref<1x128x16xf32, #tpu.memory_space<hbm>>
      %dma_start3A_229 = tpu.memref_squeeze %dma_start3A_228 : memref<1x128x16xf32, #tpu.memory_space<hbm>> -> memref<128x16xf32, #tpu.memory_space<hbm>>
      tpu.enqueue_dma source(%arg16 : memref<128x16xf32, #tpu.memory_space<vmem>>) target(%dma_start3A_229 : memref<128x16xf32, #tpu.memory_space<hbm>>) target_semaphore(%arg26 : memref<!tpu.dma_semaphore, #tpu.memory_space<semaphore_mem>>)
      %dma_wait3A_230 = arith.constant 0 : i32
      %dma_wait3A_231 = tpu.memref_slice %arg14[%add3A_186, %dma_wait3A_230] : memref<128x128xi32, #tpu.memory_space<vmem>> -> memref<1x128xi32, #tpu.memory_space<vmem>>
      %dma_wait3A_232 = tpu.memref_squeeze %dma_wait3A_231 : memref<1x128xi32, #tpu.memory_space<vmem>> -> memref<128xi32, #tpu.memory_space<vmem>>
      %dma_wait3A_233 = arith.constant 0 : i32
      %dma_wait3A_234 = arith.constant 0 : i32
      %dma_wait3A_235 = tpu.memref_slice %arg7[%dma_wait3A_233, %dma_wait3A_234] : memref<2600832x16xf32, #tpu.memory_space<hbm>> -> memref<2600832x16xf32, #tpu.memory_space<hbm>>
      tpu.wait_indirect_dma semaphore(%arg23 : memref<!tpu.dma_semaphore, #tpu.memory_space<semaphore_mem>>) src(%dma_wait3A_235 : memref<2600832x16xf32, #tpu.memory_space<hbm>>) dst(%arg17 : memref<128x16xf32, #tpu.memory_space<vmem>>)
      %add3A_236 = arith.addi %mul3A_2, %mul3A_171 : i32
      %add3A_237 = arith.constant 1 : i32
      %add3A_238 = arith.addi %add3A_236, %add3A_237 : i32
      %dma_start3A_239 = arith.constant 0 : i32
      %dma_start3A_240 = arith.constant 0 : i32
      %dma_start3A_241 = tpu.memref_slice %arg9[%add3A_238, %dma_start3A_239, %dma_start3A_240] : memref<1024x128x16xf32, #tpu.memory_space<hbm>> -> memref<1x128x16xf32, #tpu.memory_space<hbm>>
      %dma_start3A_242 = tpu.memref_squeeze %dma_start3A_241 : memref<1x128x16xf32, #tpu.memory_space<hbm>> -> memref<128x16xf32, #tpu.memory_space<hbm>>
      %dma_start3A_243 = arith.constant 0 : i32
      %dma_start3A_244 = arith.constant 0 : i32
      %dma_start3A_245 = tpu.memref_slice %arg9[%add3A_238, %dma_start3A_243, %dma_start3A_244] : memref<1024x128x16xf32, #tpu.memory_space<hbm>> -> memref<1x128x16xf32, #tpu.memory_space<hbm>>
      %dma_start3A_246 = tpu.memref_squeeze %dma_start3A_245 : memref<1x128x16xf32, #tpu.memory_space<hbm>> -> memref<128x16xf32, #tpu.memory_space<hbm>>
      tpu.enqueue_dma source(%arg17 : memref<128x16xf32, #tpu.memory_space<vmem>>) target(%dma_start3A_246 : memref<128x16xf32, #tpu.memory_space<hbm>>) target_semaphore(%arg27 : memref<!tpu.dma_semaphore, #tpu.memory_space<semaphore_mem>>)
      %dma_wait3A_247 = arith.constant 0 : i32
      %dma_wait3A_248 = tpu.memref_slice %arg14[%add3A_196, %dma_wait3A_247] : memref<128x128xi32, #tpu.memory_space<vmem>> -> memref<1x128xi32, #tpu.memory_space<vmem>>
      %dma_wait3A_249 = tpu.memref_squeeze %dma_wait3A_248 : memref<1x128xi32, #tpu.memory_space<vmem>> -> memref<128xi32, #tpu.memory_space<vmem>>
      %dma_wait3A_250 = arith.constant 0 : i32
      %dma_wait3A_251 = arith.constant 0 : i32
      %dma_wait3A_252 = tpu.memref_slice %arg7[%dma_wait3A_250, %dma_wait3A_251] : memref<2600832x16xf32, #tpu.memory_space<hbm>> -> memref<2600832x16xf32, #tpu.memory_space<hbm>>
      tpu.wait_indirect_dma semaphore(%arg24 : memref<!tpu.dma_semaphore, #tpu.memory_space<semaphore_mem>>) src(%dma_wait3A_252 : memref<2600832x16xf32, #tpu.memory_space<hbm>>) dst(%arg18 : memref<128x16xf32, #tpu.memory_space<vmem>>)
      %add3A_253 = arith.addi %mul3A_2, %mul3A_171 : i32
      %add3A_254 = arith.constant 2 : i32
      %add3A_255 = arith.addi %add3A_253, %add3A_254 : i32
      %dma_start3A_256 = arith.constant 0 : i32
      %dma_start3A_257 = arith.constant 0 : i32
      %dma_start3A_258 = tpu.memref_slice %arg9[%add3A_255, %dma_start3A_256, %dma_start3A_257] : memref<1024x128x16xf32, #tpu.memory_space<hbm>> -> memref<1x128x16xf32, #tpu.memory_space<hbm>>
      %dma_start3A_259 = tpu.memref_squeeze %dma_start3A_258 : memref<1x128x16xf32, #tpu.memory_space<hbm>> -> memref<128x16xf32, #tpu.memory_space<hbm>>
      %dma_start3A_260 = arith.constant 0 : i32
      %dma_start3A_261 = arith.constant 0 : i32
      %dma_start3A_262 = tpu.memref_slice %arg9[%add3A_255, %dma_start3A_260, %dma_start3A_261] : memref<1024x128x16xf32, #tpu.memory_space<hbm>> -> memref<1x128x16xf32, #tpu.memory_space<hbm>>
      %dma_start3A_263 = tpu.memref_squeeze %dma_start3A_262 : memref<1x128x16xf32, #tpu.memory_space<hbm>> -> memref<128x16xf32, #tpu.memory_space<hbm>>
      tpu.enqueue_dma source(%arg18 : memref<128x16xf32, #tpu.memory_space<vmem>>) target(%dma_start3A_263 : memref<128x16xf32, #tpu.memory_space<hbm>>) target_semaphore(%arg28 : memref<!tpu.dma_semaphore, #tpu.memory_space<semaphore_mem>>)
      %dma_wait3A_264 = arith.constant 0 : i32
      %dma_wait3A_265 = tpu.memref_slice %arg14[%add3A_206, %dma_wait3A_264] : memref<128x128xi32, #tpu.memory_space<vmem>> -> memref<1x128xi32, #tpu.memory_space<vmem>>
      %dma_wait3A_266 = tpu.memref_squeeze %dma_wait3A_265 : memref<1x128xi32, #tpu.memory_space<vmem>> -> memref<128xi32, #tpu.memory_space<vmem>>
      %dma_wait3A_267 = arith.constant 0 : i32
      %dma_wait3A_268 = arith.constant 0 : i32
      %dma_wait3A_269 = tpu.memref_slice %arg7[%dma_wait3A_267, %dma_wait3A_268] : memref<2600832x16xf32, #tpu.memory_space<hbm>> -> memref<2600832x16xf32, #tpu.memory_space<hbm>>
      tpu.wait_indirect_dma semaphore(%arg25 : memref<!tpu.dma_semaphore, #tpu.memory_space<semaphore_mem>>) src(%dma_wait3A_269 : memref<2600832x16xf32, #tpu.memory_space<hbm>>) dst(%arg19 : memref<128x16xf32, #tpu.memory_space<vmem>>)
      %add3A_270 = arith.addi %mul3A_2, %mul3A_171 : i32
      %add3A_271 = arith.constant 3 : i32
      %add3A_272 = arith.addi %add3A_270, %add3A_271 : i32
      %dma_start3A_273 = arith.constant 0 : i32
      %dma_start3A_274 = arith.constant 0 : i32
      %dma_start3A_275 = tpu.memref_slice %arg9[%add3A_272, %dma_start3A_273, %dma_start3A_274] : memref<1024x128x16xf32, #tpu.memory_space<hbm>> -> memref<1x128x16xf32, #tpu.memory_space<hbm>>
      %dma_start3A_276 = tpu.memref_squeeze %dma_start3A_275 : memref<1x128x16xf32, #tpu.memory_space<hbm>> -> memref<128x16xf32, #tpu.memory_space<hbm>>
      %dma_start3A_277 = arith.constant 0 : i32
      %dma_start3A_278 = arith.constant 0 : i32
      %dma_start3A_279 = tpu.memref_slice %arg9[%add3A_272, %dma_start3A_277, %dma_start3A_278] : memref<1024x128x16xf32, #tpu.memory_space<hbm>> -> memref<1x128x16xf32, #tpu.memory_space<hbm>>
      %dma_start3A_280 = tpu.memref_squeeze %dma_start3A_279 : memref<1x128x16xf32, #tpu.memory_space<hbm>> -> memref<128x16xf32, #tpu.memory_space<hbm>>
      tpu.enqueue_dma source(%arg19 : memref<128x16xf32, #tpu.memory_space<vmem>>) target(%dma_start3A_280 : memref<128x16xf32, #tpu.memory_space<hbm>>) target_semaphore(%arg29 : memref<!tpu.dma_semaphore, #tpu.memory_space<semaphore_mem>>)
    }
    %scan3A_9 = arith.constant 8 : i32
    %dma_wait3A = arith.constant 0 : i32
    %dma_wait3A_10 = arith.constant 0 : i32
    %dma_wait3A_11 = tpu.memref_slice %arg9[%mul3A_2, %dma_wait3A, %dma_wait3A_10] : memref<1024x128x16xf32, #tpu.memory_space<hbm>> -> memref<1x128x16xf32, #tpu.memory_space<hbm>>
    %dma_wait3A_12 = tpu.memref_squeeze %dma_wait3A_11 : memref<1x128x16xf32, #tpu.memory_space<hbm>> -> memref<128x16xf32, #tpu.memory_space<hbm>>
    %dma_wait3A_13 = arith.constant 0 : i32
    %dma_wait3A_14 = arith.constant 0 : i32
    %dma_wait3A_15 = tpu.memref_slice %arg9[%mul3A_2, %dma_wait3A_13, %dma_wait3A_14] : memref<1024x128x16xf32, #tpu.memory_space<hbm>> -> memref<1x128x16xf32, #tpu.memory_space<hbm>>
    %dma_wait3A_16 = tpu.memref_squeeze %dma_wait3A_15 : memref<1x128x16xf32, #tpu.memory_space<hbm>> -> memref<128x16xf32, #tpu.memory_space<hbm>>
    tpu.wait_dma2 semaphore(%arg26 : memref<!tpu.dma_semaphore, #tpu.memory_space<semaphore_mem>>) src(%arg16 : memref<128x16xf32, #tpu.memory_space<vmem>>) dst(%dma_wait3A_16 : memref<128x16xf32, #tpu.memory_space<hbm>>)
    %dma_wait3A_17 = arith.constant 0 : i32
    %dma_wait3A_18 = arith.constant 0 : i32
    %dma_wait3A_19 = tpu.memref_slice %arg9[%mul3A_2, %dma_wait3A_17, %dma_wait3A_18] : memref<1024x128x16xf32, #tpu.memory_space<hbm>> -> memref<1x128x16xf32, #tpu.memory_space<hbm>>
    %dma_wait3A_20 = tpu.memref_squeeze %dma_wait3A_19 : memref<1x128x16xf32, #tpu.memory_space<hbm>> -> memref<128x16xf32, #tpu.memory_space<hbm>>
    %dma_wait3A_21 = arith.constant 0 : i32
    %dma_wait3A_22 = arith.constant 0 : i32
    %dma_wait3A_23 = tpu.memref_slice %arg9[%mul3A_2, %dma_wait3A_21, %dma_wait3A_22] : memref<1024x128x16xf32, #tpu.memory_space<hbm>> -> memref<1x128x16xf32, #tpu.memory_space<hbm>>
    %dma_wait3A_24 = tpu.memref_squeeze %dma_wait3A_23 : memref<1x128x16xf32, #tpu.memory_space<hbm>> -> memref<128x16xf32, #tpu.memory_space<hbm>>
    tpu.wait_dma2 semaphore(%arg27 : memref<!tpu.dma_semaphore, #tpu.memory_space<semaphore_mem>>) src(%arg17 : memref<128x16xf32, #tpu.memory_space<vmem>>) dst(%dma_wait3A_24 : memref<128x16xf32, #tpu.memory_space<hbm>>)
    %dma_wait3A_25 = arith.constant 0 : i32
    %dma_wait3A_26 = arith.constant 0 : i32
    %dma_wait3A_27 = tpu.memref_slice %arg9[%mul3A_2, %dma_wait3A_25, %dma_wait3A_26] : memref<1024x128x16xf32, #tpu.memory_space<hbm>> -> memref<1x128x16xf32, #tpu.memory_space<hbm>>
    %dma_wait3A_28 = tpu.memref_squeeze %dma_wait3A_27 : memref<1x128x16xf32, #tpu.memory_space<hbm>> -> memref<128x16xf32, #tpu.memory_space<hbm>>
    %dma_wait3A_29 = arith.constant 0 : i32
    %dma_wait3A_30 = arith.constant 0 : i32
    %dma_wait3A_31 = tpu.memref_slice %arg9[%mul3A_2, %dma_wait3A_29, %dma_wait3A_30] : memref<1024x128x16xf32, #tpu.memory_space<hbm>> -> memref<1x128x16xf32, #tpu.memory_space<hbm>>
    %dma_wait3A_32 = tpu.memref_squeeze %dma_wait3A_31 : memref<1x128x16xf32, #tpu.memory_space<hbm>> -> memref<128x16xf32, #tpu.memory_space<hbm>>
    tpu.wait_dma2 semaphore(%arg28 : memref<!tpu.dma_semaphore, #tpu.memory_space<semaphore_mem>>) src(%arg18 : memref<128x16xf32, #tpu.memory_space<vmem>>) dst(%dma_wait3A_32 : memref<128x16xf32, #tpu.memory_space<hbm>>)
    %dma_wait3A_33 = arith.constant 0 : i32
    %dma_wait3A_34 = arith.constant 0 : i32
    %dma_wait3A_35 = tpu.memref_slice %arg9[%mul3A_2, %dma_wait3A_33, %dma_wait3A_34] : memref<1024x128x16xf32, #tpu.memory_space<hbm>> -> memref<1x128x16xf32, #tpu.memory_space<hbm>>
    %dma_wait3A_36 = tpu.memref_squeeze %dma_wait3A_35 : memref<1x128x16xf32, #tpu.memory_space<hbm>> -> memref<128x16xf32, #tpu.memory_space<hbm>>
    %dma_wait3A_37 = arith.constant 0 : i32
    %dma_wait3A_38 = arith.constant 0 : i32
    %dma_wait3A_39 = tpu.memref_slice %arg9[%mul3A_2, %dma_wait3A_37, %dma_wait3A_38] : memref<1024x128x16xf32, #tpu.memory_space<hbm>> -> memref<1x128x16xf32, #tpu.memory_space<hbm>>
    %dma_wait3A_40 = tpu.memref_squeeze %dma_wait3A_39 : memref<1x128x16xf32, #tpu.memory_space<hbm>> -> memref<128x16xf32, #tpu.memory_space<hbm>>
    tpu.wait_dma2 semaphore(%arg29 : memref<!tpu.dma_semaphore, #tpu.memory_space<semaphore_mem>>) src(%arg19 : memref<128x16xf32, #tpu.memory_space<vmem>>) dst(%dma_wait3A_40 : memref<128x16xf32, #tpu.memory_space<hbm>>)
    %scan3A_41 = arith.constant 0 : i32
    %scan3A_42 = arith.constant 0 : i32
    %scan3A_43 = arith.constant 8 : i32
    %scan3A_44 = arith.addi %scan3A_42, %scan3A_43 : i32
    %scan3A_45 = arith.constant 1 : i32
    scf.for %scan3A_169 = %scan3A_42 to %scan3A_44 step %scan3A_45  : i32 {
      %mul3A_170 = arith.constant 4 : i32
      %mul3A_171 = arith.muli %mul3A_170, %scan3A_169 : i32
      %gt3A = arith.constant 0 : i32
      %gt3A_172 = arith.cmpi sgt, %scan3A_169, %gt3A : i32
      %convert_element_type3A = arith.extui %gt3A_172 : i1 to i32
      %cond3A = arith.constant 0 : i32
      %cond3A_173 = arith.cmpi ne, %convert_element_type3A, %cond3A : i32
      scf.if %cond3A_173 {
        %dma_wait3A_281 = arith.constant 0 : i32
        %dma_wait3A_282 = arith.constant 0 : i32
        %dma_wait3A_283 = tpu.memref_slice %arg10[%mul3A_2, %dma_wait3A_281, %dma_wait3A_282] : memref<1024x128x16xf32, #tpu.memory_space<hbm>> -> memref<1x128x16xf32, #tpu.memory_space<hbm>>
        %dma_wait3A_284 = tpu.memref_squeeze %dma_wait3A_283 : memref<1x128x16xf32, #tpu.memory_space<hbm>> -> memref<128x16xf32, #tpu.memory_space<hbm>>
        %dma_wait3A_285 = arith.constant 0 : i32
        %dma_wait3A_286 = arith.constant 0 : i32
        %dma_wait3A_287 = tpu.memref_slice %arg10[%mul3A_2, %dma_wait3A_285, %dma_wait3A_286] : memref<1024x128x16xf32, #tpu.memory_space<hbm>> -> memref<1x128x16xf32, #tpu.memory_space<hbm>>
        %dma_wait3A_288 = tpu.memref_squeeze %dma_wait3A_287 : memref<1x128x16xf32, #tpu.memory_space<hbm>> -> memref<128x16xf32, #tpu.memory_space<hbm>>
        tpu.wait_dma2 semaphore(%arg26 : memref<!tpu.dma_semaphore, #tpu.memory_space<semaphore_mem>>) src(%arg16 : memref<128x16xf32, #tpu.memory_space<vmem>>) dst(%dma_wait3A_288 : memref<128x16xf32, #tpu.memory_space<hbm>>)
        %dma_wait3A_289 = arith.constant 0 : i32
        %dma_wait3A_290 = arith.constant 0 : i32
        %dma_wait3A_291 = tpu.memref_slice %arg10[%mul3A_2, %dma_wait3A_289, %dma_wait3A_290] : memref<1024x128x16xf32, #tpu.memory_space<hbm>> -> memref<1x128x16xf32, #tpu.memory_space<hbm>>
        %dma_wait3A_292 = tpu.memref_squeeze %dma_wait3A_291 : memref<1x128x16xf32, #tpu.memory_space<hbm>> -> memref<128x16xf32, #tpu.memory_space<hbm>>
        %dma_wait3A_293 = arith.constant 0 : i32
        %dma_wait3A_294 = arith.constant 0 : i32
        %dma_wait3A_295 = tpu.memref_slice %arg10[%mul3A_2, %dma_wait3A_293, %dma_wait3A_294] : memref<1024x128x16xf32, #tpu.memory_space<hbm>> -> memref<1x128x16xf32, #tpu.memory_space<hbm>>
        %dma_wait3A_296 = tpu.memref_squeeze %dma_wait3A_295 : memref<1x128x16xf32, #tpu.memory_space<hbm>> -> memref<128x16xf32, #tpu.memory_space<hbm>>
        tpu.wait_dma2 semaphore(%arg27 : memref<!tpu.dma_semaphore, #tpu.memory_space<semaphore_mem>>) src(%arg17 : memref<128x16xf32, #tpu.memory_space<vmem>>) dst(%dma_wait3A_296 : memref<128x16xf32, #tpu.memory_space<hbm>>)
        %dma_wait3A_297 = arith.constant 0 : i32
        %dma_wait3A_298 = arith.constant 0 : i32
        %dma_wait3A_299 = tpu.memref_slice %arg10[%mul3A_2, %dma_wait3A_297, %dma_wait3A_298] : memref<1024x128x16xf32, #tpu.memory_space<hbm>> -> memref<1x128x16xf32, #tpu.memory_space<hbm>>
        %dma_wait3A_300 = tpu.memref_squeeze %dma_wait3A_299 : memref<1x128x16xf32, #tpu.memory_space<hbm>> -> memref<128x16xf32, #tpu.memory_space<hbm>>
        %dma_wait3A_301 = arith.constant 0 : i32
        %dma_wait3A_302 = arith.constant 0 : i32
        %dma_wait3A_303 = tpu.memref_slice %arg10[%mul3A_2, %dma_wait3A_301, %dma_wait3A_302] : memref<1024x128x16xf32, #tpu.memory_space<hbm>> -> memref<1x128x16xf32, #tpu.memory_space<hbm>>
        %dma_wait3A_304 = tpu.memref_squeeze %dma_wait3A_303 : memref<1x128x16xf32, #tpu.memory_space<hbm>> -> memref<128x16xf32, #tpu.memory_space<hbm>>
        tpu.wait_dma2 semaphore(%arg28 : memref<!tpu.dma_semaphore, #tpu.memory_space<semaphore_mem>>) src(%arg18 : memref<128x16xf32, #tpu.memory_space<vmem>>) dst(%dma_wait3A_304 : memref<128x16xf32, #tpu.memory_space<hbm>>)
        %dma_wait3A_305 = arith.constant 0 : i32
        %dma_wait3A_306 = arith.constant 0 : i32
        %dma_wait3A_307 = tpu.memref_slice %arg10[%mul3A_2, %dma_wait3A_305, %dma_wait3A_306] : memref<1024x128x16xf32, #tpu.memory_space<hbm>> -> memref<1x128x16xf32, #tpu.memory_space<hbm>>
        %dma_wait3A_308 = tpu.memref_squeeze %dma_wait3A_307 : memref<1x128x16xf32, #tpu.memory_space<hbm>> -> memref<128x16xf32, #tpu.memory_space<hbm>>
        %dma_wait3A_309 = arith.constant 0 : i32
        %dma_wait3A_310 = arith.constant 0 : i32
        %dma_wait3A_311 = tpu.memref_slice %arg10[%mul3A_2, %dma_wait3A_309, %dma_wait3A_310] : memref<1024x128x16xf32, #tpu.memory_space<hbm>> -> memref<1x128x16xf32, #tpu.memory_space<hbm>>
        %dma_wait3A_312 = tpu.memref_squeeze %dma_wait3A_311 : memref<1x128x16xf32, #tpu.memory_space<hbm>> -> memref<128x16xf32, #tpu.memory_space<hbm>>
        tpu.wait_dma2 semaphore(%arg29 : memref<!tpu.dma_semaphore, #tpu.memory_space<semaphore_mem>>) src(%arg19 : memref<128x16xf32, #tpu.memory_space<vmem>>) dst(%dma_wait3A_312 : memref<128x16xf32, #tpu.memory_space<hbm>>)
      } else {
      }
      %add3A_174 = arith.constant 32 : i32
      %add3A_175 = arith.addi %add3A_174, %mul3A_171 : i32
      %add3A_176 = arith.constant 0 : i32
      %add3A_177 = arith.addi %add3A_175, %add3A_176 : i32
      %dma_start3A = arith.constant 0 : i32
      %dma_start3A_178 = tpu.memref_slice %arg14[%add3A_177, %dma_start3A] : memref<128x128xi32, #tpu.memory_space<vmem>> -> memref<1x128xi32, #tpu.memory_space<vmem>>
      %dma_start3A_179 = tpu.memref_squeeze %dma_start3A_178 : memref<1x128xi32, #tpu.memory_space<vmem>> -> memref<128xi32, #tpu.memory_space<vmem>>
      %dma_start3A_180 = arith.constant 0 : i32
      %dma_start3A_181 = arith.constant 0 : i32
      %dma_start3A_182 = tpu.memref_slice %arg7[%dma_start3A_180, %dma_start3A_181] : memref<2600832x16xf32, #tpu.memory_space<hbm>> -> memref<2600832x16xf32, #tpu.memory_space<hbm>>
      tpu.enqueue_indirect_dma source(%dma_start3A_182 : memref<2600832x16xf32, #tpu.memory_space<hbm>>) target(%arg16 : memref<128x16xf32, #tpu.memory_space<vmem>>) offsets(%dma_start3A_179 : memref<128xi32, #tpu.memory_space<vmem>>) semaphore(%arg22 : memref<!tpu.dma_semaphore, #tpu.memory_space<semaphore_mem>>)
      %add3A_183 = arith.constant 32 : i32
      %add3A_184 = arith.addi %add3A_183, %mul3A_171 : i32
      %add3A_185 = arith.constant 1 : i32
      %add3A_186 = arith.addi %add3A_184, %add3A_185 : i32
      %dma_start3A_187 = arith.constant 0 : i32
      %dma_start3A_188 = tpu.memref_slice %arg14[%add3A_186, %dma_start3A_187] : memref<128x128xi32, #tpu.memory_space<vmem>> -> memref<1x128xi32, #tpu.memory_space<vmem>>
      %dma_start3A_189 = tpu.memref_squeeze %dma_start3A_188 : memref<1x128xi32, #tpu.memory_space<vmem>> -> memref<128xi32, #tpu.memory_space<vmem>>
      %dma_start3A_190 = arith.constant 0 : i32
      %dma_start3A_191 = arith.constant 0 : i32
      %dma_start3A_192 = tpu.memref_slice %arg7[%dma_start3A_190, %dma_start3A_191] : memref<2600832x16xf32, #tpu.memory_space<hbm>> -> memref<2600832x16xf32, #tpu.memory_space<hbm>>
      tpu.enqueue_indirect_dma source(%dma_start3A_192 : memref<2600832x16xf32, #tpu.memory_space<hbm>>) target(%arg17 : memref<128x16xf32, #tpu.memory_space<vmem>>) offsets(%dma_start3A_189 : memref<128xi32, #tpu.memory_space<vmem>>) semaphore(%arg23 : memref<!tpu.dma_semaphore, #tpu.memory_space<semaphore_mem>>)
      %add3A_193 = arith.constant 32 : i32
      %add3A_194 = arith.addi %add3A_193, %mul3A_171 : i32
      %add3A_195 = arith.constant 2 : i32
      %add3A_196 = arith.addi %add3A_194, %add3A_195 : i32
      %dma_start3A_197 = arith.constant 0 : i32
      %dma_start3A_198 = tpu.memref_slice %arg14[%add3A_196, %dma_start3A_197] : memref<128x128xi32, #tpu.memory_space<vmem>> -> memref<1x128xi32, #tpu.memory_space<vmem>>
      %dma_start3A_199 = tpu.memref_squeeze %dma_start3A_198 : memref<1x128xi32, #tpu.memory_space<vmem>> -> memref<128xi32, #tpu.memory_space<vmem>>
      %dma_start3A_200 = arith.constant 0 : i32
      %dma_start3A_201 = arith.constant 0 : i32
      %dma_start3A_202 = tpu.memref_slice %arg7[%dma_start3A_200, %dma_start3A_201] : memref<2600832x16xf32, #tpu.memory_space<hbm>> -> memref<2600832x16xf32, #tpu.memory_space<hbm>>
      tpu.enqueue_indirect_dma source(%dma_start3A_202 : memref<2600832x16xf32, #tpu.memory_space<hbm>>) target(%arg18 : memref<128x16xf32, #tpu.memory_space<vmem>>) offsets(%dma_start3A_199 : memref<128xi32, #tpu.memory_space<vmem>>) semaphore(%arg24 : memref<!tpu.dma_semaphore, #tpu.memory_space<semaphore_mem>>)
      %add3A_203 = arith.constant 32 : i32
      %add3A_204 = arith.addi %add3A_203, %mul3A_171 : i32
      %add3A_205 = arith.constant 3 : i32
      %add3A_206 = arith.addi %add3A_204, %add3A_205 : i32
      %dma_start3A_207 = arith.constant 0 : i32
      %dma_start3A_208 = tpu.memref_slice %arg14[%add3A_206, %dma_start3A_207] : memref<128x128xi32, #tpu.memory_space<vmem>> -> memref<1x128xi32, #tpu.memory_space<vmem>>
      %dma_start3A_209 = tpu.memref_squeeze %dma_start3A_208 : memref<1x128xi32, #tpu.memory_space<vmem>> -> memref<128xi32, #tpu.memory_space<vmem>>
      %dma_start3A_210 = arith.constant 0 : i32
      %dma_start3A_211 = arith.constant 0 : i32
      %dma_start3A_212 = tpu.memref_slice %arg7[%dma_start3A_210, %dma_start3A_211] : memref<2600832x16xf32, #tpu.memory_space<hbm>> -> memref<2600832x16xf32, #tpu.memory_space<hbm>>
      tpu.enqueue_indirect_dma source(%dma_start3A_212 : memref<2600832x16xf32, #tpu.memory_space<hbm>>) target(%arg19 : memref<128x16xf32, #tpu.memory_space<vmem>>) offsets(%dma_start3A_209 : memref<128xi32, #tpu.memory_space<vmem>>) semaphore(%arg25 : memref<!tpu.dma_semaphore, #tpu.memory_space<semaphore_mem>>)
      %dma_wait3A_213 = arith.constant 0 : i32
      %dma_wait3A_214 = tpu.memref_slice %arg14[%add3A_177, %dma_wait3A_213] : memref<128x128xi32, #tpu.memory_space<vmem>> -> memref<1x128xi32, #tpu.memory_space<vmem>>
      %dma_wait3A_215 = tpu.memref_squeeze %dma_wait3A_214 : memref<1x128xi32, #tpu.memory_space<vmem>> -> memref<128xi32, #tpu.memory_space<vmem>>
      %dma_wait3A_216 = arith.constant 0 : i32
      %dma_wait3A_217 = arith.constant 0 : i32
      %dma_wait3A_218 = tpu.memref_slice %arg7[%dma_wait3A_216, %dma_wait3A_217] : memref<2600832x16xf32, #tpu.memory_space<hbm>> -> memref<2600832x16xf32, #tpu.memory_space<hbm>>
      tpu.wait_indirect_dma semaphore(%arg22 : memref<!tpu.dma_semaphore, #tpu.memory_space<semaphore_mem>>) src(%dma_wait3A_218 : memref<2600832x16xf32, #tpu.memory_space<hbm>>) dst(%arg16 : memref<128x16xf32, #tpu.memory_space<vmem>>)
      %add3A_219 = arith.addi %mul3A_2, %mul3A_171 : i32
      %add3A_220 = arith.constant 0 : i32
      %add3A_221 = arith.addi %add3A_219, %add3A_220 : i32
      %dma_start3A_222 = arith.constant 0 : i32
      %dma_start3A_223 = arith.constant 0 : i32
      %dma_start3A_224 = tpu.memref_slice %arg10[%add3A_221, %dma_start3A_222, %dma_start3A_223] : memref<1024x128x16xf32, #tpu.memory_space<hbm>> -> memref<1x128x16xf32, #tpu.memory_space<hbm>>
      %dma_start3A_225 = tpu.memref_squeeze %dma_start3A_224 : memref<1x128x16xf32, #tpu.memory_space<hbm>> -> memref<128x16xf32, #tpu.memory_space<hbm>>
      %dma_start3A_226 = arith.constant 0 : i32
      %dma_start3A_227 = arith.constant 0 : i32
      %dma_start3A_228 = tpu.memref_slice %arg10[%add3A_221, %dma_start3A_226, %dma_start3A_227] : memref<1024x128x16xf32, #tpu.memory_space<hbm>> -> memref<1x128x16xf32, #tpu.memory_space<hbm>>
      %dma_start3A_229 = tpu.memref_squeeze %dma_start3A_228 : memref<1x128x16xf32, #tpu.memory_space<hbm>> -> memref<128x16xf32, #tpu.memory_space<hbm>>
      tpu.enqueue_dma source(%arg16 : memref<128x16xf32, #tpu.memory_space<vmem>>) target(%dma_start3A_229 : memref<128x16xf32, #tpu.memory_space<hbm>>) target_semaphore(%arg26 : memref<!tpu.dma_semaphore, #tpu.memory_space<semaphore_mem>>)
      %dma_wait3A_230 = arith.constant 0 : i32
      %dma_wait3A_231 = tpu.memref_slice %arg14[%add3A_186, %dma_wait3A_230] : memref<128x128xi32, #tpu.memory_space<vmem>> -> memref<1x128xi32, #tpu.memory_space<vmem>>
      %dma_wait3A_232 = tpu.memref_squeeze %dma_wait3A_231 : memref<1x128xi32, #tpu.memory_space<vmem>> -> memref<128xi32, #tpu.memory_space<vmem>>
      %dma_wait3A_233 = arith.constant 0 : i32
      %dma_wait3A_234 = arith.constant 0 : i32
      %dma_wait3A_235 = tpu.memref_slice %arg7[%dma_wait3A_233, %dma_wait3A_234] : memref<2600832x16xf32, #tpu.memory_space<hbm>> -> memref<2600832x16xf32, #tpu.memory_space<hbm>>
      tpu.wait_indirect_dma semaphore(%arg23 : memref<!tpu.dma_semaphore, #tpu.memory_space<semaphore_mem>>) src(%dma_wait3A_235 : memref<2600832x16xf32, #tpu.memory_space<hbm>>) dst(%arg17 : memref<128x16xf32, #tpu.memory_space<vmem>>)
      %add3A_236 = arith.addi %mul3A_2, %mul3A_171 : i32
      %add3A_237 = arith.constant 1 : i32
      %add3A_238 = arith.addi %add3A_236, %add3A_237 : i32
      %dma_start3A_239 = arith.constant 0 : i32
      %dma_start3A_240 = arith.constant 0 : i32
      %dma_start3A_241 = tpu.memref_slice %arg10[%add3A_238, %dma_start3A_239, %dma_start3A_240] : memref<1024x128x16xf32, #tpu.memory_space<hbm>> -> memref<1x128x16xf32, #tpu.memory_space<hbm>>
      %dma_start3A_242 = tpu.memref_squeeze %dma_start3A_241 : memref<1x128x16xf32, #tpu.memory_space<hbm>> -> memref<128x16xf32, #tpu.memory_space<hbm>>
      %dma_start3A_243 = arith.constant 0 : i32
      %dma_start3A_244 = arith.constant 0 : i32
      %dma_start3A_245 = tpu.memref_slice %arg10[%add3A_238, %dma_start3A_243, %dma_start3A_244] : memref<1024x128x16xf32, #tpu.memory_space<hbm>> -> memref<1x128x16xf32, #tpu.memory_space<hbm>>
      %dma_start3A_246 = tpu.memref_squeeze %dma_start3A_245 : memref<1x128x16xf32, #tpu.memory_space<hbm>> -> memref<128x16xf32, #tpu.memory_space<hbm>>
      tpu.enqueue_dma source(%arg17 : memref<128x16xf32, #tpu.memory_space<vmem>>) target(%dma_start3A_246 : memref<128x16xf32, #tpu.memory_space<hbm>>) target_semaphore(%arg27 : memref<!tpu.dma_semaphore, #tpu.memory_space<semaphore_mem>>)
      %dma_wait3A_247 = arith.constant 0 : i32
      %dma_wait3A_248 = tpu.memref_slice %arg14[%add3A_196, %dma_wait3A_247] : memref<128x128xi32, #tpu.memory_space<vmem>> -> memref<1x128xi32, #tpu.memory_space<vmem>>
      %dma_wait3A_249 = tpu.memref_squeeze %dma_wait3A_248 : memref<1x128xi32, #tpu.memory_space<vmem>> -> memref<128xi32, #tpu.memory_space<vmem>>
      %dma_wait3A_250 = arith.constant 0 : i32
      %dma_wait3A_251 = arith.constant 0 : i32
      %dma_wait3A_252 = tpu.memref_slice %arg7[%dma_wait3A_250, %dma_wait3A_251] : memref<2600832x16xf32, #tpu.memory_space<hbm>> -> memref<2600832x16xf32, #tpu.memory_space<hbm>>
      tpu.wait_indirect_dma semaphore(%arg24 : memref<!tpu.dma_semaphore, #tpu.memory_space<semaphore_mem>>) src(%dma_wait3A_252 : memref<2600832x16xf32, #tpu.memory_space<hbm>>) dst(%arg18 : memref<128x16xf32, #tpu.memory_space<vmem>>)
      %add3A_253 = arith.addi %mul3A_2, %mul3A_171 : i32
      %add3A_254 = arith.constant 2 : i32
      %add3A_255 = arith.addi %add3A_253, %add3A_254 : i32
      %dma_start3A_256 = arith.constant 0 : i32
      %dma_start3A_257 = arith.constant 0 : i32
      %dma_start3A_258 = tpu.memref_slice %arg10[%add3A_255, %dma_start3A_256, %dma_start3A_257] : memref<1024x128x16xf32, #tpu.memory_space<hbm>> -> memref<1x128x16xf32, #tpu.memory_space<hbm>>
      %dma_start3A_259 = tpu.memref_squeeze %dma_start3A_258 : memref<1x128x16xf32, #tpu.memory_space<hbm>> -> memref<128x16xf32, #tpu.memory_space<hbm>>
      %dma_start3A_260 = arith.constant 0 : i32
      %dma_start3A_261 = arith.constant 0 : i32
      %dma_start3A_262 = tpu.memref_slice %arg10[%add3A_255, %dma_start3A_260, %dma_start3A_261] : memref<1024x128x16xf32, #tpu.memory_space<hbm>> -> memref<1x128x16xf32, #tpu.memory_space<hbm>>
      %dma_start3A_263 = tpu.memref_squeeze %dma_start3A_262 : memref<1x128x16xf32, #tpu.memory_space<hbm>> -> memref<128x16xf32, #tpu.memory_space<hbm>>
      tpu.enqueue_dma source(%arg18 : memref<128x16xf32, #tpu.memory_space<vmem>>) target(%dma_start3A_263 : memref<128x16xf32, #tpu.memory_space<hbm>>) target_semaphore(%arg28 : memref<!tpu.dma_semaphore, #tpu.memory_space<semaphore_mem>>)
      %dma_wait3A_264 = arith.constant 0 : i32
      %dma_wait3A_265 = tpu.memref_slice %arg14[%add3A_206, %dma_wait3A_264] : memref<128x128xi32, #tpu.memory_space<vmem>> -> memref<1x128xi32, #tpu.memory_space<vmem>>
      %dma_wait3A_266 = tpu.memref_squeeze %dma_wait3A_265 : memref<1x128xi32, #tpu.memory_space<vmem>> -> memref<128xi32, #tpu.memory_space<vmem>>
      %dma_wait3A_267 = arith.constant 0 : i32
      %dma_wait3A_268 = arith.constant 0 : i32
      %dma_wait3A_269 = tpu.memref_slice %arg7[%dma_wait3A_267, %dma_wait3A_268] : memref<2600832x16xf32, #tpu.memory_space<hbm>> -> memref<2600832x16xf32, #tpu.memory_space<hbm>>
      tpu.wait_indirect_dma semaphore(%arg25 : memref<!tpu.dma_semaphore, #tpu.memory_space<semaphore_mem>>) src(%dma_wait3A_269 : memref<2600832x16xf32, #tpu.memory_space<hbm>>) dst(%arg19 : memref<128x16xf32, #tpu.memory_space<vmem>>)
      %add3A_270 = arith.addi %mul3A_2, %mul3A_171 : i32
      %add3A_271 = arith.constant 3 : i32
      %add3A_272 = arith.addi %add3A_270, %add3A_271 : i32
      %dma_start3A_273 = arith.constant 0 : i32
      %dma_start3A_274 = arith.constant 0 : i32
      %dma_start3A_275 = tpu.memref_slice %arg10[%add3A_272, %dma_start3A_273, %dma_start3A_274] : memref<1024x128x16xf32, #tpu.memory_space<hbm>> -> memref<1x128x16xf32, #tpu.memory_space<hbm>>
      %dma_start3A_276 = tpu.memref_squeeze %dma_start3A_275 : memref<1x128x16xf32, #tpu.memory_space<hbm>> -> memref<128x16xf32, #tpu.memory_space<hbm>>
      %dma_start3A_277 = arith.constant 0 : i32
      %dma_start3A_278 = arith.constant 0 : i32
      %dma_start3A_279 = tpu.memref_slice %arg10[%add3A_272, %dma_start3A_277, %dma_start3A_278] : memref<1024x128x16xf32, #tpu.memory_space<hbm>> -> memref<1x128x16xf32, #tpu.memory_space<hbm>>
      %dma_start3A_280 = tpu.memref_squeeze %dma_start3A_279 : memref<1x128x16xf32, #tpu.memory_space<hbm>> -> memref<128x16xf32, #tpu.memory_space<hbm>>
      tpu.enqueue_dma source(%arg19 : memref<128x16xf32, #tpu.memory_space<vmem>>) target(%dma_start3A_280 : memref<128x16xf32, #tpu.memory_space<hbm>>) target_semaphore(%arg29 : memref<!tpu.dma_semaphore, #tpu.memory_space<semaphore_mem>>)
    }
    %scan3A_46 = arith.constant 8 : i32
    %dma_wait3A_47 = arith.constant 0 : i32
    %dma_wait3A_48 = arith.constant 0 : i32
    %dma_wait3A_49 = tpu.memref_slice %arg10[%mul3A_2, %dma_wait3A_47, %dma_wait3A_48] : memref<1024x128x16xf32, #tpu.memory_space<hbm>> -> memref<1x128x16xf32, #tpu.memory_space<hbm>>
    %dma_wait3A_50 = tpu.memref_squeeze %dma_wait3A_49 : memref<1x128x16xf32, #tpu.memory_space<hbm>> -> memref<128x16xf32, #tpu.memory_space<hbm>>
    %dma_wait3A_51 = arith.constant 0 : i32
    %dma_wait3A_52 = arith.constant 0 : i32
    %dma_wait3A_53 = tpu.memref_slice %arg10[%mul3A_2, %dma_wait3A_51, %dma_wait3A_52] : memref<1024x128x16xf32, #tpu.memory_space<hbm>> -> memref<1x128x16xf32, #tpu.memory_space<hbm>>
    %dma_wait3A_54 = tpu.memref_squeeze %dma_wait3A_53 : memref<1x128x16xf32, #tpu.memory_space<hbm>> -> memref<128x16xf32, #tpu.memory_space<hbm>>
    tpu.wait_dma2 semaphore(%arg26 : memref<!tpu.dma_semaphore, #tpu.memory_space<semaphore_mem>>) src(%arg16 : memref<128x16xf32, #tpu.memory_space<vmem>>) dst(%dma_wait3A_54 : memref<128x16xf32, #tpu.memory_space<hbm>>)
    %dma_wait3A_55 = arith.constant 0 : i32
    %dma_wait3A_56 = arith.constant 0 : i32
    %dma_wait3A_57 = tpu.memref_slice %arg10[%mul3A_2, %dma_wait3A_55, %dma_wait3A_56] : memref<1024x128x16xf32, #tpu.memory_space<hbm>> -> memref<1x128x16xf32, #tpu.memory_space<hbm>>
    %dma_wait3A_58 = tpu.memref_squeeze %dma_wait3A_57 : memref<1x128x16xf32, #tpu.memory_space<hbm>> -> memref<128x16xf32, #tpu.memory_space<hbm>>
    %dma_wait3A_59 = arith.constant 0 : i32
    %dma_wait3A_60 = arith.constant 0 : i32
    %dma_wait3A_61 = tpu.memref_slice %arg10[%mul3A_2, %dma_wait3A_59, %dma_wait3A_60] : memref<1024x128x16xf32, #tpu.memory_space<hbm>> -> memref<1x128x16xf32, #tpu.memory_space<hbm>>
    %dma_wait3A_62 = tpu.memref_squeeze %dma_wait3A_61 : memref<1x128x16xf32, #tpu.memory_space<hbm>> -> memref<128x16xf32, #tpu.memory_space<hbm>>
    tpu.wait_dma2 semaphore(%arg27 : memref<!tpu.dma_semaphore, #tpu.memory_space<semaphore_mem>>) src(%arg17 : memref<128x16xf32, #tpu.memory_space<vmem>>) dst(%dma_wait3A_62 : memref<128x16xf32, #tpu.memory_space<hbm>>)
    %dma_wait3A_63 = arith.constant 0 : i32
    %dma_wait3A_64 = arith.constant 0 : i32
    %dma_wait3A_65 = tpu.memref_slice %arg10[%mul3A_2, %dma_wait3A_63, %dma_wait3A_64] : memref<1024x128x16xf32, #tpu.memory_space<hbm>> -> memref<1x128x16xf32, #tpu.memory_space<hbm>>
    %dma_wait3A_66 = tpu.memref_squeeze %dma_wait3A_65 : memref<1x128x16xf32, #tpu.memory_space<hbm>> -> memref<128x16xf32, #tpu.memory_space<hbm>>
    %dma_wait3A_67 = arith.constant 0 : i32
    %dma_wait3A_68 = arith.constant 0 : i32
    %dma_wait3A_69 = tpu.memref_slice %arg10[%mul3A_2, %dma_wait3A_67, %dma_wait3A_68] : memref<1024x128x16xf32, #tpu.memory_space<hbm>> -> memref<1x128x16xf32, #tpu.memory_space<hbm>>
    %dma_wait3A_70 = tpu.memref_squeeze %dma_wait3A_69 : memref<1x128x16xf32, #tpu.memory_space<hbm>> -> memref<128x16xf32, #tpu.memory_space<hbm>>
    tpu.wait_dma2 semaphore(%arg28 : memref<!tpu.dma_semaphore, #tpu.memory_space<semaphore_mem>>) src(%arg18 : memref<128x16xf32, #tpu.memory_space<vmem>>) dst(%dma_wait3A_70 : memref<128x16xf32, #tpu.memory_space<hbm>>)
    %dma_wait3A_71 = arith.constant 0 : i32
    %dma_wait3A_72 = arith.constant 0 : i32
    %dma_wait3A_73 = tpu.memref_slice %arg10[%mul3A_2, %dma_wait3A_71, %dma_wait3A_72] : memref<1024x128x16xf32, #tpu.memory_space<hbm>> -> memref<1x128x16xf32, #tpu.memory_space<hbm>>
    %dma_wait3A_74 = tpu.memref_squeeze %dma_wait3A_73 : memref<1x128x16xf32, #tpu.memory_space<hbm>> -> memref<128x16xf32, #tpu.memory_space<hbm>>
    %dma_wait3A_75 = arith.constant 0 : i32
    %dma_wait3A_76 = arith.constant 0 : i32
    %dma_wait3A_77 = tpu.memref_slice %arg10[%mul3A_2, %dma_wait3A_75, %dma_wait3A_76] : memref<1024x128x16xf32, #tpu.memory_space<hbm>> -> memref<1x128x16xf32, #tpu.memory_space<hbm>>
    %dma_wait3A_78 = tpu.memref_squeeze %dma_wait3A_77 : memref<1x128x16xf32, #tpu.memory_space<hbm>> -> memref<128x16xf32, #tpu.memory_space<hbm>>
    tpu.wait_dma2 semaphore(%arg29 : memref<!tpu.dma_semaphore, #tpu.memory_space<semaphore_mem>>) src(%arg19 : memref<128x16xf32, #tpu.memory_space<vmem>>) dst(%dma_wait3A_78 : memref<128x16xf32, #tpu.memory_space<hbm>>)
    %scan3A_79 = arith.constant 0 : i32
    %scan3A_80 = arith.constant 0 : i32
    %scan3A_81 = arith.constant 8 : i32
    %scan3A_82 = arith.addi %scan3A_80, %scan3A_81 : i32
    %scan3A_83 = arith.constant 1 : i32
    scf.for %scan3A_169 = %scan3A_80 to %scan3A_82 step %scan3A_83  : i32 {
      %mul3A_170 = arith.constant 4 : i32
      %mul3A_171 = arith.muli %mul3A_170, %scan3A_169 : i32
      %gt3A = arith.constant 0 : i32
      %gt3A_172 = arith.cmpi sgt, %scan3A_169, %gt3A : i32
      %convert_element_type3A = arith.extui %gt3A_172 : i1 to i32
      %cond3A = arith.constant 0 : i32
      %cond3A_173 = arith.cmpi ne, %convert_element_type3A, %cond3A : i32
      scf.if %cond3A_173 {
        %dma_wait3A_281 = arith.constant 0 : i32
        %dma_wait3A_282 = arith.constant 0 : i32
        %dma_wait3A_283 = tpu.memref_slice %arg11[%mul3A_2, %dma_wait3A_281, %dma_wait3A_282] : memref<1024x128x16xf32, #tpu.memory_space<hbm>> -> memref<1x128x16xf32, #tpu.memory_space<hbm>>
        %dma_wait3A_284 = tpu.memref_squeeze %dma_wait3A_283 : memref<1x128x16xf32, #tpu.memory_space<hbm>> -> memref<128x16xf32, #tpu.memory_space<hbm>>
        %dma_wait3A_285 = arith.constant 0 : i32
        %dma_wait3A_286 = arith.constant 0 : i32
        %dma_wait3A_287 = tpu.memref_slice %arg11[%mul3A_2, %dma_wait3A_285, %dma_wait3A_286] : memref<1024x128x16xf32, #tpu.memory_space<hbm>> -> memref<1x128x16xf32, #tpu.memory_space<hbm>>
        %dma_wait3A_288 = tpu.memref_squeeze %dma_wait3A_287 : memref<1x128x16xf32, #tpu.memory_space<hbm>> -> memref<128x16xf32, #tpu.memory_space<hbm>>
        tpu.wait_dma2 semaphore(%arg26 : memref<!tpu.dma_semaphore, #tpu.memory_space<semaphore_mem>>) src(%arg16 : memref<128x16xf32, #tpu.memory_space<vmem>>) dst(%dma_wait3A_288 : memref<128x16xf32, #tpu.memory_space<hbm>>)
        %dma_wait3A_289 = arith.constant 0 : i32
        %dma_wait3A_290 = arith.constant 0 : i32
        %dma_wait3A_291 = tpu.memref_slice %arg11[%mul3A_2, %dma_wait3A_289, %dma_wait3A_290] : memref<1024x128x16xf32, #tpu.memory_space<hbm>> -> memref<1x128x16xf32, #tpu.memory_space<hbm>>
        %dma_wait3A_292 = tpu.memref_squeeze %dma_wait3A_291 : memref<1x128x16xf32, #tpu.memory_space<hbm>> -> memref<128x16xf32, #tpu.memory_space<hbm>>
        %dma_wait3A_293 = arith.constant 0 : i32
        %dma_wait3A_294 = arith.constant 0 : i32
        %dma_wait3A_295 = tpu.memref_slice %arg11[%mul3A_2, %dma_wait3A_293, %dma_wait3A_294] : memref<1024x128x16xf32, #tpu.memory_space<hbm>> -> memref<1x128x16xf32, #tpu.memory_space<hbm>>
        %dma_wait3A_296 = tpu.memref_squeeze %dma_wait3A_295 : memref<1x128x16xf32, #tpu.memory_space<hbm>> -> memref<128x16xf32, #tpu.memory_space<hbm>>
        tpu.wait_dma2 semaphore(%arg27 : memref<!tpu.dma_semaphore, #tpu.memory_space<semaphore_mem>>) src(%arg17 : memref<128x16xf32, #tpu.memory_space<vmem>>) dst(%dma_wait3A_296 : memref<128x16xf32, #tpu.memory_space<hbm>>)
        %dma_wait3A_297 = arith.constant 0 : i32
        %dma_wait3A_298 = arith.constant 0 : i32
        %dma_wait3A_299 = tpu.memref_slice %arg11[%mul3A_2, %dma_wait3A_297, %dma_wait3A_298] : memref<1024x128x16xf32, #tpu.memory_space<hbm>> -> memref<1x128x16xf32, #tpu.memory_space<hbm>>
        %dma_wait3A_300 = tpu.memref_squeeze %dma_wait3A_299 : memref<1x128x16xf32, #tpu.memory_space<hbm>> -> memref<128x16xf32, #tpu.memory_space<hbm>>
        %dma_wait3A_301 = arith.constant 0 : i32
        %dma_wait3A_302 = arith.constant 0 : i32
        %dma_wait3A_303 = tpu.memref_slice %arg11[%mul3A_2, %dma_wait3A_301, %dma_wait3A_302] : memref<1024x128x16xf32, #tpu.memory_space<hbm>> -> memref<1x128x16xf32, #tpu.memory_space<hbm>>
        %dma_wait3A_304 = tpu.memref_squeeze %dma_wait3A_303 : memref<1x128x16xf32, #tpu.memory_space<hbm>> -> memref<128x16xf32, #tpu.memory_space<hbm>>
        tpu.wait_dma2 semaphore(%arg28 : memref<!tpu.dma_semaphore, #tpu.memory_space<semaphore_mem>>) src(%arg18 : memref<128x16xf32, #tpu.memory_space<vmem>>) dst(%dma_wait3A_304 : memref<128x16xf32, #tpu.memory_space<hbm>>)
        %dma_wait3A_305 = arith.constant 0 : i32
        %dma_wait3A_306 = arith.constant 0 : i32
        %dma_wait3A_307 = tpu.memref_slice %arg11[%mul3A_2, %dma_wait3A_305, %dma_wait3A_306] : memref<1024x128x16xf32, #tpu.memory_space<hbm>> -> memref<1x128x16xf32, #tpu.memory_space<hbm>>
        %dma_wait3A_308 = tpu.memref_squeeze %dma_wait3A_307 : memref<1x128x16xf32, #tpu.memory_space<hbm>> -> memref<128x16xf32, #tpu.memory_space<hbm>>
        %dma_wait3A_309 = arith.constant 0 : i32
        %dma_wait3A_310 = arith.constant 0 : i32
        %dma_wait3A_311 = tpu.memref_slice %arg11[%mul3A_2, %dma_wait3A_309, %dma_wait3A_310] : memref<1024x128x16xf32, #tpu.memory_space<hbm>> -> memref<1x128x16xf32, #tpu.memory_space<hbm>>
        %dma_wait3A_312 = tpu.memref_squeeze %dma_wait3A_311 : memref<1x128x16xf32, #tpu.memory_space<hbm>> -> memref<128x16xf32, #tpu.memory_space<hbm>>
        tpu.wait_dma2 semaphore(%arg29 : memref<!tpu.dma_semaphore, #tpu.memory_space<semaphore_mem>>) src(%arg19 : memref<128x16xf32, #tpu.memory_space<vmem>>) dst(%dma_wait3A_312 : memref<128x16xf32, #tpu.memory_space<hbm>>)
      } else {
      }
      %add3A_174 = arith.constant 64 : i32
      %add3A_175 = arith.addi %add3A_174, %mul3A_171 : i32
      %add3A_176 = arith.constant 0 : i32
      %add3A_177 = arith.addi %add3A_175, %add3A_176 : i32
      %dma_start3A = arith.constant 0 : i32
      %dma_start3A_178 = tpu.memref_slice %arg14[%add3A_177, %dma_start3A] : memref<128x128xi32, #tpu.memory_space<vmem>> -> memref<1x128xi32, #tpu.memory_space<vmem>>
      %dma_start3A_179 = tpu.memref_squeeze %dma_start3A_178 : memref<1x128xi32, #tpu.memory_space<vmem>> -> memref<128xi32, #tpu.memory_space<vmem>>
      %dma_start3A_180 = arith.constant 0 : i32
      %dma_start3A_181 = arith.constant 0 : i32
      %dma_start3A_182 = tpu.memref_slice %arg7[%dma_start3A_180, %dma_start3A_181] : memref<2600832x16xf32, #tpu.memory_space<hbm>> -> memref<2600832x16xf32, #tpu.memory_space<hbm>>
      tpu.enqueue_indirect_dma source(%dma_start3A_182 : memref<2600832x16xf32, #tpu.memory_space<hbm>>) target(%arg16 : memref<128x16xf32, #tpu.memory_space<vmem>>) offsets(%dma_start3A_179 : memref<128xi32, #tpu.memory_space<vmem>>) semaphore(%arg22 : memref<!tpu.dma_semaphore, #tpu.memory_space<semaphore_mem>>)
      %add3A_183 = arith.constant 64 : i32
      %add3A_184 = arith.addi %add3A_183, %mul3A_171 : i32
      %add3A_185 = arith.constant 1 : i32
      %add3A_186 = arith.addi %add3A_184, %add3A_185 : i32
      %dma_start3A_187 = arith.constant 0 : i32
      %dma_start3A_188 = tpu.memref_slice %arg14[%add3A_186, %dma_start3A_187] : memref<128x128xi32, #tpu.memory_space<vmem>> -> memref<1x128xi32, #tpu.memory_space<vmem>>
      %dma_start3A_189 = tpu.memref_squeeze %dma_start3A_188 : memref<1x128xi32, #tpu.memory_space<vmem>> -> memref<128xi32, #tpu.memory_space<vmem>>
      %dma_start3A_190 = arith.constant 0 : i32
      %dma_start3A_191 = arith.constant 0 : i32
      %dma_start3A_192 = tpu.memref_slice %arg7[%dma_start3A_190, %dma_start3A_191] : memref<2600832x16xf32, #tpu.memory_space<hbm>> -> memref<2600832x16xf32, #tpu.memory_space<hbm>>
      tpu.enqueue_indirect_dma source(%dma_start3A_192 : memref<2600832x16xf32, #tpu.memory_space<hbm>>) target(%arg17 : memref<128x16xf32, #tpu.memory_space<vmem>>) offsets(%dma_start3A_189 : memref<128xi32, #tpu.memory_space<vmem>>) semaphore(%arg23 : memref<!tpu.dma_semaphore, #tpu.memory_space<semaphore_mem>>)
      %add3A_193 = arith.constant 64 : i32
      %add3A_194 = arith.addi %add3A_193, %mul3A_171 : i32
      %add3A_195 = arith.constant 2 : i32
      %add3A_196 = arith.addi %add3A_194, %add3A_195 : i32
      %dma_start3A_197 = arith.constant 0 : i32
      %dma_start3A_198 = tpu.memref_slice %arg14[%add3A_196, %dma_start3A_197] : memref<128x128xi32, #tpu.memory_space<vmem>> -> memref<1x128xi32, #tpu.memory_space<vmem>>
      %dma_start3A_199 = tpu.memref_squeeze %dma_start3A_198 : memref<1x128xi32, #tpu.memory_space<vmem>> -> memref<128xi32, #tpu.memory_space<vmem>>
      %dma_start3A_200 = arith.constant 0 : i32
      %dma_start3A_201 = arith.constant 0 : i32
      %dma_start3A_202 = tpu.memref_slice %arg7[%dma_start3A_200, %dma_start3A_201] : memref<2600832x16xf32, #tpu.memory_space<hbm>> -> memref<2600832x16xf32, #tpu.memory_space<hbm>>
      tpu.enqueue_indirect_dma source(%dma_start3A_202 : memref<2600832x16xf32, #tpu.memory_space<hbm>>) target(%arg18 : memref<128x16xf32, #tpu.memory_space<vmem>>) offsets(%dma_start3A_199 : memref<128xi32, #tpu.memory_space<vmem>>) semaphore(%arg24 : memref<!tpu.dma_semaphore, #tpu.memory_space<semaphore_mem>>)
      %add3A_203 = arith.constant 64 : i32
      %add3A_204 = arith.addi %add3A_203, %mul3A_171 : i32
      %add3A_205 = arith.constant 3 : i32
      %add3A_206 = arith.addi %add3A_204, %add3A_205 : i32
      %dma_start3A_207 = arith.constant 0 : i32
      %dma_start3A_208 = tpu.memref_slice %arg14[%add3A_206, %dma_start3A_207] : memref<128x128xi32, #tpu.memory_space<vmem>> -> memref<1x128xi32, #tpu.memory_space<vmem>>
      %dma_start3A_209 = tpu.memref_squeeze %dma_start3A_208 : memref<1x128xi32, #tpu.memory_space<vmem>> -> memref<128xi32, #tpu.memory_space<vmem>>
      %dma_start3A_210 = arith.constant 0 : i32
      %dma_start3A_211 = arith.constant 0 : i32
      %dma_start3A_212 = tpu.memref_slice %arg7[%dma_start3A_210, %dma_start3A_211] : memref<2600832x16xf32, #tpu.memory_space<hbm>> -> memref<2600832x16xf32, #tpu.memory_space<hbm>>
      tpu.enqueue_indirect_dma source(%dma_start3A_212 : memref<2600832x16xf32, #tpu.memory_space<hbm>>) target(%arg19 : memref<128x16xf32, #tpu.memory_space<vmem>>) offsets(%dma_start3A_209 : memref<128xi32, #tpu.memory_space<vmem>>) semaphore(%arg25 : memref<!tpu.dma_semaphore, #tpu.memory_space<semaphore_mem>>)
      %dma_wait3A_213 = arith.constant 0 : i32
      %dma_wait3A_214 = tpu.memref_slice %arg14[%add3A_177, %dma_wait3A_213] : memref<128x128xi32, #tpu.memory_space<vmem>> -> memref<1x128xi32, #tpu.memory_space<vmem>>
      %dma_wait3A_215 = tpu.memref_squeeze %dma_wait3A_214 : memref<1x128xi32, #tpu.memory_space<vmem>> -> memref<128xi32, #tpu.memory_space<vmem>>
      %dma_wait3A_216 = arith.constant 0 : i32
      %dma_wait3A_217 = arith.constant 0 : i32
      %dma_wait3A_218 = tpu.memref_slice %arg7[%dma_wait3A_216, %dma_wait3A_217] : memref<2600832x16xf32, #tpu.memory_space<hbm>> -> memref<2600832x16xf32, #tpu.memory_space<hbm>>
      tpu.wait_indirect_dma semaphore(%arg22 : memref<!tpu.dma_semaphore, #tpu.memory_space<semaphore_mem>>) src(%dma_wait3A_218 : memref<2600832x16xf32, #tpu.memory_space<hbm>>) dst(%arg16 : memref<128x16xf32, #tpu.memory_space<vmem>>)
      %add3A_219 = arith.addi %mul3A_2, %mul3A_171 : i32
      %add3A_220 = arith.constant 0 : i32
      %add3A_221 = arith.addi %add3A_219, %add3A_220 : i32
      %dma_start3A_222 = arith.constant 0 : i32
      %dma_start3A_223 = arith.constant 0 : i32
      %dma_start3A_224 = tpu.memref_slice %arg11[%add3A_221, %dma_start3A_222, %dma_start3A_223] : memref<1024x128x16xf32, #tpu.memory_space<hbm>> -> memref<1x128x16xf32, #tpu.memory_space<hbm>>
      %dma_start3A_225 = tpu.memref_squeeze %dma_start3A_224 : memref<1x128x16xf32, #tpu.memory_space<hbm>> -> memref<128x16xf32, #tpu.memory_space<hbm>>
      %dma_start3A_226 = arith.constant 0 : i32
      %dma_start3A_227 = arith.constant 0 : i32
      %dma_start3A_228 = tpu.memref_slice %arg11[%add3A_221, %dma_start3A_226, %dma_start3A_227] : memref<1024x128x16xf32, #tpu.memory_space<hbm>> -> memref<1x128x16xf32, #tpu.memory_space<hbm>>
      %dma_start3A_229 = tpu.memref_squeeze %dma_start3A_228 : memref<1x128x16xf32, #tpu.memory_space<hbm>> -> memref<128x16xf32, #tpu.memory_space<hbm>>
      tpu.enqueue_dma source(%arg16 : memref<128x16xf32, #tpu.memory_space<vmem>>) target(%dma_start3A_229 : memref<128x16xf32, #tpu.memory_space<hbm>>) target_semaphore(%arg26 : memref<!tpu.dma_semaphore, #tpu.memory_space<semaphore_mem>>)
      %dma_wait3A_230 = arith.constant 0 : i32
      %dma_wait3A_231 = tpu.memref_slice %arg14[%add3A_186, %dma_wait3A_230] : memref<128x128xi32, #tpu.memory_space<vmem>> -> memref<1x128xi32, #tpu.memory_space<vmem>>
      %dma_wait3A_232 = tpu.memref_squeeze %dma_wait3A_231 : memref<1x128xi32, #tpu.memory_space<vmem>> -> memref<128xi32, #tpu.memory_space<vmem>>
      %dma_wait3A_233 = arith.constant 0 : i32
      %dma_wait3A_234 = arith.constant 0 : i32
      %dma_wait3A_235 = tpu.memref_slice %arg7[%dma_wait3A_233, %dma_wait3A_234] : memref<2600832x16xf32, #tpu.memory_space<hbm>> -> memref<2600832x16xf32, #tpu.memory_space<hbm>>
      tpu.wait_indirect_dma semaphore(%arg23 : memref<!tpu.dma_semaphore, #tpu.memory_space<semaphore_mem>>) src(%dma_wait3A_235 : memref<2600832x16xf32, #tpu.memory_space<hbm>>) dst(%arg17 : memref<128x16xf32, #tpu.memory_space<vmem>>)
      %add3A_236 = arith.addi %mul3A_2, %mul3A_171 : i32
      %add3A_237 = arith.constant 1 : i32
      %add3A_238 = arith.addi %add3A_236, %add3A_237 : i32
      %dma_start3A_239 = arith.constant 0 : i32
      %dma_start3A_240 = arith.constant 0 : i32
      %dma_start3A_241 = tpu.memref_slice %arg11[%add3A_238, %dma_start3A_239, %dma_start3A_240] : memref<1024x128x16xf32, #tpu.memory_space<hbm>> -> memref<1x128x16xf32, #tpu.memory_space<hbm>>
      %dma_start3A_242 = tpu.memref_squeeze %dma_start3A_241 : memref<1x128x16xf32, #tpu.memory_space<hbm>> -> memref<128x16xf32, #tpu.memory_space<hbm>>
      %dma_start3A_243 = arith.constant 0 : i32
      %dma_start3A_244 = arith.constant 0 : i32
      %dma_start3A_245 = tpu.memref_slice %arg11[%add3A_238, %dma_start3A_243, %dma_start3A_244] : memref<1024x128x16xf32, #tpu.memory_space<hbm>> -> memref<1x128x16xf32, #tpu.memory_space<hbm>>
      %dma_start3A_246 = tpu.memref_squeeze %dma_start3A_245 : memref<1x128x16xf32, #tpu.memory_space<hbm>> -> memref<128x16xf32, #tpu.memory_space<hbm>>
      tpu.enqueue_dma source(%arg17 : memref<128x16xf32, #tpu.memory_space<vmem>>) target(%dma_start3A_246 : memref<128x16xf32, #tpu.memory_space<hbm>>) target_semaphore(%arg27 : memref<!tpu.dma_semaphore, #tpu.memory_space<semaphore_mem>>)
      %dma_wait3A_247 = arith.constant 0 : i32
      %dma_wait3A_248 = tpu.memref_slice %arg14[%add3A_196, %dma_wait3A_247] : memref<128x128xi32, #tpu.memory_space<vmem>> -> memref<1x128xi32, #tpu.memory_space<vmem>>
      %dma_wait3A_249 = tpu.memref_squeeze %dma_wait3A_248 : memref<1x128xi32, #tpu.memory_space<vmem>> -> memref<128xi32, #tpu.memory_space<vmem>>
      %dma_wait3A_250 = arith.constant 0 : i32
      %dma_wait3A_251 = arith.constant 0 : i32
      %dma_wait3A_252 = tpu.memref_slice %arg7[%dma_wait3A_250, %dma_wait3A_251] : memref<2600832x16xf32, #tpu.memory_space<hbm>> -> memref<2600832x16xf32, #tpu.memory_space<hbm>>
      tpu.wait_indirect_dma semaphore(%arg24 : memref<!tpu.dma_semaphore, #tpu.memory_space<semaphore_mem>>) src(%dma_wait3A_252 : memref<2600832x16xf32, #tpu.memory_space<hbm>>) dst(%arg18 : memref<128x16xf32, #tpu.memory_space<vmem>>)
      %add3A_253 = arith.addi %mul3A_2, %mul3A_171 : i32
      %add3A_254 = arith.constant 2 : i32
      %add3A_255 = arith.addi %add3A_253, %add3A_254 : i32
      %dma_start3A_256 = arith.constant 0 : i32
      %dma_start3A_257 = arith.constant 0 : i32
      %dma_start3A_258 = tpu.memref_slice %arg11[%add3A_255, %dma_start3A_256, %dma_start3A_257] : memref<1024x128x16xf32, #tpu.memory_space<hbm>> -> memref<1x128x16xf32, #tpu.memory_space<hbm>>
      %dma_start3A_259 = tpu.memref_squeeze %dma_start3A_258 : memref<1x128x16xf32, #tpu.memory_space<hbm>> -> memref<128x16xf32, #tpu.memory_space<hbm>>
      %dma_start3A_260 = arith.constant 0 : i32
      %dma_start3A_261 = arith.constant 0 : i32
      %dma_start3A_262 = tpu.memref_slice %arg11[%add3A_255, %dma_start3A_260, %dma_start3A_261] : memref<1024x128x16xf32, #tpu.memory_space<hbm>> -> memref<1x128x16xf32, #tpu.memory_space<hbm>>
      %dma_start3A_263 = tpu.memref_squeeze %dma_start3A_262 : memref<1x128x16xf32, #tpu.memory_space<hbm>> -> memref<128x16xf32, #tpu.memory_space<hbm>>
      tpu.enqueue_dma source(%arg18 : memref<128x16xf32, #tpu.memory_space<vmem>>) target(%dma_start3A_263 : memref<128x16xf32, #tpu.memory_space<hbm>>) target_semaphore(%arg28 : memref<!tpu.dma_semaphore, #tpu.memory_space<semaphore_mem>>)
      %dma_wait3A_264 = arith.constant 0 : i32
      %dma_wait3A_265 = tpu.memref_slice %arg14[%add3A_206, %dma_wait3A_264] : memref<128x128xi32, #tpu.memory_space<vmem>> -> memref<1x128xi32, #tpu.memory_space<vmem>>
      %dma_wait3A_266 = tpu.memref_squeeze %dma_wait3A_265 : memref<1x128xi32, #tpu.memory_space<vmem>> -> memref<128xi32, #tpu.memory_space<vmem>>
      %dma_wait3A_267 = arith.constant 0 : i32
      %dma_wait3A_268 = arith.constant 0 : i32
      %dma_wait3A_269 = tpu.memref_slice %arg7[%dma_wait3A_267, %dma_wait3A_268] : memref<2600832x16xf32, #tpu.memory_space<hbm>> -> memref<2600832x16xf32, #tpu.memory_space<hbm>>
      tpu.wait_indirect_dma semaphore(%arg25 : memref<!tpu.dma_semaphore, #tpu.memory_space<semaphore_mem>>) src(%dma_wait3A_269 : memref<2600832x16xf32, #tpu.memory_space<hbm>>) dst(%arg19 : memref<128x16xf32, #tpu.memory_space<vmem>>)
      %add3A_270 = arith.addi %mul3A_2, %mul3A_171 : i32
      %add3A_271 = arith.constant 3 : i32
      %add3A_272 = arith.addi %add3A_270, %add3A_271 : i32
      %dma_start3A_273 = arith.constant 0 : i32
      %dma_start3A_274 = arith.constant 0 : i32
      %dma_start3A_275 = tpu.memref_slice %arg11[%add3A_272, %dma_start3A_273, %dma_start3A_274] : memref<1024x128x16xf32, #tpu.memory_space<hbm>> -> memref<1x128x16xf32, #tpu.memory_space<hbm>>
      %dma_start3A_276 = tpu.memref_squeeze %dma_start3A_275 : memref<1x128x16xf32, #tpu.memory_space<hbm>> -> memref<128x16xf32, #tpu.memory_space<hbm>>
      %dma_start3A_277 = arith.constant 0 : i32
      %dma_start3A_278 = arith.constant 0 : i32
      %dma_start3A_279 = tpu.memref_slice %arg11[%add3A_272, %dma_start3A_277, %dma_start3A_278] : memref<1024x128x16xf32, #tpu.memory_space<hbm>> -> memref<1x128x16xf32, #tpu.memory_space<hbm>>
      %dma_start3A_280 = tpu.memref_squeeze %dma_start3A_279 : memref<1x128x16xf32, #tpu.memory_space<hbm>> -> memref<128x16xf32, #tpu.memory_space<hbm>>
      tpu.enqueue_dma source(%arg19 : memref<128x16xf32, #tpu.memory_space<vmem>>) target(%dma_start3A_280 : memref<128x16xf32, #tpu.memory_space<hbm>>) target_semaphore(%arg29 : memref<!tpu.dma_semaphore, #tpu.memory_space<semaphore_mem>>)
    }
    %scan3A_84 = arith.constant 8 : i32
    %dma_wait3A_85 = arith.constant 0 : i32
    %dma_wait3A_86 = arith.constant 0 : i32
    %dma_wait3A_87 = tpu.memref_slice %arg11[%mul3A_2, %dma_wait3A_85, %dma_wait3A_86] : memref<1024x128x16xf32, #tpu.memory_space<hbm>> -> memref<1x128x16xf32, #tpu.memory_space<hbm>>
    %dma_wait3A_88 = tpu.memref_squeeze %dma_wait3A_87 : memref<1x128x16xf32, #tpu.memory_space<hbm>> -> memref<128x16xf32, #tpu.memory_space<hbm>>
    %dma_wait3A_89 = arith.constant 0 : i32
    %dma_wait3A_90 = arith.constant 0 : i32
    %dma_wait3A_91 = tpu.memref_slice %arg11[%mul3A_2, %dma_wait3A_89, %dma_wait3A_90] : memref<1024x128x16xf32, #tpu.memory_space<hbm>> -> memref<1x128x16xf32, #tpu.memory_space<hbm>>
    %dma_wait3A_92 = tpu.memref_squeeze %dma_wait3A_91 : memref<1x128x16xf32, #tpu.memory_space<hbm>> -> memref<128x16xf32, #tpu.memory_space<hbm>>
    tpu.wait_dma2 semaphore(%arg26 : memref<!tpu.dma_semaphore, #tpu.memory_space<semaphore_mem>>) src(%arg16 : memref<128x16xf32, #tpu.memory_space<vmem>>) dst(%dma_wait3A_92 : memref<128x16xf32, #tpu.memory_space<hbm>>)
    %dma_wait3A_93 = arith.constant 0 : i32
    %dma_wait3A_94 = arith.constant 0 : i32
    %dma_wait3A_95 = tpu.memref_slice %arg11[%mul3A_2, %dma_wait3A_93, %dma_wait3A_94] : memref<1024x128x16xf32, #tpu.memory_space<hbm>> -> memref<1x128x16xf32, #tpu.memory_space<hbm>>
    %dma_wait3A_96 = tpu.memref_squeeze %dma_wait3A_95 : memref<1x128x16xf32, #tpu.memory_space<hbm>> -> memref<128x16xf32, #tpu.memory_space<hbm>>
    %dma_wait3A_97 = arith.constant 0 : i32
    %dma_wait3A_98 = arith.constant 0 : i32
    %dma_wait3A_99 = tpu.memref_slice %arg11[%mul3A_2, %dma_wait3A_97, %dma_wait3A_98] : memref<1024x128x16xf32, #tpu.memory_space<hbm>> -> memref<1x128x16xf32, #tpu.memory_space<hbm>>
    %dma_wait3A_100 = tpu.memref_squeeze %dma_wait3A_99 : memref<1x128x16xf32, #tpu.memory_space<hbm>> -> memref<128x16xf32, #tpu.memory_space<hbm>>
    tpu.wait_dma2 semaphore(%arg27 : memref<!tpu.dma_semaphore, #tpu.memory_space<semaphore_mem>>) src(%arg17 : memref<128x16xf32, #tpu.memory_space<vmem>>) dst(%dma_wait3A_100 : memref<128x16xf32, #tpu.memory_space<hbm>>)
    %dma_wait3A_101 = arith.constant 0 : i32
    %dma_wait3A_102 = arith.constant 0 : i32
    %dma_wait3A_103 = tpu.memref_slice %arg11[%mul3A_2, %dma_wait3A_101, %dma_wait3A_102] : memref<1024x128x16xf32, #tpu.memory_space<hbm>> -> memref<1x128x16xf32, #tpu.memory_space<hbm>>
    %dma_wait3A_104 = tpu.memref_squeeze %dma_wait3A_103 : memref<1x128x16xf32, #tpu.memory_space<hbm>> -> memref<128x16xf32, #tpu.memory_space<hbm>>
    %dma_wait3A_105 = arith.constant 0 : i32
    %dma_wait3A_106 = arith.constant 0 : i32
    %dma_wait3A_107 = tpu.memref_slice %arg11[%mul3A_2, %dma_wait3A_105, %dma_wait3A_106] : memref<1024x128x16xf32, #tpu.memory_space<hbm>> -> memref<1x128x16xf32, #tpu.memory_space<hbm>>
    %dma_wait3A_108 = tpu.memref_squeeze %dma_wait3A_107 : memref<1x128x16xf32, #tpu.memory_space<hbm>> -> memref<128x16xf32, #tpu.memory_space<hbm>>
    tpu.wait_dma2 semaphore(%arg28 : memref<!tpu.dma_semaphore, #tpu.memory_space<semaphore_mem>>) src(%arg18 : memref<128x16xf32, #tpu.memory_space<vmem>>) dst(%dma_wait3A_108 : memref<128x16xf32, #tpu.memory_space<hbm>>)
    %dma_wait3A_109 = arith.constant 0 : i32
    %dma_wait3A_110 = arith.constant 0 : i32
    %dma_wait3A_111 = tpu.memref_slice %arg11[%mul3A_2, %dma_wait3A_109, %dma_wait3A_110] : memref<1024x128x16xf32, #tpu.memory_space<hbm>> -> memref<1x128x16xf32, #tpu.memory_space<hbm>>
    %dma_wait3A_112 = tpu.memref_squeeze %dma_wait3A_111 : memref<1x128x16xf32, #tpu.memory_space<hbm>> -> memref<128x16xf32, #tpu.memory_space<hbm>>
    %dma_wait3A_113 = arith.constant 0 : i32
    %dma_wait3A_114 = arith.constant 0 : i32
    %dma_wait3A_115 = tpu.memref_slice %arg11[%mul3A_2, %dma_wait3A_113, %dma_wait3A_114] : memref<1024x128x16xf32, #tpu.memory_space<hbm>> -> memref<1x128x16xf32, #tpu.memory_space<hbm>>
    %dma_wait3A_116 = tpu.memref_squeeze %dma_wait3A_115 : memref<1x128x16xf32, #tpu.memory_space<hbm>> -> memref<128x16xf32, #tpu.memory_space<hbm>>
    tpu.wait_dma2 semaphore(%arg29 : memref<!tpu.dma_semaphore, #tpu.memory_space<semaphore_mem>>) src(%arg19 : memref<128x16xf32, #tpu.memory_space<vmem>>) dst(%dma_wait3A_116 : memref<128x16xf32, #tpu.memory_space<hbm>>)
    %scan3A_117 = arith.constant 0 : i32
    %scan3A_118 = arith.constant 0 : i32
    %scan3A_119 = arith.constant 8 : i32
    %scan3A_120 = arith.addi %scan3A_118, %scan3A_119 : i32
    %scan3A_121 = arith.constant 1 : i32
    scf.for %scan3A_169 = %scan3A_118 to %scan3A_120 step %scan3A_121  : i32 {
      %mul3A_170 = arith.constant 4 : i32
      %mul3A_171 = arith.muli %mul3A_170, %scan3A_169 : i32
      %gt3A = arith.constant 0 : i32
      %gt3A_172 = arith.cmpi sgt, %scan3A_169, %gt3A : i32
      %convert_element_type3A = arith.extui %gt3A_172 : i1 to i32
      %cond3A = arith.constant 0 : i32
      %cond3A_173 = arith.cmpi ne, %convert_element_type3A, %cond3A : i32
      scf.if %cond3A_173 {
        %dma_wait3A_281 = arith.constant 0 : i32
        %dma_wait3A_282 = arith.constant 0 : i32
        %dma_wait3A_283 = tpu.memref_slice %arg12[%mul3A_2, %dma_wait3A_281, %dma_wait3A_282] : memref<1024x128x16xf32, #tpu.memory_space<hbm>> -> memref<1x128x16xf32, #tpu.memory_space<hbm>>
        %dma_wait3A_284 = tpu.memref_squeeze %dma_wait3A_283 : memref<1x128x16xf32, #tpu.memory_space<hbm>> -> memref<128x16xf32, #tpu.memory_space<hbm>>
        %dma_wait3A_285 = arith.constant 0 : i32
        %dma_wait3A_286 = arith.constant 0 : i32
        %dma_wait3A_287 = tpu.memref_slice %arg12[%mul3A_2, %dma_wait3A_285, %dma_wait3A_286] : memref<1024x128x16xf32, #tpu.memory_space<hbm>> -> memref<1x128x16xf32, #tpu.memory_space<hbm>>
        %dma_wait3A_288 = tpu.memref_squeeze %dma_wait3A_287 : memref<1x128x16xf32, #tpu.memory_space<hbm>> -> memref<128x16xf32, #tpu.memory_space<hbm>>
        tpu.wait_dma2 semaphore(%arg26 : memref<!tpu.dma_semaphore, #tpu.memory_space<semaphore_mem>>) src(%arg16 : memref<128x16xf32, #tpu.memory_space<vmem>>) dst(%dma_wait3A_288 : memref<128x16xf32, #tpu.memory_space<hbm>>)
        %dma_wait3A_289 = arith.constant 0 : i32
        %dma_wait3A_290 = arith.constant 0 : i32
        %dma_wait3A_291 = tpu.memref_slice %arg12[%mul3A_2, %dma_wait3A_289, %dma_wait3A_290] : memref<1024x128x16xf32, #tpu.memory_space<hbm>> -> memref<1x128x16xf32, #tpu.memory_space<hbm>>
        %dma_wait3A_292 = tpu.memref_squeeze %dma_wait3A_291 : memref<1x128x16xf32, #tpu.memory_space<hbm>> -> memref<128x16xf32, #tpu.memory_space<hbm>>
        %dma_wait3A_293 = arith.constant 0 : i32
        %dma_wait3A_294 = arith.constant 0 : i32
        %dma_wait3A_295 = tpu.memref_slice %arg12[%mul3A_2, %dma_wait3A_293, %dma_wait3A_294] : memref<1024x128x16xf32, #tpu.memory_space<hbm>> -> memref<1x128x16xf32, #tpu.memory_space<hbm>>
        %dma_wait3A_296 = tpu.memref_squeeze %dma_wait3A_295 : memref<1x128x16xf32, #tpu.memory_space<hbm>> -> memref<128x16xf32, #tpu.memory_space<hbm>>
        tpu.wait_dma2 semaphore(%arg27 : memref<!tpu.dma_semaphore, #tpu.memory_space<semaphore_mem>>) src(%arg17 : memref<128x16xf32, #tpu.memory_space<vmem>>) dst(%dma_wait3A_296 : memref<128x16xf32, #tpu.memory_space<hbm>>)
        %dma_wait3A_297 = arith.constant 0 : i32
        %dma_wait3A_298 = arith.constant 0 : i32
        %dma_wait3A_299 = tpu.memref_slice %arg12[%mul3A_2, %dma_wait3A_297, %dma_wait3A_298] : memref<1024x128x16xf32, #tpu.memory_space<hbm>> -> memref<1x128x16xf32, #tpu.memory_space<hbm>>
        %dma_wait3A_300 = tpu.memref_squeeze %dma_wait3A_299 : memref<1x128x16xf32, #tpu.memory_space<hbm>> -> memref<128x16xf32, #tpu.memory_space<hbm>>
        %dma_wait3A_301 = arith.constant 0 : i32
        %dma_wait3A_302 = arith.constant 0 : i32
        %dma_wait3A_303 = tpu.memref_slice %arg12[%mul3A_2, %dma_wait3A_301, %dma_wait3A_302] : memref<1024x128x16xf32, #tpu.memory_space<hbm>> -> memref<1x128x16xf32, #tpu.memory_space<hbm>>
        %dma_wait3A_304 = tpu.memref_squeeze %dma_wait3A_303 : memref<1x128x16xf32, #tpu.memory_space<hbm>> -> memref<128x16xf32, #tpu.memory_space<hbm>>
        tpu.wait_dma2 semaphore(%arg28 : memref<!tpu.dma_semaphore, #tpu.memory_space<semaphore_mem>>) src(%arg18 : memref<128x16xf32, #tpu.memory_space<vmem>>) dst(%dma_wait3A_304 : memref<128x16xf32, #tpu.memory_space<hbm>>)
        %dma_wait3A_305 = arith.constant 0 : i32
        %dma_wait3A_306 = arith.constant 0 : i32
        %dma_wait3A_307 = tpu.memref_slice %arg12[%mul3A_2, %dma_wait3A_305, %dma_wait3A_306] : memref<1024x128x16xf32, #tpu.memory_space<hbm>> -> memref<1x128x16xf32, #tpu.memory_space<hbm>>
        %dma_wait3A_308 = tpu.memref_squeeze %dma_wait3A_307 : memref<1x128x16xf32, #tpu.memory_space<hbm>> -> memref<128x16xf32, #tpu.memory_space<hbm>>
        %dma_wait3A_309 = arith.constant 0 : i32
        %dma_wait3A_310 = arith.constant 0 : i32
        %dma_wait3A_311 = tpu.memref_slice %arg12[%mul3A_2, %dma_wait3A_309, %dma_wait3A_310] : memref<1024x128x16xf32, #tpu.memory_space<hbm>> -> memref<1x128x16xf32, #tpu.memory_space<hbm>>
        %dma_wait3A_312 = tpu.memref_squeeze %dma_wait3A_311 : memref<1x128x16xf32, #tpu.memory_space<hbm>> -> memref<128x16xf32, #tpu.memory_space<hbm>>
        tpu.wait_dma2 semaphore(%arg29 : memref<!tpu.dma_semaphore, #tpu.memory_space<semaphore_mem>>) src(%arg19 : memref<128x16xf32, #tpu.memory_space<vmem>>) dst(%dma_wait3A_312 : memref<128x16xf32, #tpu.memory_space<hbm>>)
      } else {
      }
      %add3A_174 = arith.constant 96 : i32
      %add3A_175 = arith.addi %add3A_174, %mul3A_171 : i32
      %add3A_176 = arith.constant 0 : i32
      %add3A_177 = arith.addi %add3A_175, %add3A_176 : i32
      %dma_start3A = arith.constant 0 : i32
      %dma_start3A_178 = tpu.memref_slice %arg14[%add3A_177, %dma_start3A] : memref<128x128xi32, #tpu.memory_space<vmem>> -> memref<1x128xi32, #tpu.memory_space<vmem>>
      %dma_start3A_179 = tpu.memref_squeeze %dma_start3A_178 : memref<1x128xi32, #tpu.memory_space<vmem>> -> memref<128xi32, #tpu.memory_space<vmem>>
      %dma_start3A_180 = arith.constant 0 : i32
      %dma_start3A_181 = arith.constant 0 : i32
      %dma_start3A_182 = tpu.memref_slice %arg7[%dma_start3A_180, %dma_start3A_181] : memref<2600832x16xf32, #tpu.memory_space<hbm>> -> memref<2600832x16xf32, #tpu.memory_space<hbm>>
      tpu.enqueue_indirect_dma source(%dma_start3A_182 : memref<2600832x16xf32, #tpu.memory_space<hbm>>) target(%arg16 : memref<128x16xf32, #tpu.memory_space<vmem>>) offsets(%dma_start3A_179 : memref<128xi32, #tpu.memory_space<vmem>>) semaphore(%arg22 : memref<!tpu.dma_semaphore, #tpu.memory_space<semaphore_mem>>)
      %add3A_183 = arith.constant 96 : i32
      %add3A_184 = arith.addi %add3A_183, %mul3A_171 : i32
      %add3A_185 = arith.constant 1 : i32
      %add3A_186 = arith.addi %add3A_184, %add3A_185 : i32
      %dma_start3A_187 = arith.constant 0 : i32
      %dma_start3A_188 = tpu.memref_slice %arg14[%add3A_186, %dma_start3A_187] : memref<128x128xi32, #tpu.memory_space<vmem>> -> memref<1x128xi32, #tpu.memory_space<vmem>>
      %dma_start3A_189 = tpu.memref_squeeze %dma_start3A_188 : memref<1x128xi32, #tpu.memory_space<vmem>> -> memref<128xi32, #tpu.memory_space<vmem>>
      %dma_start3A_190 = arith.constant 0 : i32
      %dma_start3A_191 = arith.constant 0 : i32
      %dma_start3A_192 = tpu.memref_slice %arg7[%dma_start3A_190, %dma_start3A_191] : memref<2600832x16xf32, #tpu.memory_space<hbm>> -> memref<2600832x16xf32, #tpu.memory_space<hbm>>
      tpu.enqueue_indirect_dma source(%dma_start3A_192 : memref<2600832x16xf32, #tpu.memory_space<hbm>>) target(%arg17 : memref<128x16xf32, #tpu.memory_space<vmem>>) offsets(%dma_start3A_189 : memref<128xi32, #tpu.memory_space<vmem>>) semaphore(%arg23 : memref<!tpu.dma_semaphore, #tpu.memory_space<semaphore_mem>>)
      %add3A_193 = arith.constant 96 : i32
      %add3A_194 = arith.addi %add3A_193, %mul3A_171 : i32
      %add3A_195 = arith.constant 2 : i32
      %add3A_196 = arith.addi %add3A_194, %add3A_195 : i32
      %dma_start3A_197 = arith.constant 0 : i32
      %dma_start3A_198 = tpu.memref_slice %arg14[%add3A_196, %dma_start3A_197] : memref<128x128xi32, #tpu.memory_space<vmem>> -> memref<1x128xi32, #tpu.memory_space<vmem>>
      %dma_start3A_199 = tpu.memref_squeeze %dma_start3A_198 : memref<1x128xi32, #tpu.memory_space<vmem>> -> memref<128xi32, #tpu.memory_space<vmem>>
      %dma_start3A_200 = arith.constant 0 : i32
      %dma_start3A_201 = arith.constant 0 : i32
      %dma_start3A_202 = tpu.memref_slice %arg7[%dma_start3A_200, %dma_start3A_201] : memref<2600832x16xf32, #tpu.memory_space<hbm>> -> memref<2600832x16xf32, #tpu.memory_space<hbm>>
      tpu.enqueue_indirect_dma source(%dma_start3A_202 : memref<2600832x16xf32, #tpu.memory_space<hbm>>) target(%arg18 : memref<128x16xf32, #tpu.memory_space<vmem>>) offsets(%dma_start3A_199 : memref<128xi32, #tpu.memory_space<vmem>>) semaphore(%arg24 : memref<!tpu.dma_semaphore, #tpu.memory_space<semaphore_mem>>)
      %add3A_203 = arith.constant 96 : i32
      %add3A_204 = arith.addi %add3A_203, %mul3A_171 : i32
      %add3A_205 = arith.constant 3 : i32
      %add3A_206 = arith.addi %add3A_204, %add3A_205 : i32
      %dma_start3A_207 = arith.constant 0 : i32
      %dma_start3A_208 = tpu.memref_slice %arg14[%add3A_206, %dma_start3A_207] : memref<128x128xi32, #tpu.memory_space<vmem>> -> memref<1x128xi32, #tpu.memory_space<vmem>>
      %dma_start3A_209 = tpu.memref_squeeze %dma_start3A_208 : memref<1x128xi32, #tpu.memory_space<vmem>> -> memref<128xi32, #tpu.memory_space<vmem>>
      %dma_start3A_210 = arith.constant 0 : i32
      %dma_start3A_211 = arith.constant 0 : i32
      %dma_start3A_212 = tpu.memref_slice %arg7[%dma_start3A_210, %dma_start3A_211] : memref<2600832x16xf32, #tpu.memory_space<hbm>> -> memref<2600832x16xf32, #tpu.memory_space<hbm>>
      tpu.enqueue_indirect_dma source(%dma_start3A_212 : memref<2600832x16xf32, #tpu.memory_space<hbm>>) target(%arg19 : memref<128x16xf32, #tpu.memory_space<vmem>>) offsets(%dma_start3A_209 : memref<128xi32, #tpu.memory_space<vmem>>) semaphore(%arg25 : memref<!tpu.dma_semaphore, #tpu.memory_space<semaphore_mem>>)
      %dma_wait3A_213 = arith.constant 0 : i32
      %dma_wait3A_214 = tpu.memref_slice %arg14[%add3A_177, %dma_wait3A_213] : memref<128x128xi32, #tpu.memory_space<vmem>> -> memref<1x128xi32, #tpu.memory_space<vmem>>
      %dma_wait3A_215 = tpu.memref_squeeze %dma_wait3A_214 : memref<1x128xi32, #tpu.memory_space<vmem>> -> memref<128xi32, #tpu.memory_space<vmem>>
      %dma_wait3A_216 = arith.constant 0 : i32
      %dma_wait3A_217 = arith.constant 0 : i32
      %dma_wait3A_218 = tpu.memref_slice %arg7[%dma_wait3A_216, %dma_wait3A_217] : memref<2600832x16xf32, #tpu.memory_space<hbm>> -> memref<2600832x16xf32, #tpu.memory_space<hbm>>
      tpu.wait_indirect_dma semaphore(%arg22 : memref<!tpu.dma_semaphore, #tpu.memory_space<semaphore_mem>>) src(%dma_wait3A_218 : memref<2600832x16xf32, #tpu.memory_space<hbm>>) dst(%arg16 : memref<128x16xf32, #tpu.memory_space<vmem>>)
      %add3A_219 = arith.addi %mul3A_2, %mul3A_171 : i32
      %add3A_220 = arith.constant 0 : i32
      %add3A_221 = arith.addi %add3A_219, %add3A_220 : i32
      %dma_start3A_222 = arith.constant 0 : i32
      %dma_start3A_223 = arith.constant 0 : i32
      %dma_start3A_224 = tpu.memref_slice %arg12[%add3A_221, %dma_start3A_222, %dma_start3A_223] : memref<1024x128x16xf32, #tpu.memory_space<hbm>> -> memref<1x128x16xf32, #tpu.memory_space<hbm>>
      %dma_start3A_225 = tpu.memref_squeeze %dma_start3A_224 : memref<1x128x16xf32, #tpu.memory_space<hbm>> -> memref<128x16xf32, #tpu.memory_space<hbm>>
      %dma_start3A_226 = arith.constant 0 : i32
      %dma_start3A_227 = arith.constant 0 : i32
      %dma_start3A_228 = tpu.memref_slice %arg12[%add3A_221, %dma_start3A_226, %dma_start3A_227] : memref<1024x128x16xf32, #tpu.memory_space<hbm>> -> memref<1x128x16xf32, #tpu.memory_space<hbm>>
      %dma_start3A_229 = tpu.memref_squeeze %dma_start3A_228 : memref<1x128x16xf32, #tpu.memory_space<hbm>> -> memref<128x16xf32, #tpu.memory_space<hbm>>
      tpu.enqueue_dma source(%arg16 : memref<128x16xf32, #tpu.memory_space<vmem>>) target(%dma_start3A_229 : memref<128x16xf32, #tpu.memory_space<hbm>>) target_semaphore(%arg26 : memref<!tpu.dma_semaphore, #tpu.memory_space<semaphore_mem>>)
      %dma_wait3A_230 = arith.constant 0 : i32
      %dma_wait3A_231 = tpu.memref_slice %arg14[%add3A_186, %dma_wait3A_230] : memref<128x128xi32, #tpu.memory_space<vmem>> -> memref<1x128xi32, #tpu.memory_space<vmem>>
      %dma_wait3A_232 = tpu.memref_squeeze %dma_wait3A_231 : memref<1x128xi32, #tpu.memory_space<vmem>> -> memref<128xi32, #tpu.memory_space<vmem>>
      %dma_wait3A_233 = arith.constant 0 : i32
      %dma_wait3A_234 = arith.constant 0 : i32
      %dma_wait3A_235 = tpu.memref_slice %arg7[%dma_wait3A_233, %dma_wait3A_234] : memref<2600832x16xf32, #tpu.memory_space<hbm>> -> memref<2600832x16xf32, #tpu.memory_space<hbm>>
      tpu.wait_indirect_dma semaphore(%arg23 : memref<!tpu.dma_semaphore, #tpu.memory_space<semaphore_mem>>) src(%dma_wait3A_235 : memref<2600832x16xf32, #tpu.memory_space<hbm>>) dst(%arg17 : memref<128x16xf32, #tpu.memory_space<vmem>>)
      %add3A_236 = arith.addi %mul3A_2, %mul3A_171 : i32
      %add3A_237 = arith.constant 1 : i32
      %add3A_238 = arith.addi %add3A_236, %add3A_237 : i32
      %dma_start3A_239 = arith.constant 0 : i32
      %dma_start3A_240 = arith.constant 0 : i32
      %dma_start3A_241 = tpu.memref_slice %arg12[%add3A_238, %dma_start3A_239, %dma_start3A_240] : memref<1024x128x16xf32, #tpu.memory_space<hbm>> -> memref<1x128x16xf32, #tpu.memory_space<hbm>>
      %dma_start3A_242 = tpu.memref_squeeze %dma_start3A_241 : memref<1x128x16xf32, #tpu.memory_space<hbm>> -> memref<128x16xf32, #tpu.memory_space<hbm>>
      %dma_start3A_243 = arith.constant 0 : i32
      %dma_start3A_244 = arith.constant 0 : i32
      %dma_start3A_245 = tpu.memref_slice %arg12[%add3A_238, %dma_start3A_243, %dma_start3A_244] : memref<1024x128x16xf32, #tpu.memory_space<hbm>> -> memref<1x128x16xf32, #tpu.memory_space<hbm>>
      %dma_start3A_246 = tpu.memref_squeeze %dma_start3A_245 : memref<1x128x16xf32, #tpu.memory_space<hbm>> -> memref<128x16xf32, #tpu.memory_space<hbm>>
      tpu.enqueue_dma source(%arg17 : memref<128x16xf32, #tpu.memory_space<vmem>>) target(%dma_start3A_246 : memref<128x16xf32, #tpu.memory_space<hbm>>) target_semaphore(%arg27 : memref<!tpu.dma_semaphore, #tpu.memory_space<semaphore_mem>>)
      %dma_wait3A_247 = arith.constant 0 : i32
      %dma_wait3A_248 = tpu.memref_slice %arg14[%add3A_196, %dma_wait3A_247] : memref<128x128xi32, #tpu.memory_space<vmem>> -> memref<1x128xi32, #tpu.memory_space<vmem>>
      %dma_wait3A_249 = tpu.memref_squeeze %dma_wait3A_248 : memref<1x128xi32, #tpu.memory_space<vmem>> -> memref<128xi32, #tpu.memory_space<vmem>>
      %dma_wait3A_250 = arith.constant 0 : i32
      %dma_wait3A_251 = arith.constant 0 : i32
      %dma_wait3A_252 = tpu.memref_slice %arg7[%dma_wait3A_250, %dma_wait3A_251] : memref<2600832x16xf32, #tpu.memory_space<hbm>> -> memref<2600832x16xf32, #tpu.memory_space<hbm>>
      tpu.wait_indirect_dma semaphore(%arg24 : memref<!tpu.dma_semaphore, #tpu.memory_space<semaphore_mem>>) src(%dma_wait3A_252 : memref<2600832x16xf32, #tpu.memory_space<hbm>>) dst(%arg18 : memref<128x16xf32, #tpu.memory_space<vmem>>)
      %add3A_253 = arith.addi %mul3A_2, %mul3A_171 : i32
      %add3A_254 = arith.constant 2 : i32
      %add3A_255 = arith.addi %add3A_253, %add3A_254 : i32
      %dma_start3A_256 = arith.constant 0 : i32
      %dma_start3A_257 = arith.constant 0 : i32
      %dma_start3A_258 = tpu.memref_slice %arg12[%add3A_255, %dma_start3A_256, %dma_start3A_257] : memref<1024x128x16xf32, #tpu.memory_space<hbm>> -> memref<1x128x16xf32, #tpu.memory_space<hbm>>
      %dma_start3A_259 = tpu.memref_squeeze %dma_start3A_258 : memref<1x128x16xf32, #tpu.memory_space<hbm>> -> memref<128x16xf32, #tpu.memory_space<hbm>>
      %dma_start3A_260 = arith.constant 0 : i32
      %dma_start3A_261 = arith.constant 0 : i32
      %dma_start3A_262 = tpu.memref_slice %arg12[%add3A_255, %dma_start3A_260, %dma_start3A_261] : memref<1024x128x16xf32, #tpu.memory_space<hbm>> -> memref<1x128x16xf32, #tpu.memory_space<hbm>>
      %dma_start3A_263 = tpu.memref_squeeze %dma_start3A_262 : memref<1x128x16xf32, #tpu.memory_space<hbm>> -> memref<128x16xf32, #tpu.memory_space<hbm>>
      tpu.enqueue_dma source(%arg18 : memref<128x16xf32, #tpu.memory_space<vmem>>) target(%dma_start3A_263 : memref<128x16xf32, #tpu.memory_space<hbm>>) target_semaphore(%arg28 : memref<!tpu.dma_semaphore, #tpu.memory_space<semaphore_mem>>)
      %dma_wait3A_264 = arith.constant 0 : i32
      %dma_wait3A_265 = tpu.memref_slice %arg14[%add3A_206, %dma_wait3A_264] : memref<128x128xi32, #tpu.memory_space<vmem>> -> memref<1x128xi32, #tpu.memory_space<vmem>>
      %dma_wait3A_266 = tpu.memref_squeeze %dma_wait3A_265 : memref<1x128xi32, #tpu.memory_space<vmem>> -> memref<128xi32, #tpu.memory_space<vmem>>
      %dma_wait3A_267 = arith.constant 0 : i32
      %dma_wait3A_268 = arith.constant 0 : i32
      %dma_wait3A_269 = tpu.memref_slice %arg7[%dma_wait3A_267, %dma_wait3A_268] : memref<2600832x16xf32, #tpu.memory_space<hbm>> -> memref<2600832x16xf32, #tpu.memory_space<hbm>>
      tpu.wait_indirect_dma semaphore(%arg25 : memref<!tpu.dma_semaphore, #tpu.memory_space<semaphore_mem>>) src(%dma_wait3A_269 : memref<2600832x16xf32, #tpu.memory_space<hbm>>) dst(%arg19 : memref<128x16xf32, #tpu.memory_space<vmem>>)
      %add3A_270 = arith.addi %mul3A_2, %mul3A_171 : i32
      %add3A_271 = arith.constant 3 : i32
      %add3A_272 = arith.addi %add3A_270, %add3A_271 : i32
      %dma_start3A_273 = arith.constant 0 : i32
      %dma_start3A_274 = arith.constant 0 : i32
      %dma_start3A_275 = tpu.memref_slice %arg12[%add3A_272, %dma_start3A_273, %dma_start3A_274] : memref<1024x128x16xf32, #tpu.memory_space<hbm>> -> memref<1x128x16xf32, #tpu.memory_space<hbm>>
      %dma_start3A_276 = tpu.memref_squeeze %dma_start3A_275 : memref<1x128x16xf32, #tpu.memory_space<hbm>> -> memref<128x16xf32, #tpu.memory_space<hbm>>
      %dma_start3A_277 = arith.constant 0 : i32
      %dma_start3A_278 = arith.constant 0 : i32
      %dma_start3A_279 = tpu.memref_slice %arg12[%add3A_272, %dma_start3A_277, %dma_start3A_278] : memref<1024x128x16xf32, #tpu.memory_space<hbm>> -> memref<1x128x16xf32, #tpu.memory_space<hbm>>
      %dma_start3A_280 = tpu.memref_squeeze %dma_start3A_279 : memref<1x128x16xf32, #tpu.memory_space<hbm>> -> memref<128x16xf32, #tpu.memory_space<hbm>>
      tpu.enqueue_dma source(%arg19 : memref<128x16xf32, #tpu.memory_space<vmem>>) target(%dma_start3A_280 : memref<128x16xf32, #tpu.memory_space<hbm>>) target_semaphore(%arg29 : memref<!tpu.dma_semaphore, #tpu.memory_space<semaphore_mem>>)
    }
    %scan3A_122 = arith.constant 8 : i32
    %dma_wait3A_123 = arith.constant 0 : i32
    %dma_wait3A_124 = arith.constant 0 : i32
    %dma_wait3A_125 = tpu.memref_slice %arg12[%mul3A_2, %dma_wait3A_123, %dma_wait3A_124] : memref<1024x128x16xf32, #tpu.memory_space<hbm>> -> memref<1x128x16xf32, #tpu.memory_space<hbm>>
    %dma_wait3A_126 = tpu.memref_squeeze %dma_wait3A_125 : memref<1x128x16xf32, #tpu.memory_space<hbm>> -> memref<128x16xf32, #tpu.memory_space<hbm>>
    %dma_wait3A_127 = arith.constant 0 : i32
    %dma_wait3A_128 = arith.constant 0 : i32
    %dma_wait3A_129 = tpu.memref_slice %arg12[%mul3A_2, %dma_wait3A_127, %dma_wait3A_128] : memref<1024x128x16xf32, #tpu.memory_space<hbm>> -> memref<1x128x16xf32, #tpu.memory_space<hbm>>
    %dma_wait3A_130 = tpu.memref_squeeze %dma_wait3A_129 : memref<1x128x16xf32, #tpu.memory_space<hbm>> -> memref<128x16xf32, #tpu.memory_space<hbm>>
    tpu.wait_dma2 semaphore(%arg26 : memref<!tpu.dma_semaphore, #tpu.memory_space<semaphore_mem>>) src(%arg16 : memref<128x16xf32, #tpu.memory_space<vmem>>) dst(%dma_wait3A_130 : memref<128x16xf32, #tpu.memory_space<hbm>>)
    %dma_wait3A_131 = arith.constant 0 : i32
    %dma_wait3A_132 = arith.constant 0 : i32
    %dma_wait3A_133 = tpu.memref_slice %arg12[%mul3A_2, %dma_wait3A_131, %dma_wait3A_132] : memref<1024x128x16xf32, #tpu.memory_space<hbm>> -> memref<1x128x16xf32, #tpu.memory_space<hbm>>
    %dma_wait3A_134 = tpu.memref_squeeze %dma_wait3A_133 : memref<1x128x16xf32, #tpu.memory_space<hbm>> -> memref<128x16xf32, #tpu.memory_space<hbm>>
    %dma_wait3A_135 = arith.constant 0 : i32
    %dma_wait3A_136 = arith.constant 0 : i32
    %dma_wait3A_137 = tpu.memref_slice %arg12[%mul3A_2, %dma_wait3A_135, %dma_wait3A_136] : memref<1024x128x16xf32, #tpu.memory_space<hbm>> -> memref<1x128x16xf32, #tpu.memory_space<hbm>>
    %dma_wait3A_138 = tpu.memref_squeeze %dma_wait3A_137 : memref<1x128x16xf32, #tpu.memory_space<hbm>> -> memref<128x16xf32, #tpu.memory_space<hbm>>
    tpu.wait_dma2 semaphore(%arg27 : memref<!tpu.dma_semaphore, #tpu.memory_space<semaphore_mem>>) src(%arg17 : memref<128x16xf32, #tpu.memory_space<vmem>>) dst(%dma_wait3A_138 : memref<128x16xf32, #tpu.memory_space<hbm>>)
    %dma_wait3A_139 = arith.constant 0 : i32
    %dma_wait3A_140 = arith.constant 0 : i32
    %dma_wait3A_141 = tpu.memref_slice %arg12[%mul3A_2, %dma_wait3A_139, %dma_wait3A_140] : memref<1024x128x16xf32, #tpu.memory_space<hbm>> -> memref<1x128x16xf32, #tpu.memory_space<hbm>>
    %dma_wait3A_142 = tpu.memref_squeeze %dma_wait3A_141 : memref<1x128x16xf32, #tpu.memory_space<hbm>> -> memref<128x16xf32, #tpu.memory_space<hbm>>
    %dma_wait3A_143 = arith.constant 0 : i32
    %dma_wait3A_144 = arith.constant 0 : i32
    %dma_wait3A_145 = tpu.memref_slice %arg12[%mul3A_2, %dma_wait3A_143, %dma_wait3A_144] : memref<1024x128x16xf32, #tpu.memory_space<hbm>> -> memref<1x128x16xf32, #tpu.memory_space<hbm>>
    %dma_wait3A_146 = tpu.memref_squeeze %dma_wait3A_145 : memref<1x128x16xf32, #tpu.memory_space<hbm>> -> memref<128x16xf32, #tpu.memory_space<hbm>>
    tpu.wait_dma2 semaphore(%arg28 : memref<!tpu.dma_semaphore, #tpu.memory_space<semaphore_mem>>) src(%arg18 : memref<128x16xf32, #tpu.memory_space<vmem>>) dst(%dma_wait3A_146 : memref<128x16xf32, #tpu.memory_space<hbm>>)
    %dma_wait3A_147 = arith.constant 0 : i32
    %dma_wait3A_148 = arith.constant 0 : i32
    %dma_wait3A_149 = tpu.memref_slice %arg12[%mul3A_2, %dma_wait3A_147, %dma_wait3A_148] : memref<1024x128x16xf32, #tpu.memory_space<hbm>> -> memref<1x128x16xf32, #tpu.memory_space<hbm>>
    %dma_wait3A_150 = tpu.memref_squeeze %dma_wait3A_149 : memref<1x128x16xf32, #tpu.memory_space<hbm>> -> memref<128x16xf32, #tpu.memory_space<hbm>>
    %dma_wait3A_151 = arith.constant 0 : i32
    %dma_wait3A_152 = arith.constant 0 : i32
    %dma_wait3A_153 = tpu.memref_slice %arg12[%mul3A_2, %dma_wait3A_151, %dma_wait3A_152] : memref<1024x128x16xf32, #tpu.memory_space<hbm>> -> memref<1x128x16xf32, #tpu.memory_space<hbm>>
    %dma_wait3A_154 = tpu.memref_squeeze %dma_wait3A_153 : memref<1x128x16xf32, #tpu.memory_space<hbm>> -> memref<128x16xf32, #tpu.memory_space<hbm>>
    tpu.wait_dma2 semaphore(%arg29 : memref<!tpu.dma_semaphore, #tpu.memory_space<semaphore_mem>>) src(%arg19 : memref<128x16xf32, #tpu.memory_space<vmem>>) dst(%dma_wait3A_154 : memref<128x16xf32, #tpu.memory_space<hbm>>)
    %scan3A_155 = arith.constant 0 : i32
    %scan3A_156 = arith.constant 0 : i32
    %scan3A_157 = arith.constant 16 : i32
    %scan3A_158 = arith.addi %scan3A_156, %scan3A_157 : i32
    %scan3A_159 = arith.constant 1 : i32
    scf.for %scan3A_169 = %scan3A_156 to %scan3A_158 step %scan3A_159  : i32 {
      %mul3A_170 = arith.constant 8 : i32
      %mul3A_171 = arith.muli %mul3A_170, %scan3A_169 : i32
      %gt3A = arith.constant 0 : i32
      %gt3A_172 = arith.cmpi sgt, %scan3A_169, %gt3A : i32
      %convert_element_type3A = arith.extui %gt3A_172 : i1 to i32
      %cond3A = arith.constant 0 : i32
      %cond3A_173 = arith.cmpi ne, %convert_element_type3A, %cond3A : i32
      scf.if %cond3A_173 {
        %dma_wait3A_353 = arith.constant 0 : i32
        %dma_wait3A_354 = tpu.memref_slice %arg13[%mul3A_4, %dma_wait3A_353] : memref<4096x128xf32, #tpu.memory_space<hbm>> -> memref<4x128xf32, #tpu.memory_space<hbm>>
        %dma_wait3A_355 = arith.constant 0 : i32
        %dma_wait3A_356 = tpu.memref_slice %arg13[%mul3A_4, %dma_wait3A_355] : memref<4096x128xf32, #tpu.memory_space<hbm>> -> memref<4x128xf32, #tpu.memory_space<hbm>>
        tpu.wait_dma2 semaphore(%arg26 : memref<!tpu.dma_semaphore, #tpu.memory_space<semaphore_mem>>) src(%arg20 : memref<4x128xf32, #tpu.memory_space<vmem>>) dst(%dma_wait3A_356 : memref<4x128xf32, #tpu.memory_space<hbm>>)
        %dma_wait3A_357 = arith.constant 0 : i32
        %dma_wait3A_358 = tpu.memref_slice %arg13[%mul3A_4, %dma_wait3A_357] : memref<4096x128xf32, #tpu.memory_space<hbm>> -> memref<4x128xf32, #tpu.memory_space<hbm>>
        %dma_wait3A_359 = arith.constant 0 : i32
        %dma_wait3A_360 = tpu.memref_slice %arg13[%mul3A_4, %dma_wait3A_359] : memref<4096x128xf32, #tpu.memory_space<hbm>> -> memref<4x128xf32, #tpu.memory_space<hbm>>
        tpu.wait_dma2 semaphore(%arg27 : memref<!tpu.dma_semaphore, #tpu.memory_space<semaphore_mem>>) src(%arg21 : memref<4x128xf32, #tpu.memory_space<vmem>>) dst(%dma_wait3A_360 : memref<4x128xf32, #tpu.memory_space<hbm>>)
      } else {
      }
      %add3A_174 = arith.constant 0 : i32
      %add3A_175 = arith.addi %mul3A_171, %add3A_174 : i32
      %dma_start3A = arith.constant 0 : i32
      %dma_start3A_176 = arith.constant 0 : i32
      %dma_start3A_177 = tpu.memref_slice %arg20[%dma_start3A, %dma_start3A_176] : memref<4x128xf32, #tpu.memory_space<vmem>> -> memref<1x128xf32, #tpu.memory_space<vmem>>
      %dma_start3A_178 = tpu.memref_squeeze %dma_start3A_177 : memref<1x128xf32, #tpu.memory_space<vmem>> -> memref<128xf32, #tpu.memory_space<vmem>>
      %dma_start3A_179 = arith.constant 0 : i32
      %dma_start3A_180 = tpu.memref_slice %arg15[%add3A_175, %dma_start3A_179] : memref<128x128xi32, #tpu.memory_space<vmem>> -> memref<1x128xi32, #tpu.memory_space<vmem>>
      %dma_start3A_181 = tpu.memref_squeeze %dma_start3A_180 : memref<1x128xi32, #tpu.memory_space<vmem>> -> memref<128xi32, #tpu.memory_space<vmem>>
      %dma_start3A_182 = arith.constant 0 : i32
      %dma_start3A_183 = tpu.memref_slice %arg8[%dma_start3A_182] : memref<2600000xf32, #tpu.memory_space<hbm>> -> memref<2600000xf32, #tpu.memory_space<hbm>>
      tpu.enqueue_indirect_dma source(%dma_start3A_183 : memref<2600000xf32, #tpu.memory_space<hbm>>) target(%dma_start3A_178 : memref<128xf32, #tpu.memory_space<vmem>>) offsets(%dma_start3A_181 : memref<128xi32, #tpu.memory_space<vmem>>) semaphore(%arg22 : memref<!tpu.dma_semaphore, #tpu.memory_space<semaphore_mem>>)
      %add3A_184 = arith.constant 1 : i32
      %add3A_185 = arith.addi %mul3A_171, %add3A_184 : i32
      %dma_start3A_186 = arith.constant 1 : i32
      %dma_start3A_187 = arith.constant 0 : i32
      %dma_start3A_188 = tpu.memref_slice %arg20[%dma_start3A_186, %dma_start3A_187] : memref<4x128xf32, #tpu.memory_space<vmem>> -> memref<1x128xf32, #tpu.memory_space<vmem>>
      %dma_start3A_189 = tpu.memref_squeeze %dma_start3A_188 : memref<1x128xf32, #tpu.memory_space<vmem>> -> memref<128xf32, #tpu.memory_space<vmem>>
      %dma_start3A_190 = arith.constant 0 : i32
      %dma_start3A_191 = tpu.memref_slice %arg15[%add3A_185, %dma_start3A_190] : memref<128x128xi32, #tpu.memory_space<vmem>> -> memref<1x128xi32, #tpu.memory_space<vmem>>
      %dma_start3A_192 = tpu.memref_squeeze %dma_start3A_191 : memref<1x128xi32, #tpu.memory_space<vmem>> -> memref<128xi32, #tpu.memory_space<vmem>>
      %dma_start3A_193 = arith.constant 0 : i32
      %dma_start3A_194 = tpu.memref_slice %arg8[%dma_start3A_193] : memref<2600000xf32, #tpu.memory_space<hbm>> -> memref<2600000xf32, #tpu.memory_space<hbm>>
      tpu.enqueue_indirect_dma source(%dma_start3A_194 : memref<2600000xf32, #tpu.memory_space<hbm>>) target(%dma_start3A_189 : memref<128xf32, #tpu.memory_space<vmem>>) offsets(%dma_start3A_192 : memref<128xi32, #tpu.memory_space<vmem>>) semaphore(%arg22 : memref<!tpu.dma_semaphore, #tpu.memory_space<semaphore_mem>>)
      %add3A_195 = arith.constant 2 : i32
      %add3A_196 = arith.addi %mul3A_171, %add3A_195 : i32
      %dma_start3A_197 = arith.constant 2 : i32
      %dma_start3A_198 = arith.constant 0 : i32
      %dma_start3A_199 = tpu.memref_slice %arg20[%dma_start3A_197, %dma_start3A_198] : memref<4x128xf32, #tpu.memory_space<vmem>> -> memref<1x128xf32, #tpu.memory_space<vmem>>
      %dma_start3A_200 = tpu.memref_squeeze %dma_start3A_199 : memref<1x128xf32, #tpu.memory_space<vmem>> -> memref<128xf32, #tpu.memory_space<vmem>>
      %dma_start3A_201 = arith.constant 0 : i32
      %dma_start3A_202 = tpu.memref_slice %arg15[%add3A_196, %dma_start3A_201] : memref<128x128xi32, #tpu.memory_space<vmem>> -> memref<1x128xi32, #tpu.memory_space<vmem>>
      %dma_start3A_203 = tpu.memref_squeeze %dma_start3A_202 : memref<1x128xi32, #tpu.memory_space<vmem>> -> memref<128xi32, #tpu.memory_space<vmem>>
      %dma_start3A_204 = arith.constant 0 : i32
      %dma_start3A_205 = tpu.memref_slice %arg8[%dma_start3A_204] : memref<2600000xf32, #tpu.memory_space<hbm>> -> memref<2600000xf32, #tpu.memory_space<hbm>>
      tpu.enqueue_indirect_dma source(%dma_start3A_205 : memref<2600000xf32, #tpu.memory_space<hbm>>) target(%dma_start3A_200 : memref<128xf32, #tpu.memory_space<vmem>>) offsets(%dma_start3A_203 : memref<128xi32, #tpu.memory_space<vmem>>) semaphore(%arg22 : memref<!tpu.dma_semaphore, #tpu.memory_space<semaphore_mem>>)
      %add3A_206 = arith.constant 3 : i32
      %add3A_207 = arith.addi %mul3A_171, %add3A_206 : i32
      %dma_start3A_208 = arith.constant 3 : i32
      %dma_start3A_209 = arith.constant 0 : i32
      %dma_start3A_210 = tpu.memref_slice %arg20[%dma_start3A_208, %dma_start3A_209] : memref<4x128xf32, #tpu.memory_space<vmem>> -> memref<1x128xf32, #tpu.memory_space<vmem>>
      %dma_start3A_211 = tpu.memref_squeeze %dma_start3A_210 : memref<1x128xf32, #tpu.memory_space<vmem>> -> memref<128xf32, #tpu.memory_space<vmem>>
      %dma_start3A_212 = arith.constant 0 : i32
      %dma_start3A_213 = tpu.memref_slice %arg15[%add3A_207, %dma_start3A_212] : memref<128x128xi32, #tpu.memory_space<vmem>> -> memref<1x128xi32, #tpu.memory_space<vmem>>
      %dma_start3A_214 = tpu.memref_squeeze %dma_start3A_213 : memref<1x128xi32, #tpu.memory_space<vmem>> -> memref<128xi32, #tpu.memory_space<vmem>>
      %dma_start3A_215 = arith.constant 0 : i32
      %dma_start3A_216 = tpu.memref_slice %arg8[%dma_start3A_215] : memref<2600000xf32, #tpu.memory_space<hbm>> -> memref<2600000xf32, #tpu.memory_space<hbm>>
      tpu.enqueue_indirect_dma source(%dma_start3A_216 : memref<2600000xf32, #tpu.memory_space<hbm>>) target(%dma_start3A_211 : memref<128xf32, #tpu.memory_space<vmem>>) offsets(%dma_start3A_214 : memref<128xi32, #tpu.memory_space<vmem>>) semaphore(%arg22 : memref<!tpu.dma_semaphore, #tpu.memory_space<semaphore_mem>>)
      %add3A_217 = arith.constant 4 : i32
      %add3A_218 = arith.addi %mul3A_171, %add3A_217 : i32
      %add3A_219 = arith.constant 0 : i32
      %add3A_220 = arith.addi %add3A_218, %add3A_219 : i32
      %dma_start3A_221 = arith.constant 0 : i32
      %dma_start3A_222 = arith.constant 0 : i32
      %dma_start3A_223 = tpu.memref_slice %arg21[%dma_start3A_221, %dma_start3A_222] : memref<4x128xf32, #tpu.memory_space<vmem>> -> memref<1x128xf32, #tpu.memory_space<vmem>>
      %dma_start3A_224 = tpu.memref_squeeze %dma_start3A_223 : memref<1x128xf32, #tpu.memory_space<vmem>> -> memref<128xf32, #tpu.memory_space<vmem>>
      %dma_start3A_225 = arith.constant 0 : i32
      %dma_start3A_226 = tpu.memref_slice %arg15[%add3A_220, %dma_start3A_225] : memref<128x128xi32, #tpu.memory_space<vmem>> -> memref<1x128xi32, #tpu.memory_space<vmem>>
      %dma_start3A_227 = tpu.memref_squeeze %dma_start3A_226 : memref<1x128xi32, #tpu.memory_space<vmem>> -> memref<128xi32, #tpu.memory_space<vmem>>
      %dma_start3A_228 = arith.constant 0 : i32
      %dma_start3A_229 = tpu.memref_slice %arg8[%dma_start3A_228] : memref<2600000xf32, #tpu.memory_space<hbm>> -> memref<2600000xf32, #tpu.memory_space<hbm>>
      tpu.enqueue_indirect_dma source(%dma_start3A_229 : memref<2600000xf32, #tpu.memory_space<hbm>>) target(%dma_start3A_224 : memref<128xf32, #tpu.memory_space<vmem>>) offsets(%dma_start3A_227 : memref<128xi32, #tpu.memory_space<vmem>>) semaphore(%arg23 : memref<!tpu.dma_semaphore, #tpu.memory_space<semaphore_mem>>)
      %add3A_230 = arith.constant 4 : i32
      %add3A_231 = arith.addi %mul3A_171, %add3A_230 : i32
      %add3A_232 = arith.constant 1 : i32
      %add3A_233 = arith.addi %add3A_231, %add3A_232 : i32
      %dma_start3A_234 = arith.constant 1 : i32
      %dma_start3A_235 = arith.constant 0 : i32
      %dma_start3A_236 = tpu.memref_slice %arg21[%dma_start3A_234, %dma_start3A_235] : memref<4x128xf32, #tpu.memory_space<vmem>> -> memref<1x128xf32, #tpu.memory_space<vmem>>
      %dma_start3A_237 = tpu.memref_squeeze %dma_start3A_236 : memref<1x128xf32, #tpu.memory_space<vmem>> -> memref<128xf32, #tpu.memory_space<vmem>>
      %dma_start3A_238 = arith.constant 0 : i32
      %dma_start3A_239 = tpu.memref_slice %arg15[%add3A_233, %dma_start3A_238] : memref<128x128xi32, #tpu.memory_space<vmem>> -> memref<1x128xi32, #tpu.memory_space<vmem>>
      %dma_start3A_240 = tpu.memref_squeeze %dma_start3A_239 : memref<1x128xi32, #tpu.memory_space<vmem>> -> memref<128xi32, #tpu.memory_space<vmem>>
      %dma_start3A_241 = arith.constant 0 : i32
      %dma_start3A_242 = tpu.memref_slice %arg8[%dma_start3A_241] : memref<2600000xf32, #tpu.memory_space<hbm>> -> memref<2600000xf32, #tpu.memory_space<hbm>>
      tpu.enqueue_indirect_dma source(%dma_start3A_242 : memref<2600000xf32, #tpu.memory_space<hbm>>) target(%dma_start3A_237 : memref<128xf32, #tpu.memory_space<vmem>>) offsets(%dma_start3A_240 : memref<128xi32, #tpu.memory_space<vmem>>) semaphore(%arg23 : memref<!tpu.dma_semaphore, #tpu.memory_space<semaphore_mem>>)
      %add3A_243 = arith.constant 4 : i32
      %add3A_244 = arith.addi %mul3A_171, %add3A_243 : i32
      %add3A_245 = arith.constant 2 : i32
      %add3A_246 = arith.addi %add3A_244, %add3A_245 : i32
      %dma_start3A_247 = arith.constant 2 : i32
      %dma_start3A_248 = arith.constant 0 : i32
      %dma_start3A_249 = tpu.memref_slice %arg21[%dma_start3A_247, %dma_start3A_248] : memref<4x128xf32, #tpu.memory_space<vmem>> -> memref<1x128xf32, #tpu.memory_space<vmem>>
      %dma_start3A_250 = tpu.memref_squeeze %dma_start3A_249 : memref<1x128xf32, #tpu.memory_space<vmem>> -> memref<128xf32, #tpu.memory_space<vmem>>
      %dma_start3A_251 = arith.constant 0 : i32
      %dma_start3A_252 = tpu.memref_slice %arg15[%add3A_246, %dma_start3A_251] : memref<128x128xi32, #tpu.memory_space<vmem>> -> memref<1x128xi32, #tpu.memory_space<vmem>>
      %dma_start3A_253 = tpu.memref_squeeze %dma_start3A_252 : memref<1x128xi32, #tpu.memory_space<vmem>> -> memref<128xi32, #tpu.memory_space<vmem>>
      %dma_start3A_254 = arith.constant 0 : i32
      %dma_start3A_255 = tpu.memref_slice %arg8[%dma_start3A_254] : memref<2600000xf32, #tpu.memory_space<hbm>> -> memref<2600000xf32, #tpu.memory_space<hbm>>
      tpu.enqueue_indirect_dma source(%dma_start3A_255 : memref<2600000xf32, #tpu.memory_space<hbm>>) target(%dma_start3A_250 : memref<128xf32, #tpu.memory_space<vmem>>) offsets(%dma_start3A_253 : memref<128xi32, #tpu.memory_space<vmem>>) semaphore(%arg23 : memref<!tpu.dma_semaphore, #tpu.memory_space<semaphore_mem>>)
      %add3A_256 = arith.constant 4 : i32
      %add3A_257 = arith.addi %mul3A_171, %add3A_256 : i32
      %add3A_258 = arith.constant 3 : i32
      %add3A_259 = arith.addi %add3A_257, %add3A_258 : i32
      %dma_start3A_260 = arith.constant 3 : i32
      %dma_start3A_261 = arith.constant 0 : i32
      %dma_start3A_262 = tpu.memref_slice %arg21[%dma_start3A_260, %dma_start3A_261] : memref<4x128xf32, #tpu.memory_space<vmem>> -> memref<1x128xf32, #tpu.memory_space<vmem>>
      %dma_start3A_263 = tpu.memref_squeeze %dma_start3A_262 : memref<1x128xf32, #tpu.memory_space<vmem>> -> memref<128xf32, #tpu.memory_space<vmem>>
      %dma_start3A_264 = arith.constant 0 : i32
      %dma_start3A_265 = tpu.memref_slice %arg15[%add3A_259, %dma_start3A_264] : memref<128x128xi32, #tpu.memory_space<vmem>> -> memref<1x128xi32, #tpu.memory_space<vmem>>
      %dma_start3A_266 = tpu.memref_squeeze %dma_start3A_265 : memref<1x128xi32, #tpu.memory_space<vmem>> -> memref<128xi32, #tpu.memory_space<vmem>>
      %dma_start3A_267 = arith.constant 0 : i32
      %dma_start3A_268 = tpu.memref_slice %arg8[%dma_start3A_267] : memref<2600000xf32, #tpu.memory_space<hbm>> -> memref<2600000xf32, #tpu.memory_space<hbm>>
      tpu.enqueue_indirect_dma source(%dma_start3A_268 : memref<2600000xf32, #tpu.memory_space<hbm>>) target(%dma_start3A_263 : memref<128xf32, #tpu.memory_space<vmem>>) offsets(%dma_start3A_266 : memref<128xi32, #tpu.memory_space<vmem>>) semaphore(%arg23 : memref<!tpu.dma_semaphore, #tpu.memory_space<semaphore_mem>>)
      %dma_wait3A_269 = arith.constant 0 : i32
      %dma_wait3A_270 = arith.constant 0 : i32
      %dma_wait3A_271 = tpu.memref_slice %arg20[%dma_wait3A_269, %dma_wait3A_270] : memref<4x128xf32, #tpu.memory_space<vmem>> -> memref<1x128xf32, #tpu.memory_space<vmem>>
      %dma_wait3A_272 = tpu.memref_squeeze %dma_wait3A_271 : memref<1x128xf32, #tpu.memory_space<vmem>> -> memref<128xf32, #tpu.memory_space<vmem>>
      %dma_wait3A_273 = arith.constant 0 : i32
      %dma_wait3A_274 = tpu.memref_slice %arg15[%add3A_175, %dma_wait3A_273] : memref<128x128xi32, #tpu.memory_space<vmem>> -> memref<1x128xi32, #tpu.memory_space<vmem>>
      %dma_wait3A_275 = tpu.memref_squeeze %dma_wait3A_274 : memref<1x128xi32, #tpu.memory_space<vmem>> -> memref<128xi32, #tpu.memory_space<vmem>>
      %dma_wait3A_276 = arith.constant 0 : i32
      %dma_wait3A_277 = tpu.memref_slice %arg8[%dma_wait3A_276] : memref<2600000xf32, #tpu.memory_space<hbm>> -> memref<2600000xf32, #tpu.memory_space<hbm>>
      tpu.wait_indirect_dma semaphore(%arg22 : memref<!tpu.dma_semaphore, #tpu.memory_space<semaphore_mem>>) src(%dma_wait3A_277 : memref<2600000xf32, #tpu.memory_space<hbm>>) dst(%dma_wait3A_272 : memref<128xf32, #tpu.memory_space<vmem>>)
      %dma_wait3A_278 = arith.constant 1 : i32
      %dma_wait3A_279 = arith.constant 0 : i32
      %dma_wait3A_280 = tpu.memref_slice %arg20[%dma_wait3A_278, %dma_wait3A_279] : memref<4x128xf32, #tpu.memory_space<vmem>> -> memref<1x128xf32, #tpu.memory_space<vmem>>
      %dma_wait3A_281 = tpu.memref_squeeze %dma_wait3A_280 : memref<1x128xf32, #tpu.memory_space<vmem>> -> memref<128xf32, #tpu.memory_space<vmem>>
      %dma_wait3A_282 = arith.constant 0 : i32
      %dma_wait3A_283 = tpu.memref_slice %arg15[%add3A_185, %dma_wait3A_282] : memref<128x128xi32, #tpu.memory_space<vmem>> -> memref<1x128xi32, #tpu.memory_space<vmem>>
      %dma_wait3A_284 = tpu.memref_squeeze %dma_wait3A_283 : memref<1x128xi32, #tpu.memory_space<vmem>> -> memref<128xi32, #tpu.memory_space<vmem>>
      %dma_wait3A_285 = arith.constant 0 : i32
      %dma_wait3A_286 = tpu.memref_slice %arg8[%dma_wait3A_285] : memref<2600000xf32, #tpu.memory_space<hbm>> -> memref<2600000xf32, #tpu.memory_space<hbm>>
      tpu.wait_indirect_dma semaphore(%arg22 : memref<!tpu.dma_semaphore, #tpu.memory_space<semaphore_mem>>) src(%dma_wait3A_286 : memref<2600000xf32, #tpu.memory_space<hbm>>) dst(%dma_wait3A_281 : memref<128xf32, #tpu.memory_space<vmem>>)
      %dma_wait3A_287 = arith.constant 2 : i32
      %dma_wait3A_288 = arith.constant 0 : i32
      %dma_wait3A_289 = tpu.memref_slice %arg20[%dma_wait3A_287, %dma_wait3A_288] : memref<4x128xf32, #tpu.memory_space<vmem>> -> memref<1x128xf32, #tpu.memory_space<vmem>>
      %dma_wait3A_290 = tpu.memref_squeeze %dma_wait3A_289 : memref<1x128xf32, #tpu.memory_space<vmem>> -> memref<128xf32, #tpu.memory_space<vmem>>
      %dma_wait3A_291 = arith.constant 0 : i32
      %dma_wait3A_292 = tpu.memref_slice %arg15[%add3A_196, %dma_wait3A_291] : memref<128x128xi32, #tpu.memory_space<vmem>> -> memref<1x128xi32, #tpu.memory_space<vmem>>
      %dma_wait3A_293 = tpu.memref_squeeze %dma_wait3A_292 : memref<1x128xi32, #tpu.memory_space<vmem>> -> memref<128xi32, #tpu.memory_space<vmem>>
      %dma_wait3A_294 = arith.constant 0 : i32
      %dma_wait3A_295 = tpu.memref_slice %arg8[%dma_wait3A_294] : memref<2600000xf32, #tpu.memory_space<hbm>> -> memref<2600000xf32, #tpu.memory_space<hbm>>
      tpu.wait_indirect_dma semaphore(%arg22 : memref<!tpu.dma_semaphore, #tpu.memory_space<semaphore_mem>>) src(%dma_wait3A_295 : memref<2600000xf32, #tpu.memory_space<hbm>>) dst(%dma_wait3A_290 : memref<128xf32, #tpu.memory_space<vmem>>)
      %dma_wait3A_296 = arith.constant 3 : i32
      %dma_wait3A_297 = arith.constant 0 : i32
      %dma_wait3A_298 = tpu.memref_slice %arg20[%dma_wait3A_296, %dma_wait3A_297] : memref<4x128xf32, #tpu.memory_space<vmem>> -> memref<1x128xf32, #tpu.memory_space<vmem>>
      %dma_wait3A_299 = tpu.memref_squeeze %dma_wait3A_298 : memref<1x128xf32, #tpu.memory_space<vmem>> -> memref<128xf32, #tpu.memory_space<vmem>>
      %dma_wait3A_300 = arith.constant 0 : i32
      %dma_wait3A_301 = tpu.memref_slice %arg15[%add3A_207, %dma_wait3A_300] : memref<128x128xi32, #tpu.memory_space<vmem>> -> memref<1x128xi32, #tpu.memory_space<vmem>>
      %dma_wait3A_302 = tpu.memref_squeeze %dma_wait3A_301 : memref<1x128xi32, #tpu.memory_space<vmem>> -> memref<128xi32, #tpu.memory_space<vmem>>
      %dma_wait3A_303 = arith.constant 0 : i32
      %dma_wait3A_304 = tpu.memref_slice %arg8[%dma_wait3A_303] : memref<2600000xf32, #tpu.memory_space<hbm>> -> memref<2600000xf32, #tpu.memory_space<hbm>>
      tpu.wait_indirect_dma semaphore(%arg22 : memref<!tpu.dma_semaphore, #tpu.memory_space<semaphore_mem>>) src(%dma_wait3A_304 : memref<2600000xf32, #tpu.memory_space<hbm>>) dst(%dma_wait3A_299 : memref<128xf32, #tpu.memory_space<vmem>>)
      %add3A_305 = arith.addi %mul3A_4, %mul3A_171 : i32
      %dma_start3A_306 = arith.constant 0 : i32
      %dma_start3A_307 = tpu.memref_slice %arg13[%add3A_305, %dma_start3A_306] : memref<4096x128xf32, #tpu.memory_space<hbm>> -> memref<4x128xf32, #tpu.memory_space<hbm>>
      %dma_start3A_308 = arith.constant 0 : i32
      %dma_start3A_309 = tpu.memref_slice %arg13[%add3A_305, %dma_start3A_308] : memref<4096x128xf32, #tpu.memory_space<hbm>> -> memref<4x128xf32, #tpu.memory_space<hbm>>
      tpu.enqueue_dma source(%arg20 : memref<4x128xf32, #tpu.memory_space<vmem>>) target(%dma_start3A_309 : memref<4x128xf32, #tpu.memory_space<hbm>>) target_semaphore(%arg26 : memref<!tpu.dma_semaphore, #tpu.memory_space<semaphore_mem>>)
      %dma_wait3A_310 = arith.constant 0 : i32
      %dma_wait3A_311 = arith.constant 0 : i32
      %dma_wait3A_312 = tpu.memref_slice %arg21[%dma_wait3A_310, %dma_wait3A_311] : memref<4x128xf32, #tpu.memory_space<vmem>> -> memref<1x128xf32, #tpu.memory_space<vmem>>
      %dma_wait3A_313 = tpu.memref_squeeze %dma_wait3A_312 : memref<1x128xf32, #tpu.memory_space<vmem>> -> memref<128xf32, #tpu.memory_space<vmem>>
      %dma_wait3A_314 = arith.constant 0 : i32
      %dma_wait3A_315 = tpu.memref_slice %arg15[%add3A_220, %dma_wait3A_314] : memref<128x128xi32, #tpu.memory_space<vmem>> -> memref<1x128xi32, #tpu.memory_space<vmem>>
      %dma_wait3A_316 = tpu.memref_squeeze %dma_wait3A_315 : memref<1x128xi32, #tpu.memory_space<vmem>> -> memref<128xi32, #tpu.memory_space<vmem>>
      %dma_wait3A_317 = arith.constant 0 : i32
      %dma_wait3A_318 = tpu.memref_slice %arg8[%dma_wait3A_317] : memref<2600000xf32, #tpu.memory_space<hbm>> -> memref<2600000xf32, #tpu.memory_space<hbm>>
      tpu.wait_indirect_dma semaphore(%arg23 : memref<!tpu.dma_semaphore, #tpu.memory_space<semaphore_mem>>) src(%dma_wait3A_318 : memref<2600000xf32, #tpu.memory_space<hbm>>) dst(%dma_wait3A_313 : memref<128xf32, #tpu.memory_space<vmem>>)
      %dma_wait3A_319 = arith.constant 1 : i32
      %dma_wait3A_320 = arith.constant 0 : i32
      %dma_wait3A_321 = tpu.memref_slice %arg21[%dma_wait3A_319, %dma_wait3A_320] : memref<4x128xf32, #tpu.memory_space<vmem>> -> memref<1x128xf32, #tpu.memory_space<vmem>>
      %dma_wait3A_322 = tpu.memref_squeeze %dma_wait3A_321 : memref<1x128xf32, #tpu.memory_space<vmem>> -> memref<128xf32, #tpu.memory_space<vmem>>
      %dma_wait3A_323 = arith.constant 0 : i32
      %dma_wait3A_324 = tpu.memref_slice %arg15[%add3A_233, %dma_wait3A_323] : memref<128x128xi32, #tpu.memory_space<vmem>> -> memref<1x128xi32, #tpu.memory_space<vmem>>
      %dma_wait3A_325 = tpu.memref_squeeze %dma_wait3A_324 : memref<1x128xi32, #tpu.memory_space<vmem>> -> memref<128xi32, #tpu.memory_space<vmem>>
      %dma_wait3A_326 = arith.constant 0 : i32
      %dma_wait3A_327 = tpu.memref_slice %arg8[%dma_wait3A_326] : memref<2600000xf32, #tpu.memory_space<hbm>> -> memref<2600000xf32, #tpu.memory_space<hbm>>
      tpu.wait_indirect_dma semaphore(%arg23 : memref<!tpu.dma_semaphore, #tpu.memory_space<semaphore_mem>>) src(%dma_wait3A_327 : memref<2600000xf32, #tpu.memory_space<hbm>>) dst(%dma_wait3A_322 : memref<128xf32, #tpu.memory_space<vmem>>)
      %dma_wait3A_328 = arith.constant 2 : i32
      %dma_wait3A_329 = arith.constant 0 : i32
      %dma_wait3A_330 = tpu.memref_slice %arg21[%dma_wait3A_328, %dma_wait3A_329] : memref<4x128xf32, #tpu.memory_space<vmem>> -> memref<1x128xf32, #tpu.memory_space<vmem>>
      %dma_wait3A_331 = tpu.memref_squeeze %dma_wait3A_330 : memref<1x128xf32, #tpu.memory_space<vmem>> -> memref<128xf32, #tpu.memory_space<vmem>>
      %dma_wait3A_332 = arith.constant 0 : i32
      %dma_wait3A_333 = tpu.memref_slice %arg15[%add3A_246, %dma_wait3A_332] : memref<128x128xi32, #tpu.memory_space<vmem>> -> memref<1x128xi32, #tpu.memory_space<vmem>>
      %dma_wait3A_334 = tpu.memref_squeeze %dma_wait3A_333 : memref<1x128xi32, #tpu.memory_space<vmem>> -> memref<128xi32, #tpu.memory_space<vmem>>
      %dma_wait3A_335 = arith.constant 0 : i32
      %dma_wait3A_336 = tpu.memref_slice %arg8[%dma_wait3A_335] : memref<2600000xf32, #tpu.memory_space<hbm>> -> memref<2600000xf32, #tpu.memory_space<hbm>>
      tpu.wait_indirect_dma semaphore(%arg23 : memref<!tpu.dma_semaphore, #tpu.memory_space<semaphore_mem>>) src(%dma_wait3A_336 : memref<2600000xf32, #tpu.memory_space<hbm>>) dst(%dma_wait3A_331 : memref<128xf32, #tpu.memory_space<vmem>>)
      %dma_wait3A_337 = arith.constant 3 : i32
      %dma_wait3A_338 = arith.constant 0 : i32
      %dma_wait3A_339 = tpu.memref_slice %arg21[%dma_wait3A_337, %dma_wait3A_338] : memref<4x128xf32, #tpu.memory_space<vmem>> -> memref<1x128xf32, #tpu.memory_space<vmem>>
      %dma_wait3A_340 = tpu.memref_squeeze %dma_wait3A_339 : memref<1x128xf32, #tpu.memory_space<vmem>> -> memref<128xf32, #tpu.memory_space<vmem>>
      %dma_wait3A_341 = arith.constant 0 : i32
      %dma_wait3A_342 = tpu.memref_slice %arg15[%add3A_259, %dma_wait3A_341] : memref<128x128xi32, #tpu.memory_space<vmem>> -> memref<1x128xi32, #tpu.memory_space<vmem>>
      %dma_wait3A_343 = tpu.memref_squeeze %dma_wait3A_342 : memref<1x128xi32, #tpu.memory_space<vmem>> -> memref<128xi32, #tpu.memory_space<vmem>>
      %dma_wait3A_344 = arith.constant 0 : i32
      %dma_wait3A_345 = tpu.memref_slice %arg8[%dma_wait3A_344] : memref<2600000xf32, #tpu.memory_space<hbm>> -> memref<2600000xf32, #tpu.memory_space<hbm>>
      tpu.wait_indirect_dma semaphore(%arg23 : memref<!tpu.dma_semaphore, #tpu.memory_space<semaphore_mem>>) src(%dma_wait3A_345 : memref<2600000xf32, #tpu.memory_space<hbm>>) dst(%dma_wait3A_340 : memref<128xf32, #tpu.memory_space<vmem>>)
      %add3A_346 = arith.addi %mul3A_4, %mul3A_171 : i32
      %add3A_347 = arith.constant 4 : i32
      %add3A_348 = arith.addi %add3A_346, %add3A_347 : i32
      %dma_start3A_349 = arith.constant 0 : i32
      %dma_start3A_350 = tpu.memref_slice %arg13[%add3A_348, %dma_start3A_349] : memref<4096x128xf32, #tpu.memory_space<hbm>> -> memref<4x128xf32, #tpu.memory_space<hbm>>
      %dma_start3A_351 = arith.constant 0 : i32
      %dma_start3A_352 = tpu.memref_slice %arg13[%add3A_348, %dma_start3A_351] : memref<4096x128xf32, #tpu.memory_space<hbm>> -> memref<4x128xf32, #tpu.memory_space<hbm>>
      tpu.enqueue_dma source(%arg21 : memref<4x128xf32, #tpu.memory_space<vmem>>) target(%dma_start3A_352 : memref<4x128xf32, #tpu.memory_space<hbm>>) target_semaphore(%arg27 : memref<!tpu.dma_semaphore, #tpu.memory_space<semaphore_mem>>)
    }
    %scan3A_160 = arith.constant 16 : i32
    %dma_wait3A_161 = arith.constant 0 : i32
    %dma_wait3A_162 = tpu.memref_slice %arg13[%mul3A_4, %dma_wait3A_161] : memref<4096x128xf32, #tpu.memory_space<hbm>> -> memref<4x128xf32, #tpu.memory_space<hbm>>
    %dma_wait3A_163 = arith.constant 0 : i32
    %dma_wait3A_164 = tpu.memref_slice %arg13[%mul3A_4, %dma_wait3A_163] : memref<4096x128xf32, #tpu.memory_space<hbm>> -> memref<4x128xf32, #tpu.memory_space<hbm>>
    tpu.wait_dma2 semaphore(%arg26 : memref<!tpu.dma_semaphore, #tpu.memory_space<semaphore_mem>>) src(%arg20 : memref<4x128xf32, #tpu.memory_space<vmem>>) dst(%dma_wait3A_164 : memref<4x128xf32, #tpu.memory_space<hbm>>)
    %dma_wait3A_165 = arith.constant 0 : i32
    %dma_wait3A_166 = tpu.memref_slice %arg13[%mul3A_4, %dma_wait3A_165] : memref<4096x128xf32, #tpu.memory_space<hbm>> -> memref<4x128xf32, #tpu.memory_space<hbm>>
    %dma_wait3A_167 = arith.constant 0 : i32
    %dma_wait3A_168 = tpu.memref_slice %arg13[%mul3A_4, %dma_wait3A_167] : memref<4096x128xf32, #tpu.memory_space<hbm>> -> memref<4x128xf32, #tpu.memory_space<hbm>>
    tpu.wait_dma2 semaphore(%arg27 : memref<!tpu.dma_semaphore, #tpu.memory_space<semaphore_mem>>) src(%arg21 : memref<4x128xf32, #tpu.memory_space<vmem>>) dst(%dma_wait3A_168 : memref<4x128xf32, #tpu.memory_space<hbm>>)
    return
  }
}

module attributes {stable_mosaic.version = 14 : i64} {
  func.func @body(%arg0: i32, %arg1: memref<512x128xf32, #tpu.memory_space<vmem>>, %arg2: memref<512x128xf32, #tpu.memory_space<vmem>>, %arg3: memref<512x128xf32, #tpu.memory_space<vmem>>, %arg4: memref<512x128xf32, #tpu.memory_space<vmem>>, %arg5: memref<512x32xf32, #tpu.memory_space<vmem>>, %arg6: memref<512x200xf32, #tpu.memory_space<vmem>>, %arg7: memref<1x200xf32, #tpu.memory_space<vmem>>, %arg8: memref<200x200xf32, #tpu.memory_space<vmem>>, %arg9: memref<1x200xf32, #tpu.memory_space<vmem>>, %arg10: memref<200x200xf32, #tpu.memory_space<vmem>>, %arg11: memref<1x200xf32, #tpu.memory_space<vmem>>, %arg12: memref<200x1xf32, #tpu.memory_space<vmem>>, %arg13: memref<1x1xf32, #tpu.memory_space<vmem>>, %arg14: memref<512x1xf32, #tpu.memory_space<vmem>>) attributes {dimension_semantics = [#tpu.dimension_semantics<arbitrary>], iteration_bounds = array<i64: 32>, scalar_prefetch = 0 : i64, scratch_operands = 0 : i64, tpu.core_type = #tpu.core_type<tc>, window_params = [{transform_indices = @transform_0, window_bounds = array<i64: 512, 128>}, {transform_indices = @transform_1, window_bounds = array<i64: 512, 128>}, {transform_indices = @transform_2, window_bounds = array<i64: 512, 128>}, {transform_indices = @transform_3, window_bounds = array<i64: 512, 128>}, {transform_indices = @transform_4, window_bounds = array<i64: 512, 32>}, {pipeline_mode = #tpu.pipeline_mode<synchronous>, transform_indices = @transform_5, window_bounds = array<i64: 512, 200>}, {pipeline_mode = #tpu.pipeline_mode<synchronous>, transform_indices = @transform_6, window_bounds = array<i64: 1, 200>}, {pipeline_mode = #tpu.pipeline_mode<synchronous>, transform_indices = @transform_7, window_bounds = array<i64: 200, 200>}, {pipeline_mode = #tpu.pipeline_mode<synchronous>, transform_indices = @transform_8, window_bounds = array<i64: 1, 200>}, {pipeline_mode = #tpu.pipeline_mode<synchronous>, transform_indices = @transform_9, window_bounds = array<i64: 200, 200>}, {pipeline_mode = #tpu.pipeline_mode<synchronous>, transform_indices = @transform_10, window_bounds = array<i64: 1, 200>}, {pipeline_mode = #tpu.pipeline_mode<synchronous>, transform_indices = @transform_11, window_bounds = array<i64: 200, 1>}, {pipeline_mode = #tpu.pipeline_mode<synchronous>, transform_indices = @transform_12, window_bounds = array<i64: 1, 1>}, {transform_indices = @transform_13, window_bounds = array<i64: 512, 1>}]} {
    %get3A = arith.constant 0 : index
    %get3A_0 = arith.constant 0 : index
    %get3A_1 = vector.load %arg1[%get3A, %get3A_0] : memref<512x128xf32, #tpu.memory_space<vmem>>, vector<512x128xf32>
    %get3A_2 = arith.constant 0 : index
    %get3A_3 = arith.constant 0 : index
    %get3A_4 = vector.load %arg2[%get3A_2, %get3A_3] : memref<512x128xf32, #tpu.memory_space<vmem>>, vector<512x128xf32>
    %get3A_5 = arith.constant 0 : index
    %get3A_6 = arith.constant 0 : index
    %get3A_7 = vector.load %arg3[%get3A_5, %get3A_6] : memref<512x128xf32, #tpu.memory_space<vmem>>, vector<512x128xf32>
    %get3A_8 = arith.constant 0 : index
    %get3A_9 = arith.constant 0 : index
    %get3A_10 = vector.load %arg4[%get3A_8, %get3A_9] : memref<512x128xf32, #tpu.memory_space<vmem>>, vector<512x128xf32>
    %iota3A = tpu.iota {dimensions = array<i32: 1>} : vector<1x128xi32>
    %lt3A = arith.constant 32 : i32
    %lt3A_11 = vector.broadcast %lt3A : i32 to vector<1x128xi32>
    %lt3A_12 = arith.cmpi slt, %iota3A, %lt3A_11 : vector<1x128xi32>
    %convert_element_type3A = arith.extui %lt3A_12 : vector<1x128xi1> to vector<1x128xi32>
    %convert_element_type3A_13 = arith.sitofp %convert_element_type3A : vector<1x128xi32> to vector<1x128xf32>
    %mul3A = vector.broadcast %convert_element_type3A_13 : vector<1x128xf32> to vector<512x128xf32>
    %mul3A_14 = arith.mulf %get3A_10, %mul3A : vector<512x128xf32>
    %iota3A_15 = tpu.iota {dimensions = array<i32: 0>} : vector<128x16xi32>
    %iota3A_16 = tpu.iota {dimensions = array<i32: 1>} : vector<128x16xi32>
    %jit3A = arith.constant 16 : i32
    %eq3A = arith.constant 0 : i32
    %eq3A_17 = arith.cmpi eq, %jit3A, %eq3A : i32
    %jit3A_18 = arith.constant 1 : i32
    %select_n3A = arith.select %eq3A_17, %jit3A_18, %jit3A : i32
    %rem3A = vector.broadcast %select_n3A : i32 to vector<128x16xi32>
    %rem3A_19 = arith.remsi %iota3A_15, %rem3A : vector<128x16xi32>
    %ne3A = arith.constant 0 : i32
    %ne3A_20 = vector.broadcast %ne3A : i32 to vector<128x16xi32>
    %ne3A_21 = arith.cmpi ne, %rem3A_19, %ne3A_20 : vector<128x16xi32>
    %lt3A_22 = arith.constant 0 : i32
    %lt3A_23 = vector.broadcast %lt3A_22 : i32 to vector<128x16xi32>
    %lt3A_24 = arith.cmpi slt, %rem3A_19, %lt3A_23 : vector<128x16xi32>
    %lt3A_25 = arith.constant 0 : i32
    %lt3A_26 = arith.cmpi slt, %select_n3A, %lt3A_25 : i32
    %ne3A_27 = vector.broadcast %lt3A_26 : i1 to vector<128x16xi1>
    %ne3A_28 = vector.broadcast %ne3A_27 : vector<128x16xi1> to vector<128x16xi1>
    %ne3A_29 = arith.xori %lt3A_24, %ne3A_28 : vector<128x16xi1>
    %and3A = arith.andi %ne3A_29, %ne3A_21 : vector<128x16xi1>
    %add3A = vector.broadcast %select_n3A : i32 to vector<128x16xi32>
    %add3A_30 = arith.addi %rem3A_19, %add3A : vector<128x16xi32>
    %select_n3A_31 = arith.select %and3A, %add3A_30, %rem3A_19 : vector<128x16xi1>, vector<128x16xi32>
    %eq3A_32 = arith.cmpi eq, %select_n3A_31, %iota3A_16 : vector<128x16xi32>
    %jit3A_33 = arith.constant 1.000000e+00 : f32
    %jit3A_34 = arith.constant 0.000000e+00 : f32
    %broadcast_in_dim3A = vector.broadcast %jit3A_33 : f32 to vector<128x16xf32>
    %broadcast_in_dim3A_35 = vector.broadcast %jit3A_34 : f32 to vector<128x16xf32>
    %select_n3A_36 = arith.select %eq3A_32, %broadcast_in_dim3A, %broadcast_in_dim3A_35 : vector<128x16xi1>, vector<128x16xf32>
    %add3A_37 = arith.addf %get3A_1, %get3A_4 : vector<512x128xf32>
    %add3A_38 = arith.addf %add3A_37, %get3A_7 : vector<512x128xf32>
    %add3A_39 = arith.addf %add3A_38, %mul3A_14 : vector<512x128xf32>
    %dot_general3A = arith.constant dense<0.000000e+00> : vector<512x16xf32>
    %dot_general3A_40 = tpu.matmul %add3A_39, %select_n3A_36, %dot_general3A {dimension_numbers = #tpu.dot_dimension_numbers<[1], [0], [0], [1], [0, 0, 1, 1], [], []>, transpose_lhs_hint = false} : vector<512x128xf32>, vector<128x16xf32>, vector<512x16xf32> -> vector<512x16xf32>
    %mul3A_41 = arith.mulf %dot_general3A_40, %dot_general3A_40 : vector<512x16xf32>
    %reduce_sum3A = arith.constant dense<0.000000e+00> : vector<512xf32>
    %reduce_sum3A_42 = vector.multi_reduction <add>, %mul3A_41, %reduce_sum3A [1] : vector<512x16xf32> to vector<512xf32>
    %broadcast_in_dim3A_43 = vector.shape_cast %reduce_sum3A_42 : vector<512xf32> to vector<512x1xf32>
    %mul3A_44 = arith.mulf %get3A_1, %get3A_1 : vector<512x128xf32>
    %mul3A_45 = arith.mulf %get3A_4, %get3A_4 : vector<512x128xf32>
    %add3A_46 = arith.addf %mul3A_44, %mul3A_45 : vector<512x128xf32>
    %mul3A_47 = arith.mulf %get3A_7, %get3A_7 : vector<512x128xf32>
    %add3A_48 = arith.addf %add3A_46, %mul3A_47 : vector<512x128xf32>
    %mul3A_49 = arith.mulf %mul3A_14, %mul3A_14 : vector<512x128xf32>
    %add3A_50 = arith.addf %add3A_48, %mul3A_49 : vector<512x128xf32>
    %reduce_sum3A_51 = arith.constant dense<0.000000e+00> : vector<512xf32>
    %reduce_sum3A_52 = vector.multi_reduction <add>, %add3A_50, %reduce_sum3A_51 [1] : vector<512x128xf32> to vector<512xf32>
    %broadcast_in_dim3A_53 = vector.shape_cast %reduce_sum3A_52 : vector<512xf32> to vector<512x1xf32>
    %sub3A = arith.subf %broadcast_in_dim3A_43, %broadcast_in_dim3A_53 : vector<512x1xf32>
    %mul3A_54 = arith.constant 5.000000e-01 : f32
    %mul3A_55 = vector.broadcast %mul3A_54 : f32 to vector<512x1xf32>
    %mul3A_56 = arith.mulf %mul3A_55, %sub3A : vector<512x1xf32>
    %iota3A_57 = tpu.iota {dimensions = array<i32: 1>} : vector<1x32xi32>
    %lt3A_58 = arith.constant 26 : i32
    %lt3A_59 = vector.broadcast %lt3A_58 : i32 to vector<1x32xi32>
    %lt3A_60 = arith.cmpi slt, %iota3A_57, %lt3A_59 : vector<1x32xi32>
    %convert_element_type3A_61 = arith.extui %lt3A_60 : vector<1x32xi1> to vector<1x32xi32>
    %convert_element_type3A_62 = arith.sitofp %convert_element_type3A_61 : vector<1x32xi32> to vector<1x32xf32>
    %get3A_63 = arith.constant 0 : index
    %get3A_64 = arith.constant 0 : index
    %get3A_65 = vector.load %arg5[%get3A_63, %get3A_64] : memref<512x32xf32, #tpu.memory_space<vmem>>, vector<512x32xf32>
    %mul3A_66 = vector.broadcast %convert_element_type3A_62 : vector<1x32xf32> to vector<512x32xf32>
    %mul3A_67 = arith.mulf %get3A_65, %mul3A_66 : vector<512x32xf32>
    %reduce_sum3A_68 = arith.constant dense<0.000000e+00> : vector<512xf32>
    %reduce_sum3A_69 = vector.multi_reduction <add>, %mul3A_67, %reduce_sum3A_68 [1] : vector<512x32xf32> to vector<512xf32>
    %broadcast_in_dim3A_70 = vector.shape_cast %reduce_sum3A_69 : vector<512xf32> to vector<512x1xf32>
    %get3A_71 = arith.constant 0 : index
    %get3A_72 = arith.constant 0 : index
    %get3A_73 = vector.load %arg6[%get3A_71, %get3A_72] : memref<512x200xf32, #tpu.memory_space<vmem>>, vector<512x200xf32>
    %slice3A = vector.extract_strided_slice %get3A_73 {offsets = [0, 0], sizes = [128, 200], strides = [1, 1]} : vector<512x200xf32> to vector<128x200xf32>
    %dot_general3A_74 = arith.constant dense<0.000000e+00> : vector<512x200xf32>
    %dot_general3A_75 = tpu.matmul %get3A_1, %slice3A, %dot_general3A_74 {dimension_numbers = #tpu.dot_dimension_numbers<[1], [0], [0], [1], [0, 0, 1, 1], [], []>, transpose_lhs_hint = false} : vector<512x128xf32>, vector<128x200xf32>, vector<512x200xf32> -> vector<512x200xf32>
    %slice3A_76 = vector.extract_strided_slice %get3A_73 {offsets = [128, 0], sizes = [128, 200], strides = [1, 1]} : vector<512x200xf32> to vector<128x200xf32>
    %dot_general3A_77 = arith.constant dense<0.000000e+00> : vector<512x200xf32>
    %dot_general3A_78 = tpu.matmul %get3A_4, %slice3A_76, %dot_general3A_77 {dimension_numbers = #tpu.dot_dimension_numbers<[1], [0], [0], [1], [0, 0, 1, 1], [], []>, transpose_lhs_hint = false} : vector<512x128xf32>, vector<128x200xf32>, vector<512x200xf32> -> vector<512x200xf32>
    %add3A_79 = arith.addf %dot_general3A_75, %dot_general3A_78 : vector<512x200xf32>
    %slice3A_80 = vector.extract_strided_slice %get3A_73 {offsets = [256, 0], sizes = [128, 200], strides = [1, 1]} : vector<512x200xf32> to vector<128x200xf32>
    %dot_general3A_81 = arith.constant dense<0.000000e+00> : vector<512x200xf32>
    %dot_general3A_82 = tpu.matmul %get3A_7, %slice3A_80, %dot_general3A_81 {dimension_numbers = #tpu.dot_dimension_numbers<[1], [0], [0], [1], [0, 0, 1, 1], [], []>, transpose_lhs_hint = false} : vector<512x128xf32>, vector<128x200xf32>, vector<512x200xf32> -> vector<512x200xf32>
    %add3A_83 = arith.addf %add3A_79, %dot_general3A_82 : vector<512x200xf32>
    %slice3A_84 = vector.extract_strided_slice %get3A_73 {offsets = [384, 0], sizes = [128, 200], strides = [1, 1]} : vector<512x200xf32> to vector<128x200xf32>
    %dot_general3A_85 = arith.constant dense<0.000000e+00> : vector<512x200xf32>
    %dot_general3A_86 = tpu.matmul %get3A_10, %slice3A_84, %dot_general3A_85 {dimension_numbers = #tpu.dot_dimension_numbers<[1], [0], [0], [1], [0, 0, 1, 1], [], []>, transpose_lhs_hint = false} : vector<512x128xf32>, vector<128x200xf32>, vector<512x200xf32> -> vector<512x200xf32>
    %add3A_87 = arith.addf %add3A_83, %dot_general3A_86 : vector<512x200xf32>
    %get3A_88 = arith.constant 0 : index
    %get3A_89 = arith.constant 0 : index
    %get3A_90 = vector.load %arg7[%get3A_88, %get3A_89] : memref<1x200xf32, #tpu.memory_space<vmem>>, vector<1x200xf32>
    %add3A_91 = vector.broadcast %get3A_90 : vector<1x200xf32> to vector<512x200xf32>
    %add3A_92 = arith.addf %add3A_87, %add3A_91 : vector<512x200xf32>
    %max3A = arith.constant 0.000000e+00 : f32
    %max3A_93 = vector.broadcast %max3A : f32 to vector<512x200xf32>
    %max3A_94 = arith.maximumf %add3A_92, %max3A_93 : vector<512x200xf32>
    %get3A_95 = arith.constant 0 : index
    %get3A_96 = arith.constant 0 : index
    %get3A_97 = vector.load %arg8[%get3A_95, %get3A_96] : memref<200x200xf32, #tpu.memory_space<vmem>>, vector<200x200xf32>
    %dot_general3A_98 = arith.constant dense<0.000000e+00> : vector<512x200xf32>
    %dot_general3A_99 = tpu.matmul %max3A_94, %get3A_97, %dot_general3A_98 {dimension_numbers = #tpu.dot_dimension_numbers<[1], [0], [0], [1], [0, 0, 1, 1], [], []>, transpose_lhs_hint = false} : vector<512x200xf32>, vector<200x200xf32>, vector<512x200xf32> -> vector<512x200xf32>
    %get3A_100 = arith.constant 0 : index
    %get3A_101 = arith.constant 0 : index
    %get3A_102 = vector.load %arg9[%get3A_100, %get3A_101] : memref<1x200xf32, #tpu.memory_space<vmem>>, vector<1x200xf32>
    %add3A_103 = vector.broadcast %get3A_102 : vector<1x200xf32> to vector<512x200xf32>
    %add3A_104 = arith.addf %dot_general3A_99, %add3A_103 : vector<512x200xf32>
    %max3A_105 = arith.constant 0.000000e+00 : f32
    %max3A_106 = vector.broadcast %max3A_105 : f32 to vector<512x200xf32>
    %max3A_107 = arith.maximumf %add3A_104, %max3A_106 : vector<512x200xf32>
    %get3A_108 = arith.constant 0 : index
    %get3A_109 = arith.constant 0 : index
    %get3A_110 = vector.load %arg10[%get3A_108, %get3A_109] : memref<200x200xf32, #tpu.memory_space<vmem>>, vector<200x200xf32>
    %dot_general3A_111 = arith.constant dense<0.000000e+00> : vector<512x200xf32>
    %dot_general3A_112 = tpu.matmul %max3A_107, %get3A_110, %dot_general3A_111 {dimension_numbers = #tpu.dot_dimension_numbers<[1], [0], [0], [1], [0, 0, 1, 1], [], []>, transpose_lhs_hint = false} : vector<512x200xf32>, vector<200x200xf32>, vector<512x200xf32> -> vector<512x200xf32>
    %get3A_113 = arith.constant 0 : index
    %get3A_114 = arith.constant 0 : index
    %get3A_115 = vector.load %arg11[%get3A_113, %get3A_114] : memref<1x200xf32, #tpu.memory_space<vmem>>, vector<1x200xf32>
    %add3A_116 = vector.broadcast %get3A_115 : vector<1x200xf32> to vector<512x200xf32>
    %add3A_117 = arith.addf %dot_general3A_112, %add3A_116 : vector<512x200xf32>
    %max3A_118 = arith.constant 0.000000e+00 : f32
    %max3A_119 = vector.broadcast %max3A_118 : f32 to vector<512x200xf32>
    %max3A_120 = arith.maximumf %add3A_117, %max3A_119 : vector<512x200xf32>
    %get3A_121 = arith.constant 0 : index
    %get3A_122 = arith.constant 0 : index
    %get3A_123 = vector.load %arg12[%get3A_121, %get3A_122] : memref<200x1xf32, #tpu.memory_space<vmem>>, vector<200x1xf32>
    %dot_general3A_124 = arith.constant dense<0.000000e+00> : vector<512x1xf32>
    %dot_general3A_125 = tpu.matmul %max3A_120, %get3A_123, %dot_general3A_124 {dimension_numbers = #tpu.dot_dimension_numbers<[1], [0], [0], [1], [0, 0, 1, 1], [], []>, transpose_lhs_hint = false} : vector<512x200xf32>, vector<200x1xf32>, vector<512x1xf32> -> vector<512x1xf32>
    %get3A_126 = arith.constant 0 : index
    %get3A_127 = arith.constant 0 : index
    %get3A_128 = vector.load %arg13[%get3A_126, %get3A_127] : memref<1x1xf32, #tpu.memory_space<vmem>>, vector<1x1xf32>
    %add3A_129 = vector.broadcast %get3A_128 : vector<1x1xf32> to vector<512x1xf32>
    %add3A_130 = arith.addf %dot_general3A_125, %add3A_129 : vector<512x1xf32>
    %add3A_131 = arith.addf %broadcast_in_dim3A_70, %mul3A_56 : vector<512x1xf32>
    %add3A_132 = arith.addf %add3A_131, %add3A_130 : vector<512x1xf32>
    %logistic3A = arith.negf %add3A_132 : vector<512x1xf32>
    %logistic3A_133 = math.exp %logistic3A : vector<512x1xf32>
    %logistic3A_134 = arith.constant 1.000000e+00 : f32
    %logistic3A_135 = vector.broadcast %logistic3A_134 : f32 to vector<512x1xf32>
    %logistic3A_136 = arith.addf %logistic3A_135, %logistic3A_133 : vector<512x1xf32>
    %logistic3A_137 = arith.divf %logistic3A_135, %logistic3A_136 : vector<512x1xf32>
    %swap3A = arith.constant 0 : index
    %swap3A_138 = arith.constant 0 : index
    %swap3A_139 = vector.load %arg14[%swap3A, %swap3A_138] : memref<512x1xf32, #tpu.memory_space<vmem>>, vector<512x1xf32>
    tpu.vector_store %arg14[%swap3A, %swap3A_138], %logistic3A_137 {strides = array<i32>} : memref<512x1xf32, #tpu.memory_space<vmem>>, vector<512x1xf32>,
    return
  }
  func.func @transform_0(%arg0: i32) -> (i32, i32) {
    %c0_i32 = arith.constant 0 : i32
    %c0_i32_0 = arith.constant 0 : i32
    return %arg0, %c0_i32 : i32, i32
  }
  func.func @transform_1(%arg0: i32) -> (i32, i32) {
    %c0_i32 = arith.constant 0 : i32
    %c0_i32_0 = arith.constant 0 : i32
    return %arg0, %c0_i32 : i32, i32
  }
  func.func @transform_2(%arg0: i32) -> (i32, i32) {
    %c0_i32 = arith.constant 0 : i32
    %c0_i32_0 = arith.constant 0 : i32
    return %arg0, %c0_i32 : i32, i32
  }
  func.func @transform_3(%arg0: i32) -> (i32, i32) {
    %c0_i32 = arith.constant 0 : i32
    %c0_i32_0 = arith.constant 0 : i32
    return %arg0, %c0_i32 : i32, i32
  }
  func.func @transform_4(%arg0: i32) -> (i32, i32) {
    %c0_i32 = arith.constant 0 : i32
    %c0_i32_0 = arith.constant 0 : i32
    return %arg0, %c0_i32 : i32, i32
  }
  func.func @transform_5(%arg0: i32) -> (i32, i32) {
    %c0_i32 = arith.constant 0 : i32
    %c0_i32_0 = arith.constant 0 : i32
    %c0_i32_1 = arith.constant 0 : i32
    return %c0_i32, %c0_i32_0 : i32, i32
  }
  func.func @transform_6(%arg0: i32) -> (i32, i32) {
    %c0_i32 = arith.constant 0 : i32
    %c0_i32_0 = arith.constant 0 : i32
    %c0_i32_1 = arith.constant 0 : i32
    return %c0_i32, %c0_i32_0 : i32, i32
  }
  func.func @transform_7(%arg0: i32) -> (i32, i32) {
    %c0_i32 = arith.constant 0 : i32
    %c0_i32_0 = arith.constant 0 : i32
    %c0_i32_1 = arith.constant 0 : i32
    return %c0_i32, %c0_i32_0 : i32, i32
  }
  func.func @transform_8(%arg0: i32) -> (i32, i32) {
    %c0_i32 = arith.constant 0 : i32
    %c0_i32_0 = arith.constant 0 : i32
    %c0_i32_1 = arith.constant 0 : i32
    return %c0_i32, %c0_i32_0 : i32, i32
  }
  func.func @transform_9(%arg0: i32) -> (i32, i32) {
    %c0_i32 = arith.constant 0 : i32
    %c0_i32_0 = arith.constant 0 : i32
    %c0_i32_1 = arith.constant 0 : i32
    return %c0_i32, %c0_i32_0 : i32, i32
  }
  func.func @transform_10(%arg0: i32) -> (i32, i32) {
    %c0_i32 = arith.constant 0 : i32
    %c0_i32_0 = arith.constant 0 : i32
    %c0_i32_1 = arith.constant 0 : i32
    return %c0_i32, %c0_i32_0 : i32, i32
  }
  func.func @transform_11(%arg0: i32) -> (i32, i32) {
    %c0_i32 = arith.constant 0 : i32
    %c0_i32_0 = arith.constant 0 : i32
    %c0_i32_1 = arith.constant 0 : i32
    return %c0_i32, %c0_i32_0 : i32, i32
  }
  func.func @transform_12(%arg0: i32) -> (i32, i32) {
    %c0_i32 = arith.constant 0 : i32
    %c0_i32_0 = arith.constant 0 : i32
    %c0_i32_1 = arith.constant 0 : i32
    return %c0_i32, %c0_i32_0 : i32, i32
  }
  func.func @transform_13(%arg0: i32) -> (i32, i32) {
    %c0_i32 = arith.constant 0 : i32
    %c0_i32_0 = arith.constant 0 : i32
    return %arg0, %c0_i32 : i32, i32
  }
}

</mosaic_0001>

<sc_bundles>
// kernel: kernel.5.cloned.1.call-start
scs
__scs_entry_jumppad:
0x0: {  	(pc) =	sbr.rel $0x88, $3  }
0x1: {  	(tag) =	ssettag $0x0;
	lr =	simm.s32 $0x1  }
0x2: {  	[smem:$0x3F96] =	sst lr;
	_ =	strace $0xD0000000  }
0x3: {  	_ = 	snop  }
0x4: {  	_ = 	snop  }
0x5: {  	_ = 	snop  }
0x6: {  	_ = 	snop  }
0x7: {  	_ = 	snop  }
__scs_overlays_trampoline_lowered:
0x8: {  	[smem:$0x3FA5] =	sst s0  }
0x9: {  	[smem:$0x3FA6] =	sst s1  }
0xa: {  	[smem:$0x3FA7] =	sst s2  }
0xb: {  	[smem:$0x3FA8] =	sst s3  }
0xc: {  	[smem:$0x3FA9] =	sst s4  }
0xd: {  	[smem:$0x3FAA] =	sst s5  }
0xe: {  	[smem:$0x3FAB] =	sst s6  }
0xf: {  	[smem:$0x3FAC] =	sst s7  }
0x10: {  	[smem:$0x3FAD] =	sst s8  }
0x11: {  	[smem:$0x3FAE] =	sst s9;
	s0 =	simm.s32 @!p0 $0x0  }
0x12: {  	s1 =	sld [smem:$0x3F94];
	s0 =	simm.s32 @p0 $0x1  }
0x13: {  	[smem:$0x3FAF] =	sst s0;
	s0 =	simm.s32 @!p1 $0x0  }
0x14: {  	s2 =	sld [smem:$0x3F93];
	s0 =	simm.s32 @p1 $0x1  }
0x15: {  	[smem:$0x3FB0] =	sst s0;
	s0 =	simm.s32 @!p2 $0x0  }
0x16: {  	s3 =	sld [smem:$0x3FDB];
	s0 =	simm.s32 @p2 $0x1  }
0x17: {  	s4 =	simm.s32 $0x1BF5;
	[smem:$0x3FB2] =	sst s0  }
0x18: {  	s0 =	sld [smem:$0x3F95];
	_ =	swait.ge [sflag:s4], $0x0  }
0x19: {  	s7 =	sld [smem:$0x3F96]  }
0x1a: {  	s8 =	sadd.s32 $0xFFFFE003, lr  }
0x1b: {  	s9 =	sadd.s32 $0xFFFFFEF7, lr;
	s5 =	simm.s32 $0xFFFFFFFF;
	p2 =	slt.u32 s8, $0xFFFFF086  }
0x1c: {  	p1 =	slt.u32 s9, $0xF7A;
	s5 =	simm.s32 @!p2 $0x0  }
0x1d: {  	s5 =	simm.s32 @p1 $0x1;
	p0 =	seq.s32 s7, s2  }
0x1e: {  	s7 =	smul.u32 @!p0 $0xF7A, s2;
	p2 =	seq.s32 @!p0 s5, $0x0  }
0x1f: {  	s9 =	smul.u32 $0xF7A, s1;
	s8 =	simm.s32 @!p0 $0x1BF5;
	p2 =	por !p2, p0  }
0x20: {  	[sflag:s8] =	ssyncset.s32 @!p0 $0xFFFFF086;
	s6 =	sadd.s32 @!p0 s3, s7;
	s7 =	simm.s32 @!p0 $0x108  }
0x21: {  	s3 =	sadd.s32 s3, s9;
	s6 =	sadd.s32 @!p0 $0x88, s6;
	s7 =	simm.s32 @p2 $0x1082  }
0x22: {  	[simem:s7], [sflag:s8] =	dma.local @!p0 [hbm:s6], $0xF7A  }
0x23: {  	s9 =	sor.u32 $0xD0000000, s2;
	s6 =	simm.s32 $0x108;
	_ =	swait.ge @!p0 [sflag:s8], $0x0  }
0x24: {  	s3 =	sadd.s32 $0x88, s3;
	s6 =	simm.s32 @!p1 $0x1082;
	[sflag:s4] =	ssyncset.s32 $0xFFFFF086  }
0x25: {  	[simem:s6], [sflag:s4] =	dma.local [hbm:s3], $0xF7A  }
0x26: {  	[smem:$0x3F96] =	sst s1;
	(tag) =	ssettag s2;
	_ =	strace s9  }
0x27: {  	s1 =	sld [smem:$0x3FA6]  }
0x28: {  	s2 =	sld [smem:$0x3FA7]  }
0x29: {  	s4 =	sld [smem:$0x3FA9]  }
0x2a: {  	p0 =	seq.s32 s5, $0x0;
	s5 =	sld [smem:$0x3FAA]  }
0x2b: {  	s6 =	sld [smem:$0x3FAB]  }
0x2c: {  	s7 =	sld [smem:$0x3FAC]  }
0x2d: {  	s3 =	simm.s32 $0x108;
	s8 =	sld [smem:$0x3FAD]  }
0x2e: {  	s3 =	simm.s32 @!p0 $0x1082;
	s9 =	sld [smem:$0x3FAE]  }
0x2f: {  	lr =	sadd.s32 s0, s3;
	s0 =	sld [smem:$0x3FA5]  }
0x30: {  	s3 =	sld [smem:$0x3FA8]  }
0x31: {  	[smem:$0x3FB1] =	sst s10  }
0x32: {  	s10 =	sld [smem:$0x3FAF];
	_ =	sdelay $0x3  }
0x33: {  	p0 =	seq.s32 s10, $0x1;
	s10 =	sld [smem:$0x3FB1];
	_ =	sdelay $0x3  }
0x34: {  	[smem:$0x3FB1] =	sst s10  }
0x35: {  	s10 =	sld [smem:$0x3FB0];
	_ =	sdelay $0x3  }
0x36: {  	p1 =	seq.s32 s10, $0x1;
	s10 =	sld [smem:$0x3FB1];
	_ =	sdelay $0x3  }
0x37: {  	[smem:$0x3FB1] =	sst s10  }
0x38: {  	s10 =	sld [smem:$0x3FB2]  }
0x39: {  	_ = 	snop;
	(pc) =	sbr.ind lr, $3  }
0x3a: {  	_ = 	snop  }
0x3b: {  	_ = 	snop  }
0x3c: {  	p2 =	seq.s32 s10, $0x1;
	s10 =	sld [smem:$0x3FB1]  }
0x3d: {  	_ =	shalt  }
0x3e: {  	_ =	shalt  }
0x3f: {  	_ =	shalt  }
0x40: {  	_ =	shalt  }
0x41: {  	_ =	shalt  }
0x42: {  	_ =	shalt  }
0x43: {  	_ =	shalt  }
0x44: {  	_ =	shalt  }
0x45: {  	_ =	shalt  }
0x46: {  	_ =	shalt  }
0x47: {  	_ =	shalt  }
0x48: {  	_ =	shalt  }
0x49: {  	_ =	shalt  }
0x4a: {  	_ =	shalt  }
0x4b: {  	_ =	shalt  }
0x4c: {  	_ =	shalt  }
0x4d: {  	_ =	shalt  }
0x4e: {  	_ =	shalt  }
0x4f: {  	_ =	shalt  }
0x50: {  	_ =	shalt  }
0x51: {  	_ =	shalt  }
0x52: {  	_ =	shalt  }
0x53: {  	_ =	shalt  }
0x54: {  	_ =	shalt  }
0x55: {  	_ =	shalt  }
0x56: {  	_ =	shalt  }
0x57: {  	_ =	shalt  }
0x58: {  	_ =	shalt  }
0x59: {  	_ =	shalt  }
0x5a: {  	_ =	shalt  }
0x5b: {  	_ =	shalt  }
0x5c: {  	_ =	shalt  }
0x5d: {  	_ =	shalt  }
0x5e: {  	_ =	shalt  }
0x5f: {  	_ =	shalt  }
0x60: {  	_ =	shalt  }
0x61: {  	_ =	shalt  }
0x62: {  	_ =	shalt  }
0x63: {  	_ =	shalt  }
0x64: {  	_ =	shalt  }
0x65: {  	_ =	shalt  }
0x66: {  	_ =	shalt  }
0x67: {  	_ =	shalt  }
0x68: {  	_ =	shalt  }
0x69: {  	_ =	shalt  }
0x6a: {  	_ =	shalt  }
0x6b: {  	_ =	shalt  }
0x6c: {  	_ =	shalt  }
0x6d: {  	_ =	shalt  }
0x6e: {  	_ =	shalt  }
0x6f: {  	_ =	shalt  }
0x70: {  	_ =	shalt  }
0x71: {  	_ =	shalt  }
0x72: {  	_ =	shalt  }
0x73: {  	_ =	shalt  }
0x74: {  	_ =	shalt  }
0x75: {  	_ =	shalt  }
0x76: {  	_ =	shalt  }
0x77: {  	_ =	shalt  }
0x78: {  	_ =	shalt  }
0x79: {  	_ =	shalt  }
0x7a: {  	_ =	shalt  }
0x7b: {  	_ =	shalt  }
0x7c: {  	_ =	shalt  }
0x7d: {  	_ =	shalt  }
0x7e: {  	_ =	shalt  }
0x7f: {  	_ =	shalt  }
0x80: {  	_ =	shalt  }
0x81: {  	_ =	shalt  }
0x82: {  	_ =	shalt  }
0x83: {  	_ =	shalt  }
0x84: {  	_ =	shalt  }
0x85: {  	_ =	shalt  }
0x86: {  	_ =	shalt  }
0x87: {  	_ =	shalt  }
.Lfunc_end0:
.L_simem_size_0:
called_computation_lowered:
.L_overlay_start_0:
0x88: {  	s2 =	sld [smem:$0x3FD9]  }
0x89: {  	s3 =	sld [smem:$0x3FFE];
	_ =	sdelay $0x1  }
0x8a: {  	s1 =	srdreg.scid  }
0x8b: {  	s0 =	sand.u32 $0x1, s1  }
0x8c: {  	s16 =	sshll.u32 s0, $0xA;
	s2 =	sadd.s32 s3, s2  }
0x8d: {  	s2 =	sadd.s32 s2, s16  }
0x8e: {  	[smem:$0x3FBD] =	sst s2  }
0x8f: {  	_ = 	snop  }
0x90: {  	(tm) =	ssettm $0x1  }
0x91: {  	s17 =	sld [smem:$0x3FFB];
	_ =	sdelay $0x3  }
0x92: {  	_ =	strace s17  }
0x93: {  	s2 =	sld [smem:$0x3FFC];
	_ =	sdelay $0x3  }
0x94: {  	_ =	strace s2  }
0x95: {  	s2 =	sld [smem:$0x3FFD];
	_ =	sdelay $0x3  }
0x96: {  	_ =	strace s2  }
0x97: {  	_ =	strace $0x8FFFFFFF  }
0x98: {  	s18 =	sld [smem:$0x3FDB];
	_ =	sdelay $0x1  }
0x99: {  	s19 =	simm.s32 $_scs_section_size  }
0x9a: {  	s4 =	simm.s32 $_size__tile_overlayer_lowered;
	s5 =	simm.s32 $_tile_overlayer_lowered  }
0x9b: {  	s22 =	simm.s32 $0x1BFF;
	s21 =	sshll.u32 s5, $0x1;
	s2 =	sadd.s32 s19, s18  }
0x9c: {  	s6 =	simm.s32 $0x0;
	s20 =	sshll.u32 s4, $0x1;
	s4 =	sadd.s32 s21, s2  }
0x9d: {  	[timem:s6], [sflag:s22] =	dma.local [hbm:s4], s20  }
0x9e: {  	_ =	swait.ge [sflag:s22], s20  }
0x9f: {  	s3 =	ssub.s32 $0x0, s20;
	[sflag:s22] =	ssyncset.done $0x0  }
0xa0: {  	[sflag:s22] =	ssyncadd.s32 s3;
	_ =	sdelay $0x1  }
0xa1: {  	s23 =	simm.s32 $0x1B8B  }
0xa2: {  	_ =	swait.ge [sflag:s23], $0x1  }
0xa3: {  	[sflag:s23] =	ssyncset.done $0x0  }
0xa4: {  	s25 =	simm.s32 $0x1B8E;
	s24 =	sld [smem:$0x3FFE];
	[sflag:s23] =	ssyncadd.s32 $0xFFFFFFFF  }
0xa5: {  	s26 =	simm.s32 $execute0_lowered;
	[smem:$0x3FD2] =	sst s25  }
0xa6: {  	s4 =	sshll.u32 s26, $0x1;
	_ =	strace $0x80000046;
	[dreg:$0x1] =	wrdreg $0xFFFFFFFF  }
0xa7: {  	s28 =	simm.s32 $_size_execute0_lowered;
	s2 =	sadd.s32 s2, s4;
	[dreg:$0x0] =	wrdreg $0x0  }
0xa8: {  	s4 =	sshll.u32 s28, $0x1;
	[dreg:$0x2] =	wrdreg s2  }
0xa9: {  	[dreg:$0x3] =	wrdreg s4  }
0xaa: {  	[dreg:$0x4] =	wrdreg $0xC0  }
0xab: {  	_ =	task [dreg:s6], $0x5FFFF  }
0xac: {  	[dreg:$0x1] =	wrdreg $0xFFFFFFFF  }
0xad: {  	[dreg:$0x0] =	wrdreg $0x60  }
0xae: {  	[dreg:$0x2] =	wrdreg s24  }
0xaf: {  	[dreg:$0x3] =	wrdreg $0x9  }
0xb0: {  	_ =	task.clear_ibuf [dreg:s6], $0x4FFFF;
	_ =	strace $0x90000046  }
0xb1: {  	s29 =	simm.s32 $0x9;
	_ =	strace $0x80000048  }
0xb2: {  	_ =	swait.ge [sflag:s29], $0x1  }
0xb3: {  	[sflag:s29] =	ssyncadd.s32 $0xFFFFFFFF  }
0xb4: {  	_ =	strace $0x90000048  }
0xb5: {  	_ =	sfence  }
0xb6: {  	s30 =	sld [smem:$0x0];
	_ =	sdelay $0x2  }
0xb7: {  	s31 =	sshll.u32 s1, $0xD;
	s1 =	sshrl.u32 s1, $0x2  }
0xb8: {  	s3 =	sand.u32 $0x4000, s31;
	s1 =	sadd.s32 s1, s30  }
0xb9: {  	s0 =	sor.u32 s3, s0;
	s1 =	sshll.u32 s1, $0x11  }
0xba: {  	s0 =	sor.u32 s1, s0  }
0xbb: {  	s0 =	sadd.s32 $0x8F2B, s0  }
0xbc: {  	[sflag:s0] =	ssyncadd.remote.s32 $0x1  }
0xbd: {  	_ =	sfence.sel $0xFFFF  }
0xbe: {  	[dreg:$0x0] =	wrdreg $0xFFFFFFFF;
	(pc) =	sbr.abs _section_cstart, $3  }
0xbf: {  	[dreg:$0x1] =	wrdreg $0xFFFFFFFF  }
0xc0: {  	_ =	task.clear_ibuf [dreg:s6], $0x2FFFF;
	_ =	strace $0x9FFFFFFF  }
0xc1: {  	(tm) =	ssettm $0x7FFFFFFF  }
tec
execute0_lowered:
.L_overlay_start_1:
0x0: {  	(tag) =	ssettag $0x1  }
0x1: {  	v0 =	vlaneseq.u32  }
0x2: {  	v0 =	vmul.u32 $0x588, v0  }
0x3: {  	s2 =	simm.s32 $0x0  }
0x4: {  	[smem:$0x7FF] =	sst s2;
	v1 =	vadd.s32 $0x80, v0  }
0x5: {  	s0 =	rddreg [dreg:$0x0];
	_ =	strace $0x80000047;
	v2 =	vadd.s32 $0x81, v0;
	[tilespmem:$0x1FC80] =	vst v1  }
0x6: {  	v3 =	vadd.s32 $0x82, v0;
	[tilespmem:$0x1FC90] =	vst v2  }
0x7: {  	v4 =	vadd.s32 $0x83, v0;
	[tilespmem:$0x1FCA0] =	vst v3  }
0x8: {  	v5 =	vadd.s32 $0x84, v0;
	[tilespmem:$0x1FCB0] =	vst v4  }
0x9: {  	v6 =	vadd.s32 $0x85, v0;
	[tilespmem:$0x1FCC0] =	vst v5  }
0xa: {  	v7 =	vadd.s32 $0x86, v0;
	[tilespmem:$0x1FCD0] =	vst v6  }
0xb: {  	v8 =	vadd.s32 $0x87, v0;
	[tilespmem:$0x1FCE0] =	vst v7  }
0xc: {  	v9 =	vadd.s32 $0x100, v0;
	[tilespmem:$0x1FCF0] =	vst v8  }
0xd: {  	v10 =	vadd.s32 $0x101, v0;
	[tilespmem:$0x1FD00] =	vst v9  }
0xe: {  	v11 =	vadd.s32 $0x102, v0;
	[tilespmem:$0x1FD10] =	vst v10  }
0xf: {  	v12 =	vadd.s32 $0x103, v0;
	[tilespmem:$0x1FD20] =	vst v11  }
0x10: {  	v13 =	vadd.s32 $0x104, v0;
	[tilespmem:$0x1FD30] =	vst v12  }
0x11: {  	v14 =	vadd.s32 $0x105, v0;
	[tilespmem:$0x1FD40] =	vst v13  }
0x12: {  	v15 =	vadd.s32 $0x106, v0;
	[tilespmem:$0x1FD50] =	vst v14  }
0x13: {  	v16 =	vadd.s32 $0x107, v0;
	[tilespmem:$0x1FD60] =	vst v15  }
0x14: {  	v17 =	vadd.s32 $0x180, v0;
	[tilespmem:$0x1FD70] =	vst v16  }
0x15: {  	v18 =	vadd.s32 $0x181, v0;
	[tilespmem:$0x1FD80] =	vst v17  }
0x16: {  	v19 =	vadd.s32 $0x182, v0;
	[tilespmem:$0x1FD90] =	vst v18  }
0x17: {  	v20 =	vadd.s32 $0x183, v0;
	[tilespmem:$0x1FDA0] =	vst v19  }
0x18: {  	v21 =	vadd.s32 $0x184, v0;
	[tilespmem:$0x1FDB0] =	vst v20  }
0x19: {  	v22 =	vadd.s32 $0x185, v0;
	[tilespmem:$0x1FDC0] =	vst v21  }
0x1a: {  	s1 =	srdreg.scid;
	s10 =	stileid.u32;
	v23 =	vadd.s32 $0x186, v0;
	[tilespmem:$0x1FDD0] =	vst v22  }
0x1b: {  	s1 =	sand.u32 $0x1, s1;
	s3 =	sshll.u32 s10, $0x1;
	s4 =	sadd.s32 $0x2C00, s0;
	v24 =	vadd.s32 $0x187, v0;
	[tilespmem:$0x1FDE0] =	vst v23  }
0x1c: {  	s5 =	sadd.s32 $0x4F9400, s0;
	s3 =	sor.u32 s1, s3;
	s25 =	ssub.s32 $0x2, s1;
	v25 =	vadd.s32 $0x200, v0;
	[tilespmem:$0x1FDF0] =	vst v24  }
0x1d: {  	s6 =	sshll.u32 s3, $0x7;
	s7 =	smul.u32 $0x580, s3;
	s1 =	sshrl.u32 s25, $0x1;
	v33 =	vadd.s32 $0x201, v0;
	[tilespmem:$0x1FE00] =	vst v25  }
0x1e: {  	s9 =	smul.u32 $0xB0, s3;
	v34 =	vadd.s32 $0x202, v0;
	s8 =	sadd.s32 s6, s0;
	s0 =	ssub.s32 s25, s1;
	[tilespmem:$0x1FE10] =	vst v33  }
0x1f: {  	v35 =	vadd.s32 $0x203, v0;
	s29 =	sadd.s32 s6, s5;
	[tilespmem:$0x1FE20] =	vst v34;
	s7 =	sshrl.u32 s7, $0x3;
	s31 =	sadd.s32 $0x4F8600, s8  }
0x20: {  	v36 =	vadd.s32 $0x204, v0;
	[tilespmem:$0x1FE30] =	vst v35;
	s6 =	sadd.s32 s4, s9;
	s0 =	smax.u32 s0, $0x1;
	[dreg:$0x4] =	wrdreg s31  }
0x21: {  	v37 =	vadd.s32 $0x205, v0;
	[tilespmem:$0x1FE40] =	vst v36;
	s26 =	sadd.s32 s4, s7;
	s7 =	sadd.s32 $0x4F5200, s29;
	[dreg:$0x5] =	wrdreg s0  }
0x22: {  	v38 =	vadd.s32 $0x206, v0;
	[tilespmem:$0x1FE50] =	vst v37;
	s23 =	sadd.s32 $0x30D4, s6;
	[dreg:$0x3] =	wrdreg s7  }
0x23: {  	v39 =	vadd.s32 $0x207, v0;
	[tilespmem:$0x1FE60] =	vst v38;
	s24 =	sadd.s32 $0x61A8, s6;
	[dreg:$0x15] =	wrdreg s23  }
0x24: {  	v40 =	vadd.s32 $0x280, v0;
	[tilespmem:$0x1FE70] =	vst v39;
	s25 =	sadd.s32 $0x927C, s6;
	[dreg:$0x16] =	wrdreg s24  }
0x25: {  	v41 =	vadd.s32 $0x281, v0;
	[tilespmem:$0x1FE80] =	vst v40;
	s29 =	sadd.s32 $0xC350, s6;
	[dreg:$0x17] =	wrdreg s25  }
0x26: {  	v42 =	vadd.s32 $0x282, v0;
	[tilespmem:$0x1FE90] =	vst v41;
	s31 =	sadd.s32 $0x124F8, s6;
	[dreg:$0x18] =	wrdreg s29  }
0x27: {  	v43 =	vadd.s32 $0x283, v0;
	[tilespmem:$0x1FEA0] =	vst v42;
	s30 =	sadd.s32 $0x1600, s26;
	[dreg:$0x1a] =	wrdreg s31  }
0x28: {  	v44 =	vadd.s32 $0x284, v0;
	[tilespmem:$0x1FEB0] =	vst v43;
	s7 =	sadd.s32 $0x46D4, s26;
	[dreg:$0x2] =	wrdreg s30  }
0x29: {  	v45 =	vadd.s32 $0x285, v0;
	[tilespmem:$0x1FEC0] =	vst v44;
	s8 =	sadd.s32 $0x77A8, s26;
	[dreg:$0x6] =	wrdreg s7  }
0x2a: {  	v46 =	vadd.s32 $0x286, v0;
	[tilespmem:$0x1FED0] =	vst v45;
	s9 =	sadd.s32 $0xA87C, s26;
	[dreg:$0x7] =	wrdreg s8  }
0x2b: {  	v47 =	vadd.s32 $0x287, v0;
	[tilespmem:$0x1FEE0] =	vst v46;
	s11 =	sadd.s32 $0xD950, s26;
	[dreg:$0x8] =	wrdreg s9  }
0x2c: {  	v48 =	vadd.s32 $0x300, v0;
	[tilespmem:$0x1FEF0] =	vst v47;
	s12 =	sadd.s32 $0x10A24, s26;
	[dreg:$0x9] =	wrdreg s11  }
0x2d: {  	v49 =	vadd.s32 $0x301, v0;
	[tilespmem:$0x1FF00] =	vst v48;
	s13 =	sadd.s32 $0x13AF8, s26;
	[dreg:$0xa] =	wrdreg s12  }
0x2e: {  	v50 =	vadd.s32 $0x302, v0;
	[tilespmem:$0x1FF10] =	vst v49;
	s14 =	sadd.s32 $0x16BCC, s26;
	[dreg:$0xb] =	wrdreg s13  }
0x2f: {  	v51 =	vadd.s32 $0x303, v0;
	[tilespmem:$0x1FF20] =	vst v50;
	s15 =	sadd.s32 $0x19CA0, s26;
	[dreg:$0xc] =	wrdreg s14  }
0x30: {  	p0 =	sgt.u32 s10, $0xA;
	v52 =	vadd.s32 $0x304, v0;
	[tilespmem:$0x1FF30] =	vst v51;
	s16 =	sadd.s32 $0x1CD74, s26;
	[dreg:$0xd] =	wrdreg s15  }
0x31: {  	p1 =	sgt.u32 s10, $0xC;
	v53 =	vadd.s32 $0x305, v0;
	[tilespmem:$0x1FF40] =	vst v52;
	s17 =	sadd.s32 $0x1FE48, s26;
	[dreg:$0xe] =	wrdreg s16  }
0x32: {  	s28 =	sor.u32 $0x60, s3;
	v54 =	vadd.s32 $0x306, v0;
	[tilespmem:$0x1FF50] =	vst v53;
	s18 =	sadd.s32 $0x22F1C, s26;
	[dreg:$0xf] =	wrdreg s17  }
0x33: {  	v55 =	vadd.s32 $0x307, v0;
	[tilespmem:$0x1FF60] =	vst v54;
	s10 =	sadd.s32 $0x1B774, s6;
	s19 =	sadd.s32 $0x25FF0, s26;
	[dreg:$0x10] =	wrdreg s18  }
0x34: {  	v56 =	vadd.s32 $0x380, v0;
	[tilespmem:$0x1FF70] =	vst v55;
	s20 =	sadd.s32 $0x290C4, s26;
	s21 =	sadd.s32 $0x2C198, s26;
	[dreg:$0x11] =	wrdreg s19  }
0x35: {  	v57 =	vadd.s32 $0x381, v0;
	[tilespmem:$0x1FF80] =	vst v56;
	s22 =	sadd.s32 $0x2F26C, s26;
	s26 =	sor.u32 $0x40, s3;
	[dreg:$0x12] =	wrdreg s20  }
0x36: {  	v58 =	vadd.s32 $0x382, v0;
	[tilespmem:$0x1FF90] =	vst v57;
	s23 =	simm.s32 $0x5;
	s24 =	simm.s32 $0x0;
	[dreg:$0x13] =	wrdreg s21  }
0x37: {  	v59 =	vadd.s32 $0x383, v0;
	[tilespmem:$0x1FFA0] =	vst v58;
	[dreg:$0x14] =	wrdreg s22;
	s30 =	sadd.s32 $0xF424, s6;
	s9 =	sadd.s32 $0x155CC, s6  }
.Ltmp0:
0x38: {  	v60 =	vadd.s32 $0x384, v0;
	[tilespmem:$0x1FFB0] =	vst v59;
	s7 =	sadd.s32 $0x186A0, s6;
	s11 =	sadd.s32 $0x1E848, s6;
	(pc) =	sbr.rel .LBB2_1-.Ltmp0, $4  }
0x39: {  	v61 =	vadd.s32 $0x385, v0;
	[tilespmem:$0x1FFC0] =	vst v60;
	s12 =	sadd.s32 $0x2191C, s6;
	s13 =	sadd.s32 $0x249F0, s6;
	s14 =	sadd.s32 $0x27AC4, s6  }
0x3a: {  	v26 =	vor.u32 $0x1, v0;
	v27 =	vor.u32 $0x2, v0;
	v62 =	vadd.s32 $0x386, v0;
	[tilespmem:$0x1FFD0] =	vst v61;
	s15 =	sadd.s32 $0x2AB98, s6;
	s16 =	sadd.s32 $0x2DC6C, s6;
	s17 =	simm.s32 $0x5880  }
0x3b: {  	v28 =	vor.u32 $0x3, v0;
	v29 =	vor.u32 $0x4, v0;
	v63 =	vadd.s32 $0x387, v0;
	[tilespmem:$0x1FFE0] =	vst v62;
	s18 =	simm.s32 $0x1;
	s19 =	simm.s32 $0xB100;
	s20 =	simm.s32 $0x2  }
0x3c: {  	v30 =	vor.u32 $0x5, v0;
	v31 =	vor.u32 $0x6, v0;
	v32 =	vor.u32 $0x7, v0;
	[tilespmem:$0x1FFF0] =	vst v63;
	s21 =	simm.s32 $0x10900;
	s22 =	simm.s32 $0x3;
	[dreg:$0x19] =	wrdreg s30  }
.LBB2_10:
0x3d: {  	s0 =	simm.s32 $0x4  }
0x3e: {  	_ =	swait.ge [sflag:s0], $0x5800  }
0x3f: {  	[sflag:s0] =	ssyncset.done $0x0  }
0x40: {  	[sflag:s0] =	ssyncadd.s32 $0xFFFFA800  }
.LBB2_12:
0x41: {  	s0 =	stileid.u32  }
0x42: {  	s1 =	rddreg [dreg:$0x3];
	s0 =	sshll.u32 s0, $0x6  }
0x43: {  	s8 =	rddreg [dreg:$0x4];
	s0 =	sor.u32 $0x1C05, s0  }
0x44: {  	[hbm:s1], [sflag:s0] =	dma.local [hbm:s8], $0x80  }
0x45: {  	_ =	swait.ge [sflag:s23], $0x80  }
0x46: {  	[sflag:s23] =	ssyncset.done $0x0  }
0x47: {  	[sflag:s23] =	ssyncadd.s32 $0xFFFFFF80  }
.LBB2_13:
0x48: {  	s24 =	sadd.s32 $0x1, s24;
	s0 =	rddreg [dreg:$0x5]  }
0x49: {  	p2 =	sne.s32 s24, s0  }
.Ltmp1:
0x4a: {  	_ = 	snop;
	(pc) =	sbr.rel @!p2 .LBB2_14-.Ltmp1, $1  }
0x4b: {  	_ =	sdelay $0x3  }
.LBB2_1:
0x4c: {  	[tilespmem:s2], [sflag:$0x1] =	stream.linear.gather [hbm4b:s6+s2], $0x580, $0x38;
	[tilespmem:$0x16100] =	vst v63  }
0x4d: {  	s0 =	rddreg [dreg:$0x15];
	s1 =	simm.s32 $0x588  }
0x4e: {  	[tilespmem:s1], [sflag:$0x1] =	stream.linear.gather [hbm4b:s0+s2], $0x580, $0x38;
	[tilespmem:$0x16100] =	vst v63  }
0x4f: {  	s30 =	rddreg [dreg:$0x16];
	s31 =	simm.s32 $0xB10  }
0x50: {  	[tilespmem:s31], [sflag:$0x1] =	stream.linear.gather [hbm4b:s30+s2], $0x580, $0x38;
	[tilespmem:$0x16100] =	vst v63  }
0x51: {  	s8 =	simm.s32 $0x1098;
	s1 =	rddreg [dreg:$0x17]  }
0x52: {  	[tilespmem:s8], [sflag:$0x1] =	stream.linear.gather [hbm4b:s1+s2], $0x580, $0x38;
	[tilespmem:$0x16100] =	vst v63  }
0x53: {  	s25 =	rddreg [dreg:$0x18];
	s29 =	simm.s32 $0x1620  }
0x54: {  	[tilespmem:s29], [sflag:$0x1] =	stream.linear.gather [hbm4b:s25+s2], $0x580, $0x38;
	[tilespmem:$0x16100] =	vst v63  }
0x55: {  	s30 =	rddreg [dreg:$0x19];
	s31 =	simm.s32 $0x1BA8  }
0x56: {  	[tilespmem:s31], [sflag:$0x1] =	stream.linear.gather [hbm4b:s30+s2], $0x580, $0x38;
	[tilespmem:$0x16100] =	vst v63  }
0x57: {  	s1 =	rddreg [dreg:$0x1a];
	s8 =	simm.s32 $0x2130  }
0x58: {  	[tilespmem:s8], [sflag:$0x1] =	stream.linear.gather [hbm4b:s1+s2], $0x580, $0x38;
	[tilespmem:$0x16100] =	vst v63  }
0x59: {  	s25 =	simm.s32 $0x26B8  }
0x5a: {  	[tilespmem:s25], [sflag:$0x1] =	stream.linear.gather [hbm4b:s9+s2], $0x580, $0x38;
	[tilespmem:$0x16100] =	vst v63  }
0x5b: {  	s29 =	simm.s32 $0x2C40  }
0x5c: {  	[tilespmem:s29], [sflag:$0x1] =	stream.linear.gather [hbm4b:s7+s2], $0x580, $0x38;
	[tilespmem:$0x16100] =	vst v63  }
0x5d: {  	s30 =	simm.s32 $0x31C8  }
0x5e: {  	[tilespmem:s30], [sflag:$0x1] =	stream.linear.gather [hbm4b:s10+s2], $0x580, $0x38;
	[tilespmem:$0x16100] =	vst v63  }
0x5f: {  	s31 =	simm.s32 $0x3750  }
0x60: {  	[tilespmem:s31], [sflag:$0x1] =	stream.linear.gather [hbm4b:s11+s2], $0x580, $0x38;
	[tilespmem:$0x16100] =	vst v63  }
0x61: {  	s1 =	simm.s32 $0x3CD8  }
0x62: {  	[tilespmem:s1], [sflag:$0x1] =	stream.linear.gather [hbm4b:s12+s2], $0x580, $0x38;
	[tilespmem:$0x16100] =	vst v63  }
0x63: {  	s8 =	simm.s32 $0x4260  }
0x64: {  	[tilespmem:s8], [sflag:$0x1] =	stream.linear.gather [hbm4b:s13+s2], $0x580, $0x38;
	[tilespmem:$0x16100] =	vst v63  }
0x65: {  	s25 =	simm.s32 $0x47E8  }
0x66: {  	[tilespmem:s25], [sflag:$0x1] =	stream.linear.gather [hbm4b:s14+s2], $0x580, $0x38;
	[tilespmem:$0x16100] =	vst v63  }
0x67: {  	s29 =	simm.s32 $0x4D70  }
0x68: {  	[tilespmem:s29], [sflag:$0x1] =	stream.linear.gather [hbm4b:s15+s2], $0x580, $0x38;
	[tilespmem:$0x16100] =	vst v63  }
0x69: {  	s30 =	simm.s32 $0x52F8  }
0x6a: {  	[tilespmem:s30], [sflag:$0x1] =	stream.linear.gather [hbm4b:s16+s2], $0x580, $0x38;
	[tilespmem:$0x16100] =	vst v63  }
0x6b: {  	s31 =	rddreg [dreg:$0x2]  }
0x6c: {  	[tilespmem:s17], [sflag:$0x2] =	stream.linear.gather [hbm4b:s31+s2], $0x580, $0x38;
	[tilespmem:$0x16100] =	vst v63  }
0x6d: {  	s1 =	rddreg [dreg:$0x6];
	s8 =	simm.s32 $0x5E08  }
0x6e: {  	[tilespmem:s8], [sflag:$0x2] =	stream.linear.gather [hbm4b:s1+s2], $0x580, $0x38;
	[tilespmem:$0x16100] =	vst v63  }
0x6f: {  	s25 =	rddreg [dreg:$0x7];
	s29 =	simm.s32 $0x6390  }
0x70: {  	[tilespmem:s29], [sflag:$0x2] =	stream.linear.gather [hbm4b:s25+s2], $0x580, $0x38;
	[tilespmem:$0x16100] =	vst v63  }
0x71: {  	s30 =	rddreg [dreg:$0x8];
	s31 =	simm.s32 $0x6918  }
0x72: {  	[tilespmem:s31], [sflag:$0x2] =	stream.linear.gather [hbm4b:s30+s2], $0x580, $0x38;
	[tilespmem:$0x16100] =	vst v63  }
0x73: {  	s1 =	rddreg [dreg:$0x9];
	s8 =	simm.s32 $0x6EA0  }
0x74: {  	[tilespmem:s8], [sflag:$0x2] =	stream.linear.gather [hbm4b:s1+s2], $0x580, $0x38;
	[tilespmem:$0x16100] =	vst v63  }
0x75: {  	s25 =	rddreg [dreg:$0xa];
	s29 =	simm.s32 $0x7428  }
0x76: {  	[tilespmem:s29], [sflag:$0x2] =	stream.linear.gather [hbm4b:s25+s2], $0x580, $0x38;
	[tilespmem:$0x16100] =	vst v63  }
0x77: {  	s30 =	rddreg [dreg:$0xb];
	s31 =	simm.s32 $0x79B0  }
0x78: {  	[tilespmem:s31], [sflag:$0x2] =	stream.linear.gather [hbm4b:s30+s2], $0x580, $0x38;
	[tilespmem:$0x16100] =	vst v63  }
0x79: {  	s1 =	rddreg [dreg:$0xc];
	s8 =	simm.s32 $0x7F38  }
0x7a: {  	[tilespmem:s8], [sflag:$0x2] =	stream.linear.gather [hbm4b:s1+s2], $0x580, $0x38;
	[tilespmem:$0x16100] =	vst v63  }
0x7b: {  	s25 =	rddreg [dreg:$0xd];
	s29 =	simm.s32 $0x84C0  }
0x7c: {  	[tilespmem:s29], [sflag:$0x2] =	stream.linear.gather [hbm4b:s25+s2], $0x580, $0x38;
	[tilespmem:$0x16100] =	vst v63  }
0x7d: {  	s30 =	rddreg [dreg:$0xe];
	s31 =	simm.s32 $0x8A48  }
0x7e: {  	[tilespmem:s31], [sflag:$0x2] =	stream.linear.gather [hbm4b:s30+s2], $0x580, $0x38;
	[tilespmem:$0x16100] =	vst v63  }
0x7f: {  	s1 =	rddreg [dreg:$0xf];
	s8 =	simm.s32 $0x8FD0  }
0x80: {  	[tilespmem:s8], [sflag:$0x2] =	stream.linear.gather [hbm4b:s1+s2], $0x580, $0x38;
	[tilespmem:$0x16100] =	vst v63  }
0x81: {  	s25 =	rddreg [dreg:$0x10];
	s29 =	simm.s32 $0x9558  }
0x82: {  	[tilespmem:s29], [sflag:$0x2] =	stream.linear.gather [hbm4b:s25+s2], $0x580, $0x38;
	[tilespmem:$0x16100] =	vst v63  }
0x83: {  	s30 =	rddreg [dreg:$0x11];
	s31 =	simm.s32 $0x9AE0  }
0x84: {  	[tilespmem:s31], [sflag:$0x2] =	stream.linear.gather [hbm4b:s30+s2], $0x580, $0x38;
	[tilespmem:$0x16100] =	vst v63  }
0x85: {  	s1 =	rddreg [dreg:$0x12];
	s8 =	simm.s32 $0xA068  }
0x86: {  	[tilespmem:s8], [sflag:$0x2] =	stream.linear.gather [hbm4b:s1+s2], $0x580, $0x38;
	[tilespmem:$0x16100] =	vst v63  }
.Ltmp2:
0x87: {  	_ = 	snop;
	(pc) =	sbr.rel .LBB2_2-.Ltmp2, $4  }
0x88: {  	s25 =	rddreg [dreg:$0x13];
	s29 =	simm.s32 $0xA5F0  }
0x89: {  	[tilespmem:s29], [sflag:$0x2] =	stream.linear.gather [hbm4b:s25+s2], $0x580, $0x38;
	[tilespmem:$0x16100] =	vst v63  }
0x8a: {  	s30 =	rddreg [dreg:$0x14];
	s31 =	simm.s32 $0xAB78;
	s25 =	simm.s32 $0x0  }
0x8b: {  	[tilespmem:s31], [sflag:$0x2] =	stream.linear.gather [hbm4b:s30+s2], $0x580, $0x38;
	[tilespmem:$0x16100] =	vst v63  }
.LBB2_8:
0x8c: {  	s25 =	sadd.s32 $0x1, s25  }
0x8d: {  	p2 =	sne.s32 s25, $0x1D  }
.Ltmp3:
0x8e: {  	_ = 	snop;
	(pc) =	sbr.rel @!p2 .LBB2_9-.Ltmp3, $1  }
0x8f: {  	_ =	sdelay $0x3  }
.LBB2_2:
0x90: {  	_ =	swait.ge [sflag:s18], $0x5800  }
0x91: {  	p2 =	seq.s32 s25, $0x0;
	[sflag:s18] =	ssyncset.done $0x0  }
0x92: {  	s0 =	simm.s32 @!p2 $0x3;
	[sflag:s18] =	ssyncadd.s32 $0xFFFFA800  }
0x93: {  	_ =	swait.ge @!p2 [sflag:s0], $0x5800  }
0x94: {  	v42 =	vld [tilespmem:$0x1FE20]  }
0x95: {  	v43 =	vld [tilespmem:$0x1FE30]  }
0x96: {  	v44 =	vld [tilespmem:$0x1FE40]  }
0x97: {  	v45 =	vld [tilespmem:$0x1FE50]  }
0x98: {  	v46 =	vld [tilespmem:$0x1FE60]  }
0x99: {  	v47 =	vld [tilespmem:$0x1FE70]  }
0x9a: {  	v48 =	vld [tilespmem:$0x1FE80]  }
0x9b: {  	v49 =	vld [tilespmem:$0x1FE90]  }
0x9c: {  	v50 =	vld [tilespmem:$0x1FEA0]  }
0x9d: {  	v51 =	vld [tilespmem:$0x1FEB0]  }
0x9e: {  	v52 =	vld [tilespmem:$0x1FEC0]  }
0x9f: {  	v53 =	vld [tilespmem:$0x1FED0]  }
0xa0: {  	v54 =	vld [tilespmem:$0x1FEE0]  }
0xa1: {  	v55 =	vld [tilespmem:$0x1FEF0]  }
0xa2: {  	v56 =	vld [tilespmem:$0x1FF00]  }
0xa3: {  	v57 =	vld [tilespmem:$0x1FF10]  }
0xa4: {  	v58 =	vld [tilespmem:$0x1FF20]  }
0xa5: {  	v59 =	vld [tilespmem:$0x1FF30]  }
0xa6: {  	v60 =	vld [tilespmem:$0x1FF40]  }
0xa7: {  	v61 =	vld [tilespmem:$0x1FF50]  }
0xa8: {  	v62 =	vld [tilespmem:$0x1FF60]  }
0xa9: {  	v63 =	vld [tilespmem:$0x1FF70]  }
0xaa: {  	s29 =	sshll.u32 s25, $0x6;
	s31 =	simm.s32 $0x0;
	[sflag:s0] =	ssyncset.done @!p2 $0x0;
	v40 =	vld [tilespmem:$0x1FF80]  }
0xab: {  	s30 =	sor.u32 s3, s29;
	v41 =	vld [tilespmem:$0x1FF90];
	[sflag:s0] =	ssyncadd.s32 @!p2 $0xFFFFA800;
	s0 =	simm.s32 $0x0  }
.LBB2_3:
0xac: {  	v1 =	vadd.s32 s31, v0  }
0xad: {  	v2 =	vadd.s32 s31, v26  }
0xae: {  	v3 =	vadd.s32 s31, v27  }
0xaf: {  	v4 =	vadd.s32 s31, v28  }
0xb0: {  	v5 =	vadd.s32 s31, v29  }
0xb1: {  	v6 =	vadd.s32 s31, v30;
	v1 =	vld.idx.msk [tilespmem:v1+s2+$0x0], $0xffff  }
0xb2: {  	v7 =	vadd.s32 s31, v31;
	v2 =	vld.idx.msk [tilespmem:v2+s2+$0x0], $0xffff  }
0xb3: {  	v8 =	vadd.s32 s31, v32;
	v3 =	vld.idx.msk [tilespmem:v3+s2+$0x0], $0xffff  }
0xb4: {  	v4 =	vld.idx.msk [tilespmem:v4+s2+$0x0], $0xffff  }
0xb5: {  	v5 =	vld.idx.msk [tilespmem:v5+s2+$0x0], $0xffff  }
0xb6: {  	v6 =	vld.idx.msk [tilespmem:v6+s2+$0x0], $0xffff  }
0xb7: {  	v7 =	vld.idx.msk [tilespmem:v7+s2+$0x0], $0xffff  }
0xb8: {  	s1 =	sshra.s32 s0, $0x2;
	v8 =	vld.idx.msk [tilespmem:v8+s2+$0x0], $0xffff  }
0xb9: {  	[tilespmem:s1+$0xB100] =	vst v1;
	v1 =	vld [tilespmem:$0x1FC80]  }
0xba: {  	[tilespmem:s1+$0xB110] =	vst v2;
	v2 =	vld [tilespmem:$0x1FC90]  }
0xbb: {  	[tilespmem:s1+$0xB120] =	vst v3;
	v3 =	vld [tilespmem:$0x1FCA0]  }
0xbc: {  	[tilespmem:s1+$0xB130] =	vst v4;
	v4 =	vld [tilespmem:$0x1FCB0]  }
0xbd: {  	[tilespmem:s1+$0xB140] =	vst v5;
	v5 =	vld [tilespmem:$0x1FCC0]  }
0xbe: {  	[tilespmem:s1+$0xB150] =	vst v6;
	v6 =	vld [tilespmem:$0x1FCD0];
	v1 =	vadd.s32 s31, v1  }
0xbf: {  	[tilespmem:s1+$0xB160] =	vst v7;
	v7 =	vld [tilespmem:$0x1FCE0];
	v2 =	vadd.s32 s31, v2  }
0xc0: {  	[tilespmem:s1+$0xB170] =	vst v8;
	v8 =	vld [tilespmem:$0x1FCF0];
	v3 =	vadd.s32 s31, v3  }
0xc1: {  	v4 =	vadd.s32 s31, v4  }
0xc2: {  	v5 =	vadd.s32 s31, v5  }
0xc3: {  	v6 =	vadd.s32 s31, v6;
	v1 =	vld.idx.msk [tilespmem:v1+s2+$0x0], $0xffff  }
0xc4: {  	v7 =	vadd.s32 s31, v7;
	v2 =	vld.idx.msk [tilespmem:v2+s2+$0x0], $0xffff  }
0xc5: {  	v8 =	vadd.s32 s31, v8;
	v3 =	vld.idx.msk [tilespmem:v3+s2+$0x0], $0xffff  }
0xc6: {  	v4 =	vld.idx.msk [tilespmem:v4+s2+$0x0], $0xffff  }
0xc7: {  	v5 =	vld.idx.msk [tilespmem:v5+s2+$0x0], $0xffff  }
0xc8: {  	v6 =	vld.idx.msk [tilespmem:v6+s2+$0x0], $0xffff  }
0xc9: {  	v7 =	vld.idx.msk [tilespmem:v7+s2+$0x0], $0xffff  }
0xca: {  	v8 =	vld.idx.msk [tilespmem:v8+s2+$0x0], $0xffff  }
0xcb: {  	[tilespmem:s1+$0xB900] =	vst v1;
	v1 =	vld [tilespmem:$0x1FD00]  }
0xcc: {  	[tilespmem:s1+$0xB910] =	vst v2;
	v2 =	vld [tilespmem:$0x1FD10]  }
0xcd: {  	[tilespmem:s1+$0xB920] =	vst v3;
	v3 =	vld [tilespmem:$0x1FD20]  }
0xce: {  	[tilespmem:s1+$0xB930] =	vst v4;
	v4 =	vld [tilespmem:$0x1FD30]  }
0xcf: {  	[tilespmem:s1+$0xB940] =	vst v5;
	v5 =	vld [tilespmem:$0x1FD40]  }
0xd0: {  	[tilespmem:s1+$0xB950] =	vst v6;
	v6 =	vld [tilespmem:$0x1FD50];
	v1 =	vadd.s32 s31, v1  }
0xd1: {  	[tilespmem:s1+$0xB960] =	vst v7;
	v7 =	vld [tilespmem:$0x1FD60];
	v2 =	vadd.s32 s31, v2  }
0xd2: {  	[tilespmem:s1+$0xB970] =	vst v8;
	v8 =	vld [tilespmem:$0x1FD70];
	v3 =	vadd.s32 s31, v3  }
0xd3: {  	v4 =	vadd.s32 s31, v4  }
0xd4: {  	v5 =	vadd.s32 s31, v5  }
0xd5: {  	v6 =	vadd.s32 s31, v6;
	v1 =	vld.idx.msk [tilespmem:v1+s2+$0x0], $0xffff  }
0xd6: {  	v7 =	vadd.s32 s31, v7;
	v2 =	vld.idx.msk [tilespmem:v2+s2+$0x0], $0xffff  }
0xd7: {  	v8 =	vadd.s32 s31, v8;
	v3 =	vld.idx.msk [tilespmem:v3+s2+$0x0], $0xffff  }
0xd8: {  	v4 =	vld.idx.msk [tilespmem:v4+s2+$0x0], $0xffff  }
0xd9: {  	v5 =	vld.idx.msk [tilespmem:v5+s2+$0x0], $0xffff  }
0xda: {  	v6 =	vld.idx.msk [tilespmem:v6+s2+$0x0], $0xffff  }
0xdb: {  	v7 =	vld.idx.msk [tilespmem:v7+s2+$0x0], $0xffff  }
0xdc: {  	v8 =	vld.idx.msk [tilespmem:v8+s2+$0x0], $0xffff  }
0xdd: {  	[tilespmem:s1+$0xC100] =	vst v1;
	v1 =	vld [tilespmem:$0x1FD80]  }
0xde: {  	[tilespmem:s1+$0xC110] =	vst v2;
	v2 =	vld [tilespmem:$0x1FD90]  }
0xdf: {  	[tilespmem:s1+$0xC120] =	vst v3;
	v3 =	vld [tilespmem:$0x1FDA0]  }
0xe0: {  	[tilespmem:s1+$0xC130] =	vst v4;
	v4 =	vld [tilespmem:$0x1FDB0]  }
0xe1: {  	[tilespmem:s1+$0xC140] =	vst v5;
	v5 =	vld [tilespmem:$0x1FDC0]  }
0xe2: {  	[tilespmem:s1+$0xC150] =	vst v6;
	v6 =	vld [tilespmem:$0x1FDD0];
	v1 =	vadd.s32 s31, v1  }
0xe3: {  	[tilespmem:s1+$0xC160] =	vst v7;
	v7 =	vld [tilespmem:$0x1FDE0];
	v2 =	vadd.s32 s31, v2  }
0xe4: {  	[tilespmem:s1+$0xC170] =	vst v8;
	v8 =	vld [tilespmem:$0x1FDF0];
	v3 =	vadd.s32 s31, v3  }
0xe5: {  	v4 =	vadd.s32 s31, v4  }
0xe6: {  	v5 =	vadd.s32 s31, v5  }
0xe7: {  	v6 =	vadd.s32 s31, v6;
	v1 =	vld.idx.msk [tilespmem:v1+s2+$0x0], $0xffff  }
0xe8: {  	v7 =	vadd.s32 s31, v7;
	v2 =	vld.idx.msk [tilespmem:v2+s2+$0x0], $0xffff  }
0xe9: {  	v8 =	vadd.s32 s31, v8;
	v3 =	vld.idx.msk [tilespmem:v3+s2+$0x0], $0xffff  }
0xea: {  	v4 =	vld.idx.msk [tilespmem:v4+s2+$0x0], $0xffff  }
0xeb: {  	v5 =	vld.idx.msk [tilespmem:v5+s2+$0x0], $0xffff  }
0xec: {  	v6 =	vld.idx.msk [tilespmem:v6+s2+$0x0], $0xffff  }
0xed: {  	v7 =	vld.idx.msk [tilespmem:v7+s2+$0x0], $0xffff  }
0xee: {  	v8 =	vld.idx.msk [tilespmem:v8+s2+$0x0], $0xffff;
	[tilespmem:s1+$0xC900] =	vst v1  }
0xef: {  	[tilespmem:s1+$0xC910] =	vst v2  }
0xf0: {  	[tilespmem:s1+$0xC920] =	vst v3  }
0xf1: {  	[tilespmem:s1+$0xC930] =	vst v4;
	v3 =	vadd.s32 s31, v42  }
0xf2: {  	v1 =	vld [tilespmem:$0x1FE00];
	[tilespmem:s1+$0xC940] =	vst v5;
	v4 =	vadd.s32 s31, v43  }
0xf3: {  	v2 =	vld [tilespmem:$0x1FE10];
	[tilespmem:s1+$0xC950] =	vst v6;
	v5 =	vadd.s32 s31, v44  }
0xf4: {  	[tilespmem:s1+$0xC960] =	vst v7;
	v6 =	vadd.s32 s31, v45  }
0xf5: {  	[tilespmem:s1+$0xC970] =	vst v8;
	v7 =	vadd.s32 s31, v46  }
0xf6: {  	v8 =	vadd.s32 s31, v47;
	v3 =	vld.idx.msk [tilespmem:v3+s2+$0x0], $0xffff  }
0xf7: {  	v1 =	vadd.s32 s31, v1;
	v4 =	vld.idx.msk [tilespmem:v4+s2+$0x0], $0xffff  }
0xf8: {  	v2 =	vadd.s32 s31, v2;
	v5 =	vld.idx.msk [tilespmem:v5+s2+$0x0], $0xffff  }
0xf9: {  	v6 =	vld.idx.msk [tilespmem:v6+s2+$0x0], $0xffff  }
0xfa: {  	v7 =	vld.idx.msk [tilespmem:v7+s2+$0x0], $0xffff  }
0xfb: {  	v8 =	vld.idx.msk [tilespmem:v8+s2+$0x0], $0xffff  }
0xfc: {  	v1 =	vld.idx.msk [tilespmem:v1+s2+$0x0], $0xffff  }
0xfd: {  	v2 =	vld.idx.msk [tilespmem:v2+s2+$0x0], $0xffff;
	[tilespmem:s1+$0xD120] =	vst v3  }
0xfe: {  	[tilespmem:s1+$0xD130] =	vst v4  }
0xff: {  	[tilespmem:s1+$0xD140] =	vst v5  }
0x100: {  	[tilespmem:s1+$0xD150] =	vst v6;
	v3 =	vadd.s32 s31, v50  }
0x101: {  	[tilespmem:s1+$0xD160] =	vst v7;
	v4 =	vadd.s32 s31, v51  }
0x102: {  	[tilespmem:s1+$0xD170] =	vst v8;
	v5 =	vadd.s32 s31, v52  }
0x103: {  	v6 =	vadd.s32 s31, v53;
	[tilespmem:s1+$0xD100] =	vst v1  }
0x104: {  	v7 =	vadd.s32 s31, v54;
	[tilespmem:s1+$0xD110] =	vst v2  }
0x105: {  	v8 =	vadd.s32 s31, v55;
	v3 =	vld.idx.msk [tilespmem:v3+s2+$0x0], $0xffff  }
0x106: {  	v1 =	vadd.s32 s31, v48;
	v4 =	vld.idx.msk [tilespmem:v4+s2+$0x0], $0xffff  }
0x107: {  	v2 =	vadd.s32 s31, v49;
	v5 =	vld.idx.msk [tilespmem:v5+s2+$0x0], $0xffff  }
0x108: {  	v6 =	vld.idx.msk [tilespmem:v6+s2+$0x0], $0xffff  }
0x109: {  	v7 =	vld.idx.msk [tilespmem:v7+s2+$0x0], $0xffff  }
0x10a: {  	v8 =	vld.idx.msk [tilespmem:v8+s2+$0x0], $0xffff  }
0x10b: {  	v1 =	vld.idx.msk [tilespmem:v1+s2+$0x0], $0xffff  }
0x10c: {  	v2 =	vld.idx.msk [tilespmem:v2+s2+$0x0], $0xffff;
	[tilespmem:s1+$0xD920] =	vst v3  }
0x10d: {  	[tilespmem:s1+$0xD930] =	vst v4  }
0x10e: {  	[tilespmem:s1+$0xD940] =	vst v5  }
0x10f: {  	[tilespmem:s1+$0xD950] =	vst v6;
	v3 =	vadd.s32 s31, v58  }
0x110: {  	[tilespmem:s1+$0xD960] =	vst v7;
	v4 =	vadd.s32 s31, v59  }
0x111: {  	[tilespmem:s1+$0xD970] =	vst v8;
	v5 =	vadd.s32 s31, v60  }
0x112: {  	v6 =	vadd.s32 s31, v61;
	[tilespmem:s1+$0xD900] =	vst v1  }
0x113: {  	v7 =	vadd.s32 s31, v62;
	[tilespmem:s1+$0xD910] =	vst v2  }
0x114: {  	v8 =	vadd.s32 s31, v63;
	v3 =	vld.idx.msk [tilespmem:v3+s2+$0x0], $0xffff  }
0x115: {  	v1 =	vadd.s32 s31, v56;
	v4 =	vld.idx.msk [tilespmem:v4+s2+$0x0], $0xffff  }
0x116: {  	v2 =	vadd.s32 s31, v57;
	v5 =	vld.idx.msk [tilespmem:v5+s2+$0x0], $0xffff  }
0x117: {  	v6 =	vld.idx.msk [tilespmem:v6+s2+$0x0], $0xffff  }
0x118: {  	v7 =	vld.idx.msk [tilespmem:v7+s2+$0x0], $0xffff  }
0x119: {  	v8 =	vld.idx.msk [tilespmem:v8+s2+$0x0], $0xffff  }
0x11a: {  	v1 =	vld.idx.msk [tilespmem:v1+s2+$0x0], $0xffff  }
0x11b: {  	v2 =	vld.idx.msk [tilespmem:v2+s2+$0x0], $0xffff;
	[tilespmem:s1+$0xE120] =	vst v3  }
0x11c: {  	[tilespmem:s1+$0xE130] =	vst v4  }
0x11d: {  	[tilespmem:s1+$0xE140] =	vst v5;
	v3 =	vld [tilespmem:$0x1FFA0]  }
0x11e: {  	[tilespmem:s1+$0xE150] =	vst v6;
	v4 =	vld [tilespmem:$0x1FFB0]  }
0x11f: {  	[tilespmem:s1+$0xE160] =	vst v7;
	v5 =	vld [tilespmem:$0x1FFC0]  }
0x120: {  	v6 =	vld [tilespmem:$0x1FFD0];
	[tilespmem:s1+$0xE100] =	vst v1;
	v1 =	vadd.s32 s31, v40  }
0x121: {  	v7 =	vld [tilespmem:$0x1FFE0];
	[tilespmem:s1+$0xE110] =	vst v2;
	v2 =	vadd.s32 s31, v41  }
0x122: {  	[tilespmem:s1+$0xE170] =	vst v8;
	v8 =	vld [tilespmem:$0x1FFF0];
	v3 =	vadd.s32 s31, v3  }
0x123: {  	v4 =	vadd.s32 s31, v4  }
0x124: {  	v5 =	vadd.s32 s31, v5  }
0x125: {  	v6 =	vadd.s32 s31, v6;
	v1 =	vld.idx.msk [tilespmem:v1+s2+$0x0], $0xffff  }
0x126: {  	v7 =	vadd.s32 s31, v7;
	v2 =	vld.idx.msk [tilespmem:v2+s2+$0x0], $0xffff  }
0x127: {  	v8 =	vadd.s32 s31, v8;
	v3 =	vld.idx.msk [tilespmem:v3+s2+$0x0], $0xffff  }
0x128: {  	v4 =	vld.idx.msk [tilespmem:v4+s2+$0x0], $0xffff  }
0x129: {  	v5 =	vld.idx.msk [tilespmem:v5+s2+$0x0], $0xffff  }
0x12a: {  	v6 =	vld.idx.msk [tilespmem:v6+s2+$0x0], $0xffff  }
0x12b: {  	v7 =	vld.idx.msk [tilespmem:v7+s2+$0x0], $0xffff  }
0x12c: {  	v8 =	vld.idx.msk [tilespmem:v8+s2+$0x0], $0xffff;
	[tilespmem:s1+$0xE900] =	vst v1  }
0x12d: {  	[tilespmem:s1+$0xE910] =	vst v2  }
0x12e: {  	v1 =	vadd.s32 $0x400, v0;
	[tilespmem:s1+$0xE920] =	vst v3  }
0x12f: {  	v2 =	vadd.s32 $0x401, v0;
	[tilespmem:s1+$0xE930] =	vst v4;
	v9 =	vadd.s32 s31, v1  }
0x130: {  	[tilespmem:s1+$0xE940] =	vst v5;
	v10 =	vadd.s32 s31, v2;
	v3 =	vadd.s32 $0x402, v0  }
0x131: {  	[tilespmem:s1+$0xE950] =	vst v6;
	v4 =	vadd.s32 $0x403, v0;
	v11 =	vadd.s32 s31, v3  }
0x132: {  	[tilespmem:s1+$0xE960] =	vst v7;
	v5 =	vadd.s32 $0x404, v0;
	v12 =	vadd.s32 s31, v4  }
0x133: {  	[tilespmem:s1+$0xE970] =	vst v8;
	v6 =	vadd.s32 $0x405, v0;
	v13 =	vadd.s32 s31, v5  }
0x134: {  	v7 =	vadd.s32 $0x406, v0;
	v14 =	vadd.s32 s31, v6;
	v9 =	vld.idx.msk [tilespmem:v9+s2+$0x0], $0xffff  }
0x135: {  	v8 =	vadd.s32 $0x407, v0;
	v15 =	vadd.s32 s31, v7;
	v10 =	vld.idx.msk [tilespmem:v10+s2+$0x0], $0xffff  }
0x136: {  	v16 =	vadd.s32 s31, v8;
	v11 =	vld.idx.msk [tilespmem:v11+s2+$0x0], $0xffff  }
0x137: {  	v12 =	vld.idx.msk [tilespmem:v12+s2+$0x0], $0xffff  }
0x138: {  	v13 =	vld.idx.msk [tilespmem:v13+s2+$0x0], $0xffff  }
0x139: {  	v14 =	vld.idx.msk [tilespmem:v14+s2+$0x0], $0xffff  }
0x13a: {  	v15 =	vld.idx.msk [tilespmem:v15+s2+$0x0], $0xffff  }
0x13b: {  	v16 =	vld.idx.msk [tilespmem:v16+s2+$0x0], $0xffff;
	[tilespmem:s1+$0xF100] =	vst v9  }
0x13c: {  	[tilespmem:s1+$0xF110] =	vst v10  }
0x13d: {  	v9 =	vadd.s32 $0x480, v0;
	[tilespmem:s1+$0xF120] =	vst v11  }
0x13e: {  	v10 =	vadd.s32 $0x481, v0;
	[tilespmem:s1+$0xF130] =	vst v12;
	v17 =	vadd.s32 s31, v9  }
0x13f: {  	[tilespmem:s1+$0xF140] =	vst v13;
	v18 =	vadd.s32 s31, v10;
	v11 =	vadd.s32 $0x482, v0  }
0x140: {  	[tilespmem:s1+$0xF150] =	vst v14;
	v12 =	vadd.s32 $0x483, v0;
	v19 =	vadd.s32 s31, v11  }
0x141: {  	[tilespmem:s1+$0xF160] =	vst v15;
	v13 =	vadd.s32 $0x484, v0;
	v20 =	vadd.s32 s31, v12  }
0x142: {  	[tilespmem:s1+$0xF170] =	vst v16;
	v14 =	vadd.s32 $0x485, v0;
	v21 =	vadd.s32 s31, v13  }
0x143: {  	v15 =	vadd.s32 $0x486, v0;
	v22 =	vadd.s32 s31, v14;
	v17 =	vld.idx.msk [tilespmem:v17+s2+$0x0], $0xffff  }
0x144: {  	v16 =	vadd.s32 $0x487, v0;
	v23 =	vadd.s32 s31, v15;
	v18 =	vld.idx.msk [tilespmem:v18+s2+$0x0], $0xffff  }
0x145: {  	v24 =	vadd.s32 s31, v16;
	v19 =	vld.idx.msk [tilespmem:v19+s2+$0x0], $0xffff  }
0x146: {  	v20 =	vld.idx.msk [tilespmem:v20+s2+$0x0], $0xffff  }
0x147: {  	v21 =	vld.idx.msk [tilespmem:v21+s2+$0x0], $0xffff  }
0x148: {  	v22 =	vld.idx.msk [tilespmem:v22+s2+$0x0], $0xffff  }
0x149: {  	v23 =	vld.idx.msk [tilespmem:v23+s2+$0x0], $0xffff  }
0x14a: {  	v24 =	vld.idx.msk [tilespmem:v24+s2+$0x0], $0xffff;
	[tilespmem:s1+$0xF900] =	vst v17  }
0x14b: {  	[tilespmem:s1+$0xF910] =	vst v18  }
0x14c: {  	v17 =	vadd.s32 $0x500, v0;
	[tilespmem:s1+$0xF920] =	vst v19  }
0x14d: {  	v18 =	vadd.s32 $0x501, v0;
	[tilespmem:s1+$0xF930] =	vst v20;
	v25 =	vadd.s32 s31, v17  }
0x14e: {  	v33 =	vmov v26;
	[tilespmem:s1+$0xF940] =	vst v21;
	v26 =	vadd.s32 s31, v18;
	v19 =	vadd.s32 $0x502, v0  }
0x14f: {  	v34 =	vmov v27;
	[tilespmem:s1+$0xF950] =	vst v22;
	v20 =	vadd.s32 $0x503, v0;
	v27 =	vadd.s32 s31, v19  }
0x150: {  	v35 =	vmov v28;
	[tilespmem:s1+$0xF960] =	vst v23;
	v21 =	vadd.s32 $0x504, v0;
	v28 =	vadd.s32 s31, v20  }
0x151: {  	v36 =	vmov v29;
	[tilespmem:s1+$0xF970] =	vst v24;
	v22 =	vadd.s32 $0x505, v0;
	v29 =	vadd.s32 s31, v21  }
0x152: {  	v37 =	vmov v30;
	v23 =	vadd.s32 $0x506, v0;
	v30 =	vadd.s32 s31, v22;
	v25 =	vld.idx.msk [tilespmem:v25+s2+$0x0], $0xffff  }
0x153: {  	v38 =	vmov v31;
	v24 =	vadd.s32 $0x507, v0;
	v31 =	vadd.s32 s31, v23;
	v26 =	vld.idx.msk [tilespmem:v26+s2+$0x0], $0xffff  }
0x154: {  	v39 =	vmov v32;
	v32 =	vadd.s32 s31, v24;
	v27 =	vld.idx.msk [tilespmem:v27+s2+$0x0], $0xffff  }
0x155: {  	v28 =	vld.idx.msk [tilespmem:v28+s2+$0x0], $0xffff  }
0x156: {  	v29 =	vld.idx.msk [tilespmem:v29+s2+$0x0], $0xffff  }
0x157: {  	v30 =	vld.idx.msk [tilespmem:v30+s2+$0x0], $0xffff  }
0x158: {  	v31 =	vld.idx.msk [tilespmem:v31+s2+$0x0], $0xffff  }
0x159: {  	v32 =	vld.idx.msk [tilespmem:v32+s2+$0x0], $0xffff;
	[tilespmem:s1+$0x10100] =	vst v25  }
0x15a: {  	[tilespmem:s1+$0x10110] =	vst v26  }
0x15b: {  	p3 =	sne.s32 s0, $0x1E00;
	[tilespmem:s1+$0x10120] =	vst v27  }
.Ltmp4:
0x15c: {  	[tilespmem:s1+$0x10130] =	vst v28;
	(pc) =	sbr.rel @p3 .LBB2_3-.Ltmp4, $4  }
0x15d: {  	[tilespmem:s1+$0x10140] =	vst v29  }
0x15e: {  	[tilespmem:s1+$0x10150] =	vst v30  }
0x15f: {  	v26 =	vmov v33;
	v27 =	vmov v34;
	[tilespmem:s1+$0x10160] =	vst v31  }
0x160: {  	s0 =	sadd.s32 $0x200, s0;
	s31 =	sadd.s32 $0x8, s31;
	v28 =	vmovc v35;
	v29 =	vmovc v36;
	v30 =	vmov v37;
	v31 =	vmov v38;
	[tilespmem:s1+$0x10170] =	vst v32;
	v32 =	vmov v39  }
0x161: {  	s0 =	sadd.s32 s26, s29  }
0x162: {  	p3 =	sgt.u32 s0, $0x735  }
0x163: {  	s1 =	smul.u32 @!p3 $0xE6C3, s0;
	_ =	sdelay $0x1  }
0x164: {  	s1 =	sshrl.u32 @!p3 s1, $0x16  }
0x165: {  	s31 =	smul.u32 @!p3 $0xFFFFFFB9, s1;
	_ =	sdelay $0x1  }
0x166: {  	s1 =	smul.u32 @!p3 $0x186A00, s1;
	s0 =	sadd.s32 @!p3 s0, s31  }
0x167: {  	s0 =	smul.u32 @!p3 $0x580, s0;
	_ =	sdelay $0x1  }
0x168: {  	s0 =	sadd.s32 @!p3 s1, s0  }
0x169: {  	s0 =	sshrl.u32 @!p3 s0, $0x3  }
0x16a: {  	s1 =	simm.s32 @!p3 $0x0;
	s0 =	sadd.s32 @!p3 s4, s0  }
0x16b: {  	[tilespmem:s1], [sflag:$0x1] =	stream.linear.gather @!p3 [hbm4b:s0+s1], $0x580, $0x38;
	[tilespmem:$0x16100] =	vst v63  }
0x16c: {  	s8 =	simm.s32 @!p3 $0x588;
	s31 =	sadd.s32 @!p3 $0x30D4, s0  }
0x16d: {  	[tilespmem:s8], [sflag:$0x1] =	stream.linear.gather @!p3 [hbm4b:s31+s1], $0x580, $0x38;
	[tilespmem:$0x16100] =	vst v63  }
0x16e: {  	s8 =	sadd.s32 @!p3 $0x61A8, s0;
	s31 =	simm.s32 @!p3 $0xB10  }
0x16f: {  	[tilespmem:s31], [sflag:$0x1] =	stream.linear.gather @!p3 [hbm4b:s8+s1], $0x580, $0x38;
	[tilespmem:$0x16100] =	vst v63  }
0x170: {  	s8 =	sadd.s32 @!p3 $0x927C, s0;
	s31 =	simm.s32 @!p3 $0x1098  }
0x171: {  	[tilespmem:s31], [sflag:$0x1] =	stream.linear.gather @!p3 [hbm4b:s8+s1], $0x580, $0x38;
	[tilespmem:$0x16100] =	vst v63  }
0x172: {  	s8 =	sadd.s32 @!p3 $0xC350, s0;
	s31 =	simm.s32 @!p3 $0x1620  }
0x173: {  	[tilespmem:s31], [sflag:$0x1] =	stream.linear.gather @!p3 [hbm4b:s8+s1], $0x580, $0x38;
	[tilespmem:$0x16100] =	vst v63  }
0x174: {  	s8 =	sadd.s32 @!p3 $0xF424, s0;
	s31 =	simm.s32 @!p3 $0x1BA8  }
0x175: {  	[tilespmem:s31], [sflag:$0x1] =	stream.linear.gather @!p3 [hbm4b:s8+s1], $0x580, $0x38;
	[tilespmem:$0x16100] =	vst v63  }
0x176: {  	s8 =	sadd.s32 @!p3 $0x124F8, s0;
	s31 =	simm.s32 @!p3 $0x2130  }
0x177: {  	[tilespmem:s31], [sflag:$0x1] =	stream.linear.gather @!p3 [hbm4b:s8+s1], $0x580, $0x38;
	[tilespmem:$0x16100] =	vst v63  }
0x178: {  	s8 =	sadd.s32 @!p3 $0x155CC, s0;
	s31 =	simm.s32 @!p3 $0x26B8  }
0x179: {  	[tilespmem:s31], [sflag:$0x1] =	stream.linear.gather @!p3 [hbm4b:s8+s1], $0x580, $0x38;
	[tilespmem:$0x16100] =	vst v63  }
0x17a: {  	s8 =	sadd.s32 @!p3 $0x186A0, s0;
	s31 =	simm.s32 @!p3 $0x2C40  }
0x17b: {  	[tilespmem:s31], [sflag:$0x1] =	stream.linear.gather @!p3 [hbm4b:s8+s1], $0x580, $0x38;
	[tilespmem:$0x16100] =	vst v63  }
0x17c: {  	s8 =	sadd.s32 @!p3 $0x1B774, s0;
	s31 =	simm.s32 @!p3 $0x31C8  }
0x17d: {  	[tilespmem:s31], [sflag:$0x1] =	stream.linear.gather @!p3 [hbm4b:s8+s1], $0x580, $0x38;
	[tilespmem:$0x16100] =	vst v63  }
0x17e: {  	s8 =	sadd.s32 @!p3 $0x1E848, s0;
	s31 =	simm.s32 @!p3 $0x3750  }
0x17f: {  	[tilespmem:s31], [sflag:$0x1] =	stream.linear.gather @!p3 [hbm4b:s8+s1], $0x580, $0x38;
	[tilespmem:$0x16100] =	vst v63  }
0x180: {  	s8 =	sadd.s32 @!p3 $0x2191C, s0;
	s31 =	simm.s32 @!p3 $0x3CD8  }
0x181: {  	[tilespmem:s31], [sflag:$0x1] =	stream.linear.gather @!p3 [hbm4b:s8+s1], $0x580, $0x38;
	[tilespmem:$0x16100] =	vst v63  }
0x182: {  	s8 =	sadd.s32 @!p3 $0x249F0, s0;
	s31 =	simm.s32 @!p3 $0x4260  }
0x183: {  	[tilespmem:s31], [sflag:$0x1] =	stream.linear.gather @!p3 [hbm4b:s8+s1], $0x580, $0x38;
	[tilespmem:$0x16100] =	vst v63  }
0x184: {  	s8 =	sadd.s32 @!p3 $0x27AC4, s0;
	s31 =	simm.s32 @!p3 $0x47E8  }
0x185: {  	[tilespmem:s31], [sflag:$0x1] =	stream.linear.gather @!p3 [hbm4b:s8+s1], $0x580, $0x38;
	[tilespmem:$0x16100] =	vst v63  }
0x186: {  	s8 =	sadd.s32 @!p3 $0x2AB98, s0;
	s31 =	simm.s32 @!p3 $0x4D70;
	s0 =	sadd.s32 @!p3 $0x2DC6C, s0  }
0x187: {  	[tilespmem:s31], [sflag:$0x1] =	stream.linear.gather @!p3 [hbm4b:s8+s1], $0x580, $0x38;
	[tilespmem:$0x16100] =	vst v63  }
0x188: {  	s8 =	simm.s32 @!p3 $0x52F8;
	s31 =	smul.u32 $0xB00, s30;
	s30 =	sor.u32 $0x20, s30  }
0x189: {  	[tilespmem:s8], [sflag:$0x1] =	stream.linear.gather @!p3 [hbm4b:s0+s1], $0x580, $0x38;
	[tilespmem:$0x16100] =	vst v63  }
0x18a: {  	p3 =	sgt.u32 s30, $0x735  }
.Ltmp5:
0x18b: {  	_ = 	snop;
	(pc) =	sbr.rel @p3 .LBB2_8-.Ltmp5, $3  }
0x18c: {  	_ =	sdelay $0x1  }
0x18d: {  	s31 =	sadd.s32 s5, s31  }
0x18e: {  	[hbm4b:s31+s2] =	stream.linear.scatter [tilespmem:s19], [sflag:$0x3], $0x5800, $0x38;
	[tilespmem:$0x16100] =	vst v63  }
0x18f: {  	_ =	swait.ge [sflag:s20], $0x5800  }
0x190: {  	[sflag:s20] =	ssyncset.done $0x0  }
0x191: {  	s0 =	simm.s32 @!p2 $0x4;
	[sflag:s20] =	ssyncadd.s32 $0xFFFFA800  }
0x192: {  	_ =	swait.ge @!p2 [sflag:s0], $0x5800  }
0x193: {  	v42 =	vld [tilespmem:$0x1FE20]  }
0x194: {  	v43 =	vld [tilespmem:$0x1FE30]  }
0x195: {  	v44 =	vld [tilespmem:$0x1FE40]  }
0x196: {  	v45 =	vld [tilespmem:$0x1FE50]  }
0x197: {  	v46 =	vld [tilespmem:$0x1FE60]  }
0x198: {  	v47 =	vld [tilespmem:$0x1FE70]  }
0x199: {  	v48 =	vld [tilespmem:$0x1FE80]  }
0x19a: {  	v49 =	vld [tilespmem:$0x1FE90]  }
0x19b: {  	v50 =	vld [tilespmem:$0x1FEA0]  }
0x19c: {  	v51 =	vld [tilespmem:$0x1FEB0]  }
0x19d: {  	v52 =	vld [tilespmem:$0x1FEC0]  }
0x19e: {  	v53 =	vld [tilespmem:$0x1FED0]  }
0x19f: {  	v54 =	vld [tilespmem:$0x1FEE0]  }
0x1a0: {  	v55 =	vld [tilespmem:$0x1FEF0]  }
0x1a1: {  	v56 =	vld [tilespmem:$0x1FF00]  }
0x1a2: {  	v57 =	vld [tilespmem:$0x1FF10]  }
0x1a3: {  	v58 =	vld [tilespmem:$0x1FF20]  }
0x1a4: {  	v59 =	vld [tilespmem:$0x1FF30]  }
0x1a5: {  	v60 =	vld [tilespmem:$0x1FF40]  }
0x1a6: {  	v61 =	vld [tilespmem:$0x1FF50]  }
0x1a7: {  	v62 =	vld [tilespmem:$0x1FF60]  }
0x1a8: {  	v63 =	vld [tilespmem:$0x1FF70]  }
0x1a9: {  	[sflag:s0] =	ssyncset.done @!p2 $0x0;
	v40 =	vld [tilespmem:$0x1FF80]  }
0x1aa: {  	s1 =	simm.s32 $0x0;
	v41 =	vld [tilespmem:$0x1FF90];
	[sflag:s0] =	ssyncadd.s32 @!p2 $0xFFFFA800;
	s0 =	simm.s32 $0x0  }
.LBB2_6:
0x1ab: {  	v25 =	vadd.s32 s0, v0  }
0x1ac: {  	v26 =	vadd.s32 s0, v33  }
0x1ad: {  	v27 =	vadd.s32 s0, v34  }
0x1ae: {  	v28 =	vadd.s32 s0, v35  }
0x1af: {  	v32 =	vadd.s32 s0, v39  }
0x1b0: {  	v29 =	vadd.s32 s0, v36;
	v25 =	vld.idx.msk [tilespmem:v25+s17+$0x0], $0xffff  }
0x1b1: {  	v30 =	vadd.s32 s0, v37;
	v26 =	vld.idx.msk [tilespmem:v26+s17+$0x0], $0xffff  }
0x1b2: {  	v31 =	vadd.s32 s0, v38;
	v27 =	vld.idx.msk [tilespmem:v27+s17+$0x0], $0xffff  }
0x1b3: {  	v28 =	vld.idx.msk [tilespmem:v28+s17+$0x0], $0xffff  }
0x1b4: {  	v32 =	vld.idx.msk [tilespmem:v32+s17+$0x0], $0xffff  }
0x1b5: {  	v29 =	vld.idx.msk [tilespmem:v29+s17+$0x0], $0xffff  }
0x1b6: {  	v30 =	vld.idx.msk [tilespmem:v30+s17+$0x0], $0xffff  }
0x1b7: {  	s31 =	sshra.s32 s1, $0x2;
	v31 =	vld.idx.msk [tilespmem:v31+s17+$0x0], $0xffff  }
0x1b8: {  	[tilespmem:s31+$0x10900] =	vst v25;
	v25 =	vld [tilespmem:$0x1FC80]  }
0x1b9: {  	[tilespmem:s31+$0x10970] =	vst v32;
	v32 =	vld [tilespmem:$0x1FCC0]  }
0x1ba: {  	[tilespmem:s31+$0x10910] =	vst v26;
	v26 =	vld [tilespmem:$0x1FC90]  }
0x1bb: {  	[tilespmem:s31+$0x10920] =	vst v27;
	v27 =	vld [tilespmem:$0x1FCA0]  }
0x1bc: {  	[tilespmem:s31+$0x10930] =	vst v28;
	v28 =	vld [tilespmem:$0x1FCB0];
	_ =	sdelay $0x1  }
0x1bd: {  	[tilespmem:s31+$0x10940] =	vst v29;
	v25 =	vadd.s32 s0, v25;
	v29 =	vadd.s32 s0, v32;
	v32 =	vld [tilespmem:$0x1FCF0]  }
0x1be: {  	[tilespmem:s31+$0x10950] =	vst v30;
	v30 =	vld [tilespmem:$0x1FCD0];
	v26 =	vadd.s32 s0, v26  }
0x1bf: {  	[tilespmem:s31+$0x10960] =	vst v31;
	v31 =	vld [tilespmem:$0x1FCE0];
	v27 =	vadd.s32 s0, v27  }
0x1c0: {  	v28 =	vadd.s32 s0, v28;
	_ =	sdelay $0x1  }
0x1c1: {  	v25 =	vld.idx.msk [tilespmem:v25+s17+$0x0], $0xffff;
	v32 =	vadd.s32 s0, v32  }
0x1c2: {  	v30 =	vadd.s32 s0, v30;
	v26 =	vld.idx.msk [tilespmem:v26+s17+$0x0], $0xffff  }
0x1c3: {  	v31 =	vadd.s32 s0, v31;
	v27 =	vld.idx.msk [tilespmem:v27+s17+$0x0], $0xffff  }
0x1c4: {  	v28 =	vld.idx.msk [tilespmem:v28+s17+$0x0], $0xffff  }
0x1c5: {  	v29 =	vld.idx.msk [tilespmem:v29+s17+$0x0], $0xffff  }
0x1c6: {  	v32 =	vld.idx.msk [tilespmem:v32+s17+$0x0], $0xffff  }
0x1c7: {  	v30 =	vld.idx.msk [tilespmem:v30+s17+$0x0], $0xffff  }
0x1c8: {  	v31 =	vld.idx.msk [tilespmem:v31+s17+$0x0], $0xffff  }
0x1c9: {  	[tilespmem:s31+$0x11100] =	vst v25;
	v25 =	vld [tilespmem:$0x1FD00]  }
0x1ca: {  	[tilespmem:s31+$0x11110] =	vst v26;
	v26 =	vld [tilespmem:$0x1FD10]  }
0x1cb: {  	[tilespmem:s31+$0x11170] =	vst v32;
	v32 =	vld [tilespmem:$0x1FD40]  }
0x1cc: {  	[tilespmem:s31+$0x11120] =	vst v27;
	v27 =	vld [tilespmem:$0x1FD20]  }
0x1cd: {  	[tilespmem:s31+$0x11130] =	vst v28;
	v28 =	vld [tilespmem:$0x1FD30]  }
0x1ce: {  	[tilespmem:s31+$0x11150] =	vst v30;
	v30 =	vld [tilespmem:$0x1FD50]  }
0x1cf: {  	[tilespmem:s31+$0x11160] =	vst v31;
	v31 =	vld [tilespmem:$0x1FD60];
	v25 =	vadd.s32 s0, v25  }
0x1d0: {  	[tilespmem:s31+$0x11140] =	vst v29;
	v26 =	vadd.s32 s0, v26;
	v29 =	vadd.s32 s0, v32;
	v32 =	vld [tilespmem:$0x1FD70]  }
0x1d1: {  	v27 =	vadd.s32 s0, v27  }
0x1d2: {  	v28 =	vadd.s32 s0, v28  }
0x1d3: {  	v30 =	vadd.s32 s0, v30  }
0x1d4: {  	v31 =	vadd.s32 s0, v31;
	v25 =	vld.idx.msk [tilespmem:v25+s17+$0x0], $0xffff  }
0x1d5: {  	v26 =	vld.idx.msk [tilespmem:v26+s17+$0x0], $0xffff;
	v32 =	vadd.s32 s0, v32  }
0x1d6: {  	v27 =	vld.idx.msk [tilespmem:v27+s17+$0x0], $0xffff  }
0x1d7: {  	v28 =	vld.idx.msk [tilespmem:v28+s17+$0x0], $0xffff  }
0x1d8: {  	v30 =	vld.idx.msk [tilespmem:v30+s17+$0x0], $0xffff  }
0x1d9: {  	v31 =	vld.idx.msk [tilespmem:v31+s17+$0x0], $0xffff  }
0x1da: {  	v32 =	vld.idx.msk [tilespmem:v32+s17+$0x0], $0xffff  }
0x1db: {  	v29 =	vld.idx.msk [tilespmem:v29+s17+$0x0], $0xffff  }
0x1dc: {  	[tilespmem:s31+$0x11900] =	vst v25;
	v25 =	vld [tilespmem:$0x1FD80]  }
0x1dd: {  	[tilespmem:s31+$0x11910] =	vst v26;
	v26 =	vld [tilespmem:$0x1FD90]  }
0x1de: {  	[tilespmem:s31+$0x11920] =	vst v27;
	v27 =	vld [tilespmem:$0x1FDA0]  }
0x1df: {  	[tilespmem:s31+$0x11970] =	vst v32;
	v32 =	vld [tilespmem:$0x1FDC0]  }
0x1e0: {  	[tilespmem:s31+$0x11930] =	vst v28;
	v28 =	vld [tilespmem:$0x1FDB0]  }
0x1e1: {  	[tilespmem:s31+$0x11950] =	vst v30;
	v30 =	vld [tilespmem:$0x1FDD0]  }
0x1e2: {  	[tilespmem:s31+$0x11960] =	vst v31;
	v31 =	vld [tilespmem:$0x1FDE0];
	v25 =	vadd.s32 s0, v25  }
0x1e3: {  	v26 =	vadd.s32 s0, v26  }
0x1e4: {  	[tilespmem:s31+$0x11940] =	vst v29;
	v27 =	vadd.s32 s0, v27;
	v29 =	vadd.s32 s0, v32;
	v32 =	vld [tilespmem:$0x1FDF0]  }
0x1e5: {  	v28 =	vadd.s32 s0, v28  }
0x1e6: {  	v30 =	vadd.s32 s0, v30  }
0x1e7: {  	v31 =	vadd.s32 s0, v31;
	v25 =	vld.idx.msk [tilespmem:v25+s17+$0x0], $0xffff  }
0x1e8: {  	v26 =	vld.idx.msk [tilespmem:v26+s17+$0x0], $0xffff  }
0x1e9: {  	v27 =	vld.idx.msk [tilespmem:v27+s17+$0x0], $0xffff;
	v32 =	vadd.s32 s0, v32  }
0x1ea: {  	v28 =	vld.idx.msk [tilespmem:v28+s17+$0x0], $0xffff  }
0x1eb: {  	v30 =	vld.idx.msk [tilespmem:v30+s17+$0x0], $0xffff  }
0x1ec: {  	v31 =	vld.idx.msk [tilespmem:v31+s17+$0x0], $0xffff  }
0x1ed: {  	v29 =	vld.idx.msk [tilespmem:v29+s17+$0x0], $0xffff  }
0x1ee: {  	v32 =	vld.idx.msk [tilespmem:v32+s17+$0x0], $0xffff;
	[tilespmem:s31+$0x12100] =	vst v25  }
0x1ef: {  	[tilespmem:s31+$0x12110] =	vst v26  }
0x1f0: {  	[tilespmem:s31+$0x12120] =	vst v27  }
0x1f1: {  	[tilespmem:s31+$0x12130] =	vst v28;
	v25 =	vld [tilespmem:$0x1FE00];
	v27 =	vadd.s32 s0, v42  }
0x1f2: {  	[tilespmem:s31+$0x12140] =	vst v29;
	v26 =	vld [tilespmem:$0x1FE10];
	v28 =	vadd.s32 s0, v43  }
0x1f3: {  	[tilespmem:s31+$0x12150] =	vst v30;
	v29 =	vadd.s32 s0, v44  }
0x1f4: {  	[tilespmem:s31+$0x12160] =	vst v31;
	v30 =	vadd.s32 s0, v45  }
0x1f5: {  	v31 =	vadd.s32 s0, v46;
	[tilespmem:s31+$0x12170] =	vst v32  }
0x1f6: {  	v25 =	vadd.s32 s0, v25;
	v27 =	vld.idx.msk [tilespmem:v27+s17+$0x0], $0xffff  }
0x1f7: {  	v26 =	vadd.s32 s0, v26;
	v28 =	vld.idx.msk [tilespmem:v28+s17+$0x0], $0xffff  }
0x1f8: {  	v32 =	vadd.s32 s0, v47;
	v29 =	vld.idx.msk [tilespmem:v29+s17+$0x0], $0xffff  }
0x1f9: {  	v30 =	vld.idx.msk [tilespmem:v30+s17+$0x0], $0xffff  }
0x1fa: {  	v31 =	vld.idx.msk [tilespmem:v31+s17+$0x0], $0xffff  }
0x1fb: {  	v25 =	vld.idx.msk [tilespmem:v25+s17+$0x0], $0xffff  }
0x1fc: {  	v26 =	vld.idx.msk [tilespmem:v26+s17+$0x0], $0xffff  }
0x1fd: {  	v32 =	vld.idx.msk [tilespmem:v32+s17+$0x0], $0xffff;
	[tilespmem:s31+$0x12920] =	vst v27  }
0x1fe: {  	[tilespmem:s31+$0x12930] =	vst v28  }
0x1ff: {  	[tilespmem:s31+$0x12940] =	vst v29  }
0x200: {  	[tilespmem:s31+$0x12950] =	vst v30;
	v27 =	vadd.s32 s0, v50  }
0x201: {  	[tilespmem:s31+$0x12960] =	vst v31;
	v28 =	vadd.s32 s0, v51  }
0x202: {  	v29 =	vadd.s32 s0, v52;
	[tilespmem:s31+$0x12900] =	vst v25  }
0x203: {  	v30 =	vadd.s32 s0, v53;
	[tilespmem:s31+$0x12910] =	vst v26  }
0x204: {  	v31 =	vadd.s32 s0, v54;
	[tilespmem:s31+$0x12970] =	vst v32  }
0x205: {  	v25 =	vadd.s32 s0, v48;
	v27 =	vld.idx.msk [tilespmem:v27+s17+$0x0], $0xffff  }
0x206: {  	v26 =	vadd.s32 s0, v49;
	v28 =	vld.idx.msk [tilespmem:v28+s17+$0x0], $0xffff  }
0x207: {  	v32 =	vadd.s32 s0, v55;
	v29 =	vld.idx.msk [tilespmem:v29+s17+$0x0], $0xffff  }
0x208: {  	v30 =	vld.idx.msk [tilespmem:v30+s17+$0x0], $0xffff  }
0x209: {  	v31 =	vld.idx.msk [tilespmem:v31+s17+$0x0], $0xffff  }
0x20a: {  	v25 =	vld.idx.msk [tilespmem:v25+s17+$0x0], $0xffff  }
0x20b: {  	v26 =	vld.idx.msk [tilespmem:v26+s17+$0x0], $0xffff  }
0x20c: {  	v32 =	vld.idx.msk [tilespmem:v32+s17+$0x0], $0xffff;
	[tilespmem:s31+$0x13120] =	vst v27  }
0x20d: {  	[tilespmem:s31+$0x13130] =	vst v28  }
0x20e: {  	[tilespmem:s31+$0x13140] =	vst v29  }
0x20f: {  	[tilespmem:s31+$0x13150] =	vst v30;
	v27 =	vadd.s32 s0, v58  }
0x210: {  	[tilespmem:s31+$0x13160] =	vst v31;
	v28 =	vadd.s32 s0, v59  }
0x211: {  	v29 =	vadd.s32 s0, v60;
	[tilespmem:s31+$0x13100] =	vst v25  }
0x212: {  	v30 =	vadd.s32 s0, v61;
	[tilespmem:s31+$0x13110] =	vst v26  }
0x213: {  	[tilespmem:s31+$0x13170] =	vst v32;
	v32 =	vadd.s32 s0, v63  }
0x214: {  	v31 =	vadd.s32 s0, v62;
	v27 =	vld.idx.msk [tilespmem:v27+s17+$0x0], $0xffff  }
0x215: {  	v25 =	vadd.s32 s0, v56;
	v28 =	vld.idx.msk [tilespmem:v28+s17+$0x0], $0xffff  }
0x216: {  	v26 =	vadd.s32 s0, v57;
	v29 =	vld.idx.msk [tilespmem:v29+s17+$0x0], $0xffff  }
0x217: {  	v30 =	vld.idx.msk [tilespmem:v30+s17+$0x0], $0xffff  }
0x218: {  	v32 =	vld.idx.msk [tilespmem:v32+s17+$0x0], $0xffff  }
0x219: {  	v31 =	vld.idx.msk [tilespmem:v31+s17+$0x0], $0xffff  }
0x21a: {  	v25 =	vld.idx.msk [tilespmem:v25+s17+$0x0], $0xffff  }
0x21b: {  	v26 =	vld.idx.msk [tilespmem:v26+s17+$0x0], $0xffff;
	[tilespmem:s31+$0x13920] =	vst v27  }
0x21c: {  	[tilespmem:s31+$0x13930] =	vst v28;
	v27 =	vld [tilespmem:$0x1FFA0]  }
0x21d: {  	[tilespmem:s31+$0x13970] =	vst v32;
	v32 =	vld [tilespmem:$0x1FFC0]  }
0x21e: {  	[tilespmem:s31+$0x13950] =	vst v30;
	v28 =	vld [tilespmem:$0x1FFB0]  }
0x21f: {  	[tilespmem:s31+$0x13960] =	vst v31;
	v30 =	vld [tilespmem:$0x1FFD0]  }
0x220: {  	v31 =	vld [tilespmem:$0x1FFE0];
	[tilespmem:s31+$0x13900] =	vst v25;
	v25 =	vadd.s32 s0, v40  }
0x221: {  	[tilespmem:s31+$0x13910] =	vst v26;
	v26 =	vadd.s32 s0, v41  }
0x222: {  	[tilespmem:s31+$0x13940] =	vst v29;
	v27 =	vadd.s32 s0, v27;
	v29 =	vadd.s32 s0, v32;
	v32 =	vld [tilespmem:$0x1FFF0]  }
0x223: {  	v28 =	vadd.s32 s0, v28  }
0x224: {  	v30 =	vadd.s32 s0, v30  }
0x225: {  	v31 =	vadd.s32 s0, v31;
	v25 =	vld.idx.msk [tilespmem:v25+s17+$0x0], $0xffff  }
0x226: {  	v26 =	vld.idx.msk [tilespmem:v26+s17+$0x0], $0xffff  }
0x227: {  	v27 =	vld.idx.msk [tilespmem:v27+s17+$0x0], $0xffff;
	v32 =	vadd.s32 s0, v32  }
0x228: {  	v28 =	vld.idx.msk [tilespmem:v28+s17+$0x0], $0xffff  }
0x229: {  	v30 =	vld.idx.msk [tilespmem:v30+s17+$0x0], $0xffff  }
0x22a: {  	v31 =	vld.idx.msk [tilespmem:v31+s17+$0x0], $0xffff  }
0x22b: {  	v29 =	vld.idx.msk [tilespmem:v29+s17+$0x0], $0xffff  }
0x22c: {  	v32 =	vld.idx.msk [tilespmem:v32+s17+$0x0], $0xffff;
	[tilespmem:s31+$0x14100] =	vst v25  }
0x22d: {  	[tilespmem:s31+$0x14110] =	vst v26  }
0x22e: {  	[tilespmem:s31+$0x14120] =	vst v27  }
0x22f: {  	[tilespmem:s31+$0x14130] =	vst v28;
	v25 =	vadd.s32 s0, v1  }
0x230: {  	[tilespmem:s31+$0x14140] =	vst v29;
	v26 =	vadd.s32 s0, v2  }
0x231: {  	[tilespmem:s31+$0x14150] =	vst v30;
	v27 =	vadd.s32 s0, v3  }
0x232: {  	[tilespmem:s31+$0x14160] =	vst v31;
	v28 =	vadd.s32 s0, v4  }
0x233: {  	v29 =	vadd.s32 s0, v5;
	[tilespmem:s31+$0x14170] =	vst v32  }
0x234: {  	v30 =	vadd.s32 s0, v6;
	v25 =	vld.idx.msk [tilespmem:v25+s17+$0x0], $0xffff  }
0x235: {  	v31 =	vadd.s32 s0, v7;
	v26 =	vld.idx.msk [tilespmem:v26+s17+$0x0], $0xffff  }
0x236: {  	v32 =	vadd.s32 s0, v8;
	v27 =	vld.idx.msk [tilespmem:v27+s17+$0x0], $0xffff  }
0x237: {  	v28 =	vld.idx.msk [tilespmem:v28+s17+$0x0], $0xffff  }
0x238: {  	v29 =	vld.idx.msk [tilespmem:v29+s17+$0x0], $0xffff  }
0x239: {  	v30 =	vld.idx.msk [tilespmem:v30+s17+$0x0], $0xffff  }
0x23a: {  	v31 =	vld.idx.msk [tilespmem:v31+s17+$0x0], $0xffff  }
0x23b: {  	v32 =	vld.idx.msk [tilespmem:v32+s17+$0x0], $0xffff;
	[tilespmem:s31+$0x14900] =	vst v25  }
0x23c: {  	[tilespmem:s31+$0x14910] =	vst v26  }
0x23d: {  	[tilespmem:s31+$0x14920] =	vst v27  }
0x23e: {  	[tilespmem:s31+$0x14930] =	vst v28;
	v25 =	vadd.s32 s0, v9  }
0x23f: {  	[tilespmem:s31+$0x14940] =	vst v29;
	v26 =	vadd.s32 s0, v10  }
0x240: {  	[tilespmem:s31+$0x14950] =	vst v30;
	v27 =	vadd.s32 s0, v11  }
0x241: {  	[tilespmem:s31+$0x14960] =	vst v31;
	v28 =	vadd.s32 s0, v12  }
0x242: {  	v29 =	vadd.s32 s0, v13;
	[tilespmem:s31+$0x14970] =	vst v32  }
0x243: {  	v30 =	vadd.s32 s0, v14;
	v25 =	vld.idx.msk [tilespmem:v25+s17+$0x0], $0xffff  }
0x244: {  	v31 =	vadd.s32 s0, v15;
	v26 =	vld.idx.msk [tilespmem:v26+s17+$0x0], $0xffff  }
0x245: {  	v32 =	vadd.s32 s0, v16;
	v27 =	vld.idx.msk [tilespmem:v27+s17+$0x0], $0xffff  }
0x246: {  	v28 =	vld.idx.msk [tilespmem:v28+s17+$0x0], $0xffff  }
0x247: {  	v29 =	vld.idx.msk [tilespmem:v29+s17+$0x0], $0xffff  }
0x248: {  	v30 =	vld.idx.msk [tilespmem:v30+s17+$0x0], $0xffff  }
0x249: {  	v31 =	vld.idx.msk [tilespmem:v31+s17+$0x0], $0xffff  }
0x24a: {  	v32 =	vld.idx.msk [tilespmem:v32+s17+$0x0], $0xffff;
	[tilespmem:s31+$0x15100] =	vst v25  }
0x24b: {  	[tilespmem:s31+$0x15110] =	vst v26  }
0x24c: {  	[tilespmem:s31+$0x15120] =	vst v27  }
0x24d: {  	[tilespmem:s31+$0x15130] =	vst v28;
	v25 =	vadd.s32 s0, v17  }
0x24e: {  	[tilespmem:s31+$0x15140] =	vst v29;
	v26 =	vadd.s32 s0, v18  }
0x24f: {  	[tilespmem:s31+$0x15150] =	vst v30;
	v27 =	vadd.s32 s0, v19  }
0x250: {  	[tilespmem:s31+$0x15160] =	vst v31;
	v28 =	vadd.s32 s0, v20  }
0x251: {  	v29 =	vadd.s32 s0, v21;
	[tilespmem:s31+$0x15170] =	vst v32  }
0x252: {  	v30 =	vadd.s32 s0, v22;
	v25 =	vld.idx.msk [tilespmem:v25+s17+$0x0], $0xffff  }
0x253: {  	v31 =	vadd.s32 s0, v23;
	v26 =	vld.idx.msk [tilespmem:v26+s17+$0x0], $0xffff  }
0x254: {  	v32 =	vadd.s32 s0, v24;
	v27 =	vld.idx.msk [tilespmem:v27+s17+$0x0], $0xffff  }
0x255: {  	v28 =	vld.idx.msk [tilespmem:v28+s17+$0x0], $0xffff  }
0x256: {  	v29 =	vld.idx.msk [tilespmem:v29+s17+$0x0], $0xffff  }
0x257: {  	v30 =	vld.idx.msk [tilespmem:v30+s17+$0x0], $0xffff  }
0x258: {  	v31 =	vld.idx.msk [tilespmem:v31+s17+$0x0], $0xffff  }
0x259: {  	v32 =	vld.idx.msk [tilespmem:v32+s17+$0x0], $0xffff;
	[tilespmem:s31+$0x15900] =	vst v25  }
0x25a: {  	[tilespmem:s31+$0x15910] =	vst v26  }
0x25b: {  	p2 =	sne.s32 s1, $0x1E00;
	[tilespmem:s31+$0x15920] =	vst v27  }
.Ltmp6:
0x25c: {  	[tilespmem:s31+$0x15930] =	vst v28;
	(pc) =	sbr.rel @p2 .LBB2_6-.Ltmp6, $4  }
0x25d: {  	[tilespmem:s31+$0x15940] =	vst v29  }
0x25e: {  	[tilespmem:s31+$0x15950] =	vst v30  }
0x25f: {  	[tilespmem:s31+$0x15960] =	vst v31  }
0x260: {  	s1 =	sadd.s32 $0x200, s1;
	s0 =	sadd.s32 $0x8, s0;
	[tilespmem:s31+$0x15970] =	vst v32  }
0x261: {  	s0 =	sadd.s32 s28, s29  }
0x262: {  	p2 =	sgt.u32 s0, $0x735  }
0x263: {  	s1 =	smul.u32 @!p2 $0xE6C3, s0;
	_ =	sdelay $0x1  }
0x264: {  	s1 =	sshrl.u32 @!p2 s1, $0x16  }
0x265: {  	s8 =	smul.u32 @!p2 $0xFFFFFFB9, s1;
	_ =	sdelay $0x1  }
0x266: {  	s1 =	smul.u32 @!p2 $0x186A00, s1;
	s0 =	sadd.s32 @!p2 s0, s8  }
0x267: {  	s0 =	smul.u32 @!p2 $0x580, s0;
	_ =	sdelay $0x1  }
0x268: {  	s0 =	sadd.s32 @!p2 s1, s0  }
0x269: {  	s0 =	sshrl.u32 @!p2 s0, $0x3  }
0x26a: {  	s8 =	simm.s32 @!p2 $0x5880;
	s1 =	simm.s32 @!p2 $0x0;
	s0 =	sadd.s32 @!p2 s4, s0  }
0x26b: {  	[tilespmem:s8], [sflag:$0x2] =	stream.linear.gather @!p2 [hbm4b:s0+s1], $0x580, $0x38;
	[tilespmem:$0x16100] =	vst v63  }
0x26c: {  	s29 =	simm.s32 @!p2 $0x5E08;
	s8 =	sadd.s32 @!p2 $0x30D4, s0  }
0x26d: {  	[tilespmem:s29], [sflag:$0x2] =	stream.linear.gather @!p2 [hbm4b:s8+s1], $0x580, $0x38;
	[tilespmem:$0x16100] =	vst v63  }
0x26e: {  	s8 =	sadd.s32 @!p2 $0x61A8, s0;
	s29 =	simm.s32 @!p2 $0x6390  }
0x26f: {  	[tilespmem:s29], [sflag:$0x2] =	stream.linear.gather @!p2 [hbm4b:s8+s1], $0x580, $0x38;
	[tilespmem:$0x16100] =	vst v63  }
0x270: {  	s8 =	sadd.s32 @!p2 $0x927C, s0;
	s29 =	simm.s32 @!p2 $0x6918  }
0x271: {  	[tilespmem:s29], [sflag:$0x2] =	stream.linear.gather @!p2 [hbm4b:s8+s1], $0x580, $0x38;
	[tilespmem:$0x16100] =	vst v63  }
0x272: {  	s8 =	sadd.s32 @!p2 $0xC350, s0;
	s29 =	simm.s32 @!p2 $0x6EA0  }
0x273: {  	[tilespmem:s29], [sflag:$0x2] =	stream.linear.gather @!p2 [hbm4b:s8+s1], $0x580, $0x38;
	[tilespmem:$0x16100] =	vst v63  }
0x274: {  	s8 =	sadd.s32 @!p2 $0xF424, s0;
	s29 =	simm.s32 @!p2 $0x7428  }
0x275: {  	[tilespmem:s29], [sflag:$0x2] =	stream.linear.gather @!p2 [hbm4b:s8+s1], $0x580, $0x38;
	[tilespmem:$0x16100] =	vst v63  }
0x276: {  	s8 =	sadd.s32 @!p2 $0x124F8, s0;
	s29 =	simm.s32 @!p2 $0x79B0  }
0x277: {  	[tilespmem:s29], [sflag:$0x2] =	stream.linear.gather @!p2 [hbm4b:s8+s1], $0x580, $0x38;
	[tilespmem:$0x16100] =	vst v63  }
0x278: {  	s8 =	sadd.s32 @!p2 $0x155CC, s0;
	s29 =	simm.s32 @!p2 $0x7F38  }
0x279: {  	[tilespmem:s29], [sflag:$0x2] =	stream.linear.gather @!p2 [hbm4b:s8+s1], $0x580, $0x38;
	[tilespmem:$0x16100] =	vst v63  }
0x27a: {  	s8 =	sadd.s32 @!p2 $0x186A0, s0;
	s29 =	simm.s32 @!p2 $0x84C0  }
0x27b: {  	[tilespmem:s29], [sflag:$0x2] =	stream.linear.gather @!p2 [hbm4b:s8+s1], $0x580, $0x38;
	[tilespmem:$0x16100] =	vst v63  }
0x27c: {  	s8 =	sadd.s32 @!p2 $0x1B774, s0;
	s29 =	simm.s32 @!p2 $0x8A48  }
0x27d: {  	[tilespmem:s29], [sflag:$0x2] =	stream.linear.gather @!p2 [hbm4b:s8+s1], $0x580, $0x38;
	[tilespmem:$0x16100] =	vst v63  }
0x27e: {  	s8 =	sadd.s32 @!p2 $0x1E848, s0;
	s29 =	simm.s32 @!p2 $0x8FD0  }
0x27f: {  	[tilespmem:s29], [sflag:$0x2] =	stream.linear.gather @!p2 [hbm4b:s8+s1], $0x580, $0x38;
	[tilespmem:$0x16100] =	vst v63  }
0x280: {  	s8 =	sadd.s32 @!p2 $0x2191C, s0;
	s29 =	simm.s32 @!p2 $0x9558  }
0x281: {  	[tilespmem:s29], [sflag:$0x2] =	stream.linear.gather @!p2 [hbm4b:s8+s1], $0x580, $0x38;
	[tilespmem:$0x16100] =	vst v63  }
0x282: {  	s8 =	sadd.s32 @!p2 $0x249F0, s0;
	s29 =	simm.s32 @!p2 $0x9AE0  }
0x283: {  	[tilespmem:s29], [sflag:$0x2] =	stream.linear.gather @!p2 [hbm4b:s8+s1], $0x580, $0x38;
	[tilespmem:$0x16100] =	vst v63  }
0x284: {  	s8 =	sadd.s32 @!p2 $0x27AC4, s0;
	s29 =	simm.s32 @!p2 $0xA068  }
0x285: {  	[tilespmem:s29], [sflag:$0x2] =	stream.linear.gather @!p2 [hbm4b:s8+s1], $0x580, $0x38;
	[tilespmem:$0x16100] =	vst v63  }
0x286: {  	s8 =	sadd.s32 @!p2 $0x2AB98, s0;
	s29 =	simm.s32 @!p2 $0xA5F0  }
0x287: {  	[tilespmem:s29], [sflag:$0x2] =	stream.linear.gather @!p2 [hbm4b:s8+s1], $0x580, $0x38;
	[tilespmem:$0x16100] =	vst v63  }
.Ltmp7:
0x288: {  	_ = 	snop;
	(pc) =	sbr.rel .LBB2_8-.Ltmp7, $4  }
0x289: {  	s30 =	smul.u32 $0xB00, s30;
	s0 =	sadd.s32 @!p2 $0x2DC6C, s0;
	s8 =	simm.s32 @!p2 $0xAB78  }
0x28a: {  	[tilespmem:s8], [sflag:$0x2] =	stream.linear.gather @!p2 [hbm4b:s0+s1], $0x580, $0x38;
	[tilespmem:$0x16100] =	vst v63  }
0x28b: {  	v26 =	vmov v33;
	v27 =	vmov v34;
	s31 =	sadd.s32 s5, s30  }
0x28c: {  	v28 =	vmovc v35;
	v29 =	vmovc v36;
	v30 =	vmov v37;
	v31 =	vmov v38;
	v32 =	vmov v39;
	[hbm4b:s31+s2] =	stream.linear.scatter [tilespmem:s21], [sflag:$0x4], $0x5800, $0x38;
	[tilespmem:$0x16100] =	vst v63  }
.LBB2_9:
.Ltmp8:
0x28d: {  	(pc) =	sbr.rel @!p0 .LBB2_10-.Ltmp8, $4  }
0x28e: {  	_ = 	snop  }
0x28f: {  	_ =	swait.ge [sflag:s22], $0x5800  }
0x290: {  	[sflag:s22] =	ssyncset.done $0x0  }
0x291: {  	[sflag:s22] =	ssyncadd.s32 $0xFFFFA800  }
.Ltmp9:
0x292: {  	(pc) =	sbr.rel @p1 .LBB2_13-.Ltmp9, $4  }
.Ltmp10:
0x293: {  	(pc) =	sbr.rel @!p1 .LBB2_12-.Ltmp10, $4  }
0x294: {  	_ = 	snop  }
0x295: {  	_ = 	snop  }
0x296: {  	_ = 	snop  }
0x297: {  	_ = 	snop  }
.LBB2_14:
0x298: {  	_ =	sfence.sel $0x180000  }
0x299: {  	[bflag:$0x0] =	sbarrier.arrive $0xFFFF  }
0x29a: {  	_ =	strace $0x90000047  }
0x29b: {  	s0 =	stileid.u32;
	[bflag:$0x2] =	sbarrier.arrive $0xFFFF  }
0x29c: {  	p0 =	sne.s32 s0, $0x0;
	s0 =	rddreg [dreg:$0x1]  }
0x29d: {  	s0 =	sadd.s32 @!p0 $0x100000, s0  }
0x29e: {  	[sflag:s0] =	ssyncadd.tile.s32 @!p0 $0x1;
	_ =	shalt  }
.Lfunc_end2:
_tile_overlayer_lowered:
.L_overlay_start_2:
0x29f: {  	(tag) =	ssettag $0x2  }
0x2a0: {  	s0 =	rddreg [dreg:$0x0];
	s2 =	stileid.u32  }
0x2a1: {  	s1 =	rddreg [dreg:$0x1];
	p0 =	sne.s32 s2, $0x0  }
0x2a2: {  	s3 =	rddreg [dreg:$0x2];
	[bflag:$0x3] =	sbarrier.arrive $0xFFFF;
	s2 =	simm.s32 @!p0 $0x1C05  }
0x2a3: {  	[timem:s3], [sflag:s2] =	dma.local @!p0 [hbm:s0], s1  }
0x2a4: {  	s0 =	simm.s32 @!p0 $0x5  }
0x2a5: {  	_ =	swait.ge @!p0 [sflag:s0], s1  }
0x2a6: {  	s1 =	ssub.s32 @!p0 $0x0, s1;
	[sflag:s0] =	ssyncset.done @!p0 $0x0  }
0x2a7: {  	[sflag:s0] =	ssyncadd.s32 @!p0 s1  }
0x2a8: {  	[bflag:$0x3] =	sbarrier.arrive $0xFFFF  }
0x2a9: {  	_ =	shalt  }

// kernel: kernel.8.cloned.1.call-start
scs
__scs_entry_jumppad:
0x0: {  	(pc) =	sbr.rel $0x88, $3  }
0x1: {  	(tag) =	ssettag $0x0;
	lr =	simm.s32 $0x1  }
0x2: {  	[smem:$0x3F96] =	sst lr;
	_ =	strace $0xD0000000  }
0x3: {  	_ = 	snop  }
0x4: {  	_ = 	snop  }
0x5: {  	_ = 	snop  }
0x6: {  	_ = 	snop  }
0x7: {  	_ = 	snop  }
__scs_overlays_trampoline_lowered:
0x8: {  	[smem:$0x3FA5] =	sst s0  }
0x9: {  	[smem:$0x3FA6] =	sst s1  }
0xa: {  	[smem:$0x3FA7] =	sst s2  }
0xb: {  	[smem:$0x3FA8] =	sst s3  }
0xc: {  	[smem:$0x3FA9] =	sst s4  }
0xd: {  	[smem:$0x3FAA] =	sst s5  }
0xe: {  	[smem:$0x3FAB] =	sst s6  }
0xf: {  	[smem:$0x3FAC] =	sst s7  }
0x10: {  	[smem:$0x3FAD] =	sst s8  }
0x11: {  	[smem:$0x3FAE] =	sst s9;
	s0 =	simm.s32 @!p0 $0x0  }
0x12: {  	s1 =	sld [smem:$0x3F94];
	s0 =	simm.s32 @p0 $0x1  }
0x13: {  	[smem:$0x3FAF] =	sst s0;
	s0 =	simm.s32 @!p1 $0x0  }
0x14: {  	s2 =	sld [smem:$0x3F93];
	s0 =	simm.s32 @p1 $0x1  }
0x15: {  	[smem:$0x3FB0] =	sst s0;
	s0 =	simm.s32 @!p2 $0x0  }
0x16: {  	s3 =	sld [smem:$0x3FDB];
	s0 =	simm.s32 @p2 $0x1  }
0x17: {  	s4 =	simm.s32 $0x1BF5;
	[smem:$0x3FB2] =	sst s0  }
0x18: {  	s0 =	sld [smem:$0x3F95];
	_ =	swait.ge [sflag:s4], $0x0  }
0x19: {  	s7 =	sld [smem:$0x3F96]  }
0x1a: {  	s8 =	sadd.s32 $0xFFFFE003, lr  }
0x1b: {  	s9 =	sadd.s32 $0xFFFFFEF7, lr;
	s5 =	simm.s32 $0xFFFFFFFF;
	p2 =	slt.u32 s8, $0xFFFFF086  }
0x1c: {  	p1 =	slt.u32 s9, $0xF7A;
	s5 =	simm.s32 @!p2 $0x0  }
0x1d: {  	s5 =	simm.s32 @p1 $0x1;
	p0 =	seq.s32 s7, s2  }
0x1e: {  	s7 =	smul.u32 @!p0 $0xF7A, s2;
	p2 =	seq.s32 @!p0 s5, $0x0  }
0x1f: {  	s9 =	smul.u32 $0xF7A, s1;
	s8 =	simm.s32 @!p0 $0x1BF5;
	p2 =	por !p2, p0  }
0x20: {  	[sflag:s8] =	ssyncset.s32 @!p0 $0xFFFFF086;
	s6 =	sadd.s32 @!p0 s3, s7;
	s7 =	simm.s32 @!p0 $0x108  }
0x21: {  	s3 =	sadd.s32 s3, s9;
	s6 =	sadd.s32 @!p0 $0x88, s6;
	s7 =	simm.s32 @p2 $0x1082  }
0x22: {  	[simem:s7], [sflag:s8] =	dma.local @!p0 [hbm:s6], $0xF7A  }
0x23: {  	s9 =	sor.u32 $0xD0000000, s2;
	s6 =	simm.s32 $0x108;
	_ =	swait.ge @!p0 [sflag:s8], $0x0  }
0x24: {  	s3 =	sadd.s32 $0x88, s3;
	s6 =	simm.s32 @!p1 $0x1082;
	[sflag:s4] =	ssyncset.s32 $0xFFFFF086  }
0x25: {  	[simem:s6], [sflag:s4] =	dma.local [hbm:s3], $0xF7A  }
0x26: {  	[smem:$0x3F96] =	sst s1;
	(tag) =	ssettag s2;
	_ =	strace s9  }
0x27: {  	s1 =	sld [smem:$0x3FA6]  }
0x28: {  	s2 =	sld [smem:$0x3FA7]  }
0x29: {  	s4 =	sld [smem:$0x3FA9]  }
0x2a: {  	p0 =	seq.s32 s5, $0x0;
	s5 =	sld [smem:$0x3FAA]  }
0x2b: {  	s6 =	sld [smem:$0x3FAB]  }
0x2c: {  	s7 =	sld [smem:$0x3FAC]  }
0x2d: {  	s3 =	simm.s32 $0x108;
	s8 =	sld [smem:$0x3FAD]  }
0x2e: {  	s3 =	simm.s32 @!p0 $0x1082;
	s9 =	sld [smem:$0x3FAE]  }
0x2f: {  	lr =	sadd.s32 s0, s3;
	s0 =	sld [smem:$0x3FA5]  }
0x30: {  	s3 =	sld [smem:$0x3FA8]  }
0x31: {  	[smem:$0x3FB1] =	sst s10  }
0x32: {  	s10 =	sld [smem:$0x3FAF];
	_ =	sdelay $0x3  }
0x33: {  	p0 =	seq.s32 s10, $0x1;
	s10 =	sld [smem:$0x3FB1];
	_ =	sdelay $0x3  }
0x34: {  	[smem:$0x3FB1] =	sst s10  }
0x35: {  	s10 =	sld [smem:$0x3FB0];
	_ =	sdelay $0x3  }
0x36: {  	p1 =	seq.s32 s10, $0x1;
	s10 =	sld [smem:$0x3FB1];
	_ =	sdelay $0x3  }
0x37: {  	[smem:$0x3FB1] =	sst s10  }
0x38: {  	s10 =	sld [smem:$0x3FB2]  }
0x39: {  	_ = 	snop;
	(pc) =	sbr.ind lr, $3  }
0x3a: {  	_ = 	snop  }
0x3b: {  	_ = 	snop  }
0x3c: {  	p2 =	seq.s32 s10, $0x1;
	s10 =	sld [smem:$0x3FB1]  }
0x3d: {  	_ =	shalt  }
0x3e: {  	_ =	shalt  }
0x3f: {  	_ =	shalt  }
0x40: {  	_ =	shalt  }
0x41: {  	_ =	shalt  }
0x42: {  	_ =	shalt  }
0x43: {  	_ =	shalt  }
0x44: {  	_ =	shalt  }
0x45: {  	_ =	shalt  }
0x46: {  	_ =	shalt  }
0x47: {  	_ =	shalt  }
0x48: {  	_ =	shalt  }
0x49: {  	_ =	shalt  }
0x4a: {  	_ =	shalt  }
0x4b: {  	_ =	shalt  }
0x4c: {  	_ =	shalt  }
0x4d: {  	_ =	shalt  }
0x4e: {  	_ =	shalt  }
0x4f: {  	_ =	shalt  }
0x50: {  	_ =	shalt  }
0x51: {  	_ =	shalt  }
0x52: {  	_ =	shalt  }
0x53: {  	_ =	shalt  }
0x54: {  	_ =	shalt  }
0x55: {  	_ =	shalt  }
0x56: {  	_ =	shalt  }
0x57: {  	_ =	shalt  }
0x58: {  	_ =	shalt  }
0x59: {  	_ =	shalt  }
0x5a: {  	_ =	shalt  }
0x5b: {  	_ =	shalt  }
0x5c: {  	_ =	shalt  }
0x5d: {  	_ =	shalt  }
0x5e: {  	_ =	shalt  }
0x5f: {  	_ =	shalt  }
0x60: {  	_ =	shalt  }
0x61: {  	_ =	shalt  }
0x62: {  	_ =	shalt  }
0x63: {  	_ =	shalt  }
0x64: {  	_ =	shalt  }
0x65: {  	_ =	shalt  }
0x66: {  	_ =	shalt  }
0x67: {  	_ =	shalt  }
0x68: {  	_ =	shalt  }
0x69: {  	_ =	shalt  }
0x6a: {  	_ =	shalt  }
0x6b: {  	_ =	shalt  }
0x6c: {  	_ =	shalt  }
0x6d: {  	_ =	shalt  }
0x6e: {  	_ =	shalt  }
0x6f: {  	_ =	shalt  }
0x70: {  	_ =	shalt  }
0x71: {  	_ =	shalt  }
0x72: {  	_ =	shalt  }
0x73: {  	_ =	shalt  }
0x74: {  	_ =	shalt  }
0x75: {  	_ =	shalt  }
0x76: {  	_ =	shalt  }
0x77: {  	_ =	shalt  }
0x78: {  	_ =	shalt  }
0x79: {  	_ =	shalt  }
0x7a: {  	_ =	shalt  }
0x7b: {  	_ =	shalt  }
0x7c: {  	_ =	shalt  }
0x7d: {  	_ =	shalt  }
0x7e: {  	_ =	shalt  }
0x7f: {  	_ =	shalt  }
0x80: {  	_ =	shalt  }
0x81: {  	_ =	shalt  }
0x82: {  	_ =	shalt  }
0x83: {  	_ =	shalt  }
0x84: {  	_ =	shalt  }
0x85: {  	_ =	shalt  }
0x86: {  	_ =	shalt  }
0x87: {  	_ =	shalt  }
.Lfunc_end0:
.L_simem_size_0:
called_computation.1_lowered:
.L_overlay_start_0:
0x88: {  	s2 =	sld [smem:$0x3FD9]  }
0x89: {  	s3 =	sld [smem:$0x3FFE];
	_ =	sdelay $0x1  }
0x8a: {  	s1 =	srdreg.scid  }
0x8b: {  	s0 =	sand.u32 $0x1, s1  }
0x8c: {  	s16 =	sshll.u32 s0, $0xA;
	s2 =	sadd.s32 s3, s2  }
0x8d: {  	s2 =	sadd.s32 s2, s16  }
0x8e: {  	[smem:$0x3FBD] =	sst s2  }
0x8f: {  	_ = 	snop  }
0x90: {  	(tm) =	ssettm $0x1  }
0x91: {  	s17 =	sld [smem:$0x3FFB];
	_ =	sdelay $0x3  }
0x92: {  	_ =	strace s17  }
0x93: {  	s2 =	sld [smem:$0x3FFC];
	_ =	sdelay $0x3  }
0x94: {  	_ =	strace s2  }
0x95: {  	s2 =	sld [smem:$0x3FFD];
	_ =	sdelay $0x3  }
0x96: {  	_ =	strace s2  }
0x97: {  	_ =	strace $0x8FFFFFFF  }
0x98: {  	s18 =	sld [smem:$0x3FDB];
	_ =	sdelay $0x1  }
0x99: {  	s19 =	simm.s32 $_scs_section_size  }
0x9a: {  	s4 =	simm.s32 $_size__tile_overlayer_lowered;
	s5 =	simm.s32 $_tile_overlayer_lowered  }
0x9b: {  	s22 =	simm.s32 $0x1BFF;
	s21 =	sshll.u32 s5, $0x1;
	s2 =	sadd.s32 s19, s18  }
0x9c: {  	s6 =	simm.s32 $0x0;
	s20 =	sshll.u32 s4, $0x1;
	s4 =	sadd.s32 s21, s2  }
0x9d: {  	[timem:s6], [sflag:s22] =	dma.local [hbm:s4], s20  }
0x9e: {  	_ =	swait.ge [sflag:s22], s20  }
0x9f: {  	s3 =	ssub.s32 $0x0, s20;
	[sflag:s22] =	ssyncset.done $0x0  }
0xa0: {  	[sflag:s22] =	ssyncadd.s32 s3;
	_ =	sdelay $0x1  }
0xa1: {  	s23 =	simm.s32 $0x1B8B  }
0xa2: {  	_ =	swait.ge [sflag:s23], $0x1  }
0xa3: {  	[sflag:s23] =	ssyncset.done $0x0  }
0xa4: {  	s25 =	simm.s32 $0x1B8E;
	s24 =	sld [smem:$0x3FFE];
	[sflag:s23] =	ssyncadd.s32 $0xFFFFFFFF  }
0xa5: {  	s26 =	simm.s32 $execute0_lowered;
	[smem:$0x3FD2] =	sst s25  }
0xa6: {  	s4 =	sshll.u32 s26, $0x1;
	_ =	strace $0x80000049;
	[dreg:$0x1] =	wrdreg $0xFFFFFFFF  }
0xa7: {  	s28 =	simm.s32 $_size_execute0_lowered;
	s2 =	sadd.s32 s2, s4;
	[dreg:$0x0] =	wrdreg $0x0  }
0xa8: {  	s4 =	sshll.u32 s28, $0x1;
	[dreg:$0x2] =	wrdreg s2  }
0xa9: {  	[dreg:$0x3] =	wrdreg s4  }
0xaa: {  	[dreg:$0x4] =	wrdreg $0xC0  }
0xab: {  	_ =	task [dreg:s6], $0x5FFFF  }
0xac: {  	[dreg:$0x1] =	wrdreg $0xFFFFFFFF  }
0xad: {  	[dreg:$0x0] =	wrdreg $0x60  }
0xae: {  	[dreg:$0x2] =	wrdreg s24  }
0xaf: {  	[dreg:$0x3] =	wrdreg $0x9  }
0xb0: {  	_ =	task.clear_ibuf [dreg:s6], $0x4FFFF;
	_ =	strace $0x90000049  }
0xb1: {  	s29 =	simm.s32 $0x9;
	_ =	strace $0x8000004B  }
0xb2: {  	_ =	swait.ge [sflag:s29], $0x1  }
0xb3: {  	[sflag:s29] =	ssyncadd.s32 $0xFFFFFFFF  }
0xb4: {  	_ =	strace $0x9000004B  }
0xb5: {  	_ =	sfence  }
0xb6: {  	s30 =	sld [smem:$0x0];
	_ =	sdelay $0x2  }
0xb7: {  	s31 =	sshll.u32 s1, $0xD;
	s1 =	sshrl.u32 s1, $0x2  }
0xb8: {  	s3 =	sand.u32 $0x4000, s31;
	s1 =	sadd.s32 s1, s30  }
0xb9: {  	s0 =	sor.u32 s3, s0;
	s1 =	sshll.u32 s1, $0x11  }
0xba: {  	s0 =	sor.u32 s1, s0  }
0xbb: {  	s0 =	sadd.s32 $0x8F2B, s0  }
0xbc: {  	[sflag:s0] =	ssyncadd.remote.s32 $0x1  }
0xbd: {  	_ =	sfence.sel $0xFFFF  }
0xbe: {  	[dreg:$0x0] =	wrdreg $0xFFFFFFFF;
	(pc) =	sbr.abs _section_cstart, $3  }
0xbf: {  	[dreg:$0x1] =	wrdreg $0xFFFFFFFF  }
0xc0: {  	_ =	task.clear_ibuf [dreg:s6], $0x2FFFF;
	_ =	strace $0x9FFFFFFF  }
0xc1: {  	(tm) =	ssettm $0x7FFFFFFF  }
tec
execute0_lowered:
.L_overlay_start_1:
0x0: {  	(tag) =	ssettag $0x1  }
0x1: {  	s0 =	rddreg [dreg:$0x0];
	s1 =	srdreg.scid  }
0x2: {  	s15 =	stileid.u32;
	s2 =	simm.s32 $0x0;
	s28 =	simm.s32 $0x6  }
0x3: {  	s29 =	simm.s32 $0x7;
	s30 =	simm.s32 $0x8;
	s31 =	simm.s32 $0xA000  }
0x4: {  	s1 =	sand.u32 $0x1, s1;
	s3 =	sshll.u32 s15, $0x1;
	[smem:$0x7FF] =	sst s2  }
0x5: {  	s4 =	sadd.s32 $0xA0F400, s0;
	s9 =	sadd.s32 $0x12C00, s0;
	s10 =	sadd.s32 $0x52C00, s0  }
0x6: {  	s11 =	sadd.s32 $0x92C00, s0;
	s12 =	sadd.s32 $0xD2C00, s0;
	s18 =	sshll.u32 s15, $0xE  }
0x7: {  	s5 =	sor.u32 s1, s3;
	_ =	strace $0x8000004A;
	s13 =	ssub.s32 $0x2, s1  }
0x8: {  	s19 =	sadd.s32 s18, s9;
	s20 =	sadd.s32 s18, s10;
	s21 =	sadd.s32 s18, s11  }
0x9: {  	s22 =	sshll.u32 s1, $0xD;
	s1 =	sshll.u32 s1, $0xB;
	s3 =	sshll.u32 s5, $0x9  }
0xa: {  	s7 =	sshll.u32 s5, $0xB;
	s5 =	sshll.u32 s5, $0xD;
	s14 =	sshrl.u32 s13, $0x1  }
0xb: {  	s6 =	sadd.s32 s3, s0;
	s13 =	ssub.s32 s13, s14;
	s14 =	sadd.s32 s9, s5  }
0xc: {  	s23 =	sadd.s32 s22, s20;
	s16 =	sadd.s32 $0x9FB400, s6;
	[dreg:$0x8] =	wrdreg s14  }
0xd: {  	s24 =	sadd.s32 s22, s21;
	s25 =	sadd.s32 $0x9F7400, s6;
	[dreg:$0x2] =	wrdreg s16  }
0xe: {  	s3 =	sadd.s32 $0x4F9400, s0;
	s26 =	sadd.s32 $0x9F3400, s6;
	[dreg:$0x3] =	wrdreg s25  }
0xf: {  	s8 =	sadd.s32 s7, s0;
	s6 =	sadd.s32 $0x9EF400, s6;
	[dreg:$0x4] =	wrdreg s26  }
0x10: {  	s0 =	sadd.s32 $0x2C00, s0;
	s8 =	sadd.s32 $0x9FF400, s8;
	[dreg:$0x5] =	wrdreg s6  }
0x11: {  	s9 =	simm.s32 $0x3;
	s13 =	smax.u32 s13, $0x1;
	[dreg:$0x6] =	wrdreg s8  }
0x12: {  	s17 =	sadd.s32 $0x200, s14;
	[dreg:$0x7] =	wrdreg s13;
	s16 =	sadd.s32 $0x100, s14  }
0x13: {  	[dreg:$0xa] =	wrdreg s17;
	s6 =	sadd.s32 $0x300, s14;
	s13 =	sadd.s32 s10, s5  }
0x14: {  	s14 =	sadd.s32 s11, s5;
	s11 =	sadd.s32 s0, s7;
	[dreg:$0x9] =	wrdreg s16  }
0x15: {  	s25 =	sshll.u32 s15, $0xC;
	s15 =	sadd.s32 $0x700, s23;
	[dreg:$0xb] =	wrdreg s6  }
0x16: {  	s17 =	sadd.s32 $0x700, s24;
	s7 =	simm.s32 $0x1;
	[dreg:$0x13] =	wrdreg s15  }
0x17: {  	s8 =	simm.s32 $0x2;
	s16 =	sadd.s32 s12, s5;
	[dreg:$0x14] =	wrdreg s17  }
0x18: {  	s6 =	sadd.s32 s18, s12;
	s5 =	sadd.s32 s22, s19;
	[dreg:$0xc] =	wrdreg s13  }
0x19: {  	s0 =	sadd.s32 s25, s0;
	s26 =	sadd.s32 $0x100, s13;
	[dreg:$0xd] =	wrdreg s14  }
0x1a: {  	s10 =	sadd.s32 $0x200, s13;
	s19 =	sadd.s32 $0x300, s13;
	[dreg:$0xf] =	wrdreg s11  }
0x1b: {  	s20 =	sadd.s32 $0x100, s14;
	s21 =	sadd.s32 $0x200, s14;
	[dreg:$0x10] =	wrdreg s26  }
0x1c: {  	s13 =	simm.s32 $0x8000;
	s15 =	simm.s32 $0xA300;
	[dreg:$0x11] =	wrdreg s10  }
0x1d: {  	s17 =	simm.s32 $0x0;
	s6 =	sadd.s32 s22, s6;
	[dreg:$0x17] =	wrdreg s19  }
0x1e: {  	s0 =	sadd.s32 s1, s0;
	s12 =	sadd.s32 $0x700, s5;
	[dreg:$0x18] =	wrdreg s20  }
0x1f: {  	[dreg:$0x19] =	wrdreg s21;
	s22 =	sadd.s32 $0x300, s14;
	s23 =	sadd.s32 $0x100, s16  }
0x20: {  	s24 =	sadd.s32 $0x200, s16;
	[dreg:$0xe] =	wrdreg s16;
	s25 =	sadd.s32 $0x300, s16  }
0x21: {  	s26 =	sadd.s32 $0x40, s11;
	s14 =	simm.s32 $0x8800;
	[dreg:$0x12] =	wrdreg s12  }
0x22: {  	s19 =	simm.s32 $0x9000;
	s20 =	simm.s32 $0x9800;
	[dreg:$0x1a] =	wrdreg s22  }
0x23: {  	s10 =	simm.s32 $0x4;
	s1 =	simm.s32 $0xA100;
	[dreg:$0x1b] =	wrdreg s23  }
0x24: {  	s5 =	simm.s32 $0xA180;
	s11 =	simm.s32 $0xA280;
	[dreg:$0x1c] =	wrdreg s24  }
0x25: {  	s16 =	simm.s32 $0xA380;
	s18 =	sadd.s32 $0x700, s6;
	[dreg:$0x1d] =	wrdreg s25  }
0x26: {  	s0 =	sadd.s32 $0xC0, s0;
	[dreg:$0x1e] =	wrdreg s26;
	s6 =	simm.s32 $0x9  }
0x27: {  	s12 =	simm.s32 $0x80;
	s26 =	simm.s32 $0x5;
	[dreg:$0x15] =	wrdreg s18  }
0x28: {  	[dreg:$0x16] =	wrdreg s0;
	s0 =	simm.s32 $0xA080;
	s18 =	simm.s32 $0xA200  }
.LBB2_1:
0x29: {  	s21 =	rddreg [dreg:$0x2]  }
0x2a: {  	[tilespmem:s2], [sflag:$0x9] =	stream.linear.gather [hbm4b:s21+s2], $0x1000, $0x38;
	[tilespmem:$0xA400] =	vst v63  }
0x2b: {  	_ =	swait.ge [sflag:s6], $0x1000  }
0x2c: {  	[sflag:s6] =	ssyncset.done $0x0  }
0x2d: {  	s22 =	simm.s32 $0x1000;
	s25 =	rddreg [dreg:$0x3];
	[sflag:s6] =	ssyncadd.s32 $0xFFFFF000  }
0x2e: {  	[tilespmem:s22], [sflag:$0x9] =	stream.linear.gather [hbm4b:s25+s2], $0x1000, $0x38;
	[tilespmem:$0xA400] =	vst v63  }
0x2f: {  	_ =	swait.ge [sflag:s6], $0x1000  }
0x30: {  	[sflag:s6] =	ssyncset.done $0x0  }
0x31: {  	s23 =	simm.s32 $0x2000;
	s22 =	rddreg [dreg:$0x4];
	[sflag:s6] =	ssyncadd.s32 $0xFFFFF000  }
0x32: {  	[tilespmem:s23], [sflag:$0x9] =	stream.linear.gather [hbm4b:s22+s2], $0x1000, $0x38;
	[tilespmem:$0xA400] =	vst v63  }
0x33: {  	_ =	swait.ge [sflag:s6], $0x1000  }
0x34: {  	[sflag:s6] =	ssyncset.done $0x0  }
0x35: {  	s25 =	simm.s32 $0x3000;
	s24 =	rddreg [dreg:$0x5];
	[sflag:s6] =	ssyncadd.s32 $0xFFFFF000  }
0x36: {  	[tilespmem:s25], [sflag:$0x9] =	stream.linear.gather [hbm4b:s24+s2], $0x1000, $0x38;
	[tilespmem:$0xA400] =	vst v63  }
0x37: {  	_ =	swait.ge [sflag:s6], $0x1000  }
0x38: {  	[sflag:s6] =	ssyncset.done $0x0  }
0x39: {  	s23 =	simm.s32 $0x4000;
	s22 =	rddreg [dreg:$0x6];
	[sflag:s6] =	ssyncadd.s32 $0xFFFFF000  }
0x3a: {  	[tilespmem:s23], [sflag:$0x9] =	stream.linear.gather [hbm4b:s22+s2], $0x4000, $0x38;
	[tilespmem:$0xA400] =	vst v63  }
0x3b: {  	_ =	swait.ge [sflag:s6], $0x4000  }
0x3c: {  	[sflag:s6] =	ssyncset.done $0x0  }
0x3d: {  	[sflag:s6] =	ssyncadd.s32 $0xFFFFC000  }
0x3e: {  	[tilespmem:s13], [sflag:$0x1] =	stream.indirect.gather [hbm4b:s3+s12], $0x10, s2, s12, $0xb8;
	[tilespmem:$0xA400] =	vst v63  }
0x3f: {  	_ = 	snop  }
0x40: {  	[tilespmem:s14], [sflag:$0x2] =	stream.indirect.gather [hbm4b:s3+s12], $0x10, s12, s12, $0xb8;
	[tilespmem:$0xA400] =	vst v63  }
0x41: {  	s24 =	simm.s32 $0x100  }
0x42: {  	[tilespmem:s19], [sflag:$0x3] =	stream.indirect.gather [hbm4b:s3+s12], $0x10, s24, s12, $0xb8;
	[tilespmem:$0xA400] =	vst v63  }
0x43: {  	s25 =	simm.s32 $0x180  }
0x44: {  	[tilespmem:s20], [sflag:$0x4] =	stream.indirect.gather [hbm4b:s3+s12], $0x10, s25, s12, $0xb8;
	[tilespmem:$0xA400] =	vst v63  }
0x45: {  	_ =	swait.ge [sflag:s7], $0x800  }
0x46: {  	[sflag:s7] =	ssyncset.done $0x0  }
0x47: {  	s22 =	rddreg [dreg:$0x8];
	[sflag:s7] =	ssyncadd.s32 $0xFFFFF800  }
0x48: {  	[hbm4b:s22+s2] =	stream.linear.scatter [tilespmem:s13], [sflag:$0x5], $0x800, $0x38;
	[tilespmem:$0xA400] =	vst v63  }
0x49: {  	_ =	swait.ge [sflag:s8], $0x800  }
0x4a: {  	[sflag:s8] =	ssyncset.done $0x0  }
0x4b: {  	s23 =	rddreg [dreg:$0x9];
	[sflag:s8] =	ssyncadd.s32 $0xFFFFF800  }
0x4c: {  	[hbm4b:s23+s2] =	stream.linear.scatter [tilespmem:s14], [sflag:$0x6], $0x800, $0x38;
	[tilespmem:$0xA400] =	vst v63  }
0x4d: {  	_ =	swait.ge [sflag:s9], $0x800  }
0x4e: {  	[sflag:s9] =	ssyncset.done $0x0  }
0x4f: {  	s24 =	rddreg [dreg:$0xa];
	[sflag:s9] =	ssyncadd.s32 $0xFFFFF800  }
0x50: {  	[hbm4b:s24+s2] =	stream.linear.scatter [tilespmem:s19], [sflag:$0x7], $0x800, $0x38;
	[tilespmem:$0xA400] =	vst v63  }
0x51: {  	_ =	swait.ge [sflag:s10], $0x800  }
0x52: {  	[sflag:s10] =	ssyncset.done $0x0  }
0x53: {  	s25 =	rddreg [dreg:$0xb];
	[sflag:s10] =	ssyncadd.s32 $0xFFFFF800  }
0x54: {  	[hbm4b:s25+s2] =	stream.linear.scatter [tilespmem:s20], [sflag:$0x8], $0x800, $0x38;
	[tilespmem:$0xA400] =	vst v63  }
0x55: {  	_ =	swait.ge [sflag:s26], $0x800  }
0x56: {  	[sflag:s26] =	ssyncset.done $0x0  }
0x57: {  	[sflag:s26] =	ssyncadd.s32 $0xFFFFF800  }
0x58: {  	_ =	swait.ge [sflag:s28], $0x800  }
0x59: {  	[sflag:s28] =	ssyncset.done $0x0  }
0x5a: {  	[sflag:s28] =	ssyncadd.s32 $0xFFFFF800  }
0x5b: {  	_ =	swait.ge [sflag:s29], $0x800  }
0x5c: {  	[sflag:s29] =	ssyncset.done $0x0  }
0x5d: {  	[sflag:s29] =	ssyncadd.s32 $0xFFFFF800  }
0x5e: {  	_ =	swait.ge [sflag:s30], $0x800  }
0x5f: {  	[sflag:s30] =	ssyncset.done $0x0  }
0x60: {  	s22 =	simm.s32 $0x200;
	[sflag:s30] =	ssyncadd.s32 $0xFFFFF800  }
0x61: {  	[tilespmem:s13], [sflag:$0x1] =	stream.indirect.gather [hbm4b:s3+s12], $0x10, s22, s12, $0xb8;
	[tilespmem:$0xA400] =	vst v63  }
0x62: {  	s23 =	simm.s32 $0x280  }
0x63: {  	[tilespmem:s14], [sflag:$0x2] =	stream.indirect.gather [hbm4b:s3+s12], $0x10, s23, s12, $0xb8;
	[tilespmem:$0xA400] =	vst v63  }
0x64: {  	s24 =	simm.s32 $0x300  }
0x65: {  	[tilespmem:s19], [sflag:$0x3] =	stream.indirect.gather [hbm4b:s3+s12], $0x10, s24, s12, $0xb8;
	[tilespmem:$0xA400] =	vst v63  }
0x66: {  	s25 =	simm.s32 $0x380  }
0x67: {  	[tilespmem:s20], [sflag:$0x4] =	stream.indirect.gather [hbm4b:s3+s12], $0x10, s25, s12, $0xb8;
	[tilespmem:$0xA400] =	vst v63  }
0x68: {  	_ =	swait.ge [sflag:s7], $0x800  }
0x69: {  	[sflag:s7] =	ssyncset.done $0x0;
	s25 =	rddreg [dreg:$0x12]  }
0x6a: {  	[sflag:s7] =	ssyncadd.s32 $0xFFFFF800;
	s22 =	sadd.s32 $0xFFFFFD00, s25  }
0x6b: {  	[hbm4b:s22+s2] =	stream.linear.scatter [tilespmem:s13], [sflag:$0x5], $0x800, $0x38;
	[tilespmem:$0xA400] =	vst v63  }
0x6c: {  	_ =	swait.ge [sflag:s8], $0x800  }
0x6d: {  	[sflag:s8] =	ssyncset.done $0x0  }
0x6e: {  	s23 =	sadd.s32 $0xFFFFFE00, s25;
	[sflag:s8] =	ssyncadd.s32 $0xFFFFF800  }
0x6f: {  	[hbm4b:s23+s2] =	stream.linear.scatter [tilespmem:s14], [sflag:$0x6], $0x800, $0x38;
	[tilespmem:$0xA400] =	vst v63  }
0x70: {  	_ =	swait.ge [sflag:s9], $0x800  }
0x71: {  	[sflag:s9] =	ssyncset.done $0x0  }
0x72: {  	s24 =	sadd.s32 $0xFFFFFF00, s25;
	[sflag:s9] =	ssyncadd.s32 $0xFFFFF800  }
0x73: {  	[hbm4b:s24+s2] =	stream.linear.scatter [tilespmem:s19], [sflag:$0x7], $0x800, $0x38;
	[tilespmem:$0xA400] =	vst v63  }
0x74: {  	_ =	swait.ge [sflag:s10], $0x800  }
0x75: {  	[sflag:s10] =	ssyncset.done $0x0  }
0x76: {  	s21 =	simm.s32 $0x800;
	s22 =	sadd.s32 $0x400, s25;
	[sflag:s10] =	ssyncadd.s32 $0xFFFFF800  }
.LBB2_2:
0x77: {  	[hbm4b:s25+s2] =	stream.linear.scatter [tilespmem:s20], [sflag:$0x8], $0x800, $0x38;
	[tilespmem:$0xA400] =	vst v63  }
0x78: {  	s23 =	smov.u32 s21;
	s25 =	smov.u32 s22  }
0x79: {  	p0 =	sne.s32 s21, $0x3000;
	s21 =	sadd.s32 $0x800, s21;
	_ =	swait.ge [sflag:s26], $0x800  }
0x7a: {  	[sflag:s26] =	ssyncset.done $0x0  }
0x7b: {  	[sflag:s26] =	ssyncadd.s32 $0xFFFFF800  }
0x7c: {  	_ =	swait.ge [sflag:s28], $0x800  }
0x7d: {  	[sflag:s28] =	ssyncset.done $0x0  }
0x7e: {  	[sflag:s28] =	ssyncadd.s32 $0xFFFFF800  }
0x7f: {  	_ =	swait.ge [sflag:s29], $0x800  }
0x80: {  	[sflag:s29] =	ssyncset.done $0x0  }
0x81: {  	[sflag:s29] =	ssyncadd.s32 $0xFFFFF800  }
0x82: {  	_ =	swait.ge [sflag:s30], $0x800  }
0x83: {  	s23 =	sshra.s32 s23, $0x2;
	[sflag:s30] =	ssyncset.done $0x0  }
0x84: {  	s24 =	sadd.s32 $0x200, s23;
	[sflag:s30] =	ssyncadd.s32 $0xFFFFF800  }
0x85: {  	[tilespmem:s13], [sflag:$0x1] =	stream.indirect.gather [hbm4b:s3+s12], $0x10, s24, s12, $0xb8;
	[tilespmem:$0xA400] =	vst v63  }
0x86: {  	s24 =	sadd.s32 $0x280, s23  }
0x87: {  	[tilespmem:s14], [sflag:$0x2] =	stream.indirect.gather [hbm4b:s3+s12], $0x10, s24, s12, $0xb8;
	[tilespmem:$0xA400] =	vst v63  }
0x88: {  	s24 =	sadd.s32 $0x300, s23  }
0x89: {  	[tilespmem:s19], [sflag:$0x3] =	stream.indirect.gather [hbm4b:s3+s12], $0x10, s24, s12, $0xb8;
	[tilespmem:$0xA400] =	vst v63  }
0x8a: {  	s23 =	sadd.s32 $0x380, s23  }
0x8b: {  	[tilespmem:s20], [sflag:$0x4] =	stream.indirect.gather [hbm4b:s3+s12], $0x10, s23, s12, $0xb8;
	[tilespmem:$0xA400] =	vst v63  }
0x8c: {  	_ =	swait.ge [sflag:s7], $0x800  }
0x8d: {  	[sflag:s7] =	ssyncset.done $0x0  }
0x8e: {  	s23 =	sadd.s32 $0xFFFFFD00, s22;
	[sflag:s7] =	ssyncadd.s32 $0xFFFFF800  }
0x8f: {  	[hbm4b:s23+s2] =	stream.linear.scatter [tilespmem:s13], [sflag:$0x5], $0x800, $0x38;
	[tilespmem:$0xA400] =	vst v63  }
0x90: {  	_ =	swait.ge [sflag:s8], $0x800  }
0x91: {  	[sflag:s8] =	ssyncset.done $0x0  }
0x92: {  	s23 =	sadd.s32 $0xFFFFFE00, s22;
	[sflag:s8] =	ssyncadd.s32 $0xFFFFF800  }
0x93: {  	[hbm4b:s23+s2] =	stream.linear.scatter [tilespmem:s14], [sflag:$0x6], $0x800, $0x38;
	[tilespmem:$0xA400] =	vst v63  }
0x94: {  	_ =	swait.ge [sflag:s9], $0x800  }
0x95: {  	[sflag:s9] =	ssyncset.done $0x0  }
.Ltmp0:
0x96: {  	s23 =	sadd.s32 $0xFFFFFF00, s22;
	[sflag:s9] =	ssyncadd.s32 $0xFFFFF800;
	(pc) =	sbr.rel @p0 .LBB2_2-.Ltmp0, $4  }
0x97: {  	[hbm4b:s23+s2] =	stream.linear.scatter [tilespmem:s19], [sflag:$0x7], $0x800, $0x38;
	[tilespmem:$0xA400] =	vst v63  }
0x98: {  	_ =	swait.ge [sflag:s10], $0x800  }
0x99: {  	[sflag:s10] =	ssyncset.done $0x0  }
0x9a: {  	s22 =	sadd.s32 $0x400, s22;
	[sflag:s10] =	ssyncadd.s32 $0xFFFFF800  }
0x9b: {  	[hbm4b:s25+s2] =	stream.linear.scatter [tilespmem:s20], [sflag:$0x8], $0x800, $0x38;
	[tilespmem:$0xA400] =	vst v63  }
0x9c: {  	_ =	swait.ge [sflag:s26], $0x800  }
0x9d: {  	[sflag:s26] =	ssyncset.done $0x0  }
0x9e: {  	[sflag:s26] =	ssyncadd.s32 $0xFFFFF800  }
0x9f: {  	_ =	swait.ge [sflag:s28], $0x800  }
0xa0: {  	[sflag:s28] =	ssyncset.done $0x0  }
0xa1: {  	[sflag:s28] =	ssyncadd.s32 $0xFFFFF800  }
0xa2: {  	_ =	swait.ge [sflag:s29], $0x800  }
0xa3: {  	[sflag:s29] =	ssyncset.done $0x0  }
0xa4: {  	[sflag:s29] =	ssyncadd.s32 $0xFFFFF800  }
0xa5: {  	_ =	swait.ge [sflag:s30], $0x800  }
0xa6: {  	[sflag:s30] =	ssyncset.done $0x0  }
0xa7: {  	s21 =	simm.s32 $0x1000;
	[sflag:s30] =	ssyncadd.s32 $0xFFFFF800  }
0xa8: {  	[tilespmem:s13], [sflag:$0x1] =	stream.indirect.gather [hbm4b:s3+s12], $0x10, s21, s12, $0xb8;
	[tilespmem:$0xA400] =	vst v63  }
0xa9: {  	s24 =	simm.s32 $0x1080  }
0xaa: {  	[tilespmem:s14], [sflag:$0x2] =	stream.indirect.gather [hbm4b:s3+s12], $0x10, s24, s12, $0xb8;
	[tilespmem:$0xA400] =	vst v63  }
0xab: {  	s25 =	simm.s32 $0x1100  }
0xac: {  	[tilespmem:s19], [sflag:$0x3] =	stream.indirect.gather [hbm4b:s3+s12], $0x10, s25, s12, $0xb8;
	[tilespmem:$0xA400] =	vst v63  }
0xad: {  	s22 =	simm.s32 $0x1180  }
0xae: {  	[tilespmem:s20], [sflag:$0x4] =	stream.indirect.gather [hbm4b:s3+s12], $0x10, s22, s12, $0xb8;
	[tilespmem:$0xA400] =	vst v63  }
0xaf: {  	_ =	swait.ge [sflag:s7], $0x800  }
0xb0: {  	[sflag:s7] =	ssyncset.done $0x0  }
0xb1: {  	s21 =	simm.s32 $0x0;
	s22 =	rddreg [dreg:$0xc];
	[sflag:s7] =	ssyncadd.s32 $0xFFFFF800  }
0xb2: {  	[hbm4b:s22+s21] =	stream.linear.scatter [tilespmem:s13], [sflag:$0x5], $0x800, $0x38;
	[tilespmem:$0xA400] =	vst v63  }
0xb3: {  	_ =	swait.ge [sflag:s8], $0x800  }
0xb4: {  	[sflag:s8] =	ssyncset.done $0x0  }
0xb5: {  	s23 =	rddreg [dreg:$0x10];
	[sflag:s8] =	ssyncadd.s32 $0xFFFFF800  }
0xb6: {  	[hbm4b:s23+s21] =	stream.linear.scatter [tilespmem:s14], [sflag:$0x6], $0x800, $0x38;
	[tilespmem:$0xA400] =	vst v63  }
0xb7: {  	_ =	swait.ge [sflag:s9], $0x800  }
0xb8: {  	[sflag:s9] =	ssyncset.done $0x0  }
0xb9: {  	s24 =	rddreg [dreg:$0x11];
	[sflag:s9] =	ssyncadd.s32 $0xFFFFF800  }
0xba: {  	[hbm4b:s24+s21] =	stream.linear.scatter [tilespmem:s19], [sflag:$0x7], $0x800, $0x38;
	[tilespmem:$0xA400] =	vst v63  }
0xbb: {  	_ =	swait.ge [sflag:s10], $0x800  }
0xbc: {  	[sflag:s10] =	ssyncset.done $0x0  }
0xbd: {  	s25 =	rddreg [dreg:$0x17];
	[sflag:s10] =	ssyncadd.s32 $0xFFFFF800  }
0xbe: {  	[hbm4b:s25+s21] =	stream.linear.scatter [tilespmem:s20], [sflag:$0x8], $0x800, $0x38;
	[tilespmem:$0xA400] =	vst v63  }
0xbf: {  	_ =	swait.ge [sflag:s26], $0x800  }
0xc0: {  	[sflag:s26] =	ssyncset.done $0x0  }
0xc1: {  	[sflag:s26] =	ssyncadd.s32 $0xFFFFF800  }
0xc2: {  	_ =	swait.ge [sflag:s28], $0x800  }
0xc3: {  	[sflag:s28] =	ssyncset.done $0x0  }
0xc4: {  	[sflag:s28] =	ssyncadd.s32 $0xFFFFF800  }
0xc5: {  	_ =	swait.ge [sflag:s29], $0x800  }
0xc6: {  	[sflag:s29] =	ssyncset.done $0x0  }
0xc7: {  	[sflag:s29] =	ssyncadd.s32 $0xFFFFF800  }
0xc8: {  	_ =	swait.ge [sflag:s30], $0x800  }
0xc9: {  	[sflag:s30] =	ssyncset.done $0x0  }
0xca: {  	s22 =	simm.s32 $0x1200;
	[sflag:s30] =	ssyncadd.s32 $0xFFFFF800  }
0xcb: {  	[tilespmem:s13], [sflag:$0x1] =	stream.indirect.gather [hbm4b:s3+s12], $0x10, s22, s12, $0xb8;
	[tilespmem:$0xA400] =	vst v63  }
0xcc: {  	s23 =	simm.s32 $0x1280  }
0xcd: {  	[tilespmem:s14], [sflag:$0x2] =	stream.indirect.gather [hbm4b:s3+s12], $0x10, s23, s12, $0xb8;
	[tilespmem:$0xA400] =	vst v63  }
0xce: {  	s24 =	simm.s32 $0x1300  }
0xcf: {  	[tilespmem:s19], [sflag:$0x3] =	stream.indirect.gather [hbm4b:s3+s12], $0x10, s24, s12, $0xb8;
	[tilespmem:$0xA400] =	vst v63  }
0xd0: {  	s25 =	simm.s32 $0x1380  }
0xd1: {  	[tilespmem:s20], [sflag:$0x4] =	stream.indirect.gather [hbm4b:s3+s12], $0x10, s25, s12, $0xb8;
	[tilespmem:$0xA400] =	vst v63  }
0xd2: {  	_ =	swait.ge [sflag:s7], $0x800  }
0xd3: {  	[sflag:s7] =	ssyncset.done $0x0;
	s25 =	rddreg [dreg:$0x13]  }
0xd4: {  	[sflag:s7] =	ssyncadd.s32 $0xFFFFF800;
	s22 =	sadd.s32 $0xFFFFFD00, s25  }
0xd5: {  	[hbm4b:s22+s2] =	stream.linear.scatter [tilespmem:s13], [sflag:$0x5], $0x800, $0x38;
	[tilespmem:$0xA400] =	vst v63  }
0xd6: {  	_ =	swait.ge [sflag:s8], $0x800  }
0xd7: {  	[sflag:s8] =	ssyncset.done $0x0  }
0xd8: {  	s23 =	sadd.s32 $0xFFFFFE00, s25;
	[sflag:s8] =	ssyncadd.s32 $0xFFFFF800  }
0xd9: {  	[hbm4b:s23+s2] =	stream.linear.scatter [tilespmem:s14], [sflag:$0x6], $0x800, $0x38;
	[tilespmem:$0xA400] =	vst v63  }
0xda: {  	_ =	swait.ge [sflag:s9], $0x800  }
0xdb: {  	[sflag:s9] =	ssyncset.done $0x0  }
0xdc: {  	s24 =	sadd.s32 $0xFFFFFF00, s25;
	[sflag:s9] =	ssyncadd.s32 $0xFFFFF800  }
0xdd: {  	[hbm4b:s24+s2] =	stream.linear.scatter [tilespmem:s19], [sflag:$0x7], $0x800, $0x38;
	[tilespmem:$0xA400] =	vst v63  }
0xde: {  	_ =	swait.ge [sflag:s10], $0x800  }
0xdf: {  	[sflag:s10] =	ssyncset.done $0x0  }
0xe0: {  	s21 =	simm.s32 $0x800;
	s22 =	sadd.s32 $0x400, s25;
	[sflag:s10] =	ssyncadd.s32 $0xFFFFF800  }
.LBB2_4:
0xe1: {  	[hbm4b:s25+s2] =	stream.linear.scatter [tilespmem:s20], [sflag:$0x8], $0x800, $0x38;
	[tilespmem:$0xA400] =	vst v63  }
0xe2: {  	s23 =	smov.u32 s21;
	s25 =	smov.u32 s22  }
0xe3: {  	p0 =	sne.s32 s21, $0x3000;
	s21 =	sadd.s32 $0x800, s21;
	_ =	swait.ge [sflag:s26], $0x800  }
0xe4: {  	[sflag:s26] =	ssyncset.done $0x0  }
0xe5: {  	[sflag:s26] =	ssyncadd.s32 $0xFFFFF800  }
0xe6: {  	_ =	swait.ge [sflag:s28], $0x800  }
0xe7: {  	[sflag:s28] =	ssyncset.done $0x0  }
0xe8: {  	[sflag:s28] =	ssyncadd.s32 $0xFFFFF800  }
0xe9: {  	_ =	swait.ge [sflag:s29], $0x800  }
0xea: {  	[sflag:s29] =	ssyncset.done $0x0  }
0xeb: {  	[sflag:s29] =	ssyncadd.s32 $0xFFFFF800  }
0xec: {  	_ =	swait.ge [sflag:s30], $0x800  }
0xed: {  	s23 =	sshra.s32 s23, $0x2;
	[sflag:s30] =	ssyncset.done $0x0  }
0xee: {  	s24 =	sadd.s32 $0x1200, s23;
	[sflag:s30] =	ssyncadd.s32 $0xFFFFF800  }
0xef: {  	[tilespmem:s13], [sflag:$0x1] =	stream.indirect.gather [hbm4b:s3+s12], $0x10, s24, s12, $0xb8;
	[tilespmem:$0xA400] =	vst v63  }
0xf0: {  	s24 =	sadd.s32 $0x1280, s23  }
0xf1: {  	[tilespmem:s14], [sflag:$0x2] =	stream.indirect.gather [hbm4b:s3+s12], $0x10, s24, s12, $0xb8;
	[tilespmem:$0xA400] =	vst v63  }
0xf2: {  	s24 =	sadd.s32 $0x1300, s23  }
0xf3: {  	[tilespmem:s19], [sflag:$0x3] =	stream.indirect.gather [hbm4b:s3+s12], $0x10, s24, s12, $0xb8;
	[tilespmem:$0xA400] =	vst v63  }
0xf4: {  	s23 =	sadd.s32 $0x1380, s23  }
0xf5: {  	[tilespmem:s20], [sflag:$0x4] =	stream.indirect.gather [hbm4b:s3+s12], $0x10, s23, s12, $0xb8;
	[tilespmem:$0xA400] =	vst v63  }
0xf6: {  	_ =	swait.ge [sflag:s7], $0x800  }
0xf7: {  	[sflag:s7] =	ssyncset.done $0x0  }
0xf8: {  	s23 =	sadd.s32 $0xFFFFFD00, s22;
	[sflag:s7] =	ssyncadd.s32 $0xFFFFF800  }
0xf9: {  	[hbm4b:s23+s2] =	stream.linear.scatter [tilespmem:s13], [sflag:$0x5], $0x800, $0x38;
	[tilespmem:$0xA400] =	vst v63  }
0xfa: {  	_ =	swait.ge [sflag:s8], $0x800  }
0xfb: {  	[sflag:s8] =	ssyncset.done $0x0  }
0xfc: {  	s23 =	sadd.s32 $0xFFFFFE00, s22;
	[sflag:s8] =	ssyncadd.s32 $0xFFFFF800  }
0xfd: {  	[hbm4b:s23+s2] =	stream.linear.scatter [tilespmem:s14], [sflag:$0x6], $0x800, $0x38;
	[tilespmem:$0xA400] =	vst v63  }
0xfe: {  	_ =	swait.ge [sflag:s9], $0x800  }
0xff: {  	[sflag:s9] =	ssyncset.done $0x0  }
.Ltmp1:
0x100: {  	s23 =	sadd.s32 $0xFFFFFF00, s22;
	[sflag:s9] =	ssyncadd.s32 $0xFFFFF800;
	(pc) =	sbr.rel @p0 .LBB2_4-.Ltmp1, $4  }
0x101: {  	[hbm4b:s23+s2] =	stream.linear.scatter [tilespmem:s19], [sflag:$0x7], $0x800, $0x38;
	[tilespmem:$0xA400] =	vst v63  }
0x102: {  	_ =	swait.ge [sflag:s10], $0x800  }
0x103: {  	[sflag:s10] =	ssyncset.done $0x0  }
0x104: {  	s22 =	sadd.s32 $0x400, s22;
	[sflag:s10] =	ssyncadd.s32 $0xFFFFF800  }
0x105: {  	[hbm4b:s25+s2] =	stream.linear.scatter [tilespmem:s20], [sflag:$0x8], $0x800, $0x38;
	[tilespmem:$0xA400] =	vst v63  }
0x106: {  	_ =	swait.ge [sflag:s26], $0x800  }
0x107: {  	[sflag:s26] =	ssyncset.done $0x0  }
0x108: {  	[sflag:s26] =	ssyncadd.s32 $0xFFFFF800  }
0x109: {  	_ =	swait.ge [sflag:s28], $0x800  }
0x10a: {  	[sflag:s28] =	ssyncset.done $0x0  }
0x10b: {  	[sflag:s28] =	ssyncadd.s32 $0xFFFFF800  }
0x10c: {  	_ =	swait.ge [sflag:s29], $0x800  }
0x10d: {  	[sflag:s29] =	ssyncset.done $0x0  }
0x10e: {  	[sflag:s29] =	ssyncadd.s32 $0xFFFFF800  }
0x10f: {  	_ =	swait.ge [sflag:s30], $0x800  }
0x110: {  	[sflag:s30] =	ssyncset.done $0x0  }
0x111: {  	s21 =	simm.s32 $0x2000;
	[sflag:s30] =	ssyncadd.s32 $0xFFFFF800  }
0x112: {  	[tilespmem:s13], [sflag:$0x1] =	stream.indirect.gather [hbm4b:s3+s12], $0x10, s21, s12, $0xb8;
	[tilespmem:$0xA400] =	vst v63  }
0x113: {  	s24 =	simm.s32 $0x2080  }
0x114: {  	[tilespmem:s14], [sflag:$0x2] =	stream.indirect.gather [hbm4b:s3+s12], $0x10, s24, s12, $0xb8;
	[tilespmem:$0xA400] =	vst v63  }
0x115: {  	s25 =	simm.s32 $0x2100  }
0x116: {  	[tilespmem:s19], [sflag:$0x3] =	stream.indirect.gather [hbm4b:s3+s12], $0x10, s25, s12, $0xb8;
	[tilespmem:$0xA400] =	vst v63  }
0x117: {  	s22 =	simm.s32 $0x2180  }
0x118: {  	[tilespmem:s20], [sflag:$0x4] =	stream.indirect.gather [hbm4b:s3+s12], $0x10, s22, s12, $0xb8;
	[tilespmem:$0xA400] =	vst v63  }
0x119: {  	_ =	swait.ge [sflag:s7], $0x800  }
0x11a: {  	[sflag:s7] =	ssyncset.done $0x0  }
0x11b: {  	s21 =	simm.s32 $0x0;
	s22 =	rddreg [dreg:$0xd];
	[sflag:s7] =	ssyncadd.s32 $0xFFFFF800  }
0x11c: {  	[hbm4b:s22+s21] =	stream.linear.scatter [tilespmem:s13], [sflag:$0x5], $0x800, $0x38;
	[tilespmem:$0xA400] =	vst v63  }
0x11d: {  	_ =	swait.ge [sflag:s8], $0x800  }
0x11e: {  	[sflag:s8] =	ssyncset.done $0x0  }
0x11f: {  	s23 =	rddreg [dreg:$0x18];
	[sflag:s8] =	ssyncadd.s32 $0xFFFFF800  }
0x120: {  	[hbm4b:s23+s21] =	stream.linear.scatter [tilespmem:s14], [sflag:$0x6], $0x800, $0x38;
	[tilespmem:$0xA400] =	vst v63  }
0x121: {  	_ =	swait.ge [sflag:s9], $0x800  }
0x122: {  	[sflag:s9] =	ssyncset.done $0x0  }
0x123: {  	s24 =	rddreg [dreg:$0x19];
	[sflag:s9] =	ssyncadd.s32 $0xFFFFF800  }
0x124: {  	[hbm4b:s24+s21] =	stream.linear.scatter [tilespmem:s19], [sflag:$0x7], $0x800, $0x38;
	[tilespmem:$0xA400] =	vst v63  }
0x125: {  	_ =	swait.ge [sflag:s10], $0x800  }
0x126: {  	[sflag:s10] =	ssyncset.done $0x0  }
0x127: {  	s25 =	rddreg [dreg:$0x1a];
	[sflag:s10] =	ssyncadd.s32 $0xFFFFF800  }
0x128: {  	[hbm4b:s25+s21] =	stream.linear.scatter [tilespmem:s20], [sflag:$0x8], $0x800, $0x38;
	[tilespmem:$0xA400] =	vst v63  }
0x129: {  	_ =	swait.ge [sflag:s26], $0x800  }
0x12a: {  	[sflag:s26] =	ssyncset.done $0x0  }
0x12b: {  	[sflag:s26] =	ssyncadd.s32 $0xFFFFF800  }
0x12c: {  	_ =	swait.ge [sflag:s28], $0x800  }
0x12d: {  	[sflag:s28] =	ssyncset.done $0x0  }
0x12e: {  	[sflag:s28] =	ssyncadd.s32 $0xFFFFF800  }
0x12f: {  	_ =	swait.ge [sflag:s29], $0x800  }
0x130: {  	[sflag:s29] =	ssyncset.done $0x0  }
0x131: {  	[sflag:s29] =	ssyncadd.s32 $0xFFFFF800  }
0x132: {  	_ =	swait.ge [sflag:s30], $0x800  }
0x133: {  	[sflag:s30] =	ssyncset.done $0x0  }
0x134: {  	s22 =	simm.s32 $0x2200;
	[sflag:s30] =	ssyncadd.s32 $0xFFFFF800  }
0x135: {  	[tilespmem:s13], [sflag:$0x1] =	stream.indirect.gather [hbm4b:s3+s12], $0x10, s22, s12, $0xb8;
	[tilespmem:$0xA400] =	vst v63  }
0x136: {  	s23 =	simm.s32 $0x2280  }
0x137: {  	[tilespmem:s14], [sflag:$0x2] =	stream.indirect.gather [hbm4b:s3+s12], $0x10, s23, s12, $0xb8;
	[tilespmem:$0xA400] =	vst v63  }
0x138: {  	s24 =	simm.s32 $0x2300  }
0x139: {  	[tilespmem:s19], [sflag:$0x3] =	stream.indirect.gather [hbm4b:s3+s12], $0x10, s24, s12, $0xb8;
	[tilespmem:$0xA400] =	vst v63  }
0x13a: {  	s25 =	simm.s32 $0x2380  }
0x13b: {  	[tilespmem:s20], [sflag:$0x4] =	stream.indirect.gather [hbm4b:s3+s12], $0x10, s25, s12, $0xb8;
	[tilespmem:$0xA400] =	vst v63  }
0x13c: {  	_ =	swait.ge [sflag:s7], $0x800  }
0x13d: {  	[sflag:s7] =	ssyncset.done $0x0;
	s25 =	rddreg [dreg:$0x14]  }
0x13e: {  	[sflag:s7] =	ssyncadd.s32 $0xFFFFF800;
	s22 =	sadd.s32 $0xFFFFFD00, s25  }
0x13f: {  	[hbm4b:s22+s2] =	stream.linear.scatter [tilespmem:s13], [sflag:$0x5], $0x800, $0x38;
	[tilespmem:$0xA400] =	vst v63  }
0x140: {  	_ =	swait.ge [sflag:s8], $0x800  }
0x141: {  	[sflag:s8] =	ssyncset.done $0x0  }
0x142: {  	s23 =	sadd.s32 $0xFFFFFE00, s25;
	[sflag:s8] =	ssyncadd.s32 $0xFFFFF800  }
0x143: {  	[hbm4b:s23+s2] =	stream.linear.scatter [tilespmem:s14], [sflag:$0x6], $0x800, $0x38;
	[tilespmem:$0xA400] =	vst v63  }
0x144: {  	_ =	swait.ge [sflag:s9], $0x800  }
0x145: {  	[sflag:s9] =	ssyncset.done $0x0  }
0x146: {  	s24 =	sadd.s32 $0xFFFFFF00, s25;
	[sflag:s9] =	ssyncadd.s32 $0xFFFFF800  }
0x147: {  	[hbm4b:s24+s2] =	stream.linear.scatter [tilespmem:s19], [sflag:$0x7], $0x800, $0x38;
	[tilespmem:$0xA400] =	vst v63  }
0x148: {  	_ =	swait.ge [sflag:s10], $0x800  }
0x149: {  	[sflag:s10] =	ssyncset.done $0x0  }
0x14a: {  	s21 =	simm.s32 $0x800;
	s22 =	sadd.s32 $0x400, s25;
	[sflag:s10] =	ssyncadd.s32 $0xFFFFF800  }
.LBB2_6:
0x14b: {  	[hbm4b:s25+s2] =	stream.linear.scatter [tilespmem:s20], [sflag:$0x8], $0x800, $0x38;
	[tilespmem:$0xA400] =	vst v63  }
0x14c: {  	s23 =	smov.u32 s21;
	s25 =	smov.u32 s22  }
0x14d: {  	p0 =	sne.s32 s21, $0x3000;
	s21 =	sadd.s32 $0x800, s21;
	_ =	swait.ge [sflag:s26], $0x800  }
0x14e: {  	[sflag:s26] =	ssyncset.done $0x0  }
0x14f: {  	[sflag:s26] =	ssyncadd.s32 $0xFFFFF800  }
0x150: {  	_ =	swait.ge [sflag:s28], $0x800  }
0x151: {  	[sflag:s28] =	ssyncset.done $0x0  }
0x152: {  	[sflag:s28] =	ssyncadd.s32 $0xFFFFF800  }
0x153: {  	_ =	swait.ge [sflag:s29], $0x800  }
0x154: {  	[sflag:s29] =	ssyncset.done $0x0  }
0x155: {  	[sflag:s29] =	ssyncadd.s32 $0xFFFFF800  }
0x156: {  	_ =	swait.ge [sflag:s30], $0x800  }
0x157: {  	s23 =	sshra.s32 s23, $0x2;
	[sflag:s30] =	ssyncset.done $0x0  }
0x158: {  	s24 =	sadd.s32 $0x2200, s23;
	[sflag:s30] =	ssyncadd.s32 $0xFFFFF800  }
0x159: {  	[tilespmem:s13], [sflag:$0x1] =	stream.indirect.gather [hbm4b:s3+s12], $0x10, s24, s12, $0xb8;
	[tilespmem:$0xA400] =	vst v63  }
0x15a: {  	s24 =	sadd.s32 $0x2280, s23  }
0x15b: {  	[tilespmem:s14], [sflag:$0x2] =	stream.indirect.gather [hbm4b:s3+s12], $0x10, s24, s12, $0xb8;
	[tilespmem:$0xA400] =	vst v63  }
0x15c: {  	s24 =	sadd.s32 $0x2300, s23  }
0x15d: {  	[tilespmem:s19], [sflag:$0x3] =	stream.indirect.gather [hbm4b:s3+s12], $0x10, s24, s12, $0xb8;
	[tilespmem:$0xA400] =	vst v63  }
0x15e: {  	s23 =	sadd.s32 $0x2380, s23  }
0x15f: {  	[tilespmem:s20], [sflag:$0x4] =	stream.indirect.gather [hbm4b:s3+s12], $0x10, s23, s12, $0xb8;
	[tilespmem:$0xA400] =	vst v63  }
0x160: {  	_ =	swait.ge [sflag:s7], $0x800  }
0x161: {  	[sflag:s7] =	ssyncset.done $0x0  }
0x162: {  	s23 =	sadd.s32 $0xFFFFFD00, s22;
	[sflag:s7] =	ssyncadd.s32 $0xFFFFF800  }
0x163: {  	[hbm4b:s23+s2] =	stream.linear.scatter [tilespmem:s13], [sflag:$0x5], $0x800, $0x38;
	[tilespmem:$0xA400] =	vst v63  }
0x164: {  	_ =	swait.ge [sflag:s8], $0x800  }
0x165: {  	[sflag:s8] =	ssyncset.done $0x0  }
0x166: {  	s23 =	sadd.s32 $0xFFFFFE00, s22;
	[sflag:s8] =	ssyncadd.s32 $0xFFFFF800  }
0x167: {  	[hbm4b:s23+s2] =	stream.linear.scatter [tilespmem:s14], [sflag:$0x6], $0x800, $0x38;
	[tilespmem:$0xA400] =	vst v63  }
0x168: {  	_ =	swait.ge [sflag:s9], $0x800  }
0x169: {  	[sflag:s9] =	ssyncset.done $0x0  }
.Ltmp2:
0x16a: {  	s23 =	sadd.s32 $0xFFFFFF00, s22;
	[sflag:s9] =	ssyncadd.s32 $0xFFFFF800;
	(pc) =	sbr.rel @p0 .LBB2_6-.Ltmp2, $4  }
0x16b: {  	[hbm4b:s23+s2] =	stream.linear.scatter [tilespmem:s19], [sflag:$0x7], $0x800, $0x38;
	[tilespmem:$0xA400] =	vst v63  }
0x16c: {  	_ =	swait.ge [sflag:s10], $0x800  }
0x16d: {  	[sflag:s10] =	ssyncset.done $0x0  }
0x16e: {  	s22 =	sadd.s32 $0x400, s22;
	[sflag:s10] =	ssyncadd.s32 $0xFFFFF800  }
0x16f: {  	[hbm4b:s25+s2] =	stream.linear.scatter [tilespmem:s20], [sflag:$0x8], $0x800, $0x38;
	[tilespmem:$0xA400] =	vst v63  }
0x170: {  	_ =	swait.ge [sflag:s26], $0x800  }
0x171: {  	[sflag:s26] =	ssyncset.done $0x0  }
0x172: {  	[sflag:s26] =	ssyncadd.s32 $0xFFFFF800  }
0x173: {  	_ =	swait.ge [sflag:s28], $0x800  }
0x174: {  	[sflag:s28] =	ssyncset.done $0x0  }
0x175: {  	[sflag:s28] =	ssyncadd.s32 $0xFFFFF800  }
0x176: {  	_ =	swait.ge [sflag:s29], $0x800  }
0x177: {  	[sflag:s29] =	ssyncset.done $0x0  }
0x178: {  	[sflag:s29] =	ssyncadd.s32 $0xFFFFF800  }
0x179: {  	_ =	swait.ge [sflag:s30], $0x800  }
0x17a: {  	[sflag:s30] =	ssyncset.done $0x0  }
0x17b: {  	s21 =	simm.s32 $0x3000;
	[sflag:s30] =	ssyncadd.s32 $0xFFFFF800  }
0x17c: {  	[tilespmem:s13], [sflag:$0x1] =	stream.indirect.gather [hbm4b:s3+s12], $0x10, s21, s12, $0xb8;
	[tilespmem:$0xA400] =	vst v63  }
0x17d: {  	s24 =	simm.s32 $0x3080  }
0x17e: {  	[tilespmem:s14], [sflag:$0x2] =	stream.indirect.gather [hbm4b:s3+s12], $0x10, s24, s12, $0xb8;
	[tilespmem:$0xA400] =	vst v63  }
0x17f: {  	s25 =	simm.s32 $0x3100  }
0x180: {  	[tilespmem:s19], [sflag:$0x3] =	stream.indirect.gather [hbm4b:s3+s12], $0x10, s25, s12, $0xb8;
	[tilespmem:$0xA400] =	vst v63  }
0x181: {  	s22 =	simm.s32 $0x3180  }
0x182: {  	[tilespmem:s20], [sflag:$0x4] =	stream.indirect.gather [hbm4b:s3+s12], $0x10, s22, s12, $0xb8;
	[tilespmem:$0xA400] =	vst v63  }
0x183: {  	_ =	swait.ge [sflag:s7], $0x800  }
0x184: {  	[sflag:s7] =	ssyncset.done $0x0  }
0x185: {  	s21 =	simm.s32 $0x0;
	s22 =	rddreg [dreg:$0xe];
	[sflag:s7] =	ssyncadd.s32 $0xFFFFF800  }
0x186: {  	[hbm4b:s22+s21] =	stream.linear.scatter [tilespmem:s13], [sflag:$0x5], $0x800, $0x38;
	[tilespmem:$0xA400] =	vst v63  }
0x187: {  	_ =	swait.ge [sflag:s8], $0x800  }
0x188: {  	[sflag:s8] =	ssyncset.done $0x0  }
0x189: {  	s23 =	rddreg [dreg:$0x1b];
	[sflag:s8] =	ssyncadd.s32 $0xFFFFF800  }
0x18a: {  	[hbm4b:s23+s21] =	stream.linear.scatter [tilespmem:s14], [sflag:$0x6], $0x800, $0x38;
	[tilespmem:$0xA400] =	vst v63  }
0x18b: {  	_ =	swait.ge [sflag:s9], $0x800  }
0x18c: {  	[sflag:s9] =	ssyncset.done $0x0  }
0x18d: {  	s24 =	rddreg [dreg:$0x1c];
	[sflag:s9] =	ssyncadd.s32 $0xFFFFF800  }
0x18e: {  	[hbm4b:s24+s21] =	stream.linear.scatter [tilespmem:s19], [sflag:$0x7], $0x800, $0x38;
	[tilespmem:$0xA400] =	vst v63  }
0x18f: {  	_ =	swait.ge [sflag:s10], $0x800  }
0x190: {  	[sflag:s10] =	ssyncset.done $0x0  }
0x191: {  	s25 =	rddreg [dreg:$0x1d];
	[sflag:s10] =	ssyncadd.s32 $0xFFFFF800  }
0x192: {  	[hbm4b:s25+s21] =	stream.linear.scatter [tilespmem:s20], [sflag:$0x8], $0x800, $0x38;
	[tilespmem:$0xA400] =	vst v63  }
0x193: {  	_ =	swait.ge [sflag:s26], $0x800  }
0x194: {  	[sflag:s26] =	ssyncset.done $0x0  }
0x195: {  	[sflag:s26] =	ssyncadd.s32 $0xFFFFF800  }
0x196: {  	_ =	swait.ge [sflag:s28], $0x800  }
0x197: {  	[sflag:s28] =	ssyncset.done $0x0  }
0x198: {  	[sflag:s28] =	ssyncadd.s32 $0xFFFFF800  }
0x199: {  	_ =	swait.ge [sflag:s29], $0x800  }
0x19a: {  	[sflag:s29] =	ssyncset.done $0x0  }
0x19b: {  	[sflag:s29] =	ssyncadd.s32 $0xFFFFF800  }
0x19c: {  	_ =	swait.ge [sflag:s30], $0x800  }
0x19d: {  	[sflag:s30] =	ssyncset.done $0x0  }
0x19e: {  	s22 =	simm.s32 $0x3200;
	[sflag:s30] =	ssyncadd.s32 $0xFFFFF800  }
0x19f: {  	[tilespmem:s13], [sflag:$0x1] =	stream.indirect.gather [hbm4b:s3+s12], $0x10, s22, s12, $0xb8;
	[tilespmem:$0xA400] =	vst v63  }
0x1a0: {  	s23 =	simm.s32 $0x3280  }
0x1a1: {  	[tilespmem:s14], [sflag:$0x2] =	stream.indirect.gather [hbm4b:s3+s12], $0x10, s23, s12, $0xb8;
	[tilespmem:$0xA400] =	vst v63  }
0x1a2: {  	s24 =	simm.s32 $0x3300  }
0x1a3: {  	[tilespmem:s19], [sflag:$0x3] =	stream.indirect.gather [hbm4b:s3+s12], $0x10, s24, s12, $0xb8;
	[tilespmem:$0xA400] =	vst v63  }
0x1a4: {  	s25 =	simm.s32 $0x3380  }
0x1a5: {  	[tilespmem:s20], [sflag:$0x4] =	stream.indirect.gather [hbm4b:s3+s12], $0x10, s25, s12, $0xb8;
	[tilespmem:$0xA400] =	vst v63  }
0x1a6: {  	_ =	swait.ge [sflag:s7], $0x800  }
0x1a7: {  	[sflag:s7] =	ssyncset.done $0x0;
	s25 =	rddreg [dreg:$0x15]  }
0x1a8: {  	[sflag:s7] =	ssyncadd.s32 $0xFFFFF800;
	s22 =	sadd.s32 $0xFFFFFD00, s25  }
0x1a9: {  	[hbm4b:s22+s2] =	stream.linear.scatter [tilespmem:s13], [sflag:$0x5], $0x800, $0x38;
	[tilespmem:$0xA400] =	vst v63  }
0x1aa: {  	_ =	swait.ge [sflag:s8], $0x800  }
0x1ab: {  	[sflag:s8] =	ssyncset.done $0x0  }
0x1ac: {  	s23 =	sadd.s32 $0xFFFFFE00, s25;
	[sflag:s8] =	ssyncadd.s32 $0xFFFFF800  }
0x1ad: {  	[hbm4b:s23+s2] =	stream.linear.scatter [tilespmem:s14], [sflag:$0x6], $0x800, $0x38;
	[tilespmem:$0xA400] =	vst v63  }
0x1ae: {  	_ =	swait.ge [sflag:s9], $0x800  }
0x1af: {  	[sflag:s9] =	ssyncset.done $0x0  }
0x1b0: {  	s24 =	sadd.s32 $0xFFFFFF00, s25;
	[sflag:s9] =	ssyncadd.s32 $0xFFFFF800  }
0x1b1: {  	[hbm4b:s24+s2] =	stream.linear.scatter [tilespmem:s19], [sflag:$0x7], $0x800, $0x38;
	[tilespmem:$0xA400] =	vst v63  }
0x1b2: {  	_ =	swait.ge [sflag:s10], $0x800  }
0x1b3: {  	[sflag:s10] =	ssyncset.done $0x0  }
0x1b4: {  	s21 =	simm.s32 $0x800;
	s22 =	sadd.s32 $0x400, s25;
	[sflag:s10] =	ssyncadd.s32 $0xFFFFF800  }
.LBB2_8:
0x1b5: {  	[hbm4b:s25+s2] =	stream.linear.scatter [tilespmem:s20], [sflag:$0x8], $0x800, $0x38;
	[tilespmem:$0xA400] =	vst v63  }
0x1b6: {  	s23 =	smov.u32 s21;
	s25 =	smov.u32 s22  }
0x1b7: {  	p0 =	sne.s32 s21, $0x3000;
	s21 =	sadd.s32 $0x800, s21;
	_ =	swait.ge [sflag:s26], $0x800  }
0x1b8: {  	[sflag:s26] =	ssyncset.done $0x0  }
0x1b9: {  	[sflag:s26] =	ssyncadd.s32 $0xFFFFF800  }
0x1ba: {  	_ =	swait.ge [sflag:s28], $0x800  }
0x1bb: {  	[sflag:s28] =	ssyncset.done $0x0  }
0x1bc: {  	[sflag:s28] =	ssyncadd.s32 $0xFFFFF800  }
0x1bd: {  	_ =	swait.ge [sflag:s29], $0x800  }
0x1be: {  	[sflag:s29] =	ssyncset.done $0x0  }
0x1bf: {  	[sflag:s29] =	ssyncadd.s32 $0xFFFFF800  }
0x1c0: {  	_ =	swait.ge [sflag:s30], $0x800  }
0x1c1: {  	s23 =	sshra.s32 s23, $0x2;
	[sflag:s30] =	ssyncset.done $0x0  }
0x1c2: {  	s24 =	sadd.s32 $0x3200, s23;
	[sflag:s30] =	ssyncadd.s32 $0xFFFFF800  }
0x1c3: {  	[tilespmem:s13], [sflag:$0x1] =	stream.indirect.gather [hbm4b:s3+s12], $0x10, s24, s12, $0xb8;
	[tilespmem:$0xA400] =	vst v63  }
0x1c4: {  	s24 =	sadd.s32 $0x3280, s23  }
0x1c5: {  	[tilespmem:s14], [sflag:$0x2] =	stream.indirect.gather [hbm4b:s3+s12], $0x10, s24, s12, $0xb8;
	[tilespmem:$0xA400] =	vst v63  }
0x1c6: {  	s24 =	sadd.s32 $0x3300, s23  }
0x1c7: {  	[tilespmem:s19], [sflag:$0x3] =	stream.indirect.gather [hbm4b:s3+s12], $0x10, s24, s12, $0xb8;
	[tilespmem:$0xA400] =	vst v63  }
0x1c8: {  	s23 =	sadd.s32 $0x3380, s23  }
0x1c9: {  	[tilespmem:s20], [sflag:$0x4] =	stream.indirect.gather [hbm4b:s3+s12], $0x10, s23, s12, $0xb8;
	[tilespmem:$0xA400] =	vst v63  }
0x1ca: {  	_ =	swait.ge [sflag:s7], $0x800  }
0x1cb: {  	[sflag:s7] =	ssyncset.done $0x0  }
0x1cc: {  	s23 =	sadd.s32 $0xFFFFFD00, s22;
	[sflag:s7] =	ssyncadd.s32 $0xFFFFF800  }
0x1cd: {  	[hbm4b:s23+s2] =	stream.linear.scatter [tilespmem:s13], [sflag:$0x5], $0x800, $0x38;
	[tilespmem:$0xA400] =	vst v63  }
0x1ce: {  	_ =	swait.ge [sflag:s8], $0x800  }
0x1cf: {  	[sflag:s8] =	ssyncset.done $0x0  }
0x1d0: {  	s23 =	sadd.s32 $0xFFFFFE00, s22;
	[sflag:s8] =	ssyncadd.s32 $0xFFFFF800  }
0x1d1: {  	[hbm4b:s23+s2] =	stream.linear.scatter [tilespmem:s14], [sflag:$0x6], $0x800, $0x38;
	[tilespmem:$0xA400] =	vst v63  }
0x1d2: {  	_ =	swait.ge [sflag:s9], $0x800  }
0x1d3: {  	[sflag:s9] =	ssyncset.done $0x0  }
.Ltmp3:
0x1d4: {  	s23 =	sadd.s32 $0xFFFFFF00, s22;
	[sflag:s9] =	ssyncadd.s32 $0xFFFFF800;
	(pc) =	sbr.rel @p0 .LBB2_8-.Ltmp3, $4  }
0x1d5: {  	[hbm4b:s23+s2] =	stream.linear.scatter [tilespmem:s19], [sflag:$0x7], $0x800, $0x38;
	[tilespmem:$0xA400] =	vst v63  }
0x1d6: {  	_ =	swait.ge [sflag:s10], $0x800  }
0x1d7: {  	[sflag:s10] =	ssyncset.done $0x0  }
0x1d8: {  	s22 =	sadd.s32 $0x400, s22;
	[sflag:s10] =	ssyncadd.s32 $0xFFFFF800  }
0x1d9: {  	[hbm4b:s25+s2] =	stream.linear.scatter [tilespmem:s20], [sflag:$0x8], $0x800, $0x38;
	[tilespmem:$0xA400] =	vst v63  }
0x1da: {  	_ =	swait.ge [sflag:s26], $0x800  }
0x1db: {  	[sflag:s26] =	ssyncset.done $0x0  }
0x1dc: {  	[sflag:s26] =	ssyncadd.s32 $0xFFFFF800  }
0x1dd: {  	_ =	swait.ge [sflag:s28], $0x800  }
0x1de: {  	[sflag:s28] =	ssyncset.done $0x0  }
0x1df: {  	[sflag:s28] =	ssyncadd.s32 $0xFFFFF800  }
0x1e0: {  	_ =	swait.ge [sflag:s29], $0x800  }
0x1e1: {  	[sflag:s29] =	ssyncset.done $0x0  }
0x1e2: {  	[sflag:s29] =	ssyncadd.s32 $0xFFFFF800  }
0x1e3: {  	_ =	swait.ge [sflag:s30], $0x800  }
0x1e4: {  	[sflag:s30] =	ssyncset.done $0x0  }
0x1e5: {  	s21 =	simm.s32 $0x4000;
	[sflag:s30] =	ssyncadd.s32 $0xFFFFF800  }
0x1e6: {  	[tilespmem:s31], [sflag:$0x1] =	stream.indirect.gather [hbm4b:s4+s12], $0x1, s21, s12, $0xb8;
	[tilespmem:$0xA400] =	vst v63  }
0x1e7: {  	s24 =	simm.s32 $0x4080  }
0x1e8: {  	[tilespmem:s0], [sflag:$0x1] =	stream.indirect.gather [hbm4b:s4+s12], $0x1, s24, s12, $0xb8;
	[tilespmem:$0xA400] =	vst v63  }
0x1e9: {  	s25 =	simm.s32 $0x4100  }
0x1ea: {  	[tilespmem:s1], [sflag:$0x1] =	stream.indirect.gather [hbm4b:s4+s12], $0x1, s25, s12, $0xb8;
	[tilespmem:$0xA400] =	vst v63  }
0x1eb: {  	s22 =	simm.s32 $0x4180  }
0x1ec: {  	[tilespmem:s5], [sflag:$0x1] =	stream.indirect.gather [hbm4b:s4+s12], $0x1, s22, s12, $0xb8;
	[tilespmem:$0xA400] =	vst v63  }
0x1ed: {  	s23 =	simm.s32 $0x4200  }
0x1ee: {  	[tilespmem:s18], [sflag:$0x2] =	stream.indirect.gather [hbm4b:s4+s12], $0x1, s23, s12, $0xb8;
	[tilespmem:$0xA400] =	vst v63  }
0x1ef: {  	s24 =	simm.s32 $0x4280  }
0x1f0: {  	[tilespmem:s11], [sflag:$0x2] =	stream.indirect.gather [hbm4b:s4+s12], $0x1, s24, s12, $0xb8;
	[tilespmem:$0xA400] =	vst v63  }
0x1f1: {  	s25 =	simm.s32 $0x4300  }
0x1f2: {  	[tilespmem:s15], [sflag:$0x2] =	stream.indirect.gather [hbm4b:s4+s12], $0x1, s25, s12, $0xb8;
	[tilespmem:$0xA400] =	vst v63  }
0x1f3: {  	s22 =	simm.s32 $0x4380  }
0x1f4: {  	[tilespmem:s16], [sflag:$0x2] =	stream.indirect.gather [hbm4b:s4+s12], $0x1, s22, s12, $0xb8;
	[tilespmem:$0xA400] =	vst v63  }
0x1f5: {  	_ =	swait.ge [sflag:s7], $0x80  }
0x1f6: {  	[sflag:s7] =	ssyncset.done $0x0  }
0x1f7: {  	[sflag:s7] =	ssyncadd.s32 $0xFFFFFF80  }
0x1f8: {  	_ =	swait.ge [sflag:s7], $0x80  }
0x1f9: {  	[sflag:s7] =	ssyncset.done $0x0  }
0x1fa: {  	[sflag:s7] =	ssyncadd.s32 $0xFFFFFF80  }
0x1fb: {  	_ =	swait.ge [sflag:s7], $0x80  }
0x1fc: {  	[sflag:s7] =	ssyncset.done $0x0  }
0x1fd: {  	[sflag:s7] =	ssyncadd.s32 $0xFFFFFF80  }
0x1fe: {  	_ =	swait.ge [sflag:s7], $0x80  }
0x1ff: {  	[sflag:s7] =	ssyncset.done $0x0  }
0x200: {  	s23 =	simm.s32 $0x0;
	s22 =	rddreg [dreg:$0xf];
	[sflag:s7] =	ssyncadd.s32 $0xFFFFFF80  }
0x201: {  	[hbm4b:s22+s23] =	stream.linear.scatter [tilespmem:s31], [sflag:$0x5], $0x200, $0x38;
	[tilespmem:$0xA400] =	vst v63  }
0x202: {  	_ =	swait.ge [sflag:s8], $0x80  }
0x203: {  	[sflag:s8] =	ssyncset.done $0x0  }
0x204: {  	[sflag:s8] =	ssyncadd.s32 $0xFFFFFF80  }
0x205: {  	_ =	swait.ge [sflag:s8], $0x80  }
0x206: {  	[sflag:s8] =	ssyncset.done $0x0  }
0x207: {  	[sflag:s8] =	ssyncadd.s32 $0xFFFFFF80  }
0x208: {  	_ =	swait.ge [sflag:s8], $0x80  }
0x209: {  	[sflag:s8] =	ssyncset.done $0x0  }
0x20a: {  	[sflag:s8] =	ssyncadd.s32 $0xFFFFFF80  }
0x20b: {  	_ =	swait.ge [sflag:s8], $0x80  }
0x20c: {  	[sflag:s8] =	ssyncset.done $0x0  }
0x20d: {  	s24 =	rddreg [dreg:$0x1e];
	[sflag:s8] =	ssyncadd.s32 $0xFFFFFF80  }
0x20e: {  	[hbm4b:s24+s23] =	stream.linear.scatter [tilespmem:s18], [sflag:$0x6], $0x200, $0x38;
	[tilespmem:$0xA400] =	vst v63  }
0x20f: {  	_ =	swait.ge [sflag:s26], $0x200  }
0x210: {  	[sflag:s26] =	ssyncset.done $0x0  }
0x211: {  	[sflag:s26] =	ssyncadd.s32 $0xFFFFFE00  }
0x212: {  	_ =	swait.ge [sflag:s28], $0x200  }
0x213: {  	[sflag:s28] =	ssyncset.done $0x0  }
0x214: {  	s25 =	simm.s32 $0x4400;
	[sflag:s28] =	ssyncadd.s32 $0xFFFFFE00  }
0x215: {  	[tilespmem:s31], [sflag:$0x1] =	stream.indirect.gather [hbm4b:s4+s12], $0x1, s25, s12, $0xb8;
	[tilespmem:$0xA400] =	vst v63  }
0x216: {  	s22 =	simm.s32 $0x4480  }
0x217: {  	[tilespmem:s0], [sflag:$0x1] =	stream.indirect.gather [hbm4b:s4+s12], $0x1, s22, s12, $0xb8;
	[tilespmem:$0xA400] =	vst v63  }
0x218: {  	s23 =	simm.s32 $0x4500  }
0x219: {  	[tilespmem:s1], [sflag:$0x1] =	stream.indirect.gather [hbm4b:s4+s12], $0x1, s23, s12, $0xb8;
	[tilespmem:$0xA400] =	vst v63  }
0x21a: {  	s24 =	simm.s32 $0x4580  }
0x21b: {  	[tilespmem:s5], [sflag:$0x1] =	stream.indirect.gather [hbm4b:s4+s12], $0x1, s24, s12, $0xb8;
	[tilespmem:$0xA400] =	vst v63  }
0x21c: {  	s25 =	simm.s32 $0x4600  }
0x21d: {  	[tilespmem:s18], [sflag:$0x2] =	stream.indirect.gather [hbm4b:s4+s12], $0x1, s25, s12, $0xb8;
	[tilespmem:$0xA400] =	vst v63  }
0x21e: {  	s22 =	simm.s32 $0x4680  }
0x21f: {  	[tilespmem:s11], [sflag:$0x2] =	stream.indirect.gather [hbm4b:s4+s12], $0x1, s22, s12, $0xb8;
	[tilespmem:$0xA400] =	vst v63  }
0x220: {  	s23 =	simm.s32 $0x4700  }
0x221: {  	[tilespmem:s15], [sflag:$0x2] =	stream.indirect.gather [hbm4b:s4+s12], $0x1, s23, s12, $0xb8;
	[tilespmem:$0xA400] =	vst v63  }
0x222: {  	s24 =	simm.s32 $0x4780  }
0x223: {  	[tilespmem:s16], [sflag:$0x2] =	stream.indirect.gather [hbm4b:s4+s12], $0x1, s24, s12, $0xb8;
	[tilespmem:$0xA400] =	vst v63  }
0x224: {  	_ =	swait.ge [sflag:s7], $0x80  }
0x225: {  	[sflag:s7] =	ssyncset.done $0x0  }
0x226: {  	[sflag:s7] =	ssyncadd.s32 $0xFFFFFF80  }
0x227: {  	_ =	swait.ge [sflag:s7], $0x80  }
0x228: {  	[sflag:s7] =	ssyncset.done $0x0  }
0x229: {  	[sflag:s7] =	ssyncadd.s32 $0xFFFFFF80  }
0x22a: {  	_ =	swait.ge [sflag:s7], $0x80  }
0x22b: {  	[sflag:s7] =	ssyncset.done $0x0  }
0x22c: {  	[sflag:s7] =	ssyncadd.s32 $0xFFFFFF80  }
0x22d: {  	_ =	swait.ge [sflag:s7], $0x80  }
0x22e: {  	[sflag:s7] =	ssyncset.done $0x0;
	s22 =	rddreg [dreg:$0x16]  }
0x22f: {  	[sflag:s7] =	ssyncadd.s32 $0xFFFFFF80;
	s25 =	sadd.s32 $0xFFFFFFC0, s22  }
0x230: {  	[hbm4b:s25+s2] =	stream.linear.scatter [tilespmem:s31], [sflag:$0x5], $0x200, $0x38;
	[tilespmem:$0xA400] =	vst v63  }
0x231: {  	_ =	swait.ge [sflag:s8], $0x80  }
0x232: {  	[sflag:s8] =	ssyncset.done $0x0  }
0x233: {  	[sflag:s8] =	ssyncadd.s32 $0xFFFFFF80  }
0x234: {  	_ =	swait.ge [sflag:s8], $0x80  }
0x235: {  	[sflag:s8] =	ssyncset.done $0x0  }
0x236: {  	[sflag:s8] =	ssyncadd.s32 $0xFFFFFF80  }
0x237: {  	_ =	swait.ge [sflag:s8], $0x80  }
0x238: {  	[sflag:s8] =	ssyncset.done $0x0  }
0x239: {  	[sflag:s8] =	ssyncadd.s32 $0xFFFFFF80  }
0x23a: {  	_ =	swait.ge [sflag:s8], $0x80  }
0x23b: {  	[sflag:s8] =	ssyncset.done $0x0  }
0x23c: {  	s21 =	sadd.s32 $0x80, s22;
	s25 =	simm.s32 $0x1000;
	[sflag:s8] =	ssyncadd.s32 $0xFFFFFF80  }
.LBB2_10:
0x23d: {  	[hbm4b:s22+s2] =	stream.linear.scatter [tilespmem:s18], [sflag:$0x6], $0x200, $0x38;
	[tilespmem:$0xA400] =	vst v63  }
0x23e: {  	s23 =	smov.u32 s25;
	s22 =	smov.u32 s21  }
0x23f: {  	p0 =	sne.s32 s25, $0xE000;
	s25 =	sadd.s32 $0x1000, s25;
	_ =	swait.ge [sflag:s26], $0x200  }
0x240: {  	[sflag:s26] =	ssyncset.done $0x0  }
0x241: {  	[sflag:s26] =	ssyncadd.s32 $0xFFFFFE00  }
0x242: {  	_ =	swait.ge [sflag:s28], $0x200  }
0x243: {  	s23 =	sshra.s32 s23, $0x2;
	[sflag:s28] =	ssyncset.done $0x0  }
0x244: {  	s24 =	sadd.s32 $0x4400, s23;
	[sflag:s28] =	ssyncadd.s32 $0xFFFFFE00  }
0x245: {  	[tilespmem:s31], [sflag:$0x1] =	stream.indirect.gather [hbm4b:s4+s12], $0x1, s24, s12, $0xb8;
	[tilespmem:$0xA400] =	vst v63  }
0x246: {  	s24 =	sadd.s32 $0x4480, s23  }
0x247: {  	[tilespmem:s0], [sflag:$0x1] =	stream.indirect.gather [hbm4b:s4+s12], $0x1, s24, s12, $0xb8;
	[tilespmem:$0xA400] =	vst v63  }
0x248: {  	s24 =	sadd.s32 $0x4500, s23  }
0x249: {  	[tilespmem:s1], [sflag:$0x1] =	stream.indirect.gather [hbm4b:s4+s12], $0x1, s24, s12, $0xb8;
	[tilespmem:$0xA400] =	vst v63  }
0x24a: {  	s24 =	sadd.s32 $0x4580, s23  }
0x24b: {  	[tilespmem:s5], [sflag:$0x1] =	stream.indirect.gather [hbm4b:s4+s12], $0x1, s24, s12, $0xb8;
	[tilespmem:$0xA400] =	vst v63  }
0x24c: {  	s24 =	sadd.s32 $0x4600, s23  }
0x24d: {  	[tilespmem:s18], [sflag:$0x2] =	stream.indirect.gather [hbm4b:s4+s12], $0x1, s24, s12, $0xb8;
	[tilespmem:$0xA400] =	vst v63  }
0x24e: {  	s24 =	sadd.s32 $0x4680, s23  }
0x24f: {  	[tilespmem:s11], [sflag:$0x2] =	stream.indirect.gather [hbm4b:s4+s12], $0x1, s24, s12, $0xb8;
	[tilespmem:$0xA400] =	vst v63  }
0x250: {  	s24 =	sadd.s32 $0x4700, s23  }
0x251: {  	[tilespmem:s15], [sflag:$0x2] =	stream.indirect.gather [hbm4b:s4+s12], $0x1, s24, s12, $0xb8;
	[tilespmem:$0xA400] =	vst v63  }
0x252: {  	s23 =	sadd.s32 $0x4780, s23  }
0x253: {  	[tilespmem:s16], [sflag:$0x2] =	stream.indirect.gather [hbm4b:s4+s12], $0x1, s23, s12, $0xb8;
	[tilespmem:$0xA400] =	vst v63  }
0x254: {  	_ =	swait.ge [sflag:s7], $0x80  }
0x255: {  	[sflag:s7] =	ssyncset.done $0x0  }
0x256: {  	[sflag:s7] =	ssyncadd.s32 $0xFFFFFF80  }
0x257: {  	_ =	swait.ge [sflag:s7], $0x80  }
0x258: {  	[sflag:s7] =	ssyncset.done $0x0  }
0x259: {  	[sflag:s7] =	ssyncadd.s32 $0xFFFFFF80  }
0x25a: {  	_ =	swait.ge [sflag:s7], $0x80  }
0x25b: {  	[sflag:s7] =	ssyncset.done $0x0  }
0x25c: {  	[sflag:s7] =	ssyncadd.s32 $0xFFFFFF80  }
0x25d: {  	_ =	swait.ge [sflag:s7], $0x80  }
0x25e: {  	[sflag:s7] =	ssyncset.done $0x0  }
0x25f: {  	s23 =	sadd.s32 $0xFFFFFFC0, s21;
	[sflag:s7] =	ssyncadd.s32 $0xFFFFFF80  }
0x260: {  	[hbm4b:s23+s2] =	stream.linear.scatter [tilespmem:s31], [sflag:$0x5], $0x200, $0x38;
	[tilespmem:$0xA400] =	vst v63  }
0x261: {  	_ =	swait.ge [sflag:s8], $0x80  }
0x262: {  	[sflag:s8] =	ssyncset.done $0x0  }
0x263: {  	[sflag:s8] =	ssyncadd.s32 $0xFFFFFF80  }
0x264: {  	_ =	swait.ge [sflag:s8], $0x80  }
0x265: {  	[sflag:s8] =	ssyncset.done $0x0  }
0x266: {  	[sflag:s8] =	ssyncadd.s32 $0xFFFFFF80  }
0x267: {  	_ =	swait.ge [sflag:s8], $0x80  }
.Ltmp4:
0x268: {  	[sflag:s8] =	ssyncset.done $0x0;
	(pc) =	sbr.rel @p0 .LBB2_10-.Ltmp4, $4  }
0x269: {  	[sflag:s8] =	ssyncadd.s32 $0xFFFFFF80  }
0x26a: {  	_ =	swait.ge [sflag:s8], $0x80  }
0x26b: {  	[sflag:s8] =	ssyncset.done $0x0  }
0x26c: {  	s21 =	sadd.s32 $0x80, s21;
	[sflag:s8] =	ssyncadd.s32 $0xFFFFFF80  }
0x26d: {  	[hbm4b:s22+s2] =	stream.linear.scatter [tilespmem:s18], [sflag:$0x6], $0x200, $0x38;
	[tilespmem:$0xA400] =	vst v63  }
0x26e: {  	_ =	swait.ge [sflag:s26], $0x200  }
0x26f: {  	[sflag:s26] =	ssyncset.done $0x0  }
0x270: {  	[sflag:s26] =	ssyncadd.s32 $0xFFFFFE00  }
0x271: {  	_ =	swait.ge [sflag:s28], $0x200  }
0x272: {  	s17 =	sadd.s32 $0x1, s17;
	s21 =	rddreg [dreg:$0x7]  }
0x273: {  	p0 =	sne.s32 s17, s21  }
.Ltmp5:
0x274: {  	_ = 	snop;
	(pc) =	sbr.rel @p0 .LBB2_1-.Ltmp5, $3  }
0x275: {  	_ =	sdelay $0x1  }
0x276: {  	[sflag:s28] =	ssyncset.done $0x0  }
0x277: {  	[sflag:s28] =	ssyncadd.s32 $0xFFFFFE00  }
0x278: {  	_ =	sfence.sel $0x180000  }
0x279: {  	[bflag:$0x0] =	sbarrier.arrive $0xFFFF  }
0x27a: {  	_ =	strace $0x9000004A  }
0x27b: {  	s0 =	stileid.u32;
	[bflag:$0x2] =	sbarrier.arrive $0xFFFF  }
0x27c: {  	p0 =	sne.s32 s0, $0x0;
	s0 =	rddreg [dreg:$0x1]  }
0x27d: {  	s0 =	sadd.s32 @!p0 $0x100000, s0  }
0x27e: {  	[sflag:s0] =	ssyncadd.tile.s32 @!p0 $0x1;
	_ =	shalt  }
.Lfunc_end2:
_tile_overlayer_lowered:
.L_overlay_start_2:
0x27f: {  	(tag) =	ssettag $0x2  }
0x280: {  	s0 =	rddreg [dreg:$0x0];
	s2 =	stileid.u32  }
0x281: {  	s1 =	rddreg [dreg:$0x1];
	p0 =	sne.s32 s2, $0x0  }
0x282: {  	s3 =	rddreg [dreg:$0x2];
	[bflag:$0x3] =	sbarrier.arrive $0xFFFF;
	s2 =	simm.s32 @!p0 $0x1C09  }
0x283: {  	[timem:s3], [sflag:s2] =	dma.local @!p0 [hbm:s0], s1  }
0x284: {  	s0 =	simm.s32 @!p0 $0x9  }
0x285: {  	_ =	swait.ge @!p0 [sflag:s0], s1  }
0x286: {  	s1 =	ssub.s32 @!p0 $0x0, s1;
	[sflag:s0] =	ssyncset.done @!p0 $0x0  }
0x287: {  	[sflag:s0] =	ssyncadd.s32 @!p0 s1  }
0x288: {  	[bflag:$0x3] =	sbarrier.arrive $0xFFFF  }
0x289: {  	_ =	shalt  }

</sc_bundles>
